<compile_context>
chip_gen: v7x
topology: tpu7x:2x2x1
jax: 0.10.2.dev20260603
libtpu: 0.0.44.dev20260713+nightly
codegen_flags: <defaults>
</compile_context>

<pallas_src>
import functools

import jax
import jax.numpy as jnp
from jax import lax
from jax.experimental import pallas as pl
from jax.experimental.pallas import tpu as pltpu
from jax.experimental.pallas import tpu_sc as plsc

_DROP_LENGTH_LOW = 1000
_DROP_LENGTH_HIGH = 8000
_DROP_COUNT_LOW = 1
_DROP_COUNT_HIGH = 10
_SEED = 42

_B = 32
_T = 160000
_MAXD = _DROP_COUNT_HIGH
_NC = 2
_NS = 16
_C = 40000
_NCH = _T // _C
_D = 3
_L = _D - 1


def _interval_params(lengths):
    key = jax.random.key(_SEED)
    kp, kc, kl, ks = jax.random.split(key, 4)
    clean_length = (lengths * _T).astype(jnp.int32)
    drop_times = jax.random.randint(kc, (_B,), _DROP_COUNT_LOW, _DROP_COUNT_HIGH)
    chunk_len = jax.random.randint(
        kl, (_B, _MAXD), _DROP_LENGTH_LOW, _DROP_LENGTH_HIGH + 1)
    u = jax.random.uniform(ks, (_B, _MAXD))
    max_start = jnp.maximum(clean_length[:, None] - chunk_len, 1)
    start = (u * max_start.astype(jnp.float32)).astype(jnp.int32)
    valid = jnp.arange(_MAXD)[None, :] < drop_times[:, None]
    end = jnp.where(valid, start + chunk_len, start)
    p32 = jnp.zeros((_B, 32), jnp.int32)
    p32 = p32.at[:, :_MAXD].set(start).at[:, 16:16 + _MAXD].set(end)
    return p32.reshape(-1)


def _zero_chunk(buf, slotbase, cb, sv, ev):
    align16 = jnp.int32(-16)
    zf = jnp.zeros((16,), jnp.float32)
    for d in range(_MAXD):
        s = sv[d]
        e = ev[d]
        ls = jnp.clip(s - cb, 0, _C)
        le = jnp.clip(e - cb, 0, _C)
        ia = (ls + 15) & align16
        ib = le & align16
        n = jnp.maximum((ib - ia) >> 4, 0)

        def body(t, c, ia=ia):
            off = pl.multiple_of(slotbase + ia + t * 16, 16)
            buf[pl.ds(off, 16)] = zf
            return c

        lax.fori_loop(0, n, body, jnp.int32(0))

        for wb in (jnp.minimum(ls & align16, _C - 16),
                   jnp.minimum(ib, _C - 16)):
            wbs = pl.multiple_of(slotbase + wb, 16)
            gidx = cb + wb + lax.iota(jnp.int32, 16)
            m = (gidx >= s) & (gidx < e)
            buf[pl.ds(wbs, 16)] = jnp.where(
                m, jnp.float32(0), buf[pl.ds(wbs, 16)])


def _sc_body(w_hbm, p_hbm, out_hbm, pv_ref, buf, isems, osems):
    cid = lax.axis_index("c")
    sid = lax.axis_index("s")
    wid = sid * _NC + cid
    rowbase = wid * _T

    pbase = pl.multiple_of(wid * 32, 8)
    pltpu.sync_copy(p_hbm.at[pl.ds(pbase, 32)], pv_ref)
    sv = pv_ref[pl.ds(0, 16)]
    ev = pv_ref[pl.ds(16, 16)]

    def hbm_chunk(ref, j):
        return ref.at[pl.ds(pl.multiple_of(rowbase + j * _C, 8), _C)]

    def slot(j):
        return buf.at[pl.ds((j % _D) * _C, _C)]

    rds = [None] * _NCH
    wrs = [None] * _NCH
    for j in range(min(_L, _NCH)):
        rds[j] = pltpu.async_copy(hbm_chunk(w_hbm, j), slot(j), isems[j % _D])
    for i in range(_NCH):
        k = i + _L
        if k < _NCH:
            if k >= _D:
                wrs[k - _D].wait()
            rds[k] = pltpu.async_copy(
                hbm_chunk(w_hbm, k), slot(k), isems[k % _D])
        rds[i].wait()
        _zero_chunk(buf, (i % _D) * _C, i * _C, sv, ev)
        wrs[i] = pltpu.async_copy(slot(i), hbm_chunk(out_hbm, i),
                                  osems[i % _D])
    for i in range(max(_NCH - _D, 0), _NCH):
        wrs[i].wait()


def kernel(waveform, lengths):
    p_flat = _interval_params(lengths)
    w_flat = waveform.reshape(-1)

    mesh = plsc.VectorSubcoreMesh(core_axis_name="c", subcore_axis_name="s")

    @functools.partial(
        pl.kernel,
        out_type=jax.ShapeDtypeStruct((_B * _T,), jnp.float32),
        mesh=mesh,
        scratch_types=[
            pltpu.VMEM((32,), jnp.int32),
            pltpu.VMEM((_D * _C,), jnp.float32),
        ] + [pltpu.SemaphoreType.DMA] * (2 * _D),
    )
    def run(w_hbm, p_hbm, out_hbm, pv_ref, buf, *sems):
        _sc_body(w_hbm, p_hbm, out_hbm, pv_ref, buf, sems[:_D], sems[_D:])

    out = run(w_flat, p_flat)
    return out.reshape(_B, _T)

# --- scband reference (transcript-rebuilt; emitter-appended) ---
"""Pipeline reference for scband-drop-chunk-91044716741073 (READ-ONLY COPY).

The authoritative reference and input builder live on the scoring server;
editing this copy changes nothing except your own understanding.
"""

import jax, jax.numpy as jnp
import numpy as np

DROP_LENGTH_LOW = 1000
DROP_LENGTH_HIGH = 8000
DROP_COUNT_LOW = 1
DROP_COUNT_HIGH = 10
DROP_PROB = 1.0
SEED = 42


def setup_inputs(seed: int = 0) -> dict:
    key = jax.random.key(seed)
    k1, _ = jax.random.split(key)
    waveform = jax.random.normal(k1, (32, 160000), dtype=jnp.float32)
    lengths = jnp.ones((32,), dtype=jnp.float32)
    return {"waveform": waveform, "lengths": lengths}


def reference(waveform, lengths):
    # Faithful translation of drop_chunk.forward: input_lst = [waveform, lengths]
    # clean_length = (lengths * T).long(); per-batch-item random chunks set to zero.
    B, T = waveform.shape
    key = jax.random.key(SEED)
    kp, kc, kl, ks = jax.random.split(key, 4)
    # drop_prob gate (drop_prob=1.0 -> always drop)
    gate = jax.random.uniform(kp, ()) <= DROP_PROB
    clean_length = (lengths * T).astype(jnp.int32)
    # number of chunks to drop per batch element: randint(low, high) (high exclusive, like torch.randint)
    drop_times = jax.random.randint(kc, (B,), DROP_COUNT_LOW, DROP_COUNT_HIGH)
    max_drops = DROP_COUNT_HIGH
    # chunk lengths in [drop_length_low, drop_length_high]
    chunk_len = jax.random.randint(kl, (B, max_drops), DROP_LENGTH_LOW, DROP_LENGTH_HIGH + 1)
    # random start in [0, clean_length - length)
    u = jax.random.uniform(ks, (B, max_drops))
    max_start = jnp.maximum(clean_length[:, None] - chunk_len, 1)
    start = (u * max_start.astype(jnp.float32)).astype(jnp.int32)
    valid = jnp.arange(max_drops)[None, :] < drop_times[:, None]
    pos = jnp.arange(T)
    keep = jnp.ones((B, T), dtype=bool)
    for j in range(max_drops):
        sj = start[:, j:j + 1]
        lj = chunk_len[:, j:j + 1]
        vj = valid[:, j:j + 1]
        drop = (pos[None, :] >= sj) & (pos[None, :] < sj + lj) & vj
        keep = keep & (~drop)
    dropped = waveform * keep.astype(waveform.dtype)
    out = jnp.where(gate, dropped, waveform)
    return out

if __name__ == "__main__":
    import jax
    _d = setup_inputs()
    print(jax.jit(kernel)(*tuple(_d.values())))

</pallas_src>

<mosaic_0001>
#map = affine_map<(d0, d1) -> (0)>
module attributes {stable_mosaic.version = 14 : i64} {
  func.func @run(%arg0: i32, %arg1: i32, %arg2: memref<5120000xf32, #tpu.memory_space<hbm>>, %arg3: memref<1024xi32, #tpu.memory_space<hbm>>, %arg4: memref<5120000xf32, #tpu.memory_space<hbm>>, %arg5: memref<32xi32, #tpu.memory_space<vmem>>, %arg6: memref<120000xf32, #tpu.memory_space<vmem>>, %arg7: memref<!tpu.dma_semaphore, #tpu.memory_space<semaphore_mem>>, %arg8: memref<!tpu.dma_semaphore, #tpu.memory_space<semaphore_mem>>, %arg9: memref<!tpu.dma_semaphore, #tpu.memory_space<semaphore_mem>>, %arg10: memref<!tpu.dma_semaphore, #tpu.memory_space<semaphore_mem>>, %arg11: memref<!tpu.dma_semaphore, #tpu.memory_space<semaphore_mem>>, %arg12: memref<!tpu.dma_semaphore, #tpu.memory_space<semaphore_mem>>) attributes {dimension_semantics = [#tpu.dimension_semantics<core_parallel>, #tpu.dimension_semantics<subcore_parallel>], iteration_bounds = array<i64: 2, 16>, scalar_prefetch = 0 : i64, scratch_operands = 8 : i64, tpu.core_type = #tpu.core_type<sc_vector_subcore>, window_params = [{transform_indices = #map}, {transform_indices = #map}, {transform_indices = #map}]} {
    %mul3A = arith.constant 2 : i32
    %mul3A_0 = arith.muli %arg1, %mul3A : i32
    %add3A = arith.addi %mul3A_0, %arg0 : i32
    %mul3A_1 = arith.constant 160000 : i32
    %mul3A_2 = arith.muli %add3A, %mul3A_1 : i32
    %mul3A_3 = arith.constant 32 : i32
    %mul3A_4 = arith.muli %add3A, %mul3A_3 : i32
    %multiple_of3A = tpu.assume_multiple %mul3A_4, 8 : i32
    "tpu.region"() ({
      %run_scoped3A = tpu.sem_alloc : memref<!tpu.dma_semaphore, #tpu.memory_space<semaphore_mem>>
      %dma_start3A_3681 = tpu.memref_slice %arg3[%multiple_of3A] : memref<1024xi32, #tpu.memory_space<hbm>> -> memref<32xi32, #tpu.memory_space<hbm>>
      %dma_start3A_3682 = tpu.memref_slice %arg3[%multiple_of3A] : memref<1024xi32, #tpu.memory_space<hbm>> -> memref<32xi32, #tpu.memory_space<hbm>>
      tpu.enqueue_dma source(%dma_start3A_3682 : memref<32xi32, #tpu.memory_space<hbm>>) target(%arg5 : memref<32xi32, #tpu.memory_space<vmem>>) target_semaphore(%run_scoped3A : memref<!tpu.dma_semaphore, #tpu.memory_space<semaphore_mem>>)
      %dma_wait3A_3683 = tpu.memref_slice %arg3[%multiple_of3A] : memref<1024xi32, #tpu.memory_space<hbm>> -> memref<32xi32, #tpu.memory_space<hbm>>
      %dma_wait3A_3684 = tpu.memref_slice %arg3[%multiple_of3A] : memref<1024xi32, #tpu.memory_space<hbm>> -> memref<32xi32, #tpu.memory_space<hbm>>
      tpu.wait_dma2 semaphore(%run_scoped3A : memref<!tpu.dma_semaphore, #tpu.memory_space<semaphore_mem>>) src(%dma_wait3A_3684 : memref<32xi32, #tpu.memory_space<hbm>>) dst(%arg5 : memref<32xi32, #tpu.memory_space<vmem>>)
      tpu.yield
    }) : () -> ()
    %get3A = arith.constant 0 : index
    %get3A_5 = tpu.vector_load %arg5[%get3A] {strides = array<i32>} : memref<32xi32, #tpu.memory_space<vmem>>, vector<16xi32>,
    %get3A_6 = vector.shape_cast %get3A_5 : vector<16xi32> to vector<16xi32>
    %get3A_7 = arith.constant 16 : index
    %get3A_8 = tpu.vector_load %arg5[%get3A_7] {strides = array<i32>} : memref<32xi32, #tpu.memory_space<vmem>>, vector<16xi32>,
    %get3A_9 = vector.shape_cast %get3A_8 : vector<16xi32> to vector<16xi32>
    %add3A_10 = arith.constant 0 : i32
    %add3A_11 = arith.addi %mul3A_2, %add3A_10 : i32
    %multiple_of3A_12 = tpu.assume_multiple %add3A_11, 8 : i32
    %dma_start3A = arith.constant 0 : i32
    %dma_start3A_13 = tpu.memref_slice %arg6[%dma_start3A] : memref<120000xf32, #tpu.memory_space<vmem>> -> memref<40000xf32, #tpu.memory_space<vmem>>
    %dma_start3A_14 = tpu.memref_slice %arg2[%multiple_of3A_12] : memref<5120000xf32, #tpu.memory_space<hbm>> -> memref<40000xf32, #tpu.memory_space<hbm>>
    %dma_start3A_15 = arith.constant 0 : i32
    %dma_start3A_16 = tpu.memref_slice %arg6[%dma_start3A_15] : memref<120000xf32, #tpu.memory_space<vmem>> -> memref<40000xf32, #tpu.memory_space<vmem>>
    %dma_start3A_17 = tpu.memref_slice %arg2[%multiple_of3A_12] : memref<5120000xf32, #tpu.memory_space<hbm>> -> memref<40000xf32, #tpu.memory_space<hbm>>
    tpu.enqueue_dma source(%dma_start3A_17 : memref<40000xf32, #tpu.memory_space<hbm>>) target(%dma_start3A_16 : memref<40000xf32, #tpu.memory_space<vmem>>) target_semaphore(%arg7 : memref<!tpu.dma_semaphore, #tpu.memory_space<semaphore_mem>>)
    %add3A_18 = arith.constant 40000 : i32
    %add3A_19 = arith.addi %mul3A_2, %add3A_18 : i32
    %multiple_of3A_20 = tpu.assume_multiple %add3A_19, 8 : i32
    %dma_start3A_21 = arith.constant 40000 : i32
    %dma_start3A_22 = tpu.memref_slice %arg6[%dma_start3A_21] : memref<120000xf32, #tpu.memory_space<vmem>> -> memref<40000xf32, #tpu.memory_space<vmem>>
    %dma_start3A_23 = tpu.memref_slice %arg2[%multiple_of3A_20] : memref<5120000xf32, #tpu.memory_space<hbm>> -> memref<40000xf32, #tpu.memory_space<hbm>>
    %dma_start3A_24 = arith.constant 40000 : i32
    %dma_start3A_25 = tpu.memref_slice %arg6[%dma_start3A_24] : memref<120000xf32, #tpu.memory_space<vmem>> -> memref<40000xf32, #tpu.memory_space<vmem>>
    %dma_start3A_26 = tpu.memref_slice %arg2[%multiple_of3A_20] : memref<5120000xf32, #tpu.memory_space<hbm>> -> memref<40000xf32, #tpu.memory_space<hbm>>
    tpu.enqueue_dma source(%dma_start3A_26 : memref<40000xf32, #tpu.memory_space<hbm>>) target(%dma_start3A_25 : memref<40000xf32, #tpu.memory_space<vmem>>) target_semaphore(%arg8 : memref<!tpu.dma_semaphore, #tpu.memory_space<semaphore_mem>>)
    %add3A_27 = arith.constant 80000 : i32
    %add3A_28 = arith.addi %mul3A_2, %add3A_27 : i32
    %multiple_of3A_29 = tpu.assume_multiple %add3A_28, 8 : i32
    %dma_start3A_30 = arith.constant 80000 : i32
    %dma_start3A_31 = tpu.memref_slice %arg6[%dma_start3A_30] : memref<120000xf32, #tpu.memory_space<vmem>> -> memref<40000xf32, #tpu.memory_space<vmem>>
    %dma_start3A_32 = tpu.memref_slice %arg2[%multiple_of3A_29] : memref<5120000xf32, #tpu.memory_space<hbm>> -> memref<40000xf32, #tpu.memory_space<hbm>>
    %dma_start3A_33 = arith.constant 80000 : i32
    %dma_start3A_34 = tpu.memref_slice %arg6[%dma_start3A_33] : memref<120000xf32, #tpu.memory_space<vmem>> -> memref<40000xf32, #tpu.memory_space<vmem>>
    %dma_start3A_35 = tpu.memref_slice %arg2[%multiple_of3A_29] : memref<5120000xf32, #tpu.memory_space<hbm>> -> memref<40000xf32, #tpu.memory_space<hbm>>
    tpu.enqueue_dma source(%dma_start3A_35 : memref<40000xf32, #tpu.memory_space<hbm>>) target(%dma_start3A_34 : memref<40000xf32, #tpu.memory_space<vmem>>) target_semaphore(%arg9 : memref<!tpu.dma_semaphore, #tpu.memory_space<semaphore_mem>>)
    %dma_wait3A = arith.constant 0 : i32
    %dma_wait3A_36 = tpu.memref_slice %arg6[%dma_wait3A] : memref<120000xf32, #tpu.memory_space<vmem>> -> memref<40000xf32, #tpu.memory_space<vmem>>
    %dma_wait3A_37 = tpu.memref_slice %arg2[%multiple_of3A_12] : memref<5120000xf32, #tpu.memory_space<hbm>> -> memref<40000xf32, #tpu.memory_space<hbm>>
    %dma_wait3A_38 = arith.constant 0 : i32
    %dma_wait3A_39 = tpu.memref_slice %arg6[%dma_wait3A_38] : memref<120000xf32, #tpu.memory_space<vmem>> -> memref<40000xf32, #tpu.memory_space<vmem>>
    %dma_wait3A_40 = tpu.memref_slice %arg2[%multiple_of3A_12] : memref<5120000xf32, #tpu.memory_space<hbm>> -> memref<40000xf32, #tpu.memory_space<hbm>>
    tpu.wait_dma2 semaphore(%arg7 : memref<!tpu.dma_semaphore, #tpu.memory_space<semaphore_mem>>) src(%dma_wait3A_40 : memref<40000xf32, #tpu.memory_space<hbm>>) dst(%dma_wait3A_39 : memref<40000xf32, #tpu.memory_space<vmem>>)
    %broadcast_in_dim3A = arith.constant 0.000000e+00 : f32
    %broadcast_in_dim3A_41 = vector.broadcast %broadcast_in_dim3A : f32 to vector<16xf32>
    %slice3A = vector.extract_strided_slice %get3A_6 {offsets = [0], sizes = [1], strides = [1]} : vector<16xi32> to vector<1xi32>
    %squeeze3A = vector.extract %slice3A[0] : i32 from vector<1xi32>
    %slice3A_42 = vector.extract_strided_slice %get3A_9 {offsets = [0], sizes = [1], strides = [1]} : vector<16xi32> to vector<1xi32>
    %squeeze3A_43 = vector.extract %slice3A_42[0] : i32 from vector<1xi32>
    %sub3A = arith.constant 0 : i32
    %sub3A_44 = arith.subi %squeeze3A, %sub3A : i32
    %jit3A = arith.constant 0 : i32
    %jit3A_45 = arith.constant 40000 : i32
    %max3A = arith.maxsi %jit3A, %sub3A_44 : i32
    %min3A = arith.minsi %jit3A_45, %max3A : i32
    %sub3A_46 = arith.constant 0 : i32
    %sub3A_47 = arith.subi %squeeze3A_43, %sub3A_46 : i32
    %jit3A_48 = arith.constant 0 : i32
    %jit3A_49 = arith.constant 40000 : i32
    %max3A_50 = arith.maxsi %jit3A_48, %sub3A_47 : i32
    %min3A_51 = arith.minsi %jit3A_49, %max3A_50 : i32
    %add3A_52 = arith.constant 15 : i32
    %add3A_53 = arith.addi %min3A, %add3A_52 : i32
    %and3A = arith.constant -16 : i32
    %and3A_54 = arith.andi %add3A_53, %and3A : i32
    %and3A_55 = arith.constant -16 : i32
    %and3A_56 = arith.andi %min3A_51, %and3A_55 : i32
    %sub3A_57 = arith.subi %and3A_56, %and3A_54 : i32
    %shift_right_arithmetic3A = arith.constant 4 : i32
    %shift_right_arithmetic3A_58 = arith.shrsi %sub3A_57, %shift_right_arithmetic3A : i32
    %max3A_59 = arith.constant 0 : i32
    %max3A_60 = arith.maxsi %shift_right_arithmetic3A_58, %max3A_59 : i32
    %while3A = arith.constant 0 : i32
    %while3A_61 = arith.constant 0 : i32
    %while3A_62 = arith.subi %max3A_60, %while3A_61 : i32
    %while3A_63 = arith.addi %while3A_61, %while3A_62 : i32
    %while3A_64 = arith.constant 1 : i32
    %while3A_65 = arith.divsi %while3A_62, %while3A_64 : i32
    %while3A_66 = arith.muli %while3A_65, %while3A_64 : i32
    %while3A_67 = arith.addi %while3A_61, %while3A_66 : i32
    %while3A_68 = arith.constant 1 : i32
    scf.for %while3A_3681 = %while3A_61 to %while3A_67 step %while3A_68  : i32 {
      %add3A_3682 = arith.constant 0 : i32
      %add3A_3683 = arith.addi %add3A_3682, %and3A_54 : i32
      %mul3A_3684 = arith.constant 16 : i32
      %mul3A_3685 = arith.muli %while3A_3681, %mul3A_3684 : i32
      %add3A_3686 = arith.addi %add3A_3683, %mul3A_3685 : i32
      %multiple_of3A_3687 = tpu.assume_multiple %add3A_3686, 16 : i32
      %swap3A_3688 = arith.index_cast %multiple_of3A_3687 : i32 to index
      %swap3A_3689 = tpu.vector_load %arg6[%swap3A_3688] {strides = array<i32>} : memref<120000xf32, #tpu.memory_space<vmem>>, vector<16xf32>,
      %swap3A_3690 = vector.shape_cast %swap3A_3689 : vector<16xf32> to vector<16xf32>
      %swap3A_3691 = vector.shape_cast %broadcast_in_dim3A_41 : vector<16xf32> to vector<16xf32>
      tpu.vector_store %arg6[%swap3A_3688], %swap3A_3691 {strides = array<i32>} : memref<120000xf32, #tpu.memory_space<vmem>>, vector<16xf32>,
    }
    %while3A_69 = arith.constant 1 : i32
    scf.for %while3A_3681 = %while3A_67 to %while3A_63 step %while3A_69  : i32 {
      %add3A_3682 = arith.constant 0 : i32
      %add3A_3683 = arith.addi %add3A_3682, %and3A_54 : i32
      %mul3A_3684 = arith.constant 16 : i32
      %mul3A_3685 = arith.muli %while3A_3681, %mul3A_3684 : i32
      %add3A_3686 = arith.addi %add3A_3683, %mul3A_3685 : i32
      %multiple_of3A_3687 = tpu.assume_multiple %add3A_3686, 16 : i32
      %swap3A_3688 = arith.index_cast %multiple_of3A_3687 : i32 to index
      %swap3A_3689 = tpu.vector_load %arg6[%swap3A_3688] {strides = array<i32>} : memref<120000xf32, #tpu.memory_space<vmem>>, vector<16xf32>,
      %swap3A_3690 = vector.shape_cast %swap3A_3689 : vector<16xf32> to vector<16xf32>
      %swap3A_3691 = vector.shape_cast %broadcast_in_dim3A_41 : vector<16xf32> to vector<16xf32>
      tpu.vector_store %arg6[%swap3A_3688], %swap3A_3691 {strides = array<i32>} : memref<120000xf32, #tpu.memory_space<vmem>>, vector<16xf32>,
    }
    %and3A_70 = arith.constant -16 : i32
    %and3A_71 = arith.andi %min3A, %and3A_70 : i32
    %min3A_72 = arith.constant 39984 : i32
    %min3A_73 = arith.minsi %and3A_71, %min3A_72 : i32
    %min3A_74 = arith.constant 39984 : i32
    %min3A_75 = arith.minsi %and3A_56, %min3A_74 : i32
    %add3A_76 = arith.constant 0 : i32
    %add3A_77 = arith.addi %add3A_76, %min3A_73 : i32
    %multiple_of3A_78 = tpu.assume_multiple %add3A_77, 16 : i32
    %add3A_79 = arith.constant 0 : i32
    %add3A_80 = arith.addi %add3A_79, %min3A_73 : i32
    %iota3A = tpu.iota {dimensions = array<i32: 0>} : vector<16xi32>
    %add3A_81 = vector.broadcast %add3A_80 : i32 to vector<16xi32>
    %add3A_82 = arith.addi %add3A_81, %iota3A : vector<16xi32>
    %ge3A = vector.broadcast %squeeze3A : i32 to vector<16xi32>
    %ge3A_83 = arith.cmpi sge, %add3A_82, %ge3A : vector<16xi32>
    %lt3A = vector.broadcast %squeeze3A_43 : i32 to vector<16xi32>
    %lt3A_84 = arith.cmpi slt, %add3A_82, %lt3A : vector<16xi32>
    %and3A_85 = arith.andi %ge3A_83, %lt3A_84 : vector<16xi1>
    %get3A_86 = arith.index_cast %multiple_of3A_78 : i32 to index
    %get3A_87 = tpu.vector_load %arg6[%get3A_86] {strides = array<i32>} : memref<120000xf32, #tpu.memory_space<vmem>>, vector<16xf32>,
    %get3A_88 = vector.shape_cast %get3A_87 : vector<16xf32> to vector<16xf32>
    %jit3A_89 = arith.constant 0.000000e+00 : f32
    %broadcast_in_dim3A_90 = vector.broadcast %jit3A_89 : f32 to vector<16xf32>
    %select_n3A = arith.select %and3A_85, %broadcast_in_dim3A_90, %get3A_88 : vector<16xi1>, vector<16xf32>
    %swap3A = arith.index_cast %multiple_of3A_78 : i32 to index
    %swap3A_91 = tpu.vector_load %arg6[%swap3A] {strides = array<i32>} : memref<120000xf32, #tpu.memory_space<vmem>>, vector<16xf32>,
    %swap3A_92 = vector.shape_cast %swap3A_91 : vector<16xf32> to vector<16xf32>
    %swap3A_93 = vector.shape_cast %select_n3A : vector<16xf32> to vector<16xf32>
    tpu.vector_store %arg6[%swap3A], %swap3A_93 {strides = array<i32>} : memref<120000xf32, #tpu.memory_space<vmem>>, vector<16xf32>,
    %add3A_94 = arith.constant 0 : i32
    %add3A_95 = arith.addi %add3A_94, %min3A_75 : i32
    %multiple_of3A_96 = tpu.assume_multiple %add3A_95, 16 : i32
    %add3A_97 = arith.constant 0 : i32
    %add3A_98 = arith.addi %add3A_97, %min3A_75 : i32
    %iota3A_99 = tpu.iota {dimensions = array<i32: 0>} : vector<16xi32>
    %add3A_100 = vector.broadcast %add3A_98 : i32 to vector<16xi32>
    %add3A_101 = arith.addi %add3A_100, %iota3A_99 : vector<16xi32>
    %ge3A_102 = vector.broadcast %squeeze3A : i32 to vector<16xi32>
    %ge3A_103 = arith.cmpi sge, %add3A_101, %ge3A_102 : vector<16xi32>
    %lt3A_104 = vector.broadcast %squeeze3A_43 : i32 to vector<16xi32>
    %lt3A_105 = arith.cmpi slt, %add3A_101, %lt3A_104 : vector<16xi32>
    %and3A_106 = arith.andi %ge3A_103, %lt3A_105 : vector<16xi1>
    %get3A_107 = arith.index_cast %multiple_of3A_96 : i32 to index
    %get3A_108 = tpu.vector_load %arg6[%get3A_107] {strides = array<i32>} : memref<120000xf32, #tpu.memory_space<vmem>>, vector<16xf32>,
    %get3A_109 = vector.shape_cast %get3A_108 : vector<16xf32> to vector<16xf32>
    %jit3A_110 = arith.constant 0.000000e+00 : f32
    %broadcast_in_dim3A_111 = vector.broadcast %jit3A_110 : f32 to vector<16xf32>
    %select_n3A_112 = arith.select %and3A_106, %broadcast_in_dim3A_111, %get3A_109 : vector<16xi1>, vector<16xf32>
    %swap3A_113 = arith.index_cast %multiple_of3A_96 : i32 to index
    %swap3A_114 = tpu.vector_load %arg6[%swap3A_113] {strides = array<i32>} : memref<120000xf32, #tpu.memory_space<vmem>>, vector<16xf32>,
    %swap3A_115 = vector.shape_cast %swap3A_114 : vector<16xf32> to vector<16xf32>
    %swap3A_116 = vector.shape_cast %select_n3A_112 : vector<16xf32> to vector<16xf32>
    tpu.vector_store %arg6[%swap3A_113], %swap3A_116 {strides = array<i32>} : memref<120000xf32, #tpu.memory_space<vmem>>, vector<16xf32>,
    %slice3A_117 = vector.extract_strided_slice %get3A_6 {offsets = [1], sizes = [1], strides = [1]} : vector<16xi32> to vector<1xi32>
    %squeeze3A_118 = vector.extract %slice3A_117[0] : i32 from vector<1xi32>
    %slice3A_119 = vector.extract_strided_slice %get3A_9 {offsets = [1], sizes = [1], strides = [1]} : vector<16xi32> to vector<1xi32>
    %squeeze3A_120 = vector.extract %slice3A_119[0] : i32 from vector<1xi32>
    %sub3A_121 = arith.constant 0 : i32
    %sub3A_122 = arith.subi %squeeze3A_118, %sub3A_121 : i32
    %jit3A_123 = arith.constant 0 : i32
    %jit3A_124 = arith.constant 40000 : i32
    %max3A_125 = arith.maxsi %jit3A_123, %sub3A_122 : i32
    %min3A_126 = arith.minsi %jit3A_124, %max3A_125 : i32
    %sub3A_127 = arith.constant 0 : i32
    %sub3A_128 = arith.subi %squeeze3A_120, %sub3A_127 : i32
    %jit3A_129 = arith.constant 0 : i32
    %jit3A_130 = arith.constant 40000 : i32
    %max3A_131 = arith.maxsi %jit3A_129, %sub3A_128 : i32
    %min3A_132 = arith.minsi %jit3A_130, %max3A_131 : i32
    %add3A_133 = arith.constant 15 : i32
    %add3A_134 = arith.addi %min3A_126, %add3A_133 : i32
    %and3A_135 = arith.constant -16 : i32
    %and3A_136 = arith.andi %add3A_134, %and3A_135 : i32
    %and3A_137 = arith.constant -16 : i32
    %and3A_138 = arith.andi %min3A_132, %and3A_137 : i32
    %sub3A_139 = arith.subi %and3A_138, %and3A_136 : i32
    %shift_right_arithmetic3A_140 = arith.constant 4 : i32
    %shift_right_arithmetic3A_141 = arith.shrsi %sub3A_139, %shift_right_arithmetic3A_140 : i32
    %max3A_142 = arith.constant 0 : i32
    %max3A_143 = arith.maxsi %shift_right_arithmetic3A_141, %max3A_142 : i32
    %while3A_144 = arith.constant 0 : i32
    %while3A_145 = arith.constant 0 : i32
    %while3A_146 = arith.subi %max3A_143, %while3A_145 : i32
    %while3A_147 = arith.addi %while3A_145, %while3A_146 : i32
    %while3A_148 = arith.constant 1 : i32
    %while3A_149 = arith.divsi %while3A_146, %while3A_148 : i32
    %while3A_150 = arith.muli %while3A_149, %while3A_148 : i32
    %while3A_151 = arith.addi %while3A_145, %while3A_150 : i32
    %while3A_152 = arith.constant 1 : i32
    scf.for %while3A_3681 = %while3A_145 to %while3A_151 step %while3A_152  : i32 {
      %add3A_3682 = arith.constant 0 : i32
      %add3A_3683 = arith.addi %add3A_3682, %and3A_136 : i32
      %mul3A_3684 = arith.constant 16 : i32
      %mul3A_3685 = arith.muli %while3A_3681, %mul3A_3684 : i32
      %add3A_3686 = arith.addi %add3A_3683, %mul3A_3685 : i32
      %multiple_of3A_3687 = tpu.assume_multiple %add3A_3686, 16 : i32
      %swap3A_3688 = arith.index_cast %multiple_of3A_3687 : i32 to index
      %swap3A_3689 = tpu.vector_load %arg6[%swap3A_3688] {strides = array<i32>} : memref<120000xf32, #tpu.memory_space<vmem>>, vector<16xf32>,
      %swap3A_3690 = vector.shape_cast %swap3A_3689 : vector<16xf32> to vector<16xf32>
      %swap3A_3691 = vector.shape_cast %broadcast_in_dim3A_41 : vector<16xf32> to vector<16xf32>
      tpu.vector_store %arg6[%swap3A_3688], %swap3A_3691 {strides = array<i32>} : memref<120000xf32, #tpu.memory_space<vmem>>, vector<16xf32>,
    }
    %while3A_153 = arith.constant 1 : i32
    scf.for %while3A_3681 = %while3A_151 to %while3A_147 step %while3A_153  : i32 {
      %add3A_3682 = arith.constant 0 : i32
      %add3A_3683 = arith.addi %add3A_3682, %and3A_136 : i32
      %mul3A_3684 = arith.constant 16 : i32
      %mul3A_3685 = arith.muli %while3A_3681, %mul3A_3684 : i32
      %add3A_3686 = arith.addi %add3A_3683, %mul3A_3685 : i32
      %multiple_of3A_3687 = tpu.assume_multiple %add3A_3686, 16 : i32
      %swap3A_3688 = arith.index_cast %multiple_of3A_3687 : i32 to index
      %swap3A_3689 = tpu.vector_load %arg6[%swap3A_3688] {strides = array<i32>} : memref<120000xf32, #tpu.memory_space<vmem>>, vector<16xf32>,
      %swap3A_3690 = vector.shape_cast %swap3A_3689 : vector<16xf32> to vector<16xf32>
      %swap3A_3691 = vector.shape_cast %broadcast_in_dim3A_41 : vector<16xf32> to vector<16xf32>
      tpu.vector_store %arg6[%swap3A_3688], %swap3A_3691 {strides = array<i32>} : memref<120000xf32, #tpu.memory_space<vmem>>, vector<16xf32>,
    }
    %and3A_154 = arith.constant -16 : i32
    %and3A_155 = arith.andi %min3A_126, %and3A_154 : i32
    %min3A_156 = arith.constant 39984 : i32
    %min3A_157 = arith.minsi %and3A_155, %min3A_156 : i32
    %min3A_158 = arith.constant 39984 : i32
    %min3A_159 = arith.minsi %and3A_138, %min3A_158 : i32
    %add3A_160 = arith.constant 0 : i32
    %add3A_161 = arith.addi %add3A_160, %min3A_157 : i32
    %multiple_of3A_162 = tpu.assume_multiple %add3A_161, 16 : i32
    %add3A_163 = arith.constant 0 : i32
    %add3A_164 = arith.addi %add3A_163, %min3A_157 : i32
    %iota3A_165 = tpu.iota {dimensions = array<i32: 0>} : vector<16xi32>
    %add3A_166 = vector.broadcast %add3A_164 : i32 to vector<16xi32>
    %add3A_167 = arith.addi %add3A_166, %iota3A_165 : vector<16xi32>
    %ge3A_168 = vector.broadcast %squeeze3A_118 : i32 to vector<16xi32>
    %ge3A_169 = arith.cmpi sge, %add3A_167, %ge3A_168 : vector<16xi32>
    %lt3A_170 = vector.broadcast %squeeze3A_120 : i32 to vector<16xi32>
    %lt3A_171 = arith.cmpi slt, %add3A_167, %lt3A_170 : vector<16xi32>
    %and3A_172 = arith.andi %ge3A_169, %lt3A_171 : vector<16xi1>
    %get3A_173 = arith.index_cast %multiple_of3A_162 : i32 to index
    %get3A_174 = tpu.vector_load %arg6[%get3A_173] {strides = array<i32>} : memref<120000xf32, #tpu.memory_space<vmem>>, vector<16xf32>,
    %get3A_175 = vector.shape_cast %get3A_174 : vector<16xf32> to vector<16xf32>
    %jit3A_176 = arith.constant 0.000000e+00 : f32
    %broadcast_in_dim3A_177 = vector.broadcast %jit3A_176 : f32 to vector<16xf32>
    %select_n3A_178 = arith.select %and3A_172, %broadcast_in_dim3A_177, %get3A_175 : vector<16xi1>, vector<16xf32>
    %swap3A_179 = arith.index_cast %multiple_of3A_162 : i32 to index
    %swap3A_180 = tpu.vector_load %arg6[%swap3A_179] {strides = array<i32>} : memref<120000xf32, #tpu.memory_space<vmem>>, vector<16xf32>,
    %swap3A_181 = vector.shape_cast %swap3A_180 : vector<16xf32> to vector<16xf32>
    %swap3A_182 = vector.shape_cast %select_n3A_178 : vector<16xf32> to vector<16xf32>
    tpu.vector_store %arg6[%swap3A_179], %swap3A_182 {strides = array<i32>} : memref<120000xf32, #tpu.memory_space<vmem>>, vector<16xf32>,
    %add3A_183 = arith.constant 0 : i32
    %add3A_184 = arith.addi %add3A_183, %min3A_159 : i32
    %multiple_of3A_185 = tpu.assume_multiple %add3A_184, 16 : i32
    %add3A_186 = arith.constant 0 : i32
    %add3A_187 = arith.addi %add3A_186, %min3A_159 : i32
    %iota3A_188 = tpu.iota {dimensions = array<i32: 0>} : vector<16xi32>
    %add3A_189 = vector.broadcast %add3A_187 : i32 to vector<16xi32>
    %add3A_190 = arith.addi %add3A_189, %iota3A_188 : vector<16xi32>
    %ge3A_191 = vector.broadcast %squeeze3A_118 : i32 to vector<16xi32>
    %ge3A_192 = arith.cmpi sge, %add3A_190, %ge3A_191 : vector<16xi32>
    %lt3A_193 = vector.broadcast %squeeze3A_120 : i32 to vector<16xi32>
    %lt3A_194 = arith.cmpi slt, %add3A_190, %lt3A_193 : vector<16xi32>
    %and3A_195 = arith.andi %ge3A_192, %lt3A_194 : vector<16xi1>
    %get3A_196 = arith.index_cast %multiple_of3A_185 : i32 to index
    %get3A_197 = tpu.vector_load %arg6[%get3A_196] {strides = array<i32>} : memref<120000xf32, #tpu.memory_space<vmem>>, vector<16xf32>,
    %get3A_198 = vector.shape_cast %get3A_197 : vector<16xf32> to vector<16xf32>
    %jit3A_199 = arith.constant 0.000000e+00 : f32
    %broadcast_in_dim3A_200 = vector.broadcast %jit3A_199 : f32 to vector<16xf32>
    %select_n3A_201 = arith.select %and3A_195, %broadcast_in_dim3A_200, %get3A_198 : vector<16xi1>, vector<16xf32>
    %swap3A_202 = arith.index_cast %multiple_of3A_185 : i32 to index
    %swap3A_203 = tpu.vector_load %arg6[%swap3A_202] {strides = array<i32>} : memref<120000xf32, #tpu.memory_space<vmem>>, vector<16xf32>,
    %swap3A_204 = vector.shape_cast %swap3A_203 : vector<16xf32> to vector<16xf32>
    %swap3A_205 = vector.shape_cast %select_n3A_201 : vector<16xf32> to vector<16xf32>
    tpu.vector_store %arg6[%swap3A_202], %swap3A_205 {strides = array<i32>} : memref<120000xf32, #tpu.memory_space<vmem>>, vector<16xf32>,
    %slice3A_206 = vector.extract_strided_slice %get3A_6 {offsets = [2], sizes = [1], strides = [1]} : vector<16xi32> to vector<1xi32>
    %squeeze3A_207 = vector.extract %slice3A_206[0] : i32 from vector<1xi32>
    %slice3A_208 = vector.extract_strided_slice %get3A_9 {offsets = [2], sizes = [1], strides = [1]} : vector<16xi32> to vector<1xi32>
    %squeeze3A_209 = vector.extract %slice3A_208[0] : i32 from vector<1xi32>
    %sub3A_210 = arith.constant 0 : i32
    %sub3A_211 = arith.subi %squeeze3A_207, %sub3A_210 : i32
    %jit3A_212 = arith.constant 0 : i32
    %jit3A_213 = arith.constant 40000 : i32
    %max3A_214 = arith.maxsi %jit3A_212, %sub3A_211 : i32
    %min3A_215 = arith.minsi %jit3A_213, %max3A_214 : i32
    %sub3A_216 = arith.constant 0 : i32
    %sub3A_217 = arith.subi %squeeze3A_209, %sub3A_216 : i32
    %jit3A_218 = arith.constant 0 : i32
    %jit3A_219 = arith.constant 40000 : i32
    %max3A_220 = arith.maxsi %jit3A_218, %sub3A_217 : i32
    %min3A_221 = arith.minsi %jit3A_219, %max3A_220 : i32
    %add3A_222 = arith.constant 15 : i32
    %add3A_223 = arith.addi %min3A_215, %add3A_222 : i32
    %and3A_224 = arith.constant -16 : i32
    %and3A_225 = arith.andi %add3A_223, %and3A_224 : i32
    %and3A_226 = arith.constant -16 : i32
    %and3A_227 = arith.andi %min3A_221, %and3A_226 : i32
    %sub3A_228 = arith.subi %and3A_227, %and3A_225 : i32
    %shift_right_arithmetic3A_229 = arith.constant 4 : i32
    %shift_right_arithmetic3A_230 = arith.shrsi %sub3A_228, %shift_right_arithmetic3A_229 : i32
    %max3A_231 = arith.constant 0 : i32
    %max3A_232 = arith.maxsi %shift_right_arithmetic3A_230, %max3A_231 : i32
    %while3A_233 = arith.constant 0 : i32
    %while3A_234 = arith.constant 0 : i32
    %while3A_235 = arith.subi %max3A_232, %while3A_234 : i32
    %while3A_236 = arith.addi %while3A_234, %while3A_235 : i32
    %while3A_237 = arith.constant 1 : i32
    %while3A_238 = arith.divsi %while3A_235, %while3A_237 : i32
    %while3A_239 = arith.muli %while3A_238, %while3A_237 : i32
    %while3A_240 = arith.addi %while3A_234, %while3A_239 : i32
    %while3A_241 = arith.constant 1 : i32
    scf.for %while3A_3681 = %while3A_234 to %while3A_240 step %while3A_241  : i32 {
      %add3A_3682 = arith.constant 0 : i32
      %add3A_3683 = arith.addi %add3A_3682, %and3A_225 : i32
      %mul3A_3684 = arith.constant 16 : i32
      %mul3A_3685 = arith.muli %while3A_3681, %mul3A_3684 : i32
      %add3A_3686 = arith.addi %add3A_3683, %mul3A_3685 : i32
      %multiple_of3A_3687 = tpu.assume_multiple %add3A_3686, 16 : i32
      %swap3A_3688 = arith.index_cast %multiple_of3A_3687 : i32 to index
      %swap3A_3689 = tpu.vector_load %arg6[%swap3A_3688] {strides = array<i32>} : memref<120000xf32, #tpu.memory_space<vmem>>, vector<16xf32>,
      %swap3A_3690 = vector.shape_cast %swap3A_3689 : vector<16xf32> to vector<16xf32>
      %swap3A_3691 = vector.shape_cast %broadcast_in_dim3A_41 : vector<16xf32> to vector<16xf32>
      tpu.vector_store %arg6[%swap3A_3688], %swap3A_3691 {strides = array<i32>} : memref<120000xf32, #tpu.memory_space<vmem>>, vector<16xf32>,
    }
    %while3A_242 = arith.constant 1 : i32
    scf.for %while3A_3681 = %while3A_240 to %while3A_236 step %while3A_242  : i32 {
      %add3A_3682 = arith.constant 0 : i32
      %add3A_3683 = arith.addi %add3A_3682, %and3A_225 : i32
      %mul3A_3684 = arith.constant 16 : i32
      %mul3A_3685 = arith.muli %while3A_3681, %mul3A_3684 : i32
      %add3A_3686 = arith.addi %add3A_3683, %mul3A_3685 : i32
      %multiple_of3A_3687 = tpu.assume_multiple %add3A_3686, 16 : i32
      %swap3A_3688 = arith.index_cast %multiple_of3A_3687 : i32 to index
      %swap3A_3689 = tpu.vector_load %arg6[%swap3A_3688] {strides = array<i32>} : memref<120000xf32, #tpu.memory_space<vmem>>, vector<16xf32>,
      %swap3A_3690 = vector.shape_cast %swap3A_3689 : vector<16xf32> to vector<16xf32>
      %swap3A_3691 = vector.shape_cast %broadcast_in_dim3A_41 : vector<16xf32> to vector<16xf32>
      tpu.vector_store %arg6[%swap3A_3688], %swap3A_3691 {strides = array<i32>} : memref<120000xf32, #tpu.memory_space<vmem>>, vector<16xf32>,
    }
    %and3A_243 = arith.constant -16 : i32
    %and3A_244 = arith.andi %min3A_215, %and3A_243 : i32
    %min3A_245 = arith.constant 39984 : i32
    %min3A_246 = arith.minsi %and3A_244, %min3A_245 : i32
    %min3A_247 = arith.constant 39984 : i32
    %min3A_248 = arith.minsi %and3A_227, %min3A_247 : i32
    %add3A_249 = arith.constant 0 : i32
    %add3A_250 = arith.addi %add3A_249, %min3A_246 : i32
    %multiple_of3A_251 = tpu.assume_multiple %add3A_250, 16 : i32
    %add3A_252 = arith.constant 0 : i32
    %add3A_253 = arith.addi %add3A_252, %min3A_246 : i32
    %iota3A_254 = tpu.iota {dimensions = array<i32: 0>} : vector<16xi32>
    %add3A_255 = vector.broadcast %add3A_253 : i32 to vector<16xi32>
    %add3A_256 = arith.addi %add3A_255, %iota3A_254 : vector<16xi32>
    %ge3A_257 = vector.broadcast %squeeze3A_207 : i32 to vector<16xi32>
    %ge3A_258 = arith.cmpi sge, %add3A_256, %ge3A_257 : vector<16xi32>
    %lt3A_259 = vector.broadcast %squeeze3A_209 : i32 to vector<16xi32>
    %lt3A_260 = arith.cmpi slt, %add3A_256, %lt3A_259 : vector<16xi32>
    %and3A_261 = arith.andi %ge3A_258, %lt3A_260 : vector<16xi1>
    %get3A_262 = arith.index_cast %multiple_of3A_251 : i32 to index
    %get3A_263 = tpu.vector_load %arg6[%get3A_262] {strides = array<i32>} : memref<120000xf32, #tpu.memory_space<vmem>>, vector<16xf32>,
    %get3A_264 = vector.shape_cast %get3A_263 : vector<16xf32> to vector<16xf32>
    %jit3A_265 = arith.constant 0.000000e+00 : f32
    %broadcast_in_dim3A_266 = vector.broadcast %jit3A_265 : f32 to vector<16xf32>
    %select_n3A_267 = arith.select %and3A_261, %broadcast_in_dim3A_266, %get3A_264 : vector<16xi1>, vector<16xf32>
    %swap3A_268 = arith.index_cast %multiple_of3A_251 : i32 to index
    %swap3A_269 = tpu.vector_load %arg6[%swap3A_268] {strides = array<i32>} : memref<120000xf32, #tpu.memory_space<vmem>>, vector<16xf32>,
    %swap3A_270 = vector.shape_cast %swap3A_269 : vector<16xf32> to vector<16xf32>
    %swap3A_271 = vector.shape_cast %select_n3A_267 : vector<16xf32> to vector<16xf32>
    tpu.vector_store %arg6[%swap3A_268], %swap3A_271 {strides = array<i32>} : memref<120000xf32, #tpu.memory_space<vmem>>, vector<16xf32>,
    %add3A_272 = arith.constant 0 : i32
    %add3A_273 = arith.addi %add3A_272, %min3A_248 : i32
    %multiple_of3A_274 = tpu.assume_multiple %add3A_273, 16 : i32
    %add3A_275 = arith.constant 0 : i32
    %add3A_276 = arith.addi %add3A_275, %min3A_248 : i32
    %iota3A_277 = tpu.iota {dimensions = array<i32: 0>} : vector<16xi32>
    %add3A_278 = vector.broadcast %add3A_276 : i32 to vector<16xi32>
    %add3A_279 = arith.addi %add3A_278, %iota3A_277 : vector<16xi32>
    %ge3A_280 = vector.broadcast %squeeze3A_207 : i32 to vector<16xi32>
    %ge3A_281 = arith.cmpi sge, %add3A_279, %ge3A_280 : vector<16xi32>
    %lt3A_282 = vector.broadcast %squeeze3A_209 : i32 to vector<16xi32>
    %lt3A_283 = arith.cmpi slt, %add3A_279, %lt3A_282 : vector<16xi32>
    %and3A_284 = arith.andi %ge3A_281, %lt3A_283 : vector<16xi1>
    %get3A_285 = arith.index_cast %multiple_of3A_274 : i32 to index
    %get3A_286 = tpu.vector_load %arg6[%get3A_285] {strides = array<i32>} : memref<120000xf32, #tpu.memory_space<vmem>>, vector<16xf32>,
    %get3A_287 = vector.shape_cast %get3A_286 : vector<16xf32> to vector<16xf32>
    %jit3A_288 = arith.constant 0.000000e+00 : f32
    %broadcast_in_dim3A_289 = vector.broadcast %jit3A_288 : f32 to vector<16xf32>
    %select_n3A_290 = arith.select %and3A_284, %broadcast_in_dim3A_289, %get3A_287 : vector<16xi1>, vector<16xf32>
    %swap3A_291 = arith.index_cast %multiple_of3A_274 : i32 to index
    %swap3A_292 = tpu.vector_load %arg6[%swap3A_291] {strides = array<i32>} : memref<120000xf32, #tpu.memory_space<vmem>>, vector<16xf32>,
    %swap3A_293 = vector.shape_cast %swap3A_292 : vector<16xf32> to vector<16xf32>
    %swap3A_294 = vector.shape_cast %select_n3A_290 : vector<16xf32> to vector<16xf32>
    tpu.vector_store %arg6[%swap3A_291], %swap3A_294 {strides = array<i32>} : memref<120000xf32, #tpu.memory_space<vmem>>, vector<16xf32>,
    %slice3A_295 = vector.extract_strided_slice %get3A_6 {offsets = [3], sizes = [1], strides = [1]} : vector<16xi32> to vector<1xi32>
    %squeeze3A_296 = vector.extract %slice3A_295[0] : i32 from vector<1xi32>
    %slice3A_297 = vector.extract_strided_slice %get3A_9 {offsets = [3], sizes = [1], strides = [1]} : vector<16xi32> to vector<1xi32>
    %squeeze3A_298 = vector.extract %slice3A_297[0] : i32 from vector<1xi32>
    %sub3A_299 = arith.constant 0 : i32
    %sub3A_300 = arith.subi %squeeze3A_296, %sub3A_299 : i32
    %jit3A_301 = arith.constant 0 : i32
    %jit3A_302 = arith.constant 40000 : i32
    %max3A_303 = arith.maxsi %jit3A_301, %sub3A_300 : i32
    %min3A_304 = arith.minsi %jit3A_302, %max3A_303 : i32
    %sub3A_305 = arith.constant 0 : i32
    %sub3A_306 = arith.subi %squeeze3A_298, %sub3A_305 : i32
    %jit3A_307 = arith.constant 0 : i32
    %jit3A_308 = arith.constant 40000 : i32
    %max3A_309 = arith.maxsi %jit3A_307, %sub3A_306 : i32
    %min3A_310 = arith.minsi %jit3A_308, %max3A_309 : i32
    %add3A_311 = arith.constant 15 : i32
    %add3A_312 = arith.addi %min3A_304, %add3A_311 : i32
    %and3A_313 = arith.constant -16 : i32
    %and3A_314 = arith.andi %add3A_312, %and3A_313 : i32
    %and3A_315 = arith.constant -16 : i32
    %and3A_316 = arith.andi %min3A_310, %and3A_315 : i32
    %sub3A_317 = arith.subi %and3A_316, %and3A_314 : i32
    %shift_right_arithmetic3A_318 = arith.constant 4 : i32
    %shift_right_arithmetic3A_319 = arith.shrsi %sub3A_317, %shift_right_arithmetic3A_318 : i32
    %max3A_320 = arith.constant 0 : i32
    %max3A_321 = arith.maxsi %shift_right_arithmetic3A_319, %max3A_320 : i32
    %while3A_322 = arith.constant 0 : i32
    %while3A_323 = arith.constant 0 : i32
    %while3A_324 = arith.subi %max3A_321, %while3A_323 : i32
    %while3A_325 = arith.addi %while3A_323, %while3A_324 : i32
    %while3A_326 = arith.constant 1 : i32
    %while3A_327 = arith.divsi %while3A_324, %while3A_326 : i32
    %while3A_328 = arith.muli %while3A_327, %while3A_326 : i32
    %while3A_329 = arith.addi %while3A_323, %while3A_328 : i32
    %while3A_330 = arith.constant 1 : i32
    scf.for %while3A_3681 = %while3A_323 to %while3A_329 step %while3A_330  : i32 {
      %add3A_3682 = arith.constant 0 : i32
      %add3A_3683 = arith.addi %add3A_3682, %and3A_314 : i32
      %mul3A_3684 = arith.constant 16 : i32
      %mul3A_3685 = arith.muli %while3A_3681, %mul3A_3684 : i32
      %add3A_3686 = arith.addi %add3A_3683, %mul3A_3685 : i32
      %multiple_of3A_3687 = tpu.assume_multiple %add3A_3686, 16 : i32
      %swap3A_3688 = arith.index_cast %multiple_of3A_3687 : i32 to index
      %swap3A_3689 = tpu.vector_load %arg6[%swap3A_3688] {strides = array<i32>} : memref<120000xf32, #tpu.memory_space<vmem>>, vector<16xf32>,
      %swap3A_3690 = vector.shape_cast %swap3A_3689 : vector<16xf32> to vector<16xf32>
      %swap3A_3691 = vector.shape_cast %broadcast_in_dim3A_41 : vector<16xf32> to vector<16xf32>
      tpu.vector_store %arg6[%swap3A_3688], %swap3A_3691 {strides = array<i32>} : memref<120000xf32, #tpu.memory_space<vmem>>, vector<16xf32>,
    }
    %while3A_331 = arith.constant 1 : i32
    scf.for %while3A_3681 = %while3A_329 to %while3A_325 step %while3A_331  : i32 {
      %add3A_3682 = arith.constant 0 : i32
      %add3A_3683 = arith.addi %add3A_3682, %and3A_314 : i32
      %mul3A_3684 = arith.constant 16 : i32
      %mul3A_3685 = arith.muli %while3A_3681, %mul3A_3684 : i32
      %add3A_3686 = arith.addi %add3A_3683, %mul3A_3685 : i32
      %multiple_of3A_3687 = tpu.assume_multiple %add3A_3686, 16 : i32
      %swap3A_3688 = arith.index_cast %multiple_of3A_3687 : i32 to index
      %swap3A_3689 = tpu.vector_load %arg6[%swap3A_3688] {strides = array<i32>} : memref<120000xf32, #tpu.memory_space<vmem>>, vector<16xf32>,
      %swap3A_3690 = vector.shape_cast %swap3A_3689 : vector<16xf32> to vector<16xf32>
      %swap3A_3691 = vector.shape_cast %broadcast_in_dim3A_41 : vector<16xf32> to vector<16xf32>
      tpu.vector_store %arg6[%swap3A_3688], %swap3A_3691 {strides = array<i32>} : memref<120000xf32, #tpu.memory_space<vmem>>, vector<16xf32>,
    }
    %and3A_332 = arith.constant -16 : i32
    %and3A_333 = arith.andi %min3A_304, %and3A_332 : i32
    %min3A_334 = arith.constant 39984 : i32
    %min3A_335 = arith.minsi %and3A_333, %min3A_334 : i32
    %min3A_336 = arith.constant 39984 : i32
    %min3A_337 = arith.minsi %and3A_316, %min3A_336 : i32
    %add3A_338 = arith.constant 0 : i32
    %add3A_339 = arith.addi %add3A_338, %min3A_335 : i32
    %multiple_of3A_340 = tpu.assume_multiple %add3A_339, 16 : i32
    %add3A_341 = arith.constant 0 : i32
    %add3A_342 = arith.addi %add3A_341, %min3A_335 : i32
    %iota3A_343 = tpu.iota {dimensions = array<i32: 0>} : vector<16xi32>
    %add3A_344 = vector.broadcast %add3A_342 : i32 to vector<16xi32>
    %add3A_345 = arith.addi %add3A_344, %iota3A_343 : vector<16xi32>
    %ge3A_346 = vector.broadcast %squeeze3A_296 : i32 to vector<16xi32>
    %ge3A_347 = arith.cmpi sge, %add3A_345, %ge3A_346 : vector<16xi32>
    %lt3A_348 = vector.broadcast %squeeze3A_298 : i32 to vector<16xi32>
    %lt3A_349 = arith.cmpi slt, %add3A_345, %lt3A_348 : vector<16xi32>
    %and3A_350 = arith.andi %ge3A_347, %lt3A_349 : vector<16xi1>
    %get3A_351 = arith.index_cast %multiple_of3A_340 : i32 to index
    %get3A_352 = tpu.vector_load %arg6[%get3A_351] {strides = array<i32>} : memref<120000xf32, #tpu.memory_space<vmem>>, vector<16xf32>,
    %get3A_353 = vector.shape_cast %get3A_352 : vector<16xf32> to vector<16xf32>
    %jit3A_354 = arith.constant 0.000000e+00 : f32
    %broadcast_in_dim3A_355 = vector.broadcast %jit3A_354 : f32 to vector<16xf32>
    %select_n3A_356 = arith.select %and3A_350, %broadcast_in_dim3A_355, %get3A_353 : vector<16xi1>, vector<16xf32>
    %swap3A_357 = arith.index_cast %multiple_of3A_340 : i32 to index
    %swap3A_358 = tpu.vector_load %arg6[%swap3A_357] {strides = array<i32>} : memref<120000xf32, #tpu.memory_space<vmem>>, vector<16xf32>,
    %swap3A_359 = vector.shape_cast %swap3A_358 : vector<16xf32> to vector<16xf32>
    %swap3A_360 = vector.shape_cast %select_n3A_356 : vector<16xf32> to vector<16xf32>
    tpu.vector_store %arg6[%swap3A_357], %swap3A_360 {strides = array<i32>} : memref<120000xf32, #tpu.memory_space<vmem>>, vector<16xf32>,
    %add3A_361 = arith.constant 0 : i32
    %add3A_362 = arith.addi %add3A_361, %min3A_337 : i32
    %multiple_of3A_363 = tpu.assume_multiple %add3A_362, 16 : i32
    %add3A_364 = arith.constant 0 : i32
    %add3A_365 = arith.addi %add3A_364, %min3A_337 : i32
    %iota3A_366 = tpu.iota {dimensions = array<i32: 0>} : vector<16xi32>
    %add3A_367 = vector.broadcast %add3A_365 : i32 to vector<16xi32>
    %add3A_368 = arith.addi %add3A_367, %iota3A_366 : vector<16xi32>
    %ge3A_369 = vector.broadcast %squeeze3A_296 : i32 to vector<16xi32>
    %ge3A_370 = arith.cmpi sge, %add3A_368, %ge3A_369 : vector<16xi32>
    %lt3A_371 = vector.broadcast %squeeze3A_298 : i32 to vector<16xi32>
    %lt3A_372 = arith.cmpi slt, %add3A_368, %lt3A_371 : vector<16xi32>
    %and3A_373 = arith.andi %ge3A_370, %lt3A_372 : vector<16xi1>
    %get3A_374 = arith.index_cast %multiple_of3A_363 : i32 to index
    %get3A_375 = tpu.vector_load %arg6[%get3A_374] {strides = array<i32>} : memref<120000xf32, #tpu.memory_space<vmem>>, vector<16xf32>,
    %get3A_376 = vector.shape_cast %get3A_375 : vector<16xf32> to vector<16xf32>
    %jit3A_377 = arith.constant 0.000000e+00 : f32
    %broadcast_in_dim3A_378 = vector.broadcast %jit3A_377 : f32 to vector<16xf32>
    %select_n3A_379 = arith.select %and3A_373, %broadcast_in_dim3A_378, %get3A_376 : vector<16xi1>, vector<16xf32>
    %swap3A_380 = arith.index_cast %multiple_of3A_363 : i32 to index
    %swap3A_381 = tpu.vector_load %arg6[%swap3A_380] {strides = array<i32>} : memref<120000xf32, #tpu.memory_space<vmem>>, vector<16xf32>,
    %swap3A_382 = vector.shape_cast %swap3A_381 : vector<16xf32> to vector<16xf32>
    %swap3A_383 = vector.shape_cast %select_n3A_379 : vector<16xf32> to vector<16xf32>
    tpu.vector_store %arg6[%swap3A_380], %swap3A_383 {strides = array<i32>} : memref<120000xf32, #tpu.memory_space<vmem>>, vector<16xf32>,
    %slice3A_384 = vector.extract_strided_slice %get3A_6 {offsets = [4], sizes = [1], strides = [1]} : vector<16xi32> to vector<1xi32>
    %squeeze3A_385 = vector.extract %slice3A_384[0] : i32 from vector<1xi32>
    %slice3A_386 = vector.extract_strided_slice %get3A_9 {offsets = [4], sizes = [1], strides = [1]} : vector<16xi32> to vector<1xi32>
    %squeeze3A_387 = vector.extract %slice3A_386[0] : i32 from vector<1xi32>
    %sub3A_388 = arith.constant 0 : i32
    %sub3A_389 = arith.subi %squeeze3A_385, %sub3A_388 : i32
    %jit3A_390 = arith.constant 0 : i32
    %jit3A_391 = arith.constant 40000 : i32
    %max3A_392 = arith.maxsi %jit3A_390, %sub3A_389 : i32
    %min3A_393 = arith.minsi %jit3A_391, %max3A_392 : i32
    %sub3A_394 = arith.constant 0 : i32
    %sub3A_395 = arith.subi %squeeze3A_387, %sub3A_394 : i32
    %jit3A_396 = arith.constant 0 : i32
    %jit3A_397 = arith.constant 40000 : i32
    %max3A_398 = arith.maxsi %jit3A_396, %sub3A_395 : i32
    %min3A_399 = arith.minsi %jit3A_397, %max3A_398 : i32
    %add3A_400 = arith.constant 15 : i32
    %add3A_401 = arith.addi %min3A_393, %add3A_400 : i32
    %and3A_402 = arith.constant -16 : i32
    %and3A_403 = arith.andi %add3A_401, %and3A_402 : i32
    %and3A_404 = arith.constant -16 : i32
    %and3A_405 = arith.andi %min3A_399, %and3A_404 : i32
    %sub3A_406 = arith.subi %and3A_405, %and3A_403 : i32
    %shift_right_arithmetic3A_407 = arith.constant 4 : i32
    %shift_right_arithmetic3A_408 = arith.shrsi %sub3A_406, %shift_right_arithmetic3A_407 : i32
    %max3A_409 = arith.constant 0 : i32
    %max3A_410 = arith.maxsi %shift_right_arithmetic3A_408, %max3A_409 : i32
    %while3A_411 = arith.constant 0 : i32
    %while3A_412 = arith.constant 0 : i32
    %while3A_413 = arith.subi %max3A_410, %while3A_412 : i32
    %while3A_414 = arith.addi %while3A_412, %while3A_413 : i32
    %while3A_415 = arith.constant 1 : i32
    %while3A_416 = arith.divsi %while3A_413, %while3A_415 : i32
    %while3A_417 = arith.muli %while3A_416, %while3A_415 : i32
    %while3A_418 = arith.addi %while3A_412, %while3A_417 : i32
    %while3A_419 = arith.constant 1 : i32
    scf.for %while3A_3681 = %while3A_412 to %while3A_418 step %while3A_419  : i32 {
      %add3A_3682 = arith.constant 0 : i32
      %add3A_3683 = arith.addi %add3A_3682, %and3A_403 : i32
      %mul3A_3684 = arith.constant 16 : i32
      %mul3A_3685 = arith.muli %while3A_3681, %mul3A_3684 : i32
      %add3A_3686 = arith.addi %add3A_3683, %mul3A_3685 : i32
      %multiple_of3A_3687 = tpu.assume_multiple %add3A_3686, 16 : i32
      %swap3A_3688 = arith.index_cast %multiple_of3A_3687 : i32 to index
      %swap3A_3689 = tpu.vector_load %arg6[%swap3A_3688] {strides = array<i32>} : memref<120000xf32, #tpu.memory_space<vmem>>, vector<16xf32>,
      %swap3A_3690 = vector.shape_cast %swap3A_3689 : vector<16xf32> to vector<16xf32>
      %swap3A_3691 = vector.shape_cast %broadcast_in_dim3A_41 : vector<16xf32> to vector<16xf32>
      tpu.vector_store %arg6[%swap3A_3688], %swap3A_3691 {strides = array<i32>} : memref<120000xf32, #tpu.memory_space<vmem>>, vector<16xf32>,
    }
    %while3A_420 = arith.constant 1 : i32
    scf.for %while3A_3681 = %while3A_418 to %while3A_414 step %while3A_420  : i32 {
      %add3A_3682 = arith.constant 0 : i32
      %add3A_3683 = arith.addi %add3A_3682, %and3A_403 : i32
      %mul3A_3684 = arith.constant 16 : i32
      %mul3A_3685 = arith.muli %while3A_3681, %mul3A_3684 : i32
      %add3A_3686 = arith.addi %add3A_3683, %mul3A_3685 : i32
      %multiple_of3A_3687 = tpu.assume_multiple %add3A_3686, 16 : i32
      %swap3A_3688 = arith.index_cast %multiple_of3A_3687 : i32 to index
      %swap3A_3689 = tpu.vector_load %arg6[%swap3A_3688] {strides = array<i32>} : memref<120000xf32, #tpu.memory_space<vmem>>, vector<16xf32>,
      %swap3A_3690 = vector.shape_cast %swap3A_3689 : vector<16xf32> to vector<16xf32>
      %swap3A_3691 = vector.shape_cast %broadcast_in_dim3A_41 : vector<16xf32> to vector<16xf32>
      tpu.vector_store %arg6[%swap3A_3688], %swap3A_3691 {strides = array<i32>} : memref<120000xf32, #tpu.memory_space<vmem>>, vector<16xf32>,
    }
    %and3A_421 = arith.constant -16 : i32
    %and3A_422 = arith.andi %min3A_393, %and3A_421 : i32
    %min3A_423 = arith.constant 39984 : i32
    %min3A_424 = arith.minsi %and3A_422, %min3A_423 : i32
    %min3A_425 = arith.constant 39984 : i32
    %min3A_426 = arith.minsi %and3A_405, %min3A_425 : i32
    %add3A_427 = arith.constant 0 : i32
    %add3A_428 = arith.addi %add3A_427, %min3A_424 : i32
    %multiple_of3A_429 = tpu.assume_multiple %add3A_428, 16 : i32
    %add3A_430 = arith.constant 0 : i32
    %add3A_431 = arith.addi %add3A_430, %min3A_424 : i32
    %iota3A_432 = tpu.iota {dimensions = array<i32: 0>} : vector<16xi32>
    %add3A_433 = vector.broadcast %add3A_431 : i32 to vector<16xi32>
    %add3A_434 = arith.addi %add3A_433, %iota3A_432 : vector<16xi32>
    %ge3A_435 = vector.broadcast %squeeze3A_385 : i32 to vector<16xi32>
    %ge3A_436 = arith.cmpi sge, %add3A_434, %ge3A_435 : vector<16xi32>
    %lt3A_437 = vector.broadcast %squeeze3A_387 : i32 to vector<16xi32>
    %lt3A_438 = arith.cmpi slt, %add3A_434, %lt3A_437 : vector<16xi32>
    %and3A_439 = arith.andi %ge3A_436, %lt3A_438 : vector<16xi1>
    %get3A_440 = arith.index_cast %multiple_of3A_429 : i32 to index
    %get3A_441 = tpu.vector_load %arg6[%get3A_440] {strides = array<i32>} : memref<120000xf32, #tpu.memory_space<vmem>>, vector<16xf32>,
    %get3A_442 = vector.shape_cast %get3A_441 : vector<16xf32> to vector<16xf32>
    %jit3A_443 = arith.constant 0.000000e+00 : f32
    %broadcast_in_dim3A_444 = vector.broadcast %jit3A_443 : f32 to vector<16xf32>
    %select_n3A_445 = arith.select %and3A_439, %broadcast_in_dim3A_444, %get3A_442 : vector<16xi1>, vector<16xf32>
    %swap3A_446 = arith.index_cast %multiple_of3A_429 : i32 to index
    %swap3A_447 = tpu.vector_load %arg6[%swap3A_446] {strides = array<i32>} : memref<120000xf32, #tpu.memory_space<vmem>>, vector<16xf32>,
    %swap3A_448 = vector.shape_cast %swap3A_447 : vector<16xf32> to vector<16xf32>
    %swap3A_449 = vector.shape_cast %select_n3A_445 : vector<16xf32> to vector<16xf32>
    tpu.vector_store %arg6[%swap3A_446], %swap3A_449 {strides = array<i32>} : memref<120000xf32, #tpu.memory_space<vmem>>, vector<16xf32>,
    %add3A_450 = arith.constant 0 : i32
    %add3A_451 = arith.addi %add3A_450, %min3A_426 : i32
    %multiple_of3A_452 = tpu.assume_multiple %add3A_451, 16 : i32
    %add3A_453 = arith.constant 0 : i32
    %add3A_454 = arith.addi %add3A_453, %min3A_426 : i32
    %iota3A_455 = tpu.iota {dimensions = array<i32: 0>} : vector<16xi32>
    %add3A_456 = vector.broadcast %add3A_454 : i32 to vector<16xi32>
    %add3A_457 = arith.addi %add3A_456, %iota3A_455 : vector<16xi32>
    %ge3A_458 = vector.broadcast %squeeze3A_385 : i32 to vector<16xi32>
    %ge3A_459 = arith.cmpi sge, %add3A_457, %ge3A_458 : vector<16xi32>
    %lt3A_460 = vector.broadcast %squeeze3A_387 : i32 to vector<16xi32>
    %lt3A_461 = arith.cmpi slt, %add3A_457, %lt3A_460 : vector<16xi32>
    %and3A_462 = arith.andi %ge3A_459, %lt3A_461 : vector<16xi1>
    %get3A_463 = arith.index_cast %multiple_of3A_452 : i32 to index
    %get3A_464 = tpu.vector_load %arg6[%get3A_463] {strides = array<i32>} : memref<120000xf32, #tpu.memory_space<vmem>>, vector<16xf32>,
    %get3A_465 = vector.shape_cast %get3A_464 : vector<16xf32> to vector<16xf32>
    %jit3A_466 = arith.constant 0.000000e+00 : f32
    %broadcast_in_dim3A_467 = vector.broadcast %jit3A_466 : f32 to vector<16xf32>
    %select_n3A_468 = arith.select %and3A_462, %broadcast_in_dim3A_467, %get3A_465 : vector<16xi1>, vector<16xf32>
    %swap3A_469 = arith.index_cast %multiple_of3A_452 : i32 to index
    %swap3A_470 = tpu.vector_load %arg6[%swap3A_469] {strides = array<i32>} : memref<120000xf32, #tpu.memory_space<vmem>>, vector<16xf32>,
    %swap3A_471 = vector.shape_cast %swap3A_470 : vector<16xf32> to vector<16xf32>
    %swap3A_472 = vector.shape_cast %select_n3A_468 : vector<16xf32> to vector<16xf32>
    tpu.vector_store %arg6[%swap3A_469], %swap3A_472 {strides = array<i32>} : memref<120000xf32, #tpu.memory_space<vmem>>, vector<16xf32>,
    %slice3A_473 = vector.extract_strided_slice %get3A_6 {offsets = [5], sizes = [1], strides = [1]} : vector<16xi32> to vector<1xi32>
    %squeeze3A_474 = vector.extract %slice3A_473[0] : i32 from vector<1xi32>
    %slice3A_475 = vector.extract_strided_slice %get3A_9 {offsets = [5], sizes = [1], strides = [1]} : vector<16xi32> to vector<1xi32>
    %squeeze3A_476 = vector.extract %slice3A_475[0] : i32 from vector<1xi32>
    %sub3A_477 = arith.constant 0 : i32
    %sub3A_478 = arith.subi %squeeze3A_474, %sub3A_477 : i32
    %jit3A_479 = arith.constant 0 : i32
    %jit3A_480 = arith.constant 40000 : i32
    %max3A_481 = arith.maxsi %jit3A_479, %sub3A_478 : i32
    %min3A_482 = arith.minsi %jit3A_480, %max3A_481 : i32
    %sub3A_483 = arith.constant 0 : i32
    %sub3A_484 = arith.subi %squeeze3A_476, %sub3A_483 : i32
    %jit3A_485 = arith.constant 0 : i32
    %jit3A_486 = arith.constant 40000 : i32
    %max3A_487 = arith.maxsi %jit3A_485, %sub3A_484 : i32
    %min3A_488 = arith.minsi %jit3A_486, %max3A_487 : i32
    %add3A_489 = arith.constant 15 : i32
    %add3A_490 = arith.addi %min3A_482, %add3A_489 : i32
    %and3A_491 = arith.constant -16 : i32
    %and3A_492 = arith.andi %add3A_490, %and3A_491 : i32
    %and3A_493 = arith.constant -16 : i32
    %and3A_494 = arith.andi %min3A_488, %and3A_493 : i32
    %sub3A_495 = arith.subi %and3A_494, %and3A_492 : i32
    %shift_right_arithmetic3A_496 = arith.constant 4 : i32
    %shift_right_arithmetic3A_497 = arith.shrsi %sub3A_495, %shift_right_arithmetic3A_496 : i32
    %max3A_498 = arith.constant 0 : i32
    %max3A_499 = arith.maxsi %shift_right_arithmetic3A_497, %max3A_498 : i32
    %while3A_500 = arith.constant 0 : i32
    %while3A_501 = arith.constant 0 : i32
    %while3A_502 = arith.subi %max3A_499, %while3A_501 : i32
    %while3A_503 = arith.addi %while3A_501, %while3A_502 : i32
    %while3A_504 = arith.constant 1 : i32
    %while3A_505 = arith.divsi %while3A_502, %while3A_504 : i32
    %while3A_506 = arith.muli %while3A_505, %while3A_504 : i32
    %while3A_507 = arith.addi %while3A_501, %while3A_506 : i32
    %while3A_508 = arith.constant 1 : i32
    scf.for %while3A_3681 = %while3A_501 to %while3A_507 step %while3A_508  : i32 {
      %add3A_3682 = arith.constant 0 : i32
      %add3A_3683 = arith.addi %add3A_3682, %and3A_492 : i32
      %mul3A_3684 = arith.constant 16 : i32
      %mul3A_3685 = arith.muli %while3A_3681, %mul3A_3684 : i32
      %add3A_3686 = arith.addi %add3A_3683, %mul3A_3685 : i32
      %multiple_of3A_3687 = tpu.assume_multiple %add3A_3686, 16 : i32
      %swap3A_3688 = arith.index_cast %multiple_of3A_3687 : i32 to index
      %swap3A_3689 = tpu.vector_load %arg6[%swap3A_3688] {strides = array<i32>} : memref<120000xf32, #tpu.memory_space<vmem>>, vector<16xf32>,
      %swap3A_3690 = vector.shape_cast %swap3A_3689 : vector<16xf32> to vector<16xf32>
      %swap3A_3691 = vector.shape_cast %broadcast_in_dim3A_41 : vector<16xf32> to vector<16xf32>
      tpu.vector_store %arg6[%swap3A_3688], %swap3A_3691 {strides = array<i32>} : memref<120000xf32, #tpu.memory_space<vmem>>, vector<16xf32>,
    }
    %while3A_509 = arith.constant 1 : i32
    scf.for %while3A_3681 = %while3A_507 to %while3A_503 step %while3A_509  : i32 {
      %add3A_3682 = arith.constant 0 : i32
      %add3A_3683 = arith.addi %add3A_3682, %and3A_492 : i32
      %mul3A_3684 = arith.constant 16 : i32
      %mul3A_3685 = arith.muli %while3A_3681, %mul3A_3684 : i32
      %add3A_3686 = arith.addi %add3A_3683, %mul3A_3685 : i32
      %multiple_of3A_3687 = tpu.assume_multiple %add3A_3686, 16 : i32
      %swap3A_3688 = arith.index_cast %multiple_of3A_3687 : i32 to index
      %swap3A_3689 = tpu.vector_load %arg6[%swap3A_3688] {strides = array<i32>} : memref<120000xf32, #tpu.memory_space<vmem>>, vector<16xf32>,
      %swap3A_3690 = vector.shape_cast %swap3A_3689 : vector<16xf32> to vector<16xf32>
      %swap3A_3691 = vector.shape_cast %broadcast_in_dim3A_41 : vector<16xf32> to vector<16xf32>
      tpu.vector_store %arg6[%swap3A_3688], %swap3A_3691 {strides = array<i32>} : memref<120000xf32, #tpu.memory_space<vmem>>, vector<16xf32>,
    }
    %and3A_510 = arith.constant -16 : i32
    %and3A_511 = arith.andi %min3A_482, %and3A_510 : i32
    %min3A_512 = arith.constant 39984 : i32
    %min3A_513 = arith.minsi %and3A_511, %min3A_512 : i32
    %min3A_514 = arith.constant 39984 : i32
    %min3A_515 = arith.minsi %and3A_494, %min3A_514 : i32
    %add3A_516 = arith.constant 0 : i32
    %add3A_517 = arith.addi %add3A_516, %min3A_513 : i32
    %multiple_of3A_518 = tpu.assume_multiple %add3A_517, 16 : i32
    %add3A_519 = arith.constant 0 : i32
    %add3A_520 = arith.addi %add3A_519, %min3A_513 : i32
    %iota3A_521 = tpu.iota {dimensions = array<i32: 0>} : vector<16xi32>
    %add3A_522 = vector.broadcast %add3A_520 : i32 to vector<16xi32>
    %add3A_523 = arith.addi %add3A_522, %iota3A_521 : vector<16xi32>
    %ge3A_524 = vector.broadcast %squeeze3A_474 : i32 to vector<16xi32>
    %ge3A_525 = arith.cmpi sge, %add3A_523, %ge3A_524 : vector<16xi32>
    %lt3A_526 = vector.broadcast %squeeze3A_476 : i32 to vector<16xi32>
    %lt3A_527 = arith.cmpi slt, %add3A_523, %lt3A_526 : vector<16xi32>
    %and3A_528 = arith.andi %ge3A_525, %lt3A_527 : vector<16xi1>
    %get3A_529 = arith.index_cast %multiple_of3A_518 : i32 to index
    %get3A_530 = tpu.vector_load %arg6[%get3A_529] {strides = array<i32>} : memref<120000xf32, #tpu.memory_space<vmem>>, vector<16xf32>,
    %get3A_531 = vector.shape_cast %get3A_530 : vector<16xf32> to vector<16xf32>
    %jit3A_532 = arith.constant 0.000000e+00 : f32
    %broadcast_in_dim3A_533 = vector.broadcast %jit3A_532 : f32 to vector<16xf32>
    %select_n3A_534 = arith.select %and3A_528, %broadcast_in_dim3A_533, %get3A_531 : vector<16xi1>, vector<16xf32>
    %swap3A_535 = arith.index_cast %multiple_of3A_518 : i32 to index
    %swap3A_536 = tpu.vector_load %arg6[%swap3A_535] {strides = array<i32>} : memref<120000xf32, #tpu.memory_space<vmem>>, vector<16xf32>,
    %swap3A_537 = vector.shape_cast %swap3A_536 : vector<16xf32> to vector<16xf32>
    %swap3A_538 = vector.shape_cast %select_n3A_534 : vector<16xf32> to vector<16xf32>
    tpu.vector_store %arg6[%swap3A_535], %swap3A_538 {strides = array<i32>} : memref<120000xf32, #tpu.memory_space<vmem>>, vector<16xf32>,
    %add3A_539 = arith.constant 0 : i32
    %add3A_540 = arith.addi %add3A_539, %min3A_515 : i32
    %multiple_of3A_541 = tpu.assume_multiple %add3A_540, 16 : i32
    %add3A_542 = arith.constant 0 : i32
    %add3A_543 = arith.addi %add3A_542, %min3A_515 : i32
    %iota3A_544 = tpu.iota {dimensions = array<i32: 0>} : vector<16xi32>
    %add3A_545 = vector.broadcast %add3A_543 : i32 to vector<16xi32>
    %add3A_546 = arith.addi %add3A_545, %iota3A_544 : vector<16xi32>
    %ge3A_547 = vector.broadcast %squeeze3A_474 : i32 to vector<16xi32>
    %ge3A_548 = arith.cmpi sge, %add3A_546, %ge3A_547 : vector<16xi32>
    %lt3A_549 = vector.broadcast %squeeze3A_476 : i32 to vector<16xi32>
    %lt3A_550 = arith.cmpi slt, %add3A_546, %lt3A_549 : vector<16xi32>
    %and3A_551 = arith.andi %ge3A_548, %lt3A_550 : vector<16xi1>
    %get3A_552 = arith.index_cast %multiple_of3A_541 : i32 to index
    %get3A_553 = tpu.vector_load %arg6[%get3A_552] {strides = array<i32>} : memref<120000xf32, #tpu.memory_space<vmem>>, vector<16xf32>,
    %get3A_554 = vector.shape_cast %get3A_553 : vector<16xf32> to vector<16xf32>
    %jit3A_555 = arith.constant 0.000000e+00 : f32
    %broadcast_in_dim3A_556 = vector.broadcast %jit3A_555 : f32 to vector<16xf32>
    %select_n3A_557 = arith.select %and3A_551, %broadcast_in_dim3A_556, %get3A_554 : vector<16xi1>, vector<16xf32>
    %swap3A_558 = arith.index_cast %multiple_of3A_541 : i32 to index
    %swap3A_559 = tpu.vector_load %arg6[%swap3A_558] {strides = array<i32>} : memref<120000xf32, #tpu.memory_space<vmem>>, vector<16xf32>,
    %swap3A_560 = vector.shape_cast %swap3A_559 : vector<16xf32> to vector<16xf32>
    %swap3A_561 = vector.shape_cast %select_n3A_557 : vector<16xf32> to vector<16xf32>
    tpu.vector_store %arg6[%swap3A_558], %swap3A_561 {strides = array<i32>} : memref<120000xf32, #tpu.memory_space<vmem>>, vector<16xf32>,
    %slice3A_562 = vector.extract_strided_slice %get3A_6 {offsets = [6], sizes = [1], strides = [1]} : vector<16xi32> to vector<1xi32>
    %squeeze3A_563 = vector.extract %slice3A_562[0] : i32 from vector<1xi32>
    %slice3A_564 = vector.extract_strided_slice %get3A_9 {offsets = [6], sizes = [1], strides = [1]} : vector<16xi32> to vector<1xi32>
    %squeeze3A_565 = vector.extract %slice3A_564[0] : i32 from vector<1xi32>
    %sub3A_566 = arith.constant 0 : i32
    %sub3A_567 = arith.subi %squeeze3A_563, %sub3A_566 : i32
    %jit3A_568 = arith.constant 0 : i32
    %jit3A_569 = arith.constant 40000 : i32
    %max3A_570 = arith.maxsi %jit3A_568, %sub3A_567 : i32
    %min3A_571 = arith.minsi %jit3A_569, %max3A_570 : i32
    %sub3A_572 = arith.constant 0 : i32
    %sub3A_573 = arith.subi %squeeze3A_565, %sub3A_572 : i32
    %jit3A_574 = arith.constant 0 : i32
    %jit3A_575 = arith.constant 40000 : i32
    %max3A_576 = arith.maxsi %jit3A_574, %sub3A_573 : i32
    %min3A_577 = arith.minsi %jit3A_575, %max3A_576 : i32
    %add3A_578 = arith.constant 15 : i32
    %add3A_579 = arith.addi %min3A_571, %add3A_578 : i32
    %and3A_580 = arith.constant -16 : i32
    %and3A_581 = arith.andi %add3A_579, %and3A_580 : i32
    %and3A_582 = arith.constant -16 : i32
    %and3A_583 = arith.andi %min3A_577, %and3A_582 : i32
    %sub3A_584 = arith.subi %and3A_583, %and3A_581 : i32
    %shift_right_arithmetic3A_585 = arith.constant 4 : i32
    %shift_right_arithmetic3A_586 = arith.shrsi %sub3A_584, %shift_right_arithmetic3A_585 : i32
    %max3A_587 = arith.constant 0 : i32
    %max3A_588 = arith.maxsi %shift_right_arithmetic3A_586, %max3A_587 : i32
    %while3A_589 = arith.constant 0 : i32
    %while3A_590 = arith.constant 0 : i32
    %while3A_591 = arith.subi %max3A_588, %while3A_590 : i32
    %while3A_592 = arith.addi %while3A_590, %while3A_591 : i32
    %while3A_593 = arith.constant 1 : i32
    %while3A_594 = arith.divsi %while3A_591, %while3A_593 : i32
    %while3A_595 = arith.muli %while3A_594, %while3A_593 : i32
    %while3A_596 = arith.addi %while3A_590, %while3A_595 : i32
    %while3A_597 = arith.constant 1 : i32
    scf.for %while3A_3681 = %while3A_590 to %while3A_596 step %while3A_597  : i32 {
      %add3A_3682 = arith.constant 0 : i32
      %add3A_3683 = arith.addi %add3A_3682, %and3A_581 : i32
      %mul3A_3684 = arith.constant 16 : i32
      %mul3A_3685 = arith.muli %while3A_3681, %mul3A_3684 : i32
      %add3A_3686 = arith.addi %add3A_3683, %mul3A_3685 : i32
      %multiple_of3A_3687 = tpu.assume_multiple %add3A_3686, 16 : i32
      %swap3A_3688 = arith.index_cast %multiple_of3A_3687 : i32 to index
      %swap3A_3689 = tpu.vector_load %arg6[%swap3A_3688] {strides = array<i32>} : memref<120000xf32, #tpu.memory_space<vmem>>, vector<16xf32>,
      %swap3A_3690 = vector.shape_cast %swap3A_3689 : vector<16xf32> to vector<16xf32>
      %swap3A_3691 = vector.shape_cast %broadcast_in_dim3A_41 : vector<16xf32> to vector<16xf32>
      tpu.vector_store %arg6[%swap3A_3688], %swap3A_3691 {strides = array<i32>} : memref<120000xf32, #tpu.memory_space<vmem>>, vector<16xf32>,
    }
    %while3A_598 = arith.constant 1 : i32
    scf.for %while3A_3681 = %while3A_596 to %while3A_592 step %while3A_598  : i32 {
      %add3A_3682 = arith.constant 0 : i32
      %add3A_3683 = arith.addi %add3A_3682, %and3A_581 : i32
      %mul3A_3684 = arith.constant 16 : i32
      %mul3A_3685 = arith.muli %while3A_3681, %mul3A_3684 : i32
      %add3A_3686 = arith.addi %add3A_3683, %mul3A_3685 : i32
      %multiple_of3A_3687 = tpu.assume_multiple %add3A_3686, 16 : i32
      %swap3A_3688 = arith.index_cast %multiple_of3A_3687 : i32 to index
      %swap3A_3689 = tpu.vector_load %arg6[%swap3A_3688] {strides = array<i32>} : memref<120000xf32, #tpu.memory_space<vmem>>, vector<16xf32>,
      %swap3A_3690 = vector.shape_cast %swap3A_3689 : vector<16xf32> to vector<16xf32>
      %swap3A_3691 = vector.shape_cast %broadcast_in_dim3A_41 : vector<16xf32> to vector<16xf32>
      tpu.vector_store %arg6[%swap3A_3688], %swap3A_3691 {strides = array<i32>} : memref<120000xf32, #tpu.memory_space<vmem>>, vector<16xf32>,
    }
    %and3A_599 = arith.constant -16 : i32
    %and3A_600 = arith.andi %min3A_571, %and3A_599 : i32
    %min3A_601 = arith.constant 39984 : i32
    %min3A_602 = arith.minsi %and3A_600, %min3A_601 : i32
    %min3A_603 = arith.constant 39984 : i32
    %min3A_604 = arith.minsi %and3A_583, %min3A_603 : i32
    %add3A_605 = arith.constant 0 : i32
    %add3A_606 = arith.addi %add3A_605, %min3A_602 : i32
    %multiple_of3A_607 = tpu.assume_multiple %add3A_606, 16 : i32
    %add3A_608 = arith.constant 0 : i32
    %add3A_609 = arith.addi %add3A_608, %min3A_602 : i32
    %iota3A_610 = tpu.iota {dimensions = array<i32: 0>} : vector<16xi32>
    %add3A_611 = vector.broadcast %add3A_609 : i32 to vector<16xi32>
    %add3A_612 = arith.addi %add3A_611, %iota3A_610 : vector<16xi32>
    %ge3A_613 = vector.broadcast %squeeze3A_563 : i32 to vector<16xi32>
    %ge3A_614 = arith.cmpi sge, %add3A_612, %ge3A_613 : vector<16xi32>
    %lt3A_615 = vector.broadcast %squeeze3A_565 : i32 to vector<16xi32>
    %lt3A_616 = arith.cmpi slt, %add3A_612, %lt3A_615 : vector<16xi32>
    %and3A_617 = arith.andi %ge3A_614, %lt3A_616 : vector<16xi1>
    %get3A_618 = arith.index_cast %multiple_of3A_607 : i32 to index
    %get3A_619 = tpu.vector_load %arg6[%get3A_618] {strides = array<i32>} : memref<120000xf32, #tpu.memory_space<vmem>>, vector<16xf32>,
    %get3A_620 = vector.shape_cast %get3A_619 : vector<16xf32> to vector<16xf32>
    %jit3A_621 = arith.constant 0.000000e+00 : f32
    %broadcast_in_dim3A_622 = vector.broadcast %jit3A_621 : f32 to vector<16xf32>
    %select_n3A_623 = arith.select %and3A_617, %broadcast_in_dim3A_622, %get3A_620 : vector<16xi1>, vector<16xf32>
    %swap3A_624 = arith.index_cast %multiple_of3A_607 : i32 to index
    %swap3A_625 = tpu.vector_load %arg6[%swap3A_624] {strides = array<i32>} : memref<120000xf32, #tpu.memory_space<vmem>>, vector<16xf32>,
    %swap3A_626 = vector.shape_cast %swap3A_625 : vector<16xf32> to vector<16xf32>
    %swap3A_627 = vector.shape_cast %select_n3A_623 : vector<16xf32> to vector<16xf32>
    tpu.vector_store %arg6[%swap3A_624], %swap3A_627 {strides = array<i32>} : memref<120000xf32, #tpu.memory_space<vmem>>, vector<16xf32>,
    %add3A_628 = arith.constant 0 : i32
    %add3A_629 = arith.addi %add3A_628, %min3A_604 : i32
    %multiple_of3A_630 = tpu.assume_multiple %add3A_629, 16 : i32
    %add3A_631 = arith.constant 0 : i32
    %add3A_632 = arith.addi %add3A_631, %min3A_604 : i32
    %iota3A_633 = tpu.iota {dimensions = array<i32: 0>} : vector<16xi32>
    %add3A_634 = vector.broadcast %add3A_632 : i32 to vector<16xi32>
    %add3A_635 = arith.addi %add3A_634, %iota3A_633 : vector<16xi32>
    %ge3A_636 = vector.broadcast %squeeze3A_563 : i32 to vector<16xi32>
    %ge3A_637 = arith.cmpi sge, %add3A_635, %ge3A_636 : vector<16xi32>
    %lt3A_638 = vector.broadcast %squeeze3A_565 : i32 to vector<16xi32>
    %lt3A_639 = arith.cmpi slt, %add3A_635, %lt3A_638 : vector<16xi32>
    %and3A_640 = arith.andi %ge3A_637, %lt3A_639 : vector<16xi1>
    %get3A_641 = arith.index_cast %multiple_of3A_630 : i32 to index
    %get3A_642 = tpu.vector_load %arg6[%get3A_641] {strides = array<i32>} : memref<120000xf32, #tpu.memory_space<vmem>>, vector<16xf32>,
    %get3A_643 = vector.shape_cast %get3A_642 : vector<16xf32> to vector<16xf32>
    %jit3A_644 = arith.constant 0.000000e+00 : f32
    %broadcast_in_dim3A_645 = vector.broadcast %jit3A_644 : f32 to vector<16xf32>
    %select_n3A_646 = arith.select %and3A_640, %broadcast_in_dim3A_645, %get3A_643 : vector<16xi1>, vector<16xf32>
    %swap3A_647 = arith.index_cast %multiple_of3A_630 : i32 to index
    %swap3A_648 = tpu.vector_load %arg6[%swap3A_647] {strides = array<i32>} : memref<120000xf32, #tpu.memory_space<vmem>>, vector<16xf32>,
    %swap3A_649 = vector.shape_cast %swap3A_648 : vector<16xf32> to vector<16xf32>
    %swap3A_650 = vector.shape_cast %select_n3A_646 : vector<16xf32> to vector<16xf32>
    tpu.vector_store %arg6[%swap3A_647], %swap3A_650 {strides = array<i32>} : memref<120000xf32, #tpu.memory_space<vmem>>, vector<16xf32>,
    %slice3A_651 = vector.extract_strided_slice %get3A_6 {offsets = [7], sizes = [1], strides = [1]} : vector<16xi32> to vector<1xi32>
    %squeeze3A_652 = vector.extract %slice3A_651[0] : i32 from vector<1xi32>
    %slice3A_653 = vector.extract_strided_slice %get3A_9 {offsets = [7], sizes = [1], strides = [1]} : vector<16xi32> to vector<1xi32>
    %squeeze3A_654 = vector.extract %slice3A_653[0] : i32 from vector<1xi32>
    %sub3A_655 = arith.constant 0 : i32
    %sub3A_656 = arith.subi %squeeze3A_652, %sub3A_655 : i32
    %jit3A_657 = arith.constant 0 : i32
    %jit3A_658 = arith.constant 40000 : i32
    %max3A_659 = arith.maxsi %jit3A_657, %sub3A_656 : i32
    %min3A_660 = arith.minsi %jit3A_658, %max3A_659 : i32
    %sub3A_661 = arith.constant 0 : i32
    %sub3A_662 = arith.subi %squeeze3A_654, %sub3A_661 : i32
    %jit3A_663 = arith.constant 0 : i32
    %jit3A_664 = arith.constant 40000 : i32
    %max3A_665 = arith.maxsi %jit3A_663, %sub3A_662 : i32
    %min3A_666 = arith.minsi %jit3A_664, %max3A_665 : i32
    %add3A_667 = arith.constant 15 : i32
    %add3A_668 = arith.addi %min3A_660, %add3A_667 : i32
    %and3A_669 = arith.constant -16 : i32
    %and3A_670 = arith.andi %add3A_668, %and3A_669 : i32
    %and3A_671 = arith.constant -16 : i32
    %and3A_672 = arith.andi %min3A_666, %and3A_671 : i32
    %sub3A_673 = arith.subi %and3A_672, %and3A_670 : i32
    %shift_right_arithmetic3A_674 = arith.constant 4 : i32
    %shift_right_arithmetic3A_675 = arith.shrsi %sub3A_673, %shift_right_arithmetic3A_674 : i32
    %max3A_676 = arith.constant 0 : i32
    %max3A_677 = arith.maxsi %shift_right_arithmetic3A_675, %max3A_676 : i32
    %while3A_678 = arith.constant 0 : i32
    %while3A_679 = arith.constant 0 : i32
    %while3A_680 = arith.subi %max3A_677, %while3A_679 : i32
    %while3A_681 = arith.addi %while3A_679, %while3A_680 : i32
    %while3A_682 = arith.constant 1 : i32
    %while3A_683 = arith.divsi %while3A_680, %while3A_682 : i32
    %while3A_684 = arith.muli %while3A_683, %while3A_682 : i32
    %while3A_685 = arith.addi %while3A_679, %while3A_684 : i32
    %while3A_686 = arith.constant 1 : i32
    scf.for %while3A_3681 = %while3A_679 to %while3A_685 step %while3A_686  : i32 {
      %add3A_3682 = arith.constant 0 : i32
      %add3A_3683 = arith.addi %add3A_3682, %and3A_670 : i32
      %mul3A_3684 = arith.constant 16 : i32
      %mul3A_3685 = arith.muli %while3A_3681, %mul3A_3684 : i32
      %add3A_3686 = arith.addi %add3A_3683, %mul3A_3685 : i32
      %multiple_of3A_3687 = tpu.assume_multiple %add3A_3686, 16 : i32
      %swap3A_3688 = arith.index_cast %multiple_of3A_3687 : i32 to index
      %swap3A_3689 = tpu.vector_load %arg6[%swap3A_3688] {strides = array<i32>} : memref<120000xf32, #tpu.memory_space<vmem>>, vector<16xf32>,
      %swap3A_3690 = vector.shape_cast %swap3A_3689 : vector<16xf32> to vector<16xf32>
      %swap3A_3691 = vector.shape_cast %broadcast_in_dim3A_41 : vector<16xf32> to vector<16xf32>
      tpu.vector_store %arg6[%swap3A_3688], %swap3A_3691 {strides = array<i32>} : memref<120000xf32, #tpu.memory_space<vmem>>, vector<16xf32>,
    }
    %while3A_687 = arith.constant 1 : i32
    scf.for %while3A_3681 = %while3A_685 to %while3A_681 step %while3A_687  : i32 {
      %add3A_3682 = arith.constant 0 : i32
      %add3A_3683 = arith.addi %add3A_3682, %and3A_670 : i32
      %mul3A_3684 = arith.constant 16 : i32
      %mul3A_3685 = arith.muli %while3A_3681, %mul3A_3684 : i32
      %add3A_3686 = arith.addi %add3A_3683, %mul3A_3685 : i32
      %multiple_of3A_3687 = tpu.assume_multiple %add3A_3686, 16 : i32
      %swap3A_3688 = arith.index_cast %multiple_of3A_3687 : i32 to index
      %swap3A_3689 = tpu.vector_load %arg6[%swap3A_3688] {strides = array<i32>} : memref<120000xf32, #tpu.memory_space<vmem>>, vector<16xf32>,
      %swap3A_3690 = vector.shape_cast %swap3A_3689 : vector<16xf32> to vector<16xf32>
      %swap3A_3691 = vector.shape_cast %broadcast_in_dim3A_41 : vector<16xf32> to vector<16xf32>
      tpu.vector_store %arg6[%swap3A_3688], %swap3A_3691 {strides = array<i32>} : memref<120000xf32, #tpu.memory_space<vmem>>, vector<16xf32>,
    }
    %and3A_688 = arith.constant -16 : i32
    %and3A_689 = arith.andi %min3A_660, %and3A_688 : i32
    %min3A_690 = arith.constant 39984 : i32
    %min3A_691 = arith.minsi %and3A_689, %min3A_690 : i32
    %min3A_692 = arith.constant 39984 : i32
    %min3A_693 = arith.minsi %and3A_672, %min3A_692 : i32
    %add3A_694 = arith.constant 0 : i32
    %add3A_695 = arith.addi %add3A_694, %min3A_691 : i32
    %multiple_of3A_696 = tpu.assume_multiple %add3A_695, 16 : i32
    %add3A_697 = arith.constant 0 : i32
    %add3A_698 = arith.addi %add3A_697, %min3A_691 : i32
    %iota3A_699 = tpu.iota {dimensions = array<i32: 0>} : vector<16xi32>
    %add3A_700 = vector.broadcast %add3A_698 : i32 to vector<16xi32>
    %add3A_701 = arith.addi %add3A_700, %iota3A_699 : vector<16xi32>
    %ge3A_702 = vector.broadcast %squeeze3A_652 : i32 to vector<16xi32>
    %ge3A_703 = arith.cmpi sge, %add3A_701, %ge3A_702 : vector<16xi32>
    %lt3A_704 = vector.broadcast %squeeze3A_654 : i32 to vector<16xi32>
    %lt3A_705 = arith.cmpi slt, %add3A_701, %lt3A_704 : vector<16xi32>
    %and3A_706 = arith.andi %ge3A_703, %lt3A_705 : vector<16xi1>
    %get3A_707 = arith.index_cast %multiple_of3A_696 : i32 to index
    %get3A_708 = tpu.vector_load %arg6[%get3A_707] {strides = array<i32>} : memref<120000xf32, #tpu.memory_space<vmem>>, vector<16xf32>,
    %get3A_709 = vector.shape_cast %get3A_708 : vector<16xf32> to vector<16xf32>
    %jit3A_710 = arith.constant 0.000000e+00 : f32
    %broadcast_in_dim3A_711 = vector.broadcast %jit3A_710 : f32 to vector<16xf32>
    %select_n3A_712 = arith.select %and3A_706, %broadcast_in_dim3A_711, %get3A_709 : vector<16xi1>, vector<16xf32>
    %swap3A_713 = arith.index_cast %multiple_of3A_696 : i32 to index
    %swap3A_714 = tpu.vector_load %arg6[%swap3A_713] {strides = array<i32>} : memref<120000xf32, #tpu.memory_space<vmem>>, vector<16xf32>,
    %swap3A_715 = vector.shape_cast %swap3A_714 : vector<16xf32> to vector<16xf32>
    %swap3A_716 = vector.shape_cast %select_n3A_712 : vector<16xf32> to vector<16xf32>
    tpu.vector_store %arg6[%swap3A_713], %swap3A_716 {strides = array<i32>} : memref<120000xf32, #tpu.memory_space<vmem>>, vector<16xf32>,
    %add3A_717 = arith.constant 0 : i32
    %add3A_718 = arith.addi %add3A_717, %min3A_693 : i32
    %multiple_of3A_719 = tpu.assume_multiple %add3A_718, 16 : i32
    %add3A_720 = arith.constant 0 : i32
    %add3A_721 = arith.addi %add3A_720, %min3A_693 : i32
    %iota3A_722 = tpu.iota {dimensions = array<i32: 0>} : vector<16xi32>
    %add3A_723 = vector.broadcast %add3A_721 : i32 to vector<16xi32>
    %add3A_724 = arith.addi %add3A_723, %iota3A_722 : vector<16xi32>
    %ge3A_725 = vector.broadcast %squeeze3A_652 : i32 to vector<16xi32>
    %ge3A_726 = arith.cmpi sge, %add3A_724, %ge3A_725 : vector<16xi32>
    %lt3A_727 = vector.broadcast %squeeze3A_654 : i32 to vector<16xi32>
    %lt3A_728 = arith.cmpi slt, %add3A_724, %lt3A_727 : vector<16xi32>
    %and3A_729 = arith.andi %ge3A_726, %lt3A_728 : vector<16xi1>
    %get3A_730 = arith.index_cast %multiple_of3A_719 : i32 to index
    %get3A_731 = tpu.vector_load %arg6[%get3A_730] {strides = array<i32>} : memref<120000xf32, #tpu.memory_space<vmem>>, vector<16xf32>,
    %get3A_732 = vector.shape_cast %get3A_731 : vector<16xf32> to vector<16xf32>
    %jit3A_733 = arith.constant 0.000000e+00 : f32
    %broadcast_in_dim3A_734 = vector.broadcast %jit3A_733 : f32 to vector<16xf32>
    %select_n3A_735 = arith.select %and3A_729, %broadcast_in_dim3A_734, %get3A_732 : vector<16xi1>, vector<16xf32>
    %swap3A_736 = arith.index_cast %multiple_of3A_719 : i32 to index
    %swap3A_737 = tpu.vector_load %arg6[%swap3A_736] {strides = array<i32>} : memref<120000xf32, #tpu.memory_space<vmem>>, vector<16xf32>,
    %swap3A_738 = vector.shape_cast %swap3A_737 : vector<16xf32> to vector<16xf32>
    %swap3A_739 = vector.shape_cast %select_n3A_735 : vector<16xf32> to vector<16xf32>
    tpu.vector_store %arg6[%swap3A_736], %swap3A_739 {strides = array<i32>} : memref<120000xf32, #tpu.memory_space<vmem>>, vector<16xf32>,
    %slice3A_740 = vector.extract_strided_slice %get3A_6 {offsets = [8], sizes = [1], strides = [1]} : vector<16xi32> to vector<1xi32>
    %squeeze3A_741 = vector.extract %slice3A_740[0] : i32 from vector<1xi32>
    %slice3A_742 = vector.extract_strided_slice %get3A_9 {offsets = [8], sizes = [1], strides = [1]} : vector<16xi32> to vector<1xi32>
    %squeeze3A_743 = vector.extract %slice3A_742[0] : i32 from vector<1xi32>
    %sub3A_744 = arith.constant 0 : i32
    %sub3A_745 = arith.subi %squeeze3A_741, %sub3A_744 : i32
    %jit3A_746 = arith.constant 0 : i32
    %jit3A_747 = arith.constant 40000 : i32
    %max3A_748 = arith.maxsi %jit3A_746, %sub3A_745 : i32
    %min3A_749 = arith.minsi %jit3A_747, %max3A_748 : i32
    %sub3A_750 = arith.constant 0 : i32
    %sub3A_751 = arith.subi %squeeze3A_743, %sub3A_750 : i32
    %jit3A_752 = arith.constant 0 : i32
    %jit3A_753 = arith.constant 40000 : i32
    %max3A_754 = arith.maxsi %jit3A_752, %sub3A_751 : i32
    %min3A_755 = arith.minsi %jit3A_753, %max3A_754 : i32
    %add3A_756 = arith.constant 15 : i32
    %add3A_757 = arith.addi %min3A_749, %add3A_756 : i32
    %and3A_758 = arith.constant -16 : i32
    %and3A_759 = arith.andi %add3A_757, %and3A_758 : i32
    %and3A_760 = arith.constant -16 : i32
    %and3A_761 = arith.andi %min3A_755, %and3A_760 : i32
    %sub3A_762 = arith.subi %and3A_761, %and3A_759 : i32
    %shift_right_arithmetic3A_763 = arith.constant 4 : i32
    %shift_right_arithmetic3A_764 = arith.shrsi %sub3A_762, %shift_right_arithmetic3A_763 : i32
    %max3A_765 = arith.constant 0 : i32
    %max3A_766 = arith.maxsi %shift_right_arithmetic3A_764, %max3A_765 : i32
    %while3A_767 = arith.constant 0 : i32
    %while3A_768 = arith.constant 0 : i32
    %while3A_769 = arith.subi %max3A_766, %while3A_768 : i32
    %while3A_770 = arith.addi %while3A_768, %while3A_769 : i32
    %while3A_771 = arith.constant 1 : i32
    %while3A_772 = arith.divsi %while3A_769, %while3A_771 : i32
    %while3A_773 = arith.muli %while3A_772, %while3A_771 : i32
    %while3A_774 = arith.addi %while3A_768, %while3A_773 : i32
    %while3A_775 = arith.constant 1 : i32
    scf.for %while3A_3681 = %while3A_768 to %while3A_774 step %while3A_775  : i32 {
      %add3A_3682 = arith.constant 0 : i32
      %add3A_3683 = arith.addi %add3A_3682, %and3A_759 : i32
      %mul3A_3684 = arith.constant 16 : i32
      %mul3A_3685 = arith.muli %while3A_3681, %mul3A_3684 : i32
      %add3A_3686 = arith.addi %add3A_3683, %mul3A_3685 : i32
      %multiple_of3A_3687 = tpu.assume_multiple %add3A_3686, 16 : i32
      %swap3A_3688 = arith.index_cast %multiple_of3A_3687 : i32 to index
      %swap3A_3689 = tpu.vector_load %arg6[%swap3A_3688] {strides = array<i32>} : memref<120000xf32, #tpu.memory_space<vmem>>, vector<16xf32>,
      %swap3A_3690 = vector.shape_cast %swap3A_3689 : vector<16xf32> to vector<16xf32>
      %swap3A_3691 = vector.shape_cast %broadcast_in_dim3A_41 : vector<16xf32> to vector<16xf32>
      tpu.vector_store %arg6[%swap3A_3688], %swap3A_3691 {strides = array<i32>} : memref<120000xf32, #tpu.memory_space<vmem>>, vector<16xf32>,
    }
    %while3A_776 = arith.constant 1 : i32
    scf.for %while3A_3681 = %while3A_774 to %while3A_770 step %while3A_776  : i32 {
      %add3A_3682 = arith.constant 0 : i32
      %add3A_3683 = arith.addi %add3A_3682, %and3A_759 : i32
      %mul3A_3684 = arith.constant 16 : i32
      %mul3A_3685 = arith.muli %while3A_3681, %mul3A_3684 : i32
      %add3A_3686 = arith.addi %add3A_3683, %mul3A_3685 : i32
      %multiple_of3A_3687 = tpu.assume_multiple %add3A_3686, 16 : i32
      %swap3A_3688 = arith.index_cast %multiple_of3A_3687 : i32 to index
      %swap3A_3689 = tpu.vector_load %arg6[%swap3A_3688] {strides = array<i32>} : memref<120000xf32, #tpu.memory_space<vmem>>, vector<16xf32>,
      %swap3A_3690 = vector.shape_cast %swap3A_3689 : vector<16xf32> to vector<16xf32>
      %swap3A_3691 = vector.shape_cast %broadcast_in_dim3A_41 : vector<16xf32> to vector<16xf32>
      tpu.vector_store %arg6[%swap3A_3688], %swap3A_3691 {strides = array<i32>} : memref<120000xf32, #tpu.memory_space<vmem>>, vector<16xf32>,
    }
    %and3A_777 = arith.constant -16 : i32
    %and3A_778 = arith.andi %min3A_749, %and3A_777 : i32
    %min3A_779 = arith.constant 39984 : i32
    %min3A_780 = arith.minsi %and3A_778, %min3A_779 : i32
    %min3A_781 = arith.constant 39984 : i32
    %min3A_782 = arith.minsi %and3A_761, %min3A_781 : i32
    %add3A_783 = arith.constant 0 : i32
    %add3A_784 = arith.addi %add3A_783, %min3A_780 : i32
    %multiple_of3A_785 = tpu.assume_multiple %add3A_784, 16 : i32
    %add3A_786 = arith.constant 0 : i32
    %add3A_787 = arith.addi %add3A_786, %min3A_780 : i32
    %iota3A_788 = tpu.iota {dimensions = array<i32: 0>} : vector<16xi32>
    %add3A_789 = vector.broadcast %add3A_787 : i32 to vector<16xi32>
    %add3A_790 = arith.addi %add3A_789, %iota3A_788 : vector<16xi32>
    %ge3A_791 = vector.broadcast %squeeze3A_741 : i32 to vector<16xi32>
    %ge3A_792 = arith.cmpi sge, %add3A_790, %ge3A_791 : vector<16xi32>
    %lt3A_793 = vector.broadcast %squeeze3A_743 : i32 to vector<16xi32>
    %lt3A_794 = arith.cmpi slt, %add3A_790, %lt3A_793 : vector<16xi32>
    %and3A_795 = arith.andi %ge3A_792, %lt3A_794 : vector<16xi1>
    %get3A_796 = arith.index_cast %multiple_of3A_785 : i32 to index
    %get3A_797 = tpu.vector_load %arg6[%get3A_796] {strides = array<i32>} : memref<120000xf32, #tpu.memory_space<vmem>>, vector<16xf32>,
    %get3A_798 = vector.shape_cast %get3A_797 : vector<16xf32> to vector<16xf32>
    %jit3A_799 = arith.constant 0.000000e+00 : f32
    %broadcast_in_dim3A_800 = vector.broadcast %jit3A_799 : f32 to vector<16xf32>
    %select_n3A_801 = arith.select %and3A_795, %broadcast_in_dim3A_800, %get3A_798 : vector<16xi1>, vector<16xf32>
    %swap3A_802 = arith.index_cast %multiple_of3A_785 : i32 to index
    %swap3A_803 = tpu.vector_load %arg6[%swap3A_802] {strides = array<i32>} : memref<120000xf32, #tpu.memory_space<vmem>>, vector<16xf32>,
    %swap3A_804 = vector.shape_cast %swap3A_803 : vector<16xf32> to vector<16xf32>
    %swap3A_805 = vector.shape_cast %select_n3A_801 : vector<16xf32> to vector<16xf32>
    tpu.vector_store %arg6[%swap3A_802], %swap3A_805 {strides = array<i32>} : memref<120000xf32, #tpu.memory_space<vmem>>, vector<16xf32>,
    %add3A_806 = arith.constant 0 : i32
    %add3A_807 = arith.addi %add3A_806, %min3A_782 : i32
    %multiple_of3A_808 = tpu.assume_multiple %add3A_807, 16 : i32
    %add3A_809 = arith.constant 0 : i32
    %add3A_810 = arith.addi %add3A_809, %min3A_782 : i32
    %iota3A_811 = tpu.iota {dimensions = array<i32: 0>} : vector<16xi32>
    %add3A_812 = vector.broadcast %add3A_810 : i32 to vector<16xi32>
    %add3A_813 = arith.addi %add3A_812, %iota3A_811 : vector<16xi32>
    %ge3A_814 = vector.broadcast %squeeze3A_741 : i32 to vector<16xi32>
    %ge3A_815 = arith.cmpi sge, %add3A_813, %ge3A_814 : vector<16xi32>
    %lt3A_816 = vector.broadcast %squeeze3A_743 : i32 to vector<16xi32>
    %lt3A_817 = arith.cmpi slt, %add3A_813, %lt3A_816 : vector<16xi32>
    %and3A_818 = arith.andi %ge3A_815, %lt3A_817 : vector<16xi1>
    %get3A_819 = arith.index_cast %multiple_of3A_808 : i32 to index
    %get3A_820 = tpu.vector_load %arg6[%get3A_819] {strides = array<i32>} : memref<120000xf32, #tpu.memory_space<vmem>>, vector<16xf32>,
    %get3A_821 = vector.shape_cast %get3A_820 : vector<16xf32> to vector<16xf32>
    %jit3A_822 = arith.constant 0.000000e+00 : f32
    %broadcast_in_dim3A_823 = vector.broadcast %jit3A_822 : f32 to vector<16xf32>
    %select_n3A_824 = arith.select %and3A_818, %broadcast_in_dim3A_823, %get3A_821 : vector<16xi1>, vector<16xf32>
    %swap3A_825 = arith.index_cast %multiple_of3A_808 : i32 to index
    %swap3A_826 = tpu.vector_load %arg6[%swap3A_825] {strides = array<i32>} : memref<120000xf32, #tpu.memory_space<vmem>>, vector<16xf32>,
    %swap3A_827 = vector.shape_cast %swap3A_826 : vector<16xf32> to vector<16xf32>
    %swap3A_828 = vector.shape_cast %select_n3A_824 : vector<16xf32> to vector<16xf32>
    tpu.vector_store %arg6[%swap3A_825], %swap3A_828 {strides = array<i32>} : memref<120000xf32, #tpu.memory_space<vmem>>, vector<16xf32>,
    %slice3A_829 = vector.extract_strided_slice %get3A_6 {offsets = [9], sizes = [1], strides = [1]} : vector<16xi32> to vector<1xi32>
    %squeeze3A_830 = vector.extract %slice3A_829[0] : i32 from vector<1xi32>
    %slice3A_831 = vector.extract_strided_slice %get3A_9 {offsets = [9], sizes = [1], strides = [1]} : vector<16xi32> to vector<1xi32>
    %squeeze3A_832 = vector.extract %slice3A_831[0] : i32 from vector<1xi32>
    %sub3A_833 = arith.constant 0 : i32
    %sub3A_834 = arith.subi %squeeze3A_830, %sub3A_833 : i32
    %jit3A_835 = arith.constant 0 : i32
    %jit3A_836 = arith.constant 40000 : i32
    %max3A_837 = arith.maxsi %jit3A_835, %sub3A_834 : i32
    %min3A_838 = arith.minsi %jit3A_836, %max3A_837 : i32
    %sub3A_839 = arith.constant 0 : i32
    %sub3A_840 = arith.subi %squeeze3A_832, %sub3A_839 : i32
    %jit3A_841 = arith.constant 0 : i32
    %jit3A_842 = arith.constant 40000 : i32
    %max3A_843 = arith.maxsi %jit3A_841, %sub3A_840 : i32
    %min3A_844 = arith.minsi %jit3A_842, %max3A_843 : i32
    %add3A_845 = arith.constant 15 : i32
    %add3A_846 = arith.addi %min3A_838, %add3A_845 : i32
    %and3A_847 = arith.constant -16 : i32
    %and3A_848 = arith.andi %add3A_846, %and3A_847 : i32
    %and3A_849 = arith.constant -16 : i32
    %and3A_850 = arith.andi %min3A_844, %and3A_849 : i32
    %sub3A_851 = arith.subi %and3A_850, %and3A_848 : i32
    %shift_right_arithmetic3A_852 = arith.constant 4 : i32
    %shift_right_arithmetic3A_853 = arith.shrsi %sub3A_851, %shift_right_arithmetic3A_852 : i32
    %max3A_854 = arith.constant 0 : i32
    %max3A_855 = arith.maxsi %shift_right_arithmetic3A_853, %max3A_854 : i32
    %while3A_856 = arith.constant 0 : i32
    %while3A_857 = arith.constant 0 : i32
    %while3A_858 = arith.subi %max3A_855, %while3A_857 : i32
    %while3A_859 = arith.addi %while3A_857, %while3A_858 : i32
    %while3A_860 = arith.constant 1 : i32
    %while3A_861 = arith.divsi %while3A_858, %while3A_860 : i32
    %while3A_862 = arith.muli %while3A_861, %while3A_860 : i32
    %while3A_863 = arith.addi %while3A_857, %while3A_862 : i32
    %while3A_864 = arith.constant 1 : i32
    scf.for %while3A_3681 = %while3A_857 to %while3A_863 step %while3A_864  : i32 {
      %add3A_3682 = arith.constant 0 : i32
      %add3A_3683 = arith.addi %add3A_3682, %and3A_848 : i32
      %mul3A_3684 = arith.constant 16 : i32
      %mul3A_3685 = arith.muli %while3A_3681, %mul3A_3684 : i32
      %add3A_3686 = arith.addi %add3A_3683, %mul3A_3685 : i32
      %multiple_of3A_3687 = tpu.assume_multiple %add3A_3686, 16 : i32
      %swap3A_3688 = arith.index_cast %multiple_of3A_3687 : i32 to index
      %swap3A_3689 = tpu.vector_load %arg6[%swap3A_3688] {strides = array<i32>} : memref<120000xf32, #tpu.memory_space<vmem>>, vector<16xf32>,
      %swap3A_3690 = vector.shape_cast %swap3A_3689 : vector<16xf32> to vector<16xf32>
      %swap3A_3691 = vector.shape_cast %broadcast_in_dim3A_41 : vector<16xf32> to vector<16xf32>
      tpu.vector_store %arg6[%swap3A_3688], %swap3A_3691 {strides = array<i32>} : memref<120000xf32, #tpu.memory_space<vmem>>, vector<16xf32>,
    }
    %while3A_865 = arith.constant 1 : i32
    scf.for %while3A_3681 = %while3A_863 to %while3A_859 step %while3A_865  : i32 {
      %add3A_3682 = arith.constant 0 : i32
      %add3A_3683 = arith.addi %add3A_3682, %and3A_848 : i32
      %mul3A_3684 = arith.constant 16 : i32
      %mul3A_3685 = arith.muli %while3A_3681, %mul3A_3684 : i32
      %add3A_3686 = arith.addi %add3A_3683, %mul3A_3685 : i32
      %multiple_of3A_3687 = tpu.assume_multiple %add3A_3686, 16 : i32
      %swap3A_3688 = arith.index_cast %multiple_of3A_3687 : i32 to index
      %swap3A_3689 = tpu.vector_load %arg6[%swap3A_3688] {strides = array<i32>} : memref<120000xf32, #tpu.memory_space<vmem>>, vector<16xf32>,
      %swap3A_3690 = vector.shape_cast %swap3A_3689 : vector<16xf32> to vector<16xf32>
      %swap3A_3691 = vector.shape_cast %broadcast_in_dim3A_41 : vector<16xf32> to vector<16xf32>
      tpu.vector_store %arg6[%swap3A_3688], %swap3A_3691 {strides = array<i32>} : memref<120000xf32, #tpu.memory_space<vmem>>, vector<16xf32>,
    }
    %and3A_866 = arith.constant -16 : i32
    %and3A_867 = arith.andi %min3A_838, %and3A_866 : i32
    %min3A_868 = arith.constant 39984 : i32
    %min3A_869 = arith.minsi %and3A_867, %min3A_868 : i32
    %min3A_870 = arith.constant 39984 : i32
    %min3A_871 = arith.minsi %and3A_850, %min3A_870 : i32
    %add3A_872 = arith.constant 0 : i32
    %add3A_873 = arith.addi %add3A_872, %min3A_869 : i32
    %multiple_of3A_874 = tpu.assume_multiple %add3A_873, 16 : i32
    %add3A_875 = arith.constant 0 : i32
    %add3A_876 = arith.addi %add3A_875, %min3A_869 : i32
    %iota3A_877 = tpu.iota {dimensions = array<i32: 0>} : vector<16xi32>
    %add3A_878 = vector.broadcast %add3A_876 : i32 to vector<16xi32>
    %add3A_879 = arith.addi %add3A_878, %iota3A_877 : vector<16xi32>
    %ge3A_880 = vector.broadcast %squeeze3A_830 : i32 to vector<16xi32>
    %ge3A_881 = arith.cmpi sge, %add3A_879, %ge3A_880 : vector<16xi32>
    %lt3A_882 = vector.broadcast %squeeze3A_832 : i32 to vector<16xi32>
    %lt3A_883 = arith.cmpi slt, %add3A_879, %lt3A_882 : vector<16xi32>
    %and3A_884 = arith.andi %ge3A_881, %lt3A_883 : vector<16xi1>
    %get3A_885 = arith.index_cast %multiple_of3A_874 : i32 to index
    %get3A_886 = tpu.vector_load %arg6[%get3A_885] {strides = array<i32>} : memref<120000xf32, #tpu.memory_space<vmem>>, vector<16xf32>,
    %get3A_887 = vector.shape_cast %get3A_886 : vector<16xf32> to vector<16xf32>
    %jit3A_888 = arith.constant 0.000000e+00 : f32
    %broadcast_in_dim3A_889 = vector.broadcast %jit3A_888 : f32 to vector<16xf32>
    %select_n3A_890 = arith.select %and3A_884, %broadcast_in_dim3A_889, %get3A_887 : vector<16xi1>, vector<16xf32>
    %swap3A_891 = arith.index_cast %multiple_of3A_874 : i32 to index
    %swap3A_892 = tpu.vector_load %arg6[%swap3A_891] {strides = array<i32>} : memref<120000xf32, #tpu.memory_space<vmem>>, vector<16xf32>,
    %swap3A_893 = vector.shape_cast %swap3A_892 : vector<16xf32> to vector<16xf32>
    %swap3A_894 = vector.shape_cast %select_n3A_890 : vector<16xf32> to vector<16xf32>
    tpu.vector_store %arg6[%swap3A_891], %swap3A_894 {strides = array<i32>} : memref<120000xf32, #tpu.memory_space<vmem>>, vector<16xf32>,
    %add3A_895 = arith.constant 0 : i32
    %add3A_896 = arith.addi %add3A_895, %min3A_871 : i32
    %multiple_of3A_897 = tpu.assume_multiple %add3A_896, 16 : i32
    %add3A_898 = arith.constant 0 : i32
    %add3A_899 = arith.addi %add3A_898, %min3A_871 : i32
    %iota3A_900 = tpu.iota {dimensions = array<i32: 0>} : vector<16xi32>
    %add3A_901 = vector.broadcast %add3A_899 : i32 to vector<16xi32>
    %add3A_902 = arith.addi %add3A_901, %iota3A_900 : vector<16xi32>
    %ge3A_903 = vector.broadcast %squeeze3A_830 : i32 to vector<16xi32>
    %ge3A_904 = arith.cmpi sge, %add3A_902, %ge3A_903 : vector<16xi32>
    %lt3A_905 = vector.broadcast %squeeze3A_832 : i32 to vector<16xi32>
    %lt3A_906 = arith.cmpi slt, %add3A_902, %lt3A_905 : vector<16xi32>
    %and3A_907 = arith.andi %ge3A_904, %lt3A_906 : vector<16xi1>
    %get3A_908 = arith.index_cast %multiple_of3A_897 : i32 to index
    %get3A_909 = tpu.vector_load %arg6[%get3A_908] {strides = array<i32>} : memref<120000xf32, #tpu.memory_space<vmem>>, vector<16xf32>,
    %get3A_910 = vector.shape_cast %get3A_909 : vector<16xf32> to vector<16xf32>
    %jit3A_911 = arith.constant 0.000000e+00 : f32
    %broadcast_in_dim3A_912 = vector.broadcast %jit3A_911 : f32 to vector<16xf32>
    %select_n3A_913 = arith.select %and3A_907, %broadcast_in_dim3A_912, %get3A_910 : vector<16xi1>, vector<16xf32>
    %swap3A_914 = arith.index_cast %multiple_of3A_897 : i32 to index
    %swap3A_915 = tpu.vector_load %arg6[%swap3A_914] {strides = array<i32>} : memref<120000xf32, #tpu.memory_space<vmem>>, vector<16xf32>,
    %swap3A_916 = vector.shape_cast %swap3A_915 : vector<16xf32> to vector<16xf32>
    %swap3A_917 = vector.shape_cast %select_n3A_913 : vector<16xf32> to vector<16xf32>
    tpu.vector_store %arg6[%swap3A_914], %swap3A_917 {strides = array<i32>} : memref<120000xf32, #tpu.memory_space<vmem>>, vector<16xf32>,
    %add3A_918 = arith.constant 0 : i32
    %add3A_919 = arith.addi %mul3A_2, %add3A_918 : i32
    %multiple_of3A_920 = tpu.assume_multiple %add3A_919, 8 : i32
    %dma_start3A_921 = arith.constant 0 : i32
    %dma_start3A_922 = tpu.memref_slice %arg6[%dma_start3A_921] : memref<120000xf32, #tpu.memory_space<vmem>> -> memref<40000xf32, #tpu.memory_space<vmem>>
    %dma_start3A_923 = tpu.memref_slice %arg4[%multiple_of3A_920] : memref<5120000xf32, #tpu.memory_space<hbm>> -> memref<40000xf32, #tpu.memory_space<hbm>>
    %dma_start3A_924 = tpu.memref_slice %arg4[%multiple_of3A_920] : memref<5120000xf32, #tpu.memory_space<hbm>> -> memref<40000xf32, #tpu.memory_space<hbm>>
    %dma_start3A_925 = arith.constant 0 : i32
    %dma_start3A_926 = tpu.memref_slice %arg6[%dma_start3A_925] : memref<120000xf32, #tpu.memory_space<vmem>> -> memref<40000xf32, #tpu.memory_space<vmem>>
    tpu.enqueue_dma source(%dma_start3A_926 : memref<40000xf32, #tpu.memory_space<vmem>>) target(%dma_start3A_924 : memref<40000xf32, #tpu.memory_space<hbm>>) target_semaphore(%arg10 : memref<!tpu.dma_semaphore, #tpu.memory_space<semaphore_mem>>)
    %dma_wait3A_927 = arith.constant 0 : i32
    %dma_wait3A_928 = tpu.memref_slice %arg6[%dma_wait3A_927] : memref<120000xf32, #tpu.memory_space<vmem>> -> memref<40000xf32, #tpu.memory_space<vmem>>
    %dma_wait3A_929 = tpu.memref_slice %arg4[%multiple_of3A_920] : memref<5120000xf32, #tpu.memory_space<hbm>> -> memref<40000xf32, #tpu.memory_space<hbm>>
    %dma_wait3A_930 = tpu.memref_slice %arg4[%multiple_of3A_920] : memref<5120000xf32, #tpu.memory_space<hbm>> -> memref<40000xf32, #tpu.memory_space<hbm>>
    %dma_wait3A_931 = arith.constant 0 : i32
    %dma_wait3A_932 = tpu.memref_slice %arg6[%dma_wait3A_931] : memref<120000xf32, #tpu.memory_space<vmem>> -> memref<40000xf32, #tpu.memory_space<vmem>>
    tpu.wait_dma2 semaphore(%arg10 : memref<!tpu.dma_semaphore, #tpu.memory_space<semaphore_mem>>) src(%dma_wait3A_932 : memref<40000xf32, #tpu.memory_space<vmem>>) dst(%dma_wait3A_930 : memref<40000xf32, #tpu.memory_space<hbm>>)
    %add3A_933 = arith.constant 120000 : i32
    %add3A_934 = arith.addi %mul3A_2, %add3A_933 : i32
    %multiple_of3A_935 = tpu.assume_multiple %add3A_934, 8 : i32
    %dma_start3A_936 = arith.constant 0 : i32
    %dma_start3A_937 = tpu.memref_slice %arg6[%dma_start3A_936] : memref<120000xf32, #tpu.memory_space<vmem>> -> memref<40000xf32, #tpu.memory_space<vmem>>
    %dma_start3A_938 = tpu.memref_slice %arg2[%multiple_of3A_935] : memref<5120000xf32, #tpu.memory_space<hbm>> -> memref<40000xf32, #tpu.memory_space<hbm>>
    %dma_start3A_939 = arith.constant 0 : i32
    %dma_start3A_940 = tpu.memref_slice %arg6[%dma_start3A_939] : memref<120000xf32, #tpu.memory_space<vmem>> -> memref<40000xf32, #tpu.memory_space<vmem>>
    %dma_start3A_941 = tpu.memref_slice %arg2[%multiple_of3A_935] : memref<5120000xf32, #tpu.memory_space<hbm>> -> memref<40000xf32, #tpu.memory_space<hbm>>
    tpu.enqueue_dma source(%dma_start3A_941 : memref<40000xf32, #tpu.memory_space<hbm>>) target(%dma_start3A_940 : memref<40000xf32, #tpu.memory_space<vmem>>) target_semaphore(%arg7 : memref<!tpu.dma_semaphore, #tpu.memory_space<semaphore_mem>>)
    %dma_wait3A_942 = arith.constant 40000 : i32
    %dma_wait3A_943 = tpu.memref_slice %arg6[%dma_wait3A_942] : memref<120000xf32, #tpu.memory_space<vmem>> -> memref<40000xf32, #tpu.memory_space<vmem>>
    %dma_wait3A_944 = tpu.memref_slice %arg2[%multiple_of3A_20] : memref<5120000xf32, #tpu.memory_space<hbm>> -> memref<40000xf32, #tpu.memory_space<hbm>>
    %dma_wait3A_945 = arith.constant 40000 : i32
    %dma_wait3A_946 = tpu.memref_slice %arg6[%dma_wait3A_945] : memref<120000xf32, #tpu.memory_space<vmem>> -> memref<40000xf32, #tpu.memory_space<vmem>>
    %dma_wait3A_947 = tpu.memref_slice %arg2[%multiple_of3A_20] : memref<5120000xf32, #tpu.memory_space<hbm>> -> memref<40000xf32, #tpu.memory_space<hbm>>
    tpu.wait_dma2 semaphore(%arg8 : memref<!tpu.dma_semaphore, #tpu.memory_space<semaphore_mem>>) src(%dma_wait3A_947 : memref<40000xf32, #tpu.memory_space<hbm>>) dst(%dma_wait3A_946 : memref<40000xf32, #tpu.memory_space<vmem>>)
    %broadcast_in_dim3A_948 = arith.constant 0.000000e+00 : f32
    %broadcast_in_dim3A_949 = vector.broadcast %broadcast_in_dim3A_948 : f32 to vector<16xf32>
    %slice3A_950 = vector.extract_strided_slice %get3A_6 {offsets = [0], sizes = [1], strides = [1]} : vector<16xi32> to vector<1xi32>
    %squeeze3A_951 = vector.extract %slice3A_950[0] : i32 from vector<1xi32>
    %slice3A_952 = vector.extract_strided_slice %get3A_9 {offsets = [0], sizes = [1], strides = [1]} : vector<16xi32> to vector<1xi32>
    %squeeze3A_953 = vector.extract %slice3A_952[0] : i32 from vector<1xi32>
    %sub3A_954 = arith.constant 40000 : i32
    %sub3A_955 = arith.subi %squeeze3A_951, %sub3A_954 : i32
    %jit3A_956 = arith.constant 0 : i32
    %jit3A_957 = arith.constant 40000 : i32
    %max3A_958 = arith.maxsi %jit3A_956, %sub3A_955 : i32
    %min3A_959 = arith.minsi %jit3A_957, %max3A_958 : i32
    %sub3A_960 = arith.constant 40000 : i32
    %sub3A_961 = arith.subi %squeeze3A_953, %sub3A_960 : i32
    %jit3A_962 = arith.constant 0 : i32
    %jit3A_963 = arith.constant 40000 : i32
    %max3A_964 = arith.maxsi %jit3A_962, %sub3A_961 : i32
    %min3A_965 = arith.minsi %jit3A_963, %max3A_964 : i32
    %add3A_966 = arith.constant 15 : i32
    %add3A_967 = arith.addi %min3A_959, %add3A_966 : i32
    %and3A_968 = arith.constant -16 : i32
    %and3A_969 = arith.andi %add3A_967, %and3A_968 : i32
    %and3A_970 = arith.constant -16 : i32
    %and3A_971 = arith.andi %min3A_965, %and3A_970 : i32
    %sub3A_972 = arith.subi %and3A_971, %and3A_969 : i32
    %shift_right_arithmetic3A_973 = arith.constant 4 : i32
    %shift_right_arithmetic3A_974 = arith.shrsi %sub3A_972, %shift_right_arithmetic3A_973 : i32
    %max3A_975 = arith.constant 0 : i32
    %max3A_976 = arith.maxsi %shift_right_arithmetic3A_974, %max3A_975 : i32
    %while3A_977 = arith.constant 0 : i32
    %while3A_978 = arith.constant 0 : i32
    %while3A_979 = arith.subi %max3A_976, %while3A_978 : i32
    %while3A_980 = arith.addi %while3A_978, %while3A_979 : i32
    %while3A_981 = arith.constant 1 : i32
    %while3A_982 = arith.divsi %while3A_979, %while3A_981 : i32
    %while3A_983 = arith.muli %while3A_982, %while3A_981 : i32
    %while3A_984 = arith.addi %while3A_978, %while3A_983 : i32
    %while3A_985 = arith.constant 1 : i32
    scf.for %while3A_3681 = %while3A_978 to %while3A_984 step %while3A_985  : i32 {
      %add3A_3682 = arith.constant 40000 : i32
      %add3A_3683 = arith.addi %add3A_3682, %and3A_969 : i32
      %mul3A_3684 = arith.constant 16 : i32
      %mul3A_3685 = arith.muli %while3A_3681, %mul3A_3684 : i32
      %add3A_3686 = arith.addi %add3A_3683, %mul3A_3685 : i32
      %multiple_of3A_3687 = tpu.assume_multiple %add3A_3686, 16 : i32
      %swap3A_3688 = arith.index_cast %multiple_of3A_3687 : i32 to index
      %swap3A_3689 = tpu.vector_load %arg6[%swap3A_3688] {strides = array<i32>} : memref<120000xf32, #tpu.memory_space<vmem>>, vector<16xf32>,
      %swap3A_3690 = vector.shape_cast %swap3A_3689 : vector<16xf32> to vector<16xf32>
      %swap3A_3691 = vector.shape_cast %broadcast_in_dim3A_949 : vector<16xf32> to vector<16xf32>
      tpu.vector_store %arg6[%swap3A_3688], %swap3A_3691 {strides = array<i32>} : memref<120000xf32, #tpu.memory_space<vmem>>, vector<16xf32>,
    }
    %while3A_986 = arith.constant 1 : i32
    scf.for %while3A_3681 = %while3A_984 to %while3A_980 step %while3A_986  : i32 {
      %add3A_3682 = arith.constant 40000 : i32
      %add3A_3683 = arith.addi %add3A_3682, %and3A_969 : i32
      %mul3A_3684 = arith.constant 16 : i32
      %mul3A_3685 = arith.muli %while3A_3681, %mul3A_3684 : i32
      %add3A_3686 = arith.addi %add3A_3683, %mul3A_3685 : i32
      %multiple_of3A_3687 = tpu.assume_multiple %add3A_3686, 16 : i32
      %swap3A_3688 = arith.index_cast %multiple_of3A_3687 : i32 to index
      %swap3A_3689 = tpu.vector_load %arg6[%swap3A_3688] {strides = array<i32>} : memref<120000xf32, #tpu.memory_space<vmem>>, vector<16xf32>,
      %swap3A_3690 = vector.shape_cast %swap3A_3689 : vector<16xf32> to vector<16xf32>
      %swap3A_3691 = vector.shape_cast %broadcast_in_dim3A_949 : vector<16xf32> to vector<16xf32>
      tpu.vector_store %arg6[%swap3A_3688], %swap3A_3691 {strides = array<i32>} : memref<120000xf32, #tpu.memory_space<vmem>>, vector<16xf32>,
    }
    %and3A_987 = arith.constant -16 : i32
    %and3A_988 = arith.andi %min3A_959, %and3A_987 : i32
    %min3A_989 = arith.constant 39984 : i32
    %min3A_990 = arith.minsi %and3A_988, %min3A_989 : i32
    %min3A_991 = arith.constant 39984 : i32
    %min3A_992 = arith.minsi %and3A_971, %min3A_991 : i32
    %add3A_993 = arith.constant 40000 : i32
    %add3A_994 = arith.addi %add3A_993, %min3A_990 : i32
    %multiple_of3A_995 = tpu.assume_multiple %add3A_994, 16 : i32
    %add3A_996 = arith.constant 40000 : i32
    %add3A_997 = arith.addi %add3A_996, %min3A_990 : i32
    %iota3A_998 = tpu.iota {dimensions = array<i32: 0>} : vector<16xi32>
    %add3A_999 = vector.broadcast %add3A_997 : i32 to vector<16xi32>
    %add3A_1000 = arith.addi %add3A_999, %iota3A_998 : vector<16xi32>
    %ge3A_1001 = vector.broadcast %squeeze3A_951 : i32 to vector<16xi32>
    %ge3A_1002 = arith.cmpi sge, %add3A_1000, %ge3A_1001 : vector<16xi32>
    %lt3A_1003 = vector.broadcast %squeeze3A_953 : i32 to vector<16xi32>
    %lt3A_1004 = arith.cmpi slt, %add3A_1000, %lt3A_1003 : vector<16xi32>
    %and3A_1005 = arith.andi %ge3A_1002, %lt3A_1004 : vector<16xi1>
    %get3A_1006 = arith.index_cast %multiple_of3A_995 : i32 to index
    %get3A_1007 = tpu.vector_load %arg6[%get3A_1006] {strides = array<i32>} : memref<120000xf32, #tpu.memory_space<vmem>>, vector<16xf32>,
    %get3A_1008 = vector.shape_cast %get3A_1007 : vector<16xf32> to vector<16xf32>
    %jit3A_1009 = arith.constant 0.000000e+00 : f32
    %broadcast_in_dim3A_1010 = vector.broadcast %jit3A_1009 : f32 to vector<16xf32>
    %select_n3A_1011 = arith.select %and3A_1005, %broadcast_in_dim3A_1010, %get3A_1008 : vector<16xi1>, vector<16xf32>
    %swap3A_1012 = arith.index_cast %multiple_of3A_995 : i32 to index
    %swap3A_1013 = tpu.vector_load %arg6[%swap3A_1012] {strides = array<i32>} : memref<120000xf32, #tpu.memory_space<vmem>>, vector<16xf32>,
    %swap3A_1014 = vector.shape_cast %swap3A_1013 : vector<16xf32> to vector<16xf32>
    %swap3A_1015 = vector.shape_cast %select_n3A_1011 : vector<16xf32> to vector<16xf32>
    tpu.vector_store %arg6[%swap3A_1012], %swap3A_1015 {strides = array<i32>} : memref<120000xf32, #tpu.memory_space<vmem>>, vector<16xf32>,
    %add3A_1016 = arith.constant 40000 : i32
    %add3A_1017 = arith.addi %add3A_1016, %min3A_992 : i32
    %multiple_of3A_1018 = tpu.assume_multiple %add3A_1017, 16 : i32
    %add3A_1019 = arith.constant 40000 : i32
    %add3A_1020 = arith.addi %add3A_1019, %min3A_992 : i32
    %iota3A_1021 = tpu.iota {dimensions = array<i32: 0>} : vector<16xi32>
    %add3A_1022 = vector.broadcast %add3A_1020 : i32 to vector<16xi32>
    %add3A_1023 = arith.addi %add3A_1022, %iota3A_1021 : vector<16xi32>
    %ge3A_1024 = vector.broadcast %squeeze3A_951 : i32 to vector<16xi32>
    %ge3A_1025 = arith.cmpi sge, %add3A_1023, %ge3A_1024 : vector<16xi32>
    %lt3A_1026 = vector.broadcast %squeeze3A_953 : i32 to vector<16xi32>
    %lt3A_1027 = arith.cmpi slt, %add3A_1023, %lt3A_1026 : vector<16xi32>
    %and3A_1028 = arith.andi %ge3A_1025, %lt3A_1027 : vector<16xi1>
    %get3A_1029 = arith.index_cast %multiple_of3A_1018 : i32 to index
    %get3A_1030 = tpu.vector_load %arg6[%get3A_1029] {strides = array<i32>} : memref<120000xf32, #tpu.memory_space<vmem>>, vector<16xf32>,
    %get3A_1031 = vector.shape_cast %get3A_1030 : vector<16xf32> to vector<16xf32>
    %jit3A_1032 = arith.constant 0.000000e+00 : f32
    %broadcast_in_dim3A_1033 = vector.broadcast %jit3A_1032 : f32 to vector<16xf32>
    %select_n3A_1034 = arith.select %and3A_1028, %broadcast_in_dim3A_1033, %get3A_1031 : vector<16xi1>, vector<16xf32>
    %swap3A_1035 = arith.index_cast %multiple_of3A_1018 : i32 to index
    %swap3A_1036 = tpu.vector_load %arg6[%swap3A_1035] {strides = array<i32>} : memref<120000xf32, #tpu.memory_space<vmem>>, vector<16xf32>,
    %swap3A_1037 = vector.shape_cast %swap3A_1036 : vector<16xf32> to vector<16xf32>
    %swap3A_1038 = vector.shape_cast %select_n3A_1034 : vector<16xf32> to vector<16xf32>
    tpu.vector_store %arg6[%swap3A_1035], %swap3A_1038 {strides = array<i32>} : memref<120000xf32, #tpu.memory_space<vmem>>, vector<16xf32>,
    %slice3A_1039 = vector.extract_strided_slice %get3A_6 {offsets = [1], sizes = [1], strides = [1]} : vector<16xi32> to vector<1xi32>
    %squeeze3A_1040 = vector.extract %slice3A_1039[0] : i32 from vector<1xi32>
    %slice3A_1041 = vector.extract_strided_slice %get3A_9 {offsets = [1], sizes = [1], strides = [1]} : vector<16xi32> to vector<1xi32>
    %squeeze3A_1042 = vector.extract %slice3A_1041[0] : i32 from vector<1xi32>
    %sub3A_1043 = arith.constant 40000 : i32
    %sub3A_1044 = arith.subi %squeeze3A_1040, %sub3A_1043 : i32
    %jit3A_1045 = arith.constant 0 : i32
    %jit3A_1046 = arith.constant 40000 : i32
    %max3A_1047 = arith.maxsi %jit3A_1045, %sub3A_1044 : i32
    %min3A_1048 = arith.minsi %jit3A_1046, %max3A_1047 : i32
    %sub3A_1049 = arith.constant 40000 : i32
    %sub3A_1050 = arith.subi %squeeze3A_1042, %sub3A_1049 : i32
    %jit3A_1051 = arith.constant 0 : i32
    %jit3A_1052 = arith.constant 40000 : i32
    %max3A_1053 = arith.maxsi %jit3A_1051, %sub3A_1050 : i32
    %min3A_1054 = arith.minsi %jit3A_1052, %max3A_1053 : i32
    %add3A_1055 = arith.constant 15 : i32
    %add3A_1056 = arith.addi %min3A_1048, %add3A_1055 : i32
    %and3A_1057 = arith.constant -16 : i32
    %and3A_1058 = arith.andi %add3A_1056, %and3A_1057 : i32
    %and3A_1059 = arith.constant -16 : i32
    %and3A_1060 = arith.andi %min3A_1054, %and3A_1059 : i32
    %sub3A_1061 = arith.subi %and3A_1060, %and3A_1058 : i32
    %shift_right_arithmetic3A_1062 = arith.constant 4 : i32
    %shift_right_arithmetic3A_1063 = arith.shrsi %sub3A_1061, %shift_right_arithmetic3A_1062 : i32
    %max3A_1064 = arith.constant 0 : i32
    %max3A_1065 = arith.maxsi %shift_right_arithmetic3A_1063, %max3A_1064 : i32
    %while3A_1066 = arith.constant 0 : i32
    %while3A_1067 = arith.constant 0 : i32
    %while3A_1068 = arith.subi %max3A_1065, %while3A_1067 : i32
    %while3A_1069 = arith.addi %while3A_1067, %while3A_1068 : i32
    %while3A_1070 = arith.constant 1 : i32
    %while3A_1071 = arith.divsi %while3A_1068, %while3A_1070 : i32
    %while3A_1072 = arith.muli %while3A_1071, %while3A_1070 : i32
    %while3A_1073 = arith.addi %while3A_1067, %while3A_1072 : i32
    %while3A_1074 = arith.constant 1 : i32
    scf.for %while3A_3681 = %while3A_1067 to %while3A_1073 step %while3A_1074  : i32 {
      %add3A_3682 = arith.constant 40000 : i32
      %add3A_3683 = arith.addi %add3A_3682, %and3A_1058 : i32
      %mul3A_3684 = arith.constant 16 : i32
      %mul3A_3685 = arith.muli %while3A_3681, %mul3A_3684 : i32
      %add3A_3686 = arith.addi %add3A_3683, %mul3A_3685 : i32
      %multiple_of3A_3687 = tpu.assume_multiple %add3A_3686, 16 : i32
      %swap3A_3688 = arith.index_cast %multiple_of3A_3687 : i32 to index
      %swap3A_3689 = tpu.vector_load %arg6[%swap3A_3688] {strides = array<i32>} : memref<120000xf32, #tpu.memory_space<vmem>>, vector<16xf32>,
      %swap3A_3690 = vector.shape_cast %swap3A_3689 : vector<16xf32> to vector<16xf32>
      %swap3A_3691 = vector.shape_cast %broadcast_in_dim3A_949 : vector<16xf32> to vector<16xf32>
      tpu.vector_store %arg6[%swap3A_3688], %swap3A_3691 {strides = array<i32>} : memref<120000xf32, #tpu.memory_space<vmem>>, vector<16xf32>,
    }
    %while3A_1075 = arith.constant 1 : i32
    scf.for %while3A_3681 = %while3A_1073 to %while3A_1069 step %while3A_1075  : i32 {
      %add3A_3682 = arith.constant 40000 : i32
      %add3A_3683 = arith.addi %add3A_3682, %and3A_1058 : i32
      %mul3A_3684 = arith.constant 16 : i32
      %mul3A_3685 = arith.muli %while3A_3681, %mul3A_3684 : i32
      %add3A_3686 = arith.addi %add3A_3683, %mul3A_3685 : i32
      %multiple_of3A_3687 = tpu.assume_multiple %add3A_3686, 16 : i32
      %swap3A_3688 = arith.index_cast %multiple_of3A_3687 : i32 to index
      %swap3A_3689 = tpu.vector_load %arg6[%swap3A_3688] {strides = array<i32>} : memref<120000xf32, #tpu.memory_space<vmem>>, vector<16xf32>,
      %swap3A_3690 = vector.shape_cast %swap3A_3689 : vector<16xf32> to vector<16xf32>
      %swap3A_3691 = vector.shape_cast %broadcast_in_dim3A_949 : vector<16xf32> to vector<16xf32>
      tpu.vector_store %arg6[%swap3A_3688], %swap3A_3691 {strides = array<i32>} : memref<120000xf32, #tpu.memory_space<vmem>>, vector<16xf32>,
    }
    %and3A_1076 = arith.constant -16 : i32
    %and3A_1077 = arith.andi %min3A_1048, %and3A_1076 : i32
    %min3A_1078 = arith.constant 39984 : i32
    %min3A_1079 = arith.minsi %and3A_1077, %min3A_1078 : i32
    %min3A_1080 = arith.constant 39984 : i32
    %min3A_1081 = arith.minsi %and3A_1060, %min3A_1080 : i32
    %add3A_1082 = arith.constant 40000 : i32
    %add3A_1083 = arith.addi %add3A_1082, %min3A_1079 : i32
    %multiple_of3A_1084 = tpu.assume_multiple %add3A_1083, 16 : i32
    %add3A_1085 = arith.constant 40000 : i32
    %add3A_1086 = arith.addi %add3A_1085, %min3A_1079 : i32
    %iota3A_1087 = tpu.iota {dimensions = array<i32: 0>} : vector<16xi32>
    %add3A_1088 = vector.broadcast %add3A_1086 : i32 to vector<16xi32>
    %add3A_1089 = arith.addi %add3A_1088, %iota3A_1087 : vector<16xi32>
    %ge3A_1090 = vector.broadcast %squeeze3A_1040 : i32 to vector<16xi32>
    %ge3A_1091 = arith.cmpi sge, %add3A_1089, %ge3A_1090 : vector<16xi32>
    %lt3A_1092 = vector.broadcast %squeeze3A_1042 : i32 to vector<16xi32>
    %lt3A_1093 = arith.cmpi slt, %add3A_1089, %lt3A_1092 : vector<16xi32>
    %and3A_1094 = arith.andi %ge3A_1091, %lt3A_1093 : vector<16xi1>
    %get3A_1095 = arith.index_cast %multiple_of3A_1084 : i32 to index
    %get3A_1096 = tpu.vector_load %arg6[%get3A_1095] {strides = array<i32>} : memref<120000xf32, #tpu.memory_space<vmem>>, vector<16xf32>,
    %get3A_1097 = vector.shape_cast %get3A_1096 : vector<16xf32> to vector<16xf32>
    %jit3A_1098 = arith.constant 0.000000e+00 : f32
    %broadcast_in_dim3A_1099 = vector.broadcast %jit3A_1098 : f32 to vector<16xf32>
    %select_n3A_1100 = arith.select %and3A_1094, %broadcast_in_dim3A_1099, %get3A_1097 : vector<16xi1>, vector<16xf32>
    %swap3A_1101 = arith.index_cast %multiple_of3A_1084 : i32 to index
    %swap3A_1102 = tpu.vector_load %arg6[%swap3A_1101] {strides = array<i32>} : memref<120000xf32, #tpu.memory_space<vmem>>, vector<16xf32>,
    %swap3A_1103 = vector.shape_cast %swap3A_1102 : vector<16xf32> to vector<16xf32>
    %swap3A_1104 = vector.shape_cast %select_n3A_1100 : vector<16xf32> to vector<16xf32>
    tpu.vector_store %arg6[%swap3A_1101], %swap3A_1104 {strides = array<i32>} : memref<120000xf32, #tpu.memory_space<vmem>>, vector<16xf32>,
    %add3A_1105 = arith.constant 40000 : i32
    %add3A_1106 = arith.addi %add3A_1105, %min3A_1081 : i32
    %multiple_of3A_1107 = tpu.assume_multiple %add3A_1106, 16 : i32
    %add3A_1108 = arith.constant 40000 : i32
    %add3A_1109 = arith.addi %add3A_1108, %min3A_1081 : i32
    %iota3A_1110 = tpu.iota {dimensions = array<i32: 0>} : vector<16xi32>
    %add3A_1111 = vector.broadcast %add3A_1109 : i32 to vector<16xi32>
    %add3A_1112 = arith.addi %add3A_1111, %iota3A_1110 : vector<16xi32>
    %ge3A_1113 = vector.broadcast %squeeze3A_1040 : i32 to vector<16xi32>
    %ge3A_1114 = arith.cmpi sge, %add3A_1112, %ge3A_1113 : vector<16xi32>
    %lt3A_1115 = vector.broadcast %squeeze3A_1042 : i32 to vector<16xi32>
    %lt3A_1116 = arith.cmpi slt, %add3A_1112, %lt3A_1115 : vector<16xi32>
    %and3A_1117 = arith.andi %ge3A_1114, %lt3A_1116 : vector<16xi1>
    %get3A_1118 = arith.index_cast %multiple_of3A_1107 : i32 to index
    %get3A_1119 = tpu.vector_load %arg6[%get3A_1118] {strides = array<i32>} : memref<120000xf32, #tpu.memory_space<vmem>>, vector<16xf32>,
    %get3A_1120 = vector.shape_cast %get3A_1119 : vector<16xf32> to vector<16xf32>
    %jit3A_1121 = arith.constant 0.000000e+00 : f32
    %broadcast_in_dim3A_1122 = vector.broadcast %jit3A_1121 : f32 to vector<16xf32>
    %select_n3A_1123 = arith.select %and3A_1117, %broadcast_in_dim3A_1122, %get3A_1120 : vector<16xi1>, vector<16xf32>
    %swap3A_1124 = arith.index_cast %multiple_of3A_1107 : i32 to index
    %swap3A_1125 = tpu.vector_load %arg6[%swap3A_1124] {strides = array<i32>} : memref<120000xf32, #tpu.memory_space<vmem>>, vector<16xf32>,
    %swap3A_1126 = vector.shape_cast %swap3A_1125 : vector<16xf32> to vector<16xf32>
    %swap3A_1127 = vector.shape_cast %select_n3A_1123 : vector<16xf32> to vector<16xf32>
    tpu.vector_store %arg6[%swap3A_1124], %swap3A_1127 {strides = array<i32>} : memref<120000xf32, #tpu.memory_space<vmem>>, vector<16xf32>,
    %slice3A_1128 = vector.extract_strided_slice %get3A_6 {offsets = [2], sizes = [1], strides = [1]} : vector<16xi32> to vector<1xi32>
    %squeeze3A_1129 = vector.extract %slice3A_1128[0] : i32 from vector<1xi32>
    %slice3A_1130 = vector.extract_strided_slice %get3A_9 {offsets = [2], sizes = [1], strides = [1]} : vector<16xi32> to vector<1xi32>
    %squeeze3A_1131 = vector.extract %slice3A_1130[0] : i32 from vector<1xi32>
    %sub3A_1132 = arith.constant 40000 : i32
    %sub3A_1133 = arith.subi %squeeze3A_1129, %sub3A_1132 : i32
    %jit3A_1134 = arith.constant 0 : i32
    %jit3A_1135 = arith.constant 40000 : i32
    %max3A_1136 = arith.maxsi %jit3A_1134, %sub3A_1133 : i32
    %min3A_1137 = arith.minsi %jit3A_1135, %max3A_1136 : i32
    %sub3A_1138 = arith.constant 40000 : i32
    %sub3A_1139 = arith.subi %squeeze3A_1131, %sub3A_1138 : i32
    %jit3A_1140 = arith.constant 0 : i32
    %jit3A_1141 = arith.constant 40000 : i32
    %max3A_1142 = arith.maxsi %jit3A_1140, %sub3A_1139 : i32
    %min3A_1143 = arith.minsi %jit3A_1141, %max3A_1142 : i32
    %add3A_1144 = arith.constant 15 : i32
    %add3A_1145 = arith.addi %min3A_1137, %add3A_1144 : i32
    %and3A_1146 = arith.constant -16 : i32
    %and3A_1147 = arith.andi %add3A_1145, %and3A_1146 : i32
    %and3A_1148 = arith.constant -16 : i32
    %and3A_1149 = arith.andi %min3A_1143, %and3A_1148 : i32
    %sub3A_1150 = arith.subi %and3A_1149, %and3A_1147 : i32
    %shift_right_arithmetic3A_1151 = arith.constant 4 : i32
    %shift_right_arithmetic3A_1152 = arith.shrsi %sub3A_1150, %shift_right_arithmetic3A_1151 : i32
    %max3A_1153 = arith.constant 0 : i32
    %max3A_1154 = arith.maxsi %shift_right_arithmetic3A_1152, %max3A_1153 : i32
    %while3A_1155 = arith.constant 0 : i32
    %while3A_1156 = arith.constant 0 : i32
    %while3A_1157 = arith.subi %max3A_1154, %while3A_1156 : i32
    %while3A_1158 = arith.addi %while3A_1156, %while3A_1157 : i32
    %while3A_1159 = arith.constant 1 : i32
    %while3A_1160 = arith.divsi %while3A_1157, %while3A_1159 : i32
    %while3A_1161 = arith.muli %while3A_1160, %while3A_1159 : i32
    %while3A_1162 = arith.addi %while3A_1156, %while3A_1161 : i32
    %while3A_1163 = arith.constant 1 : i32
    scf.for %while3A_3681 = %while3A_1156 to %while3A_1162 step %while3A_1163  : i32 {
      %add3A_3682 = arith.constant 40000 : i32
      %add3A_3683 = arith.addi %add3A_3682, %and3A_1147 : i32
      %mul3A_3684 = arith.constant 16 : i32
      %mul3A_3685 = arith.muli %while3A_3681, %mul3A_3684 : i32
      %add3A_3686 = arith.addi %add3A_3683, %mul3A_3685 : i32
      %multiple_of3A_3687 = tpu.assume_multiple %add3A_3686, 16 : i32
      %swap3A_3688 = arith.index_cast %multiple_of3A_3687 : i32 to index
      %swap3A_3689 = tpu.vector_load %arg6[%swap3A_3688] {strides = array<i32>} : memref<120000xf32, #tpu.memory_space<vmem>>, vector<16xf32>,
      %swap3A_3690 = vector.shape_cast %swap3A_3689 : vector<16xf32> to vector<16xf32>
      %swap3A_3691 = vector.shape_cast %broadcast_in_dim3A_949 : vector<16xf32> to vector<16xf32>
      tpu.vector_store %arg6[%swap3A_3688], %swap3A_3691 {strides = array<i32>} : memref<120000xf32, #tpu.memory_space<vmem>>, vector<16xf32>,
    }
    %while3A_1164 = arith.constant 1 : i32
    scf.for %while3A_3681 = %while3A_1162 to %while3A_1158 step %while3A_1164  : i32 {
      %add3A_3682 = arith.constant 40000 : i32
      %add3A_3683 = arith.addi %add3A_3682, %and3A_1147 : i32
      %mul3A_3684 = arith.constant 16 : i32
      %mul3A_3685 = arith.muli %while3A_3681, %mul3A_3684 : i32
      %add3A_3686 = arith.addi %add3A_3683, %mul3A_3685 : i32
      %multiple_of3A_3687 = tpu.assume_multiple %add3A_3686, 16 : i32
      %swap3A_3688 = arith.index_cast %multiple_of3A_3687 : i32 to index
      %swap3A_3689 = tpu.vector_load %arg6[%swap3A_3688] {strides = array<i32>} : memref<120000xf32, #tpu.memory_space<vmem>>, vector<16xf32>,
      %swap3A_3690 = vector.shape_cast %swap3A_3689 : vector<16xf32> to vector<16xf32>
      %swap3A_3691 = vector.shape_cast %broadcast_in_dim3A_949 : vector<16xf32> to vector<16xf32>
      tpu.vector_store %arg6[%swap3A_3688], %swap3A_3691 {strides = array<i32>} : memref<120000xf32, #tpu.memory_space<vmem>>, vector<16xf32>,
    }
    %and3A_1165 = arith.constant -16 : i32
    %and3A_1166 = arith.andi %min3A_1137, %and3A_1165 : i32
    %min3A_1167 = arith.constant 39984 : i32
    %min3A_1168 = arith.minsi %and3A_1166, %min3A_1167 : i32
    %min3A_1169 = arith.constant 39984 : i32
    %min3A_1170 = arith.minsi %and3A_1149, %min3A_1169 : i32
    %add3A_1171 = arith.constant 40000 : i32
    %add3A_1172 = arith.addi %add3A_1171, %min3A_1168 : i32
    %multiple_of3A_1173 = tpu.assume_multiple %add3A_1172, 16 : i32
    %add3A_1174 = arith.constant 40000 : i32
    %add3A_1175 = arith.addi %add3A_1174, %min3A_1168 : i32
    %iota3A_1176 = tpu.iota {dimensions = array<i32: 0>} : vector<16xi32>
    %add3A_1177 = vector.broadcast %add3A_1175 : i32 to vector<16xi32>
    %add3A_1178 = arith.addi %add3A_1177, %iota3A_1176 : vector<16xi32>
    %ge3A_1179 = vector.broadcast %squeeze3A_1129 : i32 to vector<16xi32>
    %ge3A_1180 = arith.cmpi sge, %add3A_1178, %ge3A_1179 : vector<16xi32>
    %lt3A_1181 = vector.broadcast %squeeze3A_1131 : i32 to vector<16xi32>
    %lt3A_1182 = arith.cmpi slt, %add3A_1178, %lt3A_1181 : vector<16xi32>
    %and3A_1183 = arith.andi %ge3A_1180, %lt3A_1182 : vector<16xi1>
    %get3A_1184 = arith.index_cast %multiple_of3A_1173 : i32 to index
    %get3A_1185 = tpu.vector_load %arg6[%get3A_1184] {strides = array<i32>} : memref<120000xf32, #tpu.memory_space<vmem>>, vector<16xf32>,
    %get3A_1186 = vector.shape_cast %get3A_1185 : vector<16xf32> to vector<16xf32>
    %jit3A_1187 = arith.constant 0.000000e+00 : f32
    %broadcast_in_dim3A_1188 = vector.broadcast %jit3A_1187 : f32 to vector<16xf32>
    %select_n3A_1189 = arith.select %and3A_1183, %broadcast_in_dim3A_1188, %get3A_1186 : vector<16xi1>, vector<16xf32>
    %swap3A_1190 = arith.index_cast %multiple_of3A_1173 : i32 to index
    %swap3A_1191 = tpu.vector_load %arg6[%swap3A_1190] {strides = array<i32>} : memref<120000xf32, #tpu.memory_space<vmem>>, vector<16xf32>,
    %swap3A_1192 = vector.shape_cast %swap3A_1191 : vector<16xf32> to vector<16xf32>
    %swap3A_1193 = vector.shape_cast %select_n3A_1189 : vector<16xf32> to vector<16xf32>
    tpu.vector_store %arg6[%swap3A_1190], %swap3A_1193 {strides = array<i32>} : memref<120000xf32, #tpu.memory_space<vmem>>, vector<16xf32>,
    %add3A_1194 = arith.constant 40000 : i32
    %add3A_1195 = arith.addi %add3A_1194, %min3A_1170 : i32
    %multiple_of3A_1196 = tpu.assume_multiple %add3A_1195, 16 : i32
    %add3A_1197 = arith.constant 40000 : i32
    %add3A_1198 = arith.addi %add3A_1197, %min3A_1170 : i32
    %iota3A_1199 = tpu.iota {dimensions = array<i32: 0>} : vector<16xi32>
    %add3A_1200 = vector.broadcast %add3A_1198 : i32 to vector<16xi32>
    %add3A_1201 = arith.addi %add3A_1200, %iota3A_1199 : vector<16xi32>
    %ge3A_1202 = vector.broadcast %squeeze3A_1129 : i32 to vector<16xi32>
    %ge3A_1203 = arith.cmpi sge, %add3A_1201, %ge3A_1202 : vector<16xi32>
    %lt3A_1204 = vector.broadcast %squeeze3A_1131 : i32 to vector<16xi32>
    %lt3A_1205 = arith.cmpi slt, %add3A_1201, %lt3A_1204 : vector<16xi32>
    %and3A_1206 = arith.andi %ge3A_1203, %lt3A_1205 : vector<16xi1>
    %get3A_1207 = arith.index_cast %multiple_of3A_1196 : i32 to index
    %get3A_1208 = tpu.vector_load %arg6[%get3A_1207] {strides = array<i32>} : memref<120000xf32, #tpu.memory_space<vmem>>, vector<16xf32>,
    %get3A_1209 = vector.shape_cast %get3A_1208 : vector<16xf32> to vector<16xf32>
    %jit3A_1210 = arith.constant 0.000000e+00 : f32
    %broadcast_in_dim3A_1211 = vector.broadcast %jit3A_1210 : f32 to vector<16xf32>
    %select_n3A_1212 = arith.select %and3A_1206, %broadcast_in_dim3A_1211, %get3A_1209 : vector<16xi1>, vector<16xf32>
    %swap3A_1213 = arith.index_cast %multiple_of3A_1196 : i32 to index
    %swap3A_1214 = tpu.vector_load %arg6[%swap3A_1213] {strides = array<i32>} : memref<120000xf32, #tpu.memory_space<vmem>>, vector<16xf32>,
    %swap3A_1215 = vector.shape_cast %swap3A_1214 : vector<16xf32> to vector<16xf32>
    %swap3A_1216 = vector.shape_cast %select_n3A_1212 : vector<16xf32> to vector<16xf32>
    tpu.vector_store %arg6[%swap3A_1213], %swap3A_1216 {strides = array<i32>} : memref<120000xf32, #tpu.memory_space<vmem>>, vector<16xf32>,
    %slice3A_1217 = vector.extract_strided_slice %get3A_6 {offsets = [3], sizes = [1], strides = [1]} : vector<16xi32> to vector<1xi32>
    %squeeze3A_1218 = vector.extract %slice3A_1217[0] : i32 from vector<1xi32>
    %slice3A_1219 = vector.extract_strided_slice %get3A_9 {offsets = [3], sizes = [1], strides = [1]} : vector<16xi32> to vector<1xi32>
    %squeeze3A_1220 = vector.extract %slice3A_1219[0] : i32 from vector<1xi32>
    %sub3A_1221 = arith.constant 40000 : i32
    %sub3A_1222 = arith.subi %squeeze3A_1218, %sub3A_1221 : i32
    %jit3A_1223 = arith.constant 0 : i32
    %jit3A_1224 = arith.constant 40000 : i32
    %max3A_1225 = arith.maxsi %jit3A_1223, %sub3A_1222 : i32
    %min3A_1226 = arith.minsi %jit3A_1224, %max3A_1225 : i32
    %sub3A_1227 = arith.constant 40000 : i32
    %sub3A_1228 = arith.subi %squeeze3A_1220, %sub3A_1227 : i32
    %jit3A_1229 = arith.constant 0 : i32
    %jit3A_1230 = arith.constant 40000 : i32
    %max3A_1231 = arith.maxsi %jit3A_1229, %sub3A_1228 : i32
    %min3A_1232 = arith.minsi %jit3A_1230, %max3A_1231 : i32
    %add3A_1233 = arith.constant 15 : i32
    %add3A_1234 = arith.addi %min3A_1226, %add3A_1233 : i32
    %and3A_1235 = arith.constant -16 : i32
    %and3A_1236 = arith.andi %add3A_1234, %and3A_1235 : i32
    %and3A_1237 = arith.constant -16 : i32
    %and3A_1238 = arith.andi %min3A_1232, %and3A_1237 : i32
    %sub3A_1239 = arith.subi %and3A_1238, %and3A_1236 : i32
    %shift_right_arithmetic3A_1240 = arith.constant 4 : i32
    %shift_right_arithmetic3A_1241 = arith.shrsi %sub3A_1239, %shift_right_arithmetic3A_1240 : i32
    %max3A_1242 = arith.constant 0 : i32
    %max3A_1243 = arith.maxsi %shift_right_arithmetic3A_1241, %max3A_1242 : i32
    %while3A_1244 = arith.constant 0 : i32
    %while3A_1245 = arith.constant 0 : i32
    %while3A_1246 = arith.subi %max3A_1243, %while3A_1245 : i32
    %while3A_1247 = arith.addi %while3A_1245, %while3A_1246 : i32
    %while3A_1248 = arith.constant 1 : i32
    %while3A_1249 = arith.divsi %while3A_1246, %while3A_1248 : i32
    %while3A_1250 = arith.muli %while3A_1249, %while3A_1248 : i32
    %while3A_1251 = arith.addi %while3A_1245, %while3A_1250 : i32
    %while3A_1252 = arith.constant 1 : i32
    scf.for %while3A_3681 = %while3A_1245 to %while3A_1251 step %while3A_1252  : i32 {
      %add3A_3682 = arith.constant 40000 : i32
      %add3A_3683 = arith.addi %add3A_3682, %and3A_1236 : i32
      %mul3A_3684 = arith.constant 16 : i32
      %mul3A_3685 = arith.muli %while3A_3681, %mul3A_3684 : i32
      %add3A_3686 = arith.addi %add3A_3683, %mul3A_3685 : i32
      %multiple_of3A_3687 = tpu.assume_multiple %add3A_3686, 16 : i32
      %swap3A_3688 = arith.index_cast %multiple_of3A_3687 : i32 to index
      %swap3A_3689 = tpu.vector_load %arg6[%swap3A_3688] {strides = array<i32>} : memref<120000xf32, #tpu.memory_space<vmem>>, vector<16xf32>,
      %swap3A_3690 = vector.shape_cast %swap3A_3689 : vector<16xf32> to vector<16xf32>
      %swap3A_3691 = vector.shape_cast %broadcast_in_dim3A_949 : vector<16xf32> to vector<16xf32>
      tpu.vector_store %arg6[%swap3A_3688], %swap3A_3691 {strides = array<i32>} : memref<120000xf32, #tpu.memory_space<vmem>>, vector<16xf32>,
    }
    %while3A_1253 = arith.constant 1 : i32
    scf.for %while3A_3681 = %while3A_1251 to %while3A_1247 step %while3A_1253  : i32 {
      %add3A_3682 = arith.constant 40000 : i32
      %add3A_3683 = arith.addi %add3A_3682, %and3A_1236 : i32
      %mul3A_3684 = arith.constant 16 : i32
      %mul3A_3685 = arith.muli %while3A_3681, %mul3A_3684 : i32
      %add3A_3686 = arith.addi %add3A_3683, %mul3A_3685 : i32
      %multiple_of3A_3687 = tpu.assume_multiple %add3A_3686, 16 : i32
      %swap3A_3688 = arith.index_cast %multiple_of3A_3687 : i32 to index
      %swap3A_3689 = tpu.vector_load %arg6[%swap3A_3688] {strides = array<i32>} : memref<120000xf32, #tpu.memory_space<vmem>>, vector<16xf32>,
      %swap3A_3690 = vector.shape_cast %swap3A_3689 : vector<16xf32> to vector<16xf32>
      %swap3A_3691 = vector.shape_cast %broadcast_in_dim3A_949 : vector<16xf32> to vector<16xf32>
      tpu.vector_store %arg6[%swap3A_3688], %swap3A_3691 {strides = array<i32>} : memref<120000xf32, #tpu.memory_space<vmem>>, vector<16xf32>,
    }
    %and3A_1254 = arith.constant -16 : i32
    %and3A_1255 = arith.andi %min3A_1226, %and3A_1254 : i32
    %min3A_1256 = arith.constant 39984 : i32
    %min3A_1257 = arith.minsi %and3A_1255, %min3A_1256 : i32
    %min3A_1258 = arith.constant 39984 : i32
    %min3A_1259 = arith.minsi %and3A_1238, %min3A_1258 : i32
    %add3A_1260 = arith.constant 40000 : i32
    %add3A_1261 = arith.addi %add3A_1260, %min3A_1257 : i32
    %multiple_of3A_1262 = tpu.assume_multiple %add3A_1261, 16 : i32
    %add3A_1263 = arith.constant 40000 : i32
    %add3A_1264 = arith.addi %add3A_1263, %min3A_1257 : i32
    %iota3A_1265 = tpu.iota {dimensions = array<i32: 0>} : vector<16xi32>
    %add3A_1266 = vector.broadcast %add3A_1264 : i32 to vector<16xi32>
    %add3A_1267 = arith.addi %add3A_1266, %iota3A_1265 : vector<16xi32>
    %ge3A_1268 = vector.broadcast %squeeze3A_1218 : i32 to vector<16xi32>
    %ge3A_1269 = arith.cmpi sge, %add3A_1267, %ge3A_1268 : vector<16xi32>
    %lt3A_1270 = vector.broadcast %squeeze3A_1220 : i32 to vector<16xi32>
    %lt3A_1271 = arith.cmpi slt, %add3A_1267, %lt3A_1270 : vector<16xi32>
    %and3A_1272 = arith.andi %ge3A_1269, %lt3A_1271 : vector<16xi1>
    %get3A_1273 = arith.index_cast %multiple_of3A_1262 : i32 to index
    %get3A_1274 = tpu.vector_load %arg6[%get3A_1273] {strides = array<i32>} : memref<120000xf32, #tpu.memory_space<vmem>>, vector<16xf32>,
    %get3A_1275 = vector.shape_cast %get3A_1274 : vector<16xf32> to vector<16xf32>
    %jit3A_1276 = arith.constant 0.000000e+00 : f32
    %broadcast_in_dim3A_1277 = vector.broadcast %jit3A_1276 : f32 to vector<16xf32>
    %select_n3A_1278 = arith.select %and3A_1272, %broadcast_in_dim3A_1277, %get3A_1275 : vector<16xi1>, vector<16xf32>
    %swap3A_1279 = arith.index_cast %multiple_of3A_1262 : i32 to index
    %swap3A_1280 = tpu.vector_load %arg6[%swap3A_1279] {strides = array<i32>} : memref<120000xf32, #tpu.memory_space<vmem>>, vector<16xf32>,
    %swap3A_1281 = vector.shape_cast %swap3A_1280 : vector<16xf32> to vector<16xf32>
    %swap3A_1282 = vector.shape_cast %select_n3A_1278 : vector<16xf32> to vector<16xf32>
    tpu.vector_store %arg6[%swap3A_1279], %swap3A_1282 {strides = array<i32>} : memref<120000xf32, #tpu.memory_space<vmem>>, vector<16xf32>,
    %add3A_1283 = arith.constant 40000 : i32
    %add3A_1284 = arith.addi %add3A_1283, %min3A_1259 : i32
    %multiple_of3A_1285 = tpu.assume_multiple %add3A_1284, 16 : i32
    %add3A_1286 = arith.constant 40000 : i32
    %add3A_1287 = arith.addi %add3A_1286, %min3A_1259 : i32
    %iota3A_1288 = tpu.iota {dimensions = array<i32: 0>} : vector<16xi32>
    %add3A_1289 = vector.broadcast %add3A_1287 : i32 to vector<16xi32>
    %add3A_1290 = arith.addi %add3A_1289, %iota3A_1288 : vector<16xi32>
    %ge3A_1291 = vector.broadcast %squeeze3A_1218 : i32 to vector<16xi32>
    %ge3A_1292 = arith.cmpi sge, %add3A_1290, %ge3A_1291 : vector<16xi32>
    %lt3A_1293 = vector.broadcast %squeeze3A_1220 : i32 to vector<16xi32>
    %lt3A_1294 = arith.cmpi slt, %add3A_1290, %lt3A_1293 : vector<16xi32>
    %and3A_1295 = arith.andi %ge3A_1292, %lt3A_1294 : vector<16xi1>
    %get3A_1296 = arith.index_cast %multiple_of3A_1285 : i32 to index
    %get3A_1297 = tpu.vector_load %arg6[%get3A_1296] {strides = array<i32>} : memref<120000xf32, #tpu.memory_space<vmem>>, vector<16xf32>,
    %get3A_1298 = vector.shape_cast %get3A_1297 : vector<16xf32> to vector<16xf32>
    %jit3A_1299 = arith.constant 0.000000e+00 : f32
    %broadcast_in_dim3A_1300 = vector.broadcast %jit3A_1299 : f32 to vector<16xf32>
    %select_n3A_1301 = arith.select %and3A_1295, %broadcast_in_dim3A_1300, %get3A_1298 : vector<16xi1>, vector<16xf32>
    %swap3A_1302 = arith.index_cast %multiple_of3A_1285 : i32 to index
    %swap3A_1303 = tpu.vector_load %arg6[%swap3A_1302] {strides = array<i32>} : memref<120000xf32, #tpu.memory_space<vmem>>, vector<16xf32>,
    %swap3A_1304 = vector.shape_cast %swap3A_1303 : vector<16xf32> to vector<16xf32>
    %swap3A_1305 = vector.shape_cast %select_n3A_1301 : vector<16xf32> to vector<16xf32>
    tpu.vector_store %arg6[%swap3A_1302], %swap3A_1305 {strides = array<i32>} : memref<120000xf32, #tpu.memory_space<vmem>>, vector<16xf32>,
    %slice3A_1306 = vector.extract_strided_slice %get3A_6 {offsets = [4], sizes = [1], strides = [1]} : vector<16xi32> to vector<1xi32>
    %squeeze3A_1307 = vector.extract %slice3A_1306[0] : i32 from vector<1xi32>
    %slice3A_1308 = vector.extract_strided_slice %get3A_9 {offsets = [4], sizes = [1], strides = [1]} : vector<16xi32> to vector<1xi32>
    %squeeze3A_1309 = vector.extract %slice3A_1308[0] : i32 from vector<1xi32>
    %sub3A_1310 = arith.constant 40000 : i32
    %sub3A_1311 = arith.subi %squeeze3A_1307, %sub3A_1310 : i32
    %jit3A_1312 = arith.constant 0 : i32
    %jit3A_1313 = arith.constant 40000 : i32
    %max3A_1314 = arith.maxsi %jit3A_1312, %sub3A_1311 : i32
    %min3A_1315 = arith.minsi %jit3A_1313, %max3A_1314 : i32
    %sub3A_1316 = arith.constant 40000 : i32
    %sub3A_1317 = arith.subi %squeeze3A_1309, %sub3A_1316 : i32
    %jit3A_1318 = arith.constant 0 : i32
    %jit3A_1319 = arith.constant 40000 : i32
    %max3A_1320 = arith.maxsi %jit3A_1318, %sub3A_1317 : i32
    %min3A_1321 = arith.minsi %jit3A_1319, %max3A_1320 : i32
    %add3A_1322 = arith.constant 15 : i32
    %add3A_1323 = arith.addi %min3A_1315, %add3A_1322 : i32
    %and3A_1324 = arith.constant -16 : i32
    %and3A_1325 = arith.andi %add3A_1323, %and3A_1324 : i32
    %and3A_1326 = arith.constant -16 : i32
    %and3A_1327 = arith.andi %min3A_1321, %and3A_1326 : i32
    %sub3A_1328 = arith.subi %and3A_1327, %and3A_1325 : i32
    %shift_right_arithmetic3A_1329 = arith.constant 4 : i32
    %shift_right_arithmetic3A_1330 = arith.shrsi %sub3A_1328, %shift_right_arithmetic3A_1329 : i32
    %max3A_1331 = arith.constant 0 : i32
    %max3A_1332 = arith.maxsi %shift_right_arithmetic3A_1330, %max3A_1331 : i32
    %while3A_1333 = arith.constant 0 : i32
    %while3A_1334 = arith.constant 0 : i32
    %while3A_1335 = arith.subi %max3A_1332, %while3A_1334 : i32
    %while3A_1336 = arith.addi %while3A_1334, %while3A_1335 : i32
    %while3A_1337 = arith.constant 1 : i32
    %while3A_1338 = arith.divsi %while3A_1335, %while3A_1337 : i32
    %while3A_1339 = arith.muli %while3A_1338, %while3A_1337 : i32
    %while3A_1340 = arith.addi %while3A_1334, %while3A_1339 : i32
    %while3A_1341 = arith.constant 1 : i32
    scf.for %while3A_3681 = %while3A_1334 to %while3A_1340 step %while3A_1341  : i32 {
      %add3A_3682 = arith.constant 40000 : i32
      %add3A_3683 = arith.addi %add3A_3682, %and3A_1325 : i32
      %mul3A_3684 = arith.constant 16 : i32
      %mul3A_3685 = arith.muli %while3A_3681, %mul3A_3684 : i32
      %add3A_3686 = arith.addi %add3A_3683, %mul3A_3685 : i32
      %multiple_of3A_3687 = tpu.assume_multiple %add3A_3686, 16 : i32
      %swap3A_3688 = arith.index_cast %multiple_of3A_3687 : i32 to index
      %swap3A_3689 = tpu.vector_load %arg6[%swap3A_3688] {strides = array<i32>} : memref<120000xf32, #tpu.memory_space<vmem>>, vector<16xf32>,
      %swap3A_3690 = vector.shape_cast %swap3A_3689 : vector<16xf32> to vector<16xf32>
      %swap3A_3691 = vector.shape_cast %broadcast_in_dim3A_949 : vector<16xf32> to vector<16xf32>
      tpu.vector_store %arg6[%swap3A_3688], %swap3A_3691 {strides = array<i32>} : memref<120000xf32, #tpu.memory_space<vmem>>, vector<16xf32>,
    }
    %while3A_1342 = arith.constant 1 : i32
    scf.for %while3A_3681 = %while3A_1340 to %while3A_1336 step %while3A_1342  : i32 {
      %add3A_3682 = arith.constant 40000 : i32
      %add3A_3683 = arith.addi %add3A_3682, %and3A_1325 : i32
      %mul3A_3684 = arith.constant 16 : i32
      %mul3A_3685 = arith.muli %while3A_3681, %mul3A_3684 : i32
      %add3A_3686 = arith.addi %add3A_3683, %mul3A_3685 : i32
      %multiple_of3A_3687 = tpu.assume_multiple %add3A_3686, 16 : i32
      %swap3A_3688 = arith.index_cast %multiple_of3A_3687 : i32 to index
      %swap3A_3689 = tpu.vector_load %arg6[%swap3A_3688] {strides = array<i32>} : memref<120000xf32, #tpu.memory_space<vmem>>, vector<16xf32>,
      %swap3A_3690 = vector.shape_cast %swap3A_3689 : vector<16xf32> to vector<16xf32>
      %swap3A_3691 = vector.shape_cast %broadcast_in_dim3A_949 : vector<16xf32> to vector<16xf32>
      tpu.vector_store %arg6[%swap3A_3688], %swap3A_3691 {strides = array<i32>} : memref<120000xf32, #tpu.memory_space<vmem>>, vector<16xf32>,
    }
    %and3A_1343 = arith.constant -16 : i32
    %and3A_1344 = arith.andi %min3A_1315, %and3A_1343 : i32
    %min3A_1345 = arith.constant 39984 : i32
    %min3A_1346 = arith.minsi %and3A_1344, %min3A_1345 : i32
    %min3A_1347 = arith.constant 39984 : i32
    %min3A_1348 = arith.minsi %and3A_1327, %min3A_1347 : i32
    %add3A_1349 = arith.constant 40000 : i32
    %add3A_1350 = arith.addi %add3A_1349, %min3A_1346 : i32
    %multiple_of3A_1351 = tpu.assume_multiple %add3A_1350, 16 : i32
    %add3A_1352 = arith.constant 40000 : i32
    %add3A_1353 = arith.addi %add3A_1352, %min3A_1346 : i32
    %iota3A_1354 = tpu.iota {dimensions = array<i32: 0>} : vector<16xi32>
    %add3A_1355 = vector.broadcast %add3A_1353 : i32 to vector<16xi32>
    %add3A_1356 = arith.addi %add3A_1355, %iota3A_1354 : vector<16xi32>
    %ge3A_1357 = vector.broadcast %squeeze3A_1307 : i32 to vector<16xi32>
    %ge3A_1358 = arith.cmpi sge, %add3A_1356, %ge3A_1357 : vector<16xi32>
    %lt3A_1359 = vector.broadcast %squeeze3A_1309 : i32 to vector<16xi32>
    %lt3A_1360 = arith.cmpi slt, %add3A_1356, %lt3A_1359 : vector<16xi32>
    %and3A_1361 = arith.andi %ge3A_1358, %lt3A_1360 : vector<16xi1>
    %get3A_1362 = arith.index_cast %multiple_of3A_1351 : i32 to index
    %get3A_1363 = tpu.vector_load %arg6[%get3A_1362] {strides = array<i32>} : memref<120000xf32, #tpu.memory_space<vmem>>, vector<16xf32>,
    %get3A_1364 = vector.shape_cast %get3A_1363 : vector<16xf32> to vector<16xf32>
    %jit3A_1365 = arith.constant 0.000000e+00 : f32
    %broadcast_in_dim3A_1366 = vector.broadcast %jit3A_1365 : f32 to vector<16xf32>
    %select_n3A_1367 = arith.select %and3A_1361, %broadcast_in_dim3A_1366, %get3A_1364 : vector<16xi1>, vector<16xf32>
    %swap3A_1368 = arith.index_cast %multiple_of3A_1351 : i32 to index
    %swap3A_1369 = tpu.vector_load %arg6[%swap3A_1368] {strides = array<i32>} : memref<120000xf32, #tpu.memory_space<vmem>>, vector<16xf32>,
    %swap3A_1370 = vector.shape_cast %swap3A_1369 : vector<16xf32> to vector<16xf32>
    %swap3A_1371 = vector.shape_cast %select_n3A_1367 : vector<16xf32> to vector<16xf32>
    tpu.vector_store %arg6[%swap3A_1368], %swap3A_1371 {strides = array<i32>} : memref<120000xf32, #tpu.memory_space<vmem>>, vector<16xf32>,
    %add3A_1372 = arith.constant 40000 : i32
    %add3A_1373 = arith.addi %add3A_1372, %min3A_1348 : i32
    %multiple_of3A_1374 = tpu.assume_multiple %add3A_1373, 16 : i32
    %add3A_1375 = arith.constant 40000 : i32
    %add3A_1376 = arith.addi %add3A_1375, %min3A_1348 : i32
    %iota3A_1377 = tpu.iota {dimensions = array<i32: 0>} : vector<16xi32>
    %add3A_1378 = vector.broadcast %add3A_1376 : i32 to vector<16xi32>
    %add3A_1379 = arith.addi %add3A_1378, %iota3A_1377 : vector<16xi32>
    %ge3A_1380 = vector.broadcast %squeeze3A_1307 : i32 to vector<16xi32>
    %ge3A_1381 = arith.cmpi sge, %add3A_1379, %ge3A_1380 : vector<16xi32>
    %lt3A_1382 = vector.broadcast %squeeze3A_1309 : i32 to vector<16xi32>
    %lt3A_1383 = arith.cmpi slt, %add3A_1379, %lt3A_1382 : vector<16xi32>
    %and3A_1384 = arith.andi %ge3A_1381, %lt3A_1383 : vector<16xi1>
    %get3A_1385 = arith.index_cast %multiple_of3A_1374 : i32 to index
    %get3A_1386 = tpu.vector_load %arg6[%get3A_1385] {strides = array<i32>} : memref<120000xf32, #tpu.memory_space<vmem>>, vector<16xf32>,
    %get3A_1387 = vector.shape_cast %get3A_1386 : vector<16xf32> to vector<16xf32>
    %jit3A_1388 = arith.constant 0.000000e+00 : f32
    %broadcast_in_dim3A_1389 = vector.broadcast %jit3A_1388 : f32 to vector<16xf32>
    %select_n3A_1390 = arith.select %and3A_1384, %broadcast_in_dim3A_1389, %get3A_1387 : vector<16xi1>, vector<16xf32>
    %swap3A_1391 = arith.index_cast %multiple_of3A_1374 : i32 to index
    %swap3A_1392 = tpu.vector_load %arg6[%swap3A_1391] {strides = array<i32>} : memref<120000xf32, #tpu.memory_space<vmem>>, vector<16xf32>,
    %swap3A_1393 = vector.shape_cast %swap3A_1392 : vector<16xf32> to vector<16xf32>
    %swap3A_1394 = vector.shape_cast %select_n3A_1390 : vector<16xf32> to vector<16xf32>
    tpu.vector_store %arg6[%swap3A_1391], %swap3A_1394 {strides = array<i32>} : memref<120000xf32, #tpu.memory_space<vmem>>, vector<16xf32>,
    %slice3A_1395 = vector.extract_strided_slice %get3A_6 {offsets = [5], sizes = [1], strides = [1]} : vector<16xi32> to vector<1xi32>
    %squeeze3A_1396 = vector.extract %slice3A_1395[0] : i32 from vector<1xi32>
    %slice3A_1397 = vector.extract_strided_slice %get3A_9 {offsets = [5], sizes = [1], strides = [1]} : vector<16xi32> to vector<1xi32>
    %squeeze3A_1398 = vector.extract %slice3A_1397[0] : i32 from vector<1xi32>
    %sub3A_1399 = arith.constant 40000 : i32
    %sub3A_1400 = arith.subi %squeeze3A_1396, %sub3A_1399 : i32
    %jit3A_1401 = arith.constant 0 : i32
    %jit3A_1402 = arith.constant 40000 : i32
    %max3A_1403 = arith.maxsi %jit3A_1401, %sub3A_1400 : i32
    %min3A_1404 = arith.minsi %jit3A_1402, %max3A_1403 : i32
    %sub3A_1405 = arith.constant 40000 : i32
    %sub3A_1406 = arith.subi %squeeze3A_1398, %sub3A_1405 : i32
    %jit3A_1407 = arith.constant 0 : i32
    %jit3A_1408 = arith.constant 40000 : i32
    %max3A_1409 = arith.maxsi %jit3A_1407, %sub3A_1406 : i32
    %min3A_1410 = arith.minsi %jit3A_1408, %max3A_1409 : i32
    %add3A_1411 = arith.constant 15 : i32
    %add3A_1412 = arith.addi %min3A_1404, %add3A_1411 : i32
    %and3A_1413 = arith.constant -16 : i32
    %and3A_1414 = arith.andi %add3A_1412, %and3A_1413 : i32
    %and3A_1415 = arith.constant -16 : i32
    %and3A_1416 = arith.andi %min3A_1410, %and3A_1415 : i32
    %sub3A_1417 = arith.subi %and3A_1416, %and3A_1414 : i32
    %shift_right_arithmetic3A_1418 = arith.constant 4 : i32
    %shift_right_arithmetic3A_1419 = arith.shrsi %sub3A_1417, %shift_right_arithmetic3A_1418 : i32
    %max3A_1420 = arith.constant 0 : i32
    %max3A_1421 = arith.maxsi %shift_right_arithmetic3A_1419, %max3A_1420 : i32
    %while3A_1422 = arith.constant 0 : i32
    %while3A_1423 = arith.constant 0 : i32
    %while3A_1424 = arith.subi %max3A_1421, %while3A_1423 : i32
    %while3A_1425 = arith.addi %while3A_1423, %while3A_1424 : i32
    %while3A_1426 = arith.constant 1 : i32
    %while3A_1427 = arith.divsi %while3A_1424, %while3A_1426 : i32
    %while3A_1428 = arith.muli %while3A_1427, %while3A_1426 : i32
    %while3A_1429 = arith.addi %while3A_1423, %while3A_1428 : i32
    %while3A_1430 = arith.constant 1 : i32
    scf.for %while3A_3681 = %while3A_1423 to %while3A_1429 step %while3A_1430  : i32 {
      %add3A_3682 = arith.constant 40000 : i32
      %add3A_3683 = arith.addi %add3A_3682, %and3A_1414 : i32
      %mul3A_3684 = arith.constant 16 : i32
      %mul3A_3685 = arith.muli %while3A_3681, %mul3A_3684 : i32
      %add3A_3686 = arith.addi %add3A_3683, %mul3A_3685 : i32
      %multiple_of3A_3687 = tpu.assume_multiple %add3A_3686, 16 : i32
      %swap3A_3688 = arith.index_cast %multiple_of3A_3687 : i32 to index
      %swap3A_3689 = tpu.vector_load %arg6[%swap3A_3688] {strides = array<i32>} : memref<120000xf32, #tpu.memory_space<vmem>>, vector<16xf32>,
      %swap3A_3690 = vector.shape_cast %swap3A_3689 : vector<16xf32> to vector<16xf32>
      %swap3A_3691 = vector.shape_cast %broadcast_in_dim3A_949 : vector<16xf32> to vector<16xf32>
      tpu.vector_store %arg6[%swap3A_3688], %swap3A_3691 {strides = array<i32>} : memref<120000xf32, #tpu.memory_space<vmem>>, vector<16xf32>,
    }
    %while3A_1431 = arith.constant 1 : i32
    scf.for %while3A_3681 = %while3A_1429 to %while3A_1425 step %while3A_1431  : i32 {
      %add3A_3682 = arith.constant 40000 : i32
      %add3A_3683 = arith.addi %add3A_3682, %and3A_1414 : i32
      %mul3A_3684 = arith.constant 16 : i32
      %mul3A_3685 = arith.muli %while3A_3681, %mul3A_3684 : i32
      %add3A_3686 = arith.addi %add3A_3683, %mul3A_3685 : i32
      %multiple_of3A_3687 = tpu.assume_multiple %add3A_3686, 16 : i32
      %swap3A_3688 = arith.index_cast %multiple_of3A_3687 : i32 to index
      %swap3A_3689 = tpu.vector_load %arg6[%swap3A_3688] {strides = array<i32>} : memref<120000xf32, #tpu.memory_space<vmem>>, vector<16xf32>,
      %swap3A_3690 = vector.shape_cast %swap3A_3689 : vector<16xf32> to vector<16xf32>
      %swap3A_3691 = vector.shape_cast %broadcast_in_dim3A_949 : vector<16xf32> to vector<16xf32>
      tpu.vector_store %arg6[%swap3A_3688], %swap3A_3691 {strides = array<i32>} : memref<120000xf32, #tpu.memory_space<vmem>>, vector<16xf32>,
    }
    %and3A_1432 = arith.constant -16 : i32
    %and3A_1433 = arith.andi %min3A_1404, %and3A_1432 : i32
    %min3A_1434 = arith.constant 39984 : i32
    %min3A_1435 = arith.minsi %and3A_1433, %min3A_1434 : i32
    %min3A_1436 = arith.constant 39984 : i32
    %min3A_1437 = arith.minsi %and3A_1416, %min3A_1436 : i32
    %add3A_1438 = arith.constant 40000 : i32
    %add3A_1439 = arith.addi %add3A_1438, %min3A_1435 : i32
    %multiple_of3A_1440 = tpu.assume_multiple %add3A_1439, 16 : i32
    %add3A_1441 = arith.constant 40000 : i32
    %add3A_1442 = arith.addi %add3A_1441, %min3A_1435 : i32
    %iota3A_1443 = tpu.iota {dimensions = array<i32: 0>} : vector<16xi32>
    %add3A_1444 = vector.broadcast %add3A_1442 : i32 to vector<16xi32>
    %add3A_1445 = arith.addi %add3A_1444, %iota3A_1443 : vector<16xi32>
    %ge3A_1446 = vector.broadcast %squeeze3A_1396 : i32 to vector<16xi32>
    %ge3A_1447 = arith.cmpi sge, %add3A_1445, %ge3A_1446 : vector<16xi32>
    %lt3A_1448 = vector.broadcast %squeeze3A_1398 : i32 to vector<16xi32>
    %lt3A_1449 = arith.cmpi slt, %add3A_1445, %lt3A_1448 : vector<16xi32>
    %and3A_1450 = arith.andi %ge3A_1447, %lt3A_1449 : vector<16xi1>
    %get3A_1451 = arith.index_cast %multiple_of3A_1440 : i32 to index
    %get3A_1452 = tpu.vector_load %arg6[%get3A_1451] {strides = array<i32>} : memref<120000xf32, #tpu.memory_space<vmem>>, vector<16xf32>,
    %get3A_1453 = vector.shape_cast %get3A_1452 : vector<16xf32> to vector<16xf32>
    %jit3A_1454 = arith.constant 0.000000e+00 : f32
    %broadcast_in_dim3A_1455 = vector.broadcast %jit3A_1454 : f32 to vector<16xf32>
    %select_n3A_1456 = arith.select %and3A_1450, %broadcast_in_dim3A_1455, %get3A_1453 : vector<16xi1>, vector<16xf32>
    %swap3A_1457 = arith.index_cast %multiple_of3A_1440 : i32 to index
    %swap3A_1458 = tpu.vector_load %arg6[%swap3A_1457] {strides = array<i32>} : memref<120000xf32, #tpu.memory_space<vmem>>, vector<16xf32>,
    %swap3A_1459 = vector.shape_cast %swap3A_1458 : vector<16xf32> to vector<16xf32>
    %swap3A_1460 = vector.shape_cast %select_n3A_1456 : vector<16xf32> to vector<16xf32>
    tpu.vector_store %arg6[%swap3A_1457], %swap3A_1460 {strides = array<i32>} : memref<120000xf32, #tpu.memory_space<vmem>>, vector<16xf32>,
    %add3A_1461 = arith.constant 40000 : i32
    %add3A_1462 = arith.addi %add3A_1461, %min3A_1437 : i32
    %multiple_of3A_1463 = tpu.assume_multiple %add3A_1462, 16 : i32
    %add3A_1464 = arith.constant 40000 : i32
    %add3A_1465 = arith.addi %add3A_1464, %min3A_1437 : i32
    %iota3A_1466 = tpu.iota {dimensions = array<i32: 0>} : vector<16xi32>
    %add3A_1467 = vector.broadcast %add3A_1465 : i32 to vector<16xi32>
    %add3A_1468 = arith.addi %add3A_1467, %iota3A_1466 : vector<16xi32>
    %ge3A_1469 = vector.broadcast %squeeze3A_1396 : i32 to vector<16xi32>
    %ge3A_1470 = arith.cmpi sge, %add3A_1468, %ge3A_1469 : vector<16xi32>
    %lt3A_1471 = vector.broadcast %squeeze3A_1398 : i32 to vector<16xi32>
    %lt3A_1472 = arith.cmpi slt, %add3A_1468, %lt3A_1471 : vector<16xi32>
    %and3A_1473 = arith.andi %ge3A_1470, %lt3A_1472 : vector<16xi1>
    %get3A_1474 = arith.index_cast %multiple_of3A_1463 : i32 to index
    %get3A_1475 = tpu.vector_load %arg6[%get3A_1474] {strides = array<i32>} : memref<120000xf32, #tpu.memory_space<vmem>>, vector<16xf32>,
    %get3A_1476 = vector.shape_cast %get3A_1475 : vector<16xf32> to vector<16xf32>
    %jit3A_1477 = arith.constant 0.000000e+00 : f32
    %broadcast_in_dim3A_1478 = vector.broadcast %jit3A_1477 : f32 to vector<16xf32>
    %select_n3A_1479 = arith.select %and3A_1473, %broadcast_in_dim3A_1478, %get3A_1476 : vector<16xi1>, vector<16xf32>
    %swap3A_1480 = arith.index_cast %multiple_of3A_1463 : i32 to index
    %swap3A_1481 = tpu.vector_load %arg6[%swap3A_1480] {strides = array<i32>} : memref<120000xf32, #tpu.memory_space<vmem>>, vector<16xf32>,
    %swap3A_1482 = vector.shape_cast %swap3A_1481 : vector<16xf32> to vector<16xf32>
    %swap3A_1483 = vector.shape_cast %select_n3A_1479 : vector<16xf32> to vector<16xf32>
    tpu.vector_store %arg6[%swap3A_1480], %swap3A_1483 {strides = array<i32>} : memref<120000xf32, #tpu.memory_space<vmem>>, vector<16xf32>,
    %slice3A_1484 = vector.extract_strided_slice %get3A_6 {offsets = [6], sizes = [1], strides = [1]} : vector<16xi32> to vector<1xi32>
    %squeeze3A_1485 = vector.extract %slice3A_1484[0] : i32 from vector<1xi32>
    %slice3A_1486 = vector.extract_strided_slice %get3A_9 {offsets = [6], sizes = [1], strides = [1]} : vector<16xi32> to vector<1xi32>
    %squeeze3A_1487 = vector.extract %slice3A_1486[0] : i32 from vector<1xi32>
    %sub3A_1488 = arith.constant 40000 : i32
    %sub3A_1489 = arith.subi %squeeze3A_1485, %sub3A_1488 : i32
    %jit3A_1490 = arith.constant 0 : i32
    %jit3A_1491 = arith.constant 40000 : i32
    %max3A_1492 = arith.maxsi %jit3A_1490, %sub3A_1489 : i32
    %min3A_1493 = arith.minsi %jit3A_1491, %max3A_1492 : i32
    %sub3A_1494 = arith.constant 40000 : i32
    %sub3A_1495 = arith.subi %squeeze3A_1487, %sub3A_1494 : i32
    %jit3A_1496 = arith.constant 0 : i32
    %jit3A_1497 = arith.constant 40000 : i32
    %max3A_1498 = arith.maxsi %jit3A_1496, %sub3A_1495 : i32
    %min3A_1499 = arith.minsi %jit3A_1497, %max3A_1498 : i32
    %add3A_1500 = arith.constant 15 : i32
    %add3A_1501 = arith.addi %min3A_1493, %add3A_1500 : i32
    %and3A_1502 = arith.constant -16 : i32
    %and3A_1503 = arith.andi %add3A_1501, %and3A_1502 : i32
    %and3A_1504 = arith.constant -16 : i32
    %and3A_1505 = arith.andi %min3A_1499, %and3A_1504 : i32
    %sub3A_1506 = arith.subi %and3A_1505, %and3A_1503 : i32
    %shift_right_arithmetic3A_1507 = arith.constant 4 : i32
    %shift_right_arithmetic3A_1508 = arith.shrsi %sub3A_1506, %shift_right_arithmetic3A_1507 : i32
    %max3A_1509 = arith.constant 0 : i32
    %max3A_1510 = arith.maxsi %shift_right_arithmetic3A_1508, %max3A_1509 : i32
    %while3A_1511 = arith.constant 0 : i32
    %while3A_1512 = arith.constant 0 : i32
    %while3A_1513 = arith.subi %max3A_1510, %while3A_1512 : i32
    %while3A_1514 = arith.addi %while3A_1512, %while3A_1513 : i32
    %while3A_1515 = arith.constant 1 : i32
    %while3A_1516 = arith.divsi %while3A_1513, %while3A_1515 : i32
    %while3A_1517 = arith.muli %while3A_1516, %while3A_1515 : i32
    %while3A_1518 = arith.addi %while3A_1512, %while3A_1517 : i32
    %while3A_1519 = arith.constant 1 : i32
    scf.for %while3A_3681 = %while3A_1512 to %while3A_1518 step %while3A_1519  : i32 {
      %add3A_3682 = arith.constant 40000 : i32
      %add3A_3683 = arith.addi %add3A_3682, %and3A_1503 : i32
      %mul3A_3684 = arith.constant 16 : i32
      %mul3A_3685 = arith.muli %while3A_3681, %mul3A_3684 : i32
      %add3A_3686 = arith.addi %add3A_3683, %mul3A_3685 : i32
      %multiple_of3A_3687 = tpu.assume_multiple %add3A_3686, 16 : i32
      %swap3A_3688 = arith.index_cast %multiple_of3A_3687 : i32 to index
      %swap3A_3689 = tpu.vector_load %arg6[%swap3A_3688] {strides = array<i32>} : memref<120000xf32, #tpu.memory_space<vmem>>, vector<16xf32>,
      %swap3A_3690 = vector.shape_cast %swap3A_3689 : vector<16xf32> to vector<16xf32>
      %swap3A_3691 = vector.shape_cast %broadcast_in_dim3A_949 : vector<16xf32> to vector<16xf32>
      tpu.vector_store %arg6[%swap3A_3688], %swap3A_3691 {strides = array<i32>} : memref<120000xf32, #tpu.memory_space<vmem>>, vector<16xf32>,
    }
    %while3A_1520 = arith.constant 1 : i32
    scf.for %while3A_3681 = %while3A_1518 to %while3A_1514 step %while3A_1520  : i32 {
      %add3A_3682 = arith.constant 40000 : i32
      %add3A_3683 = arith.addi %add3A_3682, %and3A_1503 : i32
      %mul3A_3684 = arith.constant 16 : i32
      %mul3A_3685 = arith.muli %while3A_3681, %mul3A_3684 : i32
      %add3A_3686 = arith.addi %add3A_3683, %mul3A_3685 : i32
      %multiple_of3A_3687 = tpu.assume_multiple %add3A_3686, 16 : i32
      %swap3A_3688 = arith.index_cast %multiple_of3A_3687 : i32 to index
      %swap3A_3689 = tpu.vector_load %arg6[%swap3A_3688] {strides = array<i32>} : memref<120000xf32, #tpu.memory_space<vmem>>, vector<16xf32>,
      %swap3A_3690 = vector.shape_cast %swap3A_3689 : vector<16xf32> to vector<16xf32>
      %swap3A_3691 = vector.shape_cast %broadcast_in_dim3A_949 : vector<16xf32> to vector<16xf32>
      tpu.vector_store %arg6[%swap3A_3688], %swap3A_3691 {strides = array<i32>} : memref<120000xf32, #tpu.memory_space<vmem>>, vector<16xf32>,
    }
    %and3A_1521 = arith.constant -16 : i32
    %and3A_1522 = arith.andi %min3A_1493, %and3A_1521 : i32
    %min3A_1523 = arith.constant 39984 : i32
    %min3A_1524 = arith.minsi %and3A_1522, %min3A_1523 : i32
    %min3A_1525 = arith.constant 39984 : i32
    %min3A_1526 = arith.minsi %and3A_1505, %min3A_1525 : i32
    %add3A_1527 = arith.constant 40000 : i32
    %add3A_1528 = arith.addi %add3A_1527, %min3A_1524 : i32
    %multiple_of3A_1529 = tpu.assume_multiple %add3A_1528, 16 : i32
    %add3A_1530 = arith.constant 40000 : i32
    %add3A_1531 = arith.addi %add3A_1530, %min3A_1524 : i32
    %iota3A_1532 = tpu.iota {dimensions = array<i32: 0>} : vector<16xi32>
    %add3A_1533 = vector.broadcast %add3A_1531 : i32 to vector<16xi32>
    %add3A_1534 = arith.addi %add3A_1533, %iota3A_1532 : vector<16xi32>
    %ge3A_1535 = vector.broadcast %squeeze3A_1485 : i32 to vector<16xi32>
    %ge3A_1536 = arith.cmpi sge, %add3A_1534, %ge3A_1535 : vector<16xi32>
    %lt3A_1537 = vector.broadcast %squeeze3A_1487 : i32 to vector<16xi32>
    %lt3A_1538 = arith.cmpi slt, %add3A_1534, %lt3A_1537 : vector<16xi32>
    %and3A_1539 = arith.andi %ge3A_1536, %lt3A_1538 : vector<16xi1>
    %get3A_1540 = arith.index_cast %multiple_of3A_1529 : i32 to index
    %get3A_1541 = tpu.vector_load %arg6[%get3A_1540] {strides = array<i32>} : memref<120000xf32, #tpu.memory_space<vmem>>, vector<16xf32>,
    %get3A_1542 = vector.shape_cast %get3A_1541 : vector<16xf32> to vector<16xf32>
    %jit3A_1543 = arith.constant 0.000000e+00 : f32
    %broadcast_in_dim3A_1544 = vector.broadcast %jit3A_1543 : f32 to vector<16xf32>
    %select_n3A_1545 = arith.select %and3A_1539, %broadcast_in_dim3A_1544, %get3A_1542 : vector<16xi1>, vector<16xf32>
    %swap3A_1546 = arith.index_cast %multiple_of3A_1529 : i32 to index
    %swap3A_1547 = tpu.vector_load %arg6[%swap3A_1546] {strides = array<i32>} : memref<120000xf32, #tpu.memory_space<vmem>>, vector<16xf32>,
    %swap3A_1548 = vector.shape_cast %swap3A_1547 : vector<16xf32> to vector<16xf32>
    %swap3A_1549 = vector.shape_cast %select_n3A_1545 : vector<16xf32> to vector<16xf32>
    tpu.vector_store %arg6[%swap3A_1546], %swap3A_1549 {strides = array<i32>} : memref<120000xf32, #tpu.memory_space<vmem>>, vector<16xf32>,
    %add3A_1550 = arith.constant 40000 : i32
    %add3A_1551 = arith.addi %add3A_1550, %min3A_1526 : i32
    %multiple_of3A_1552 = tpu.assume_multiple %add3A_1551, 16 : i32
    %add3A_1553 = arith.constant 40000 : i32
    %add3A_1554 = arith.addi %add3A_1553, %min3A_1526 : i32
    %iota3A_1555 = tpu.iota {dimensions = array<i32: 0>} : vector<16xi32>
    %add3A_1556 = vector.broadcast %add3A_1554 : i32 to vector<16xi32>
    %add3A_1557 = arith.addi %add3A_1556, %iota3A_1555 : vector<16xi32>
    %ge3A_1558 = vector.broadcast %squeeze3A_1485 : i32 to vector<16xi32>
    %ge3A_1559 = arith.cmpi sge, %add3A_1557, %ge3A_1558 : vector<16xi32>
    %lt3A_1560 = vector.broadcast %squeeze3A_1487 : i32 to vector<16xi32>
    %lt3A_1561 = arith.cmpi slt, %add3A_1557, %lt3A_1560 : vector<16xi32>
    %and3A_1562 = arith.andi %ge3A_1559, %lt3A_1561 : vector<16xi1>
    %get3A_1563 = arith.index_cast %multiple_of3A_1552 : i32 to index
    %get3A_1564 = tpu.vector_load %arg6[%get3A_1563] {strides = array<i32>} : memref<120000xf32, #tpu.memory_space<vmem>>, vector<16xf32>,
    %get3A_1565 = vector.shape_cast %get3A_1564 : vector<16xf32> to vector<16xf32>
    %jit3A_1566 = arith.constant 0.000000e+00 : f32
    %broadcast_in_dim3A_1567 = vector.broadcast %jit3A_1566 : f32 to vector<16xf32>
    %select_n3A_1568 = arith.select %and3A_1562, %broadcast_in_dim3A_1567, %get3A_1565 : vector<16xi1>, vector<16xf32>
    %swap3A_1569 = arith.index_cast %multiple_of3A_1552 : i32 to index
    %swap3A_1570 = tpu.vector_load %arg6[%swap3A_1569] {strides = array<i32>} : memref<120000xf32, #tpu.memory_space<vmem>>, vector<16xf32>,
    %swap3A_1571 = vector.shape_cast %swap3A_1570 : vector<16xf32> to vector<16xf32>
    %swap3A_1572 = vector.shape_cast %select_n3A_1568 : vector<16xf32> to vector<16xf32>
    tpu.vector_store %arg6[%swap3A_1569], %swap3A_1572 {strides = array<i32>} : memref<120000xf32, #tpu.memory_space<vmem>>, vector<16xf32>,
    %slice3A_1573 = vector.extract_strided_slice %get3A_6 {offsets = [7], sizes = [1], strides = [1]} : vector<16xi32> to vector<1xi32>
    %squeeze3A_1574 = vector.extract %slice3A_1573[0] : i32 from vector<1xi32>
    %slice3A_1575 = vector.extract_strided_slice %get3A_9 {offsets = [7], sizes = [1], strides = [1]} : vector<16xi32> to vector<1xi32>
    %squeeze3A_1576 = vector.extract %slice3A_1575[0] : i32 from vector<1xi32>
    %sub3A_1577 = arith.constant 40000 : i32
    %sub3A_1578 = arith.subi %squeeze3A_1574, %sub3A_1577 : i32
    %jit3A_1579 = arith.constant 0 : i32
    %jit3A_1580 = arith.constant 40000 : i32
    %max3A_1581 = arith.maxsi %jit3A_1579, %sub3A_1578 : i32
    %min3A_1582 = arith.minsi %jit3A_1580, %max3A_1581 : i32
    %sub3A_1583 = arith.constant 40000 : i32
    %sub3A_1584 = arith.subi %squeeze3A_1576, %sub3A_1583 : i32
    %jit3A_1585 = arith.constant 0 : i32
    %jit3A_1586 = arith.constant 40000 : i32
    %max3A_1587 = arith.maxsi %jit3A_1585, %sub3A_1584 : i32
    %min3A_1588 = arith.minsi %jit3A_1586, %max3A_1587 : i32
    %add3A_1589 = arith.constant 15 : i32
    %add3A_1590 = arith.addi %min3A_1582, %add3A_1589 : i32
    %and3A_1591 = arith.constant -16 : i32
    %and3A_1592 = arith.andi %add3A_1590, %and3A_1591 : i32
    %and3A_1593 = arith.constant -16 : i32
    %and3A_1594 = arith.andi %min3A_1588, %and3A_1593 : i32
    %sub3A_1595 = arith.subi %and3A_1594, %and3A_1592 : i32
    %shift_right_arithmetic3A_1596 = arith.constant 4 : i32
    %shift_right_arithmetic3A_1597 = arith.shrsi %sub3A_1595, %shift_right_arithmetic3A_1596 : i32
    %max3A_1598 = arith.constant 0 : i32
    %max3A_1599 = arith.maxsi %shift_right_arithmetic3A_1597, %max3A_1598 : i32
    %while3A_1600 = arith.constant 0 : i32
    %while3A_1601 = arith.constant 0 : i32
    %while3A_1602 = arith.subi %max3A_1599, %while3A_1601 : i32
    %while3A_1603 = arith.addi %while3A_1601, %while3A_1602 : i32
    %while3A_1604 = arith.constant 1 : i32
    %while3A_1605 = arith.divsi %while3A_1602, %while3A_1604 : i32
    %while3A_1606 = arith.muli %while3A_1605, %while3A_1604 : i32
    %while3A_1607 = arith.addi %while3A_1601, %while3A_1606 : i32
    %while3A_1608 = arith.constant 1 : i32
    scf.for %while3A_3681 = %while3A_1601 to %while3A_1607 step %while3A_1608  : i32 {
      %add3A_3682 = arith.constant 40000 : i32
      %add3A_3683 = arith.addi %add3A_3682, %and3A_1592 : i32
      %mul3A_3684 = arith.constant 16 : i32
      %mul3A_3685 = arith.muli %while3A_3681, %mul3A_3684 : i32
      %add3A_3686 = arith.addi %add3A_3683, %mul3A_3685 : i32
      %multiple_of3A_3687 = tpu.assume_multiple %add3A_3686, 16 : i32
      %swap3A_3688 = arith.index_cast %multiple_of3A_3687 : i32 to index
      %swap3A_3689 = tpu.vector_load %arg6[%swap3A_3688] {strides = array<i32>} : memref<120000xf32, #tpu.memory_space<vmem>>, vector<16xf32>,
      %swap3A_3690 = vector.shape_cast %swap3A_3689 : vector<16xf32> to vector<16xf32>
      %swap3A_3691 = vector.shape_cast %broadcast_in_dim3A_949 : vector<16xf32> to vector<16xf32>
      tpu.vector_store %arg6[%swap3A_3688], %swap3A_3691 {strides = array<i32>} : memref<120000xf32, #tpu.memory_space<vmem>>, vector<16xf32>,
    }
    %while3A_1609 = arith.constant 1 : i32
    scf.for %while3A_3681 = %while3A_1607 to %while3A_1603 step %while3A_1609  : i32 {
      %add3A_3682 = arith.constant 40000 : i32
      %add3A_3683 = arith.addi %add3A_3682, %and3A_1592 : i32
      %mul3A_3684 = arith.constant 16 : i32
      %mul3A_3685 = arith.muli %while3A_3681, %mul3A_3684 : i32
      %add3A_3686 = arith.addi %add3A_3683, %mul3A_3685 : i32
      %multiple_of3A_3687 = tpu.assume_multiple %add3A_3686, 16 : i32
      %swap3A_3688 = arith.index_cast %multiple_of3A_3687 : i32 to index
      %swap3A_3689 = tpu.vector_load %arg6[%swap3A_3688] {strides = array<i32>} : memref<120000xf32, #tpu.memory_space<vmem>>, vector<16xf32>,
      %swap3A_3690 = vector.shape_cast %swap3A_3689 : vector<16xf32> to vector<16xf32>
      %swap3A_3691 = vector.shape_cast %broadcast_in_dim3A_949 : vector<16xf32> to vector<16xf32>
      tpu.vector_store %arg6[%swap3A_3688], %swap3A_3691 {strides = array<i32>} : memref<120000xf32, #tpu.memory_space<vmem>>, vector<16xf32>,
    }
    %and3A_1610 = arith.constant -16 : i32
    %and3A_1611 = arith.andi %min3A_1582, %and3A_1610 : i32
    %min3A_1612 = arith.constant 39984 : i32
    %min3A_1613 = arith.minsi %and3A_1611, %min3A_1612 : i32
    %min3A_1614 = arith.constant 39984 : i32
    %min3A_1615 = arith.minsi %and3A_1594, %min3A_1614 : i32
    %add3A_1616 = arith.constant 40000 : i32
    %add3A_1617 = arith.addi %add3A_1616, %min3A_1613 : i32
    %multiple_of3A_1618 = tpu.assume_multiple %add3A_1617, 16 : i32
    %add3A_1619 = arith.constant 40000 : i32
    %add3A_1620 = arith.addi %add3A_1619, %min3A_1613 : i32
    %iota3A_1621 = tpu.iota {dimensions = array<i32: 0>} : vector<16xi32>
    %add3A_1622 = vector.broadcast %add3A_1620 : i32 to vector<16xi32>
    %add3A_1623 = arith.addi %add3A_1622, %iota3A_1621 : vector<16xi32>
    %ge3A_1624 = vector.broadcast %squeeze3A_1574 : i32 to vector<16xi32>
    %ge3A_1625 = arith.cmpi sge, %add3A_1623, %ge3A_1624 : vector<16xi32>
    %lt3A_1626 = vector.broadcast %squeeze3A_1576 : i32 to vector<16xi32>
    %lt3A_1627 = arith.cmpi slt, %add3A_1623, %lt3A_1626 : vector<16xi32>
    %and3A_1628 = arith.andi %ge3A_1625, %lt3A_1627 : vector<16xi1>
    %get3A_1629 = arith.index_cast %multiple_of3A_1618 : i32 to index
    %get3A_1630 = tpu.vector_load %arg6[%get3A_1629] {strides = array<i32>} : memref<120000xf32, #tpu.memory_space<vmem>>, vector<16xf32>,
    %get3A_1631 = vector.shape_cast %get3A_1630 : vector<16xf32> to vector<16xf32>
    %jit3A_1632 = arith.constant 0.000000e+00 : f32
    %broadcast_in_dim3A_1633 = vector.broadcast %jit3A_1632 : f32 to vector<16xf32>
    %select_n3A_1634 = arith.select %and3A_1628, %broadcast_in_dim3A_1633, %get3A_1631 : vector<16xi1>, vector<16xf32>
    %swap3A_1635 = arith.index_cast %multiple_of3A_1618 : i32 to index
    %swap3A_1636 = tpu.vector_load %arg6[%swap3A_1635] {strides = array<i32>} : memref<120000xf32, #tpu.memory_space<vmem>>, vector<16xf32>,
    %swap3A_1637 = vector.shape_cast %swap3A_1636 : vector<16xf32> to vector<16xf32>
    %swap3A_1638 = vector.shape_cast %select_n3A_1634 : vector<16xf32> to vector<16xf32>
    tpu.vector_store %arg6[%swap3A_1635], %swap3A_1638 {strides = array<i32>} : memref<120000xf32, #tpu.memory_space<vmem>>, vector<16xf32>,
    %add3A_1639 = arith.constant 40000 : i32
    %add3A_1640 = arith.addi %add3A_1639, %min3A_1615 : i32
    %multiple_of3A_1641 = tpu.assume_multiple %add3A_1640, 16 : i32
    %add3A_1642 = arith.constant 40000 : i32
    %add3A_1643 = arith.addi %add3A_1642, %min3A_1615 : i32
    %iota3A_1644 = tpu.iota {dimensions = array<i32: 0>} : vector<16xi32>
    %add3A_1645 = vector.broadcast %add3A_1643 : i32 to vector<16xi32>
    %add3A_1646 = arith.addi %add3A_1645, %iota3A_1644 : vector<16xi32>
    %ge3A_1647 = vector.broadcast %squeeze3A_1574 : i32 to vector<16xi32>
    %ge3A_1648 = arith.cmpi sge, %add3A_1646, %ge3A_1647 : vector<16xi32>
    %lt3A_1649 = vector.broadcast %squeeze3A_1576 : i32 to vector<16xi32>
    %lt3A_1650 = arith.cmpi slt, %add3A_1646, %lt3A_1649 : vector<16xi32>
    %and3A_1651 = arith.andi %ge3A_1648, %lt3A_1650 : vector<16xi1>
    %get3A_1652 = arith.index_cast %multiple_of3A_1641 : i32 to index
    %get3A_1653 = tpu.vector_load %arg6[%get3A_1652] {strides = array<i32>} : memref<120000xf32, #tpu.memory_space<vmem>>, vector<16xf32>,
    %get3A_1654 = vector.shape_cast %get3A_1653 : vector<16xf32> to vector<16xf32>
    %jit3A_1655 = arith.constant 0.000000e+00 : f32
    %broadcast_in_dim3A_1656 = vector.broadcast %jit3A_1655 : f32 to vector<16xf32>
    %select_n3A_1657 = arith.select %and3A_1651, %broadcast_in_dim3A_1656, %get3A_1654 : vector<16xi1>, vector<16xf32>
    %swap3A_1658 = arith.index_cast %multiple_of3A_1641 : i32 to index
    %swap3A_1659 = tpu.vector_load %arg6[%swap3A_1658] {strides = array<i32>} : memref<120000xf32, #tpu.memory_space<vmem>>, vector<16xf32>,
    %swap3A_1660 = vector.shape_cast %swap3A_1659 : vector<16xf32> to vector<16xf32>
    %swap3A_1661 = vector.shape_cast %select_n3A_1657 : vector<16xf32> to vector<16xf32>
    tpu.vector_store %arg6[%swap3A_1658], %swap3A_1661 {strides = array<i32>} : memref<120000xf32, #tpu.memory_space<vmem>>, vector<16xf32>,
    %slice3A_1662 = vector.extract_strided_slice %get3A_6 {offsets = [8], sizes = [1], strides = [1]} : vector<16xi32> to vector<1xi32>
    %squeeze3A_1663 = vector.extract %slice3A_1662[0] : i32 from vector<1xi32>
    %slice3A_1664 = vector.extract_strided_slice %get3A_9 {offsets = [8], sizes = [1], strides = [1]} : vector<16xi32> to vector<1xi32>
    %squeeze3A_1665 = vector.extract %slice3A_1664[0] : i32 from vector<1xi32>
    %sub3A_1666 = arith.constant 40000 : i32
    %sub3A_1667 = arith.subi %squeeze3A_1663, %sub3A_1666 : i32
    %jit3A_1668 = arith.constant 0 : i32
    %jit3A_1669 = arith.constant 40000 : i32
    %max3A_1670 = arith.maxsi %jit3A_1668, %sub3A_1667 : i32
    %min3A_1671 = arith.minsi %jit3A_1669, %max3A_1670 : i32
    %sub3A_1672 = arith.constant 40000 : i32
    %sub3A_1673 = arith.subi %squeeze3A_1665, %sub3A_1672 : i32
    %jit3A_1674 = arith.constant 0 : i32
    %jit3A_1675 = arith.constant 40000 : i32
    %max3A_1676 = arith.maxsi %jit3A_1674, %sub3A_1673 : i32
    %min3A_1677 = arith.minsi %jit3A_1675, %max3A_1676 : i32
    %add3A_1678 = arith.constant 15 : i32
    %add3A_1679 = arith.addi %min3A_1671, %add3A_1678 : i32
    %and3A_1680 = arith.constant -16 : i32
    %and3A_1681 = arith.andi %add3A_1679, %and3A_1680 : i32
    %and3A_1682 = arith.constant -16 : i32
    %and3A_1683 = arith.andi %min3A_1677, %and3A_1682 : i32
    %sub3A_1684 = arith.subi %and3A_1683, %and3A_1681 : i32
    %shift_right_arithmetic3A_1685 = arith.constant 4 : i32
    %shift_right_arithmetic3A_1686 = arith.shrsi %sub3A_1684, %shift_right_arithmetic3A_1685 : i32
    %max3A_1687 = arith.constant 0 : i32
    %max3A_1688 = arith.maxsi %shift_right_arithmetic3A_1686, %max3A_1687 : i32
    %while3A_1689 = arith.constant 0 : i32
    %while3A_1690 = arith.constant 0 : i32
    %while3A_1691 = arith.subi %max3A_1688, %while3A_1690 : i32
    %while3A_1692 = arith.addi %while3A_1690, %while3A_1691 : i32
    %while3A_1693 = arith.constant 1 : i32
    %while3A_1694 = arith.divsi %while3A_1691, %while3A_1693 : i32
    %while3A_1695 = arith.muli %while3A_1694, %while3A_1693 : i32
    %while3A_1696 = arith.addi %while3A_1690, %while3A_1695 : i32
    %while3A_1697 = arith.constant 1 : i32
    scf.for %while3A_3681 = %while3A_1690 to %while3A_1696 step %while3A_1697  : i32 {
      %add3A_3682 = arith.constant 40000 : i32
      %add3A_3683 = arith.addi %add3A_3682, %and3A_1681 : i32
      %mul3A_3684 = arith.constant 16 : i32
      %mul3A_3685 = arith.muli %while3A_3681, %mul3A_3684 : i32
      %add3A_3686 = arith.addi %add3A_3683, %mul3A_3685 : i32
      %multiple_of3A_3687 = tpu.assume_multiple %add3A_3686, 16 : i32
      %swap3A_3688 = arith.index_cast %multiple_of3A_3687 : i32 to index
      %swap3A_3689 = tpu.vector_load %arg6[%swap3A_3688] {strides = array<i32>} : memref<120000xf32, #tpu.memory_space<vmem>>, vector<16xf32>,
      %swap3A_3690 = vector.shape_cast %swap3A_3689 : vector<16xf32> to vector<16xf32>
      %swap3A_3691 = vector.shape_cast %broadcast_in_dim3A_949 : vector<16xf32> to vector<16xf32>
      tpu.vector_store %arg6[%swap3A_3688], %swap3A_3691 {strides = array<i32>} : memref<120000xf32, #tpu.memory_space<vmem>>, vector<16xf32>,
    }
    %while3A_1698 = arith.constant 1 : i32
    scf.for %while3A_3681 = %while3A_1696 to %while3A_1692 step %while3A_1698  : i32 {
      %add3A_3682 = arith.constant 40000 : i32
      %add3A_3683 = arith.addi %add3A_3682, %and3A_1681 : i32
      %mul3A_3684 = arith.constant 16 : i32
      %mul3A_3685 = arith.muli %while3A_3681, %mul3A_3684 : i32
      %add3A_3686 = arith.addi %add3A_3683, %mul3A_3685 : i32
      %multiple_of3A_3687 = tpu.assume_multiple %add3A_3686, 16 : i32
      %swap3A_3688 = arith.index_cast %multiple_of3A_3687 : i32 to index
      %swap3A_3689 = tpu.vector_load %arg6[%swap3A_3688] {strides = array<i32>} : memref<120000xf32, #tpu.memory_space<vmem>>, vector<16xf32>,
      %swap3A_3690 = vector.shape_cast %swap3A_3689 : vector<16xf32> to vector<16xf32>
      %swap3A_3691 = vector.shape_cast %broadcast_in_dim3A_949 : vector<16xf32> to vector<16xf32>
      tpu.vector_store %arg6[%swap3A_3688], %swap3A_3691 {strides = array<i32>} : memref<120000xf32, #tpu.memory_space<vmem>>, vector<16xf32>,
    }
    %and3A_1699 = arith.constant -16 : i32
    %and3A_1700 = arith.andi %min3A_1671, %and3A_1699 : i32
    %min3A_1701 = arith.constant 39984 : i32
    %min3A_1702 = arith.minsi %and3A_1700, %min3A_1701 : i32
    %min3A_1703 = arith.constant 39984 : i32
    %min3A_1704 = arith.minsi %and3A_1683, %min3A_1703 : i32
    %add3A_1705 = arith.constant 40000 : i32
    %add3A_1706 = arith.addi %add3A_1705, %min3A_1702 : i32
    %multiple_of3A_1707 = tpu.assume_multiple %add3A_1706, 16 : i32
    %add3A_1708 = arith.constant 40000 : i32
    %add3A_1709 = arith.addi %add3A_1708, %min3A_1702 : i32
    %iota3A_1710 = tpu.iota {dimensions = array<i32: 0>} : vector<16xi32>
    %add3A_1711 = vector.broadcast %add3A_1709 : i32 to vector<16xi32>
    %add3A_1712 = arith.addi %add3A_1711, %iota3A_1710 : vector<16xi32>
    %ge3A_1713 = vector.broadcast %squeeze3A_1663 : i32 to vector<16xi32>
    %ge3A_1714 = arith.cmpi sge, %add3A_1712, %ge3A_1713 : vector<16xi32>
    %lt3A_1715 = vector.broadcast %squeeze3A_1665 : i32 to vector<16xi32>
    %lt3A_1716 = arith.cmpi slt, %add3A_1712, %lt3A_1715 : vector<16xi32>
    %and3A_1717 = arith.andi %ge3A_1714, %lt3A_1716 : vector<16xi1>
    %get3A_1718 = arith.index_cast %multiple_of3A_1707 : i32 to index
    %get3A_1719 = tpu.vector_load %arg6[%get3A_1718] {strides = array<i32>} : memref<120000xf32, #tpu.memory_space<vmem>>, vector<16xf32>,
    %get3A_1720 = vector.shape_cast %get3A_1719 : vector<16xf32> to vector<16xf32>
    %jit3A_1721 = arith.constant 0.000000e+00 : f32
    %broadcast_in_dim3A_1722 = vector.broadcast %jit3A_1721 : f32 to vector<16xf32>
    %select_n3A_1723 = arith.select %and3A_1717, %broadcast_in_dim3A_1722, %get3A_1720 : vector<16xi1>, vector<16xf32>
    %swap3A_1724 = arith.index_cast %multiple_of3A_1707 : i32 to index
    %swap3A_1725 = tpu.vector_load %arg6[%swap3A_1724] {strides = array<i32>} : memref<120000xf32, #tpu.memory_space<vmem>>, vector<16xf32>,
    %swap3A_1726 = vector.shape_cast %swap3A_1725 : vector<16xf32> to vector<16xf32>
    %swap3A_1727 = vector.shape_cast %select_n3A_1723 : vector<16xf32> to vector<16xf32>
    tpu.vector_store %arg6[%swap3A_1724], %swap3A_1727 {strides = array<i32>} : memref<120000xf32, #tpu.memory_space<vmem>>, vector<16xf32>,
    %add3A_1728 = arith.constant 40000 : i32
    %add3A_1729 = arith.addi %add3A_1728, %min3A_1704 : i32
    %multiple_of3A_1730 = tpu.assume_multiple %add3A_1729, 16 : i32
    %add3A_1731 = arith.constant 40000 : i32
    %add3A_1732 = arith.addi %add3A_1731, %min3A_1704 : i32
    %iota3A_1733 = tpu.iota {dimensions = array<i32: 0>} : vector<16xi32>
    %add3A_1734 = vector.broadcast %add3A_1732 : i32 to vector<16xi32>
    %add3A_1735 = arith.addi %add3A_1734, %iota3A_1733 : vector<16xi32>
    %ge3A_1736 = vector.broadcast %squeeze3A_1663 : i32 to vector<16xi32>
    %ge3A_1737 = arith.cmpi sge, %add3A_1735, %ge3A_1736 : vector<16xi32>
    %lt3A_1738 = vector.broadcast %squeeze3A_1665 : i32 to vector<16xi32>
    %lt3A_1739 = arith.cmpi slt, %add3A_1735, %lt3A_1738 : vector<16xi32>
    %and3A_1740 = arith.andi %ge3A_1737, %lt3A_1739 : vector<16xi1>
    %get3A_1741 = arith.index_cast %multiple_of3A_1730 : i32 to index
    %get3A_1742 = tpu.vector_load %arg6[%get3A_1741] {strides = array<i32>} : memref<120000xf32, #tpu.memory_space<vmem>>, vector<16xf32>,
    %get3A_1743 = vector.shape_cast %get3A_1742 : vector<16xf32> to vector<16xf32>
    %jit3A_1744 = arith.constant 0.000000e+00 : f32
    %broadcast_in_dim3A_1745 = vector.broadcast %jit3A_1744 : f32 to vector<16xf32>
    %select_n3A_1746 = arith.select %and3A_1740, %broadcast_in_dim3A_1745, %get3A_1743 : vector<16xi1>, vector<16xf32>
    %swap3A_1747 = arith.index_cast %multiple_of3A_1730 : i32 to index
    %swap3A_1748 = tpu.vector_load %arg6[%swap3A_1747] {strides = array<i32>} : memref<120000xf32, #tpu.memory_space<vmem>>, vector<16xf32>,
    %swap3A_1749 = vector.shape_cast %swap3A_1748 : vector<16xf32> to vector<16xf32>
    %swap3A_1750 = vector.shape_cast %select_n3A_1746 : vector<16xf32> to vector<16xf32>
    tpu.vector_store %arg6[%swap3A_1747], %swap3A_1750 {strides = array<i32>} : memref<120000xf32, #tpu.memory_space<vmem>>, vector<16xf32>,
    %slice3A_1751 = vector.extract_strided_slice %get3A_6 {offsets = [9], sizes = [1], strides = [1]} : vector<16xi32> to vector<1xi32>
    %squeeze3A_1752 = vector.extract %slice3A_1751[0] : i32 from vector<1xi32>
    %slice3A_1753 = vector.extract_strided_slice %get3A_9 {offsets = [9], sizes = [1], strides = [1]} : vector<16xi32> to vector<1xi32>
    %squeeze3A_1754 = vector.extract %slice3A_1753[0] : i32 from vector<1xi32>
    %sub3A_1755 = arith.constant 40000 : i32
    %sub3A_1756 = arith.subi %squeeze3A_1752, %sub3A_1755 : i32
    %jit3A_1757 = arith.constant 0 : i32
    %jit3A_1758 = arith.constant 40000 : i32
    %max3A_1759 = arith.maxsi %jit3A_1757, %sub3A_1756 : i32
    %min3A_1760 = arith.minsi %jit3A_1758, %max3A_1759 : i32
    %sub3A_1761 = arith.constant 40000 : i32
    %sub3A_1762 = arith.subi %squeeze3A_1754, %sub3A_1761 : i32
    %jit3A_1763 = arith.constant 0 : i32
    %jit3A_1764 = arith.constant 40000 : i32
    %max3A_1765 = arith.maxsi %jit3A_1763, %sub3A_1762 : i32
    %min3A_1766 = arith.minsi %jit3A_1764, %max3A_1765 : i32
    %add3A_1767 = arith.constant 15 : i32
    %add3A_1768 = arith.addi %min3A_1760, %add3A_1767 : i32
    %and3A_1769 = arith.constant -16 : i32
    %and3A_1770 = arith.andi %add3A_1768, %and3A_1769 : i32
    %and3A_1771 = arith.constant -16 : i32
    %and3A_1772 = arith.andi %min3A_1766, %and3A_1771 : i32
    %sub3A_1773 = arith.subi %and3A_1772, %and3A_1770 : i32
    %shift_right_arithmetic3A_1774 = arith.constant 4 : i32
    %shift_right_arithmetic3A_1775 = arith.shrsi %sub3A_1773, %shift_right_arithmetic3A_1774 : i32
    %max3A_1776 = arith.constant 0 : i32
    %max3A_1777 = arith.maxsi %shift_right_arithmetic3A_1775, %max3A_1776 : i32
    %while3A_1778 = arith.constant 0 : i32
    %while3A_1779 = arith.constant 0 : i32
    %while3A_1780 = arith.subi %max3A_1777, %while3A_1779 : i32
    %while3A_1781 = arith.addi %while3A_1779, %while3A_1780 : i32
    %while3A_1782 = arith.constant 1 : i32
    %while3A_1783 = arith.divsi %while3A_1780, %while3A_1782 : i32
    %while3A_1784 = arith.muli %while3A_1783, %while3A_1782 : i32
    %while3A_1785 = arith.addi %while3A_1779, %while3A_1784 : i32
    %while3A_1786 = arith.constant 1 : i32
    scf.for %while3A_3681 = %while3A_1779 to %while3A_1785 step %while3A_1786  : i32 {
      %add3A_3682 = arith.constant 40000 : i32
      %add3A_3683 = arith.addi %add3A_3682, %and3A_1770 : i32
      %mul3A_3684 = arith.constant 16 : i32
      %mul3A_3685 = arith.muli %while3A_3681, %mul3A_3684 : i32
      %add3A_3686 = arith.addi %add3A_3683, %mul3A_3685 : i32
      %multiple_of3A_3687 = tpu.assume_multiple %add3A_3686, 16 : i32
      %swap3A_3688 = arith.index_cast %multiple_of3A_3687 : i32 to index
      %swap3A_3689 = tpu.vector_load %arg6[%swap3A_3688] {strides = array<i32>} : memref<120000xf32, #tpu.memory_space<vmem>>, vector<16xf32>,
      %swap3A_3690 = vector.shape_cast %swap3A_3689 : vector<16xf32> to vector<16xf32>
      %swap3A_3691 = vector.shape_cast %broadcast_in_dim3A_949 : vector<16xf32> to vector<16xf32>
      tpu.vector_store %arg6[%swap3A_3688], %swap3A_3691 {strides = array<i32>} : memref<120000xf32, #tpu.memory_space<vmem>>, vector<16xf32>,
    }
    %while3A_1787 = arith.constant 1 : i32
    scf.for %while3A_3681 = %while3A_1785 to %while3A_1781 step %while3A_1787  : i32 {
      %add3A_3682 = arith.constant 40000 : i32
      %add3A_3683 = arith.addi %add3A_3682, %and3A_1770 : i32
      %mul3A_3684 = arith.constant 16 : i32
      %mul3A_3685 = arith.muli %while3A_3681, %mul3A_3684 : i32
      %add3A_3686 = arith.addi %add3A_3683, %mul3A_3685 : i32
      %multiple_of3A_3687 = tpu.assume_multiple %add3A_3686, 16 : i32
      %swap3A_3688 = arith.index_cast %multiple_of3A_3687 : i32 to index
      %swap3A_3689 = tpu.vector_load %arg6[%swap3A_3688] {strides = array<i32>} : memref<120000xf32, #tpu.memory_space<vmem>>, vector<16xf32>,
      %swap3A_3690 = vector.shape_cast %swap3A_3689 : vector<16xf32> to vector<16xf32>
      %swap3A_3691 = vector.shape_cast %broadcast_in_dim3A_949 : vector<16xf32> to vector<16xf32>
      tpu.vector_store %arg6[%swap3A_3688], %swap3A_3691 {strides = array<i32>} : memref<120000xf32, #tpu.memory_space<vmem>>, vector<16xf32>,
    }
    %and3A_1788 = arith.constant -16 : i32
    %and3A_1789 = arith.andi %min3A_1760, %and3A_1788 : i32
    %min3A_1790 = arith.constant 39984 : i32
    %min3A_1791 = arith.minsi %and3A_1789, %min3A_1790 : i32
    %min3A_1792 = arith.constant 39984 : i32
    %min3A_1793 = arith.minsi %and3A_1772, %min3A_1792 : i32
    %add3A_1794 = arith.constant 40000 : i32
    %add3A_1795 = arith.addi %add3A_1794, %min3A_1791 : i32
    %multiple_of3A_1796 = tpu.assume_multiple %add3A_1795, 16 : i32
    %add3A_1797 = arith.constant 40000 : i32
    %add3A_1798 = arith.addi %add3A_1797, %min3A_1791 : i32
    %iota3A_1799 = tpu.iota {dimensions = array<i32: 0>} : vector<16xi32>
    %add3A_1800 = vector.broadcast %add3A_1798 : i32 to vector<16xi32>
    %add3A_1801 = arith.addi %add3A_1800, %iota3A_1799 : vector<16xi32>
    %ge3A_1802 = vector.broadcast %squeeze3A_1752 : i32 to vector<16xi32>
    %ge3A_1803 = arith.cmpi sge, %add3A_1801, %ge3A_1802 : vector<16xi32>
    %lt3A_1804 = vector.broadcast %squeeze3A_1754 : i32 to vector<16xi32>
    %lt3A_1805 = arith.cmpi slt, %add3A_1801, %lt3A_1804 : vector<16xi32>
    %and3A_1806 = arith.andi %ge3A_1803, %lt3A_1805 : vector<16xi1>
    %get3A_1807 = arith.index_cast %multiple_of3A_1796 : i32 to index
    %get3A_1808 = tpu.vector_load %arg6[%get3A_1807] {strides = array<i32>} : memref<120000xf32, #tpu.memory_space<vmem>>, vector<16xf32>,
    %get3A_1809 = vector.shape_cast %get3A_1808 : vector<16xf32> to vector<16xf32>
    %jit3A_1810 = arith.constant 0.000000e+00 : f32
    %broadcast_in_dim3A_1811 = vector.broadcast %jit3A_1810 : f32 to vector<16xf32>
    %select_n3A_1812 = arith.select %and3A_1806, %broadcast_in_dim3A_1811, %get3A_1809 : vector<16xi1>, vector<16xf32>
    %swap3A_1813 = arith.index_cast %multiple_of3A_1796 : i32 to index
    %swap3A_1814 = tpu.vector_load %arg6[%swap3A_1813] {strides = array<i32>} : memref<120000xf32, #tpu.memory_space<vmem>>, vector<16xf32>,
    %swap3A_1815 = vector.shape_cast %swap3A_1814 : vector<16xf32> to vector<16xf32>
    %swap3A_1816 = vector.shape_cast %select_n3A_1812 : vector<16xf32> to vector<16xf32>
    tpu.vector_store %arg6[%swap3A_1813], %swap3A_1816 {strides = array<i32>} : memref<120000xf32, #tpu.memory_space<vmem>>, vector<16xf32>,
    %add3A_1817 = arith.constant 40000 : i32
    %add3A_1818 = arith.addi %add3A_1817, %min3A_1793 : i32
    %multiple_of3A_1819 = tpu.assume_multiple %add3A_1818, 16 : i32
    %add3A_1820 = arith.constant 40000 : i32
    %add3A_1821 = arith.addi %add3A_1820, %min3A_1793 : i32
    %iota3A_1822 = tpu.iota {dimensions = array<i32: 0>} : vector<16xi32>
    %add3A_1823 = vector.broadcast %add3A_1821 : i32 to vector<16xi32>
    %add3A_1824 = arith.addi %add3A_1823, %iota3A_1822 : vector<16xi32>
    %ge3A_1825 = vector.broadcast %squeeze3A_1752 : i32 to vector<16xi32>
    %ge3A_1826 = arith.cmpi sge, %add3A_1824, %ge3A_1825 : vector<16xi32>
    %lt3A_1827 = vector.broadcast %squeeze3A_1754 : i32 to vector<16xi32>
    %lt3A_1828 = arith.cmpi slt, %add3A_1824, %lt3A_1827 : vector<16xi32>
    %and3A_1829 = arith.andi %ge3A_1826, %lt3A_1828 : vector<16xi1>
    %get3A_1830 = arith.index_cast %multiple_of3A_1819 : i32 to index
    %get3A_1831 = tpu.vector_load %arg6[%get3A_1830] {strides = array<i32>} : memref<120000xf32, #tpu.memory_space<vmem>>, vector<16xf32>,
    %get3A_1832 = vector.shape_cast %get3A_1831 : vector<16xf32> to vector<16xf32>
    %jit3A_1833 = arith.constant 0.000000e+00 : f32
    %broadcast_in_dim3A_1834 = vector.broadcast %jit3A_1833 : f32 to vector<16xf32>
    %select_n3A_1835 = arith.select %and3A_1829, %broadcast_in_dim3A_1834, %get3A_1832 : vector<16xi1>, vector<16xf32>
    %swap3A_1836 = arith.index_cast %multiple_of3A_1819 : i32 to index
    %swap3A_1837 = tpu.vector_load %arg6[%swap3A_1836] {strides = array<i32>} : memref<120000xf32, #tpu.memory_space<vmem>>, vector<16xf32>,
    %swap3A_1838 = vector.shape_cast %swap3A_1837 : vector<16xf32> to vector<16xf32>
    %swap3A_1839 = vector.shape_cast %select_n3A_1835 : vector<16xf32> to vector<16xf32>
    tpu.vector_store %arg6[%swap3A_1836], %swap3A_1839 {strides = array<i32>} : memref<120000xf32, #tpu.memory_space<vmem>>, vector<16xf32>,
    %add3A_1840 = arith.constant 40000 : i32
    %add3A_1841 = arith.addi %mul3A_2, %add3A_1840 : i32
    %multiple_of3A_1842 = tpu.assume_multiple %add3A_1841, 8 : i32
    %dma_start3A_1843 = arith.constant 40000 : i32
    %dma_start3A_1844 = tpu.memref_slice %arg6[%dma_start3A_1843] : memref<120000xf32, #tpu.memory_space<vmem>> -> memref<40000xf32, #tpu.memory_space<vmem>>
    %dma_start3A_1845 = tpu.memref_slice %arg4[%multiple_of3A_1842] : memref<5120000xf32, #tpu.memory_space<hbm>> -> memref<40000xf32, #tpu.memory_space<hbm>>
    %dma_start3A_1846 = tpu.memref_slice %arg4[%multiple_of3A_1842] : memref<5120000xf32, #tpu.memory_space<hbm>> -> memref<40000xf32, #tpu.memory_space<hbm>>
    %dma_start3A_1847 = arith.constant 40000 : i32
    %dma_start3A_1848 = tpu.memref_slice %arg6[%dma_start3A_1847] : memref<120000xf32, #tpu.memory_space<vmem>> -> memref<40000xf32, #tpu.memory_space<vmem>>
    tpu.enqueue_dma source(%dma_start3A_1848 : memref<40000xf32, #tpu.memory_space<vmem>>) target(%dma_start3A_1846 : memref<40000xf32, #tpu.memory_space<hbm>>) target_semaphore(%arg11 : memref<!tpu.dma_semaphore, #tpu.memory_space<semaphore_mem>>)
    %dma_wait3A_1849 = arith.constant 80000 : i32
    %dma_wait3A_1850 = tpu.memref_slice %arg6[%dma_wait3A_1849] : memref<120000xf32, #tpu.memory_space<vmem>> -> memref<40000xf32, #tpu.memory_space<vmem>>
    %dma_wait3A_1851 = tpu.memref_slice %arg2[%multiple_of3A_29] : memref<5120000xf32, #tpu.memory_space<hbm>> -> memref<40000xf32, #tpu.memory_space<hbm>>
    %dma_wait3A_1852 = arith.constant 80000 : i32
    %dma_wait3A_1853 = tpu.memref_slice %arg6[%dma_wait3A_1852] : memref<120000xf32, #tpu.memory_space<vmem>> -> memref<40000xf32, #tpu.memory_space<vmem>>
    %dma_wait3A_1854 = tpu.memref_slice %arg2[%multiple_of3A_29] : memref<5120000xf32, #tpu.memory_space<hbm>> -> memref<40000xf32, #tpu.memory_space<hbm>>
    tpu.wait_dma2 semaphore(%arg9 : memref<!tpu.dma_semaphore, #tpu.memory_space<semaphore_mem>>) src(%dma_wait3A_1854 : memref<40000xf32, #tpu.memory_space<hbm>>) dst(%dma_wait3A_1853 : memref<40000xf32, #tpu.memory_space<vmem>>)
    %broadcast_in_dim3A_1855 = arith.constant 0.000000e+00 : f32
    %broadcast_in_dim3A_1856 = vector.broadcast %broadcast_in_dim3A_1855 : f32 to vector<16xf32>
    %slice3A_1857 = vector.extract_strided_slice %get3A_6 {offsets = [0], sizes = [1], strides = [1]} : vector<16xi32> to vector<1xi32>
    %squeeze3A_1858 = vector.extract %slice3A_1857[0] : i32 from vector<1xi32>
    %slice3A_1859 = vector.extract_strided_slice %get3A_9 {offsets = [0], sizes = [1], strides = [1]} : vector<16xi32> to vector<1xi32>
    %squeeze3A_1860 = vector.extract %slice3A_1859[0] : i32 from vector<1xi32>
    %sub3A_1861 = arith.constant 80000 : i32
    %sub3A_1862 = arith.subi %squeeze3A_1858, %sub3A_1861 : i32
    %jit3A_1863 = arith.constant 0 : i32
    %jit3A_1864 = arith.constant 40000 : i32
    %max3A_1865 = arith.maxsi %jit3A_1863, %sub3A_1862 : i32
    %min3A_1866 = arith.minsi %jit3A_1864, %max3A_1865 : i32
    %sub3A_1867 = arith.constant 80000 : i32
    %sub3A_1868 = arith.subi %squeeze3A_1860, %sub3A_1867 : i32
    %jit3A_1869 = arith.constant 0 : i32
    %jit3A_1870 = arith.constant 40000 : i32
    %max3A_1871 = arith.maxsi %jit3A_1869, %sub3A_1868 : i32
    %min3A_1872 = arith.minsi %jit3A_1870, %max3A_1871 : i32
    %add3A_1873 = arith.constant 15 : i32
    %add3A_1874 = arith.addi %min3A_1866, %add3A_1873 : i32
    %and3A_1875 = arith.constant -16 : i32
    %and3A_1876 = arith.andi %add3A_1874, %and3A_1875 : i32
    %and3A_1877 = arith.constant -16 : i32
    %and3A_1878 = arith.andi %min3A_1872, %and3A_1877 : i32
    %sub3A_1879 = arith.subi %and3A_1878, %and3A_1876 : i32
    %shift_right_arithmetic3A_1880 = arith.constant 4 : i32
    %shift_right_arithmetic3A_1881 = arith.shrsi %sub3A_1879, %shift_right_arithmetic3A_1880 : i32
    %max3A_1882 = arith.constant 0 : i32
    %max3A_1883 = arith.maxsi %shift_right_arithmetic3A_1881, %max3A_1882 : i32
    %while3A_1884 = arith.constant 0 : i32
    %while3A_1885 = arith.constant 0 : i32
    %while3A_1886 = arith.subi %max3A_1883, %while3A_1885 : i32
    %while3A_1887 = arith.addi %while3A_1885, %while3A_1886 : i32
    %while3A_1888 = arith.constant 1 : i32
    %while3A_1889 = arith.divsi %while3A_1886, %while3A_1888 : i32
    %while3A_1890 = arith.muli %while3A_1889, %while3A_1888 : i32
    %while3A_1891 = arith.addi %while3A_1885, %while3A_1890 : i32
    %while3A_1892 = arith.constant 1 : i32
    scf.for %while3A_3681 = %while3A_1885 to %while3A_1891 step %while3A_1892  : i32 {
      %add3A_3682 = arith.constant 80000 : i32
      %add3A_3683 = arith.addi %add3A_3682, %and3A_1876 : i32
      %mul3A_3684 = arith.constant 16 : i32
      %mul3A_3685 = arith.muli %while3A_3681, %mul3A_3684 : i32
      %add3A_3686 = arith.addi %add3A_3683, %mul3A_3685 : i32
      %multiple_of3A_3687 = tpu.assume_multiple %add3A_3686, 16 : i32
      %swap3A_3688 = arith.index_cast %multiple_of3A_3687 : i32 to index
      %swap3A_3689 = tpu.vector_load %arg6[%swap3A_3688] {strides = array<i32>} : memref<120000xf32, #tpu.memory_space<vmem>>, vector<16xf32>,
      %swap3A_3690 = vector.shape_cast %swap3A_3689 : vector<16xf32> to vector<16xf32>
      %swap3A_3691 = vector.shape_cast %broadcast_in_dim3A_1856 : vector<16xf32> to vector<16xf32>
      tpu.vector_store %arg6[%swap3A_3688], %swap3A_3691 {strides = array<i32>} : memref<120000xf32, #tpu.memory_space<vmem>>, vector<16xf32>,
    }
    %while3A_1893 = arith.constant 1 : i32
    scf.for %while3A_3681 = %while3A_1891 to %while3A_1887 step %while3A_1893  : i32 {
      %add3A_3682 = arith.constant 80000 : i32
      %add3A_3683 = arith.addi %add3A_3682, %and3A_1876 : i32
      %mul3A_3684 = arith.constant 16 : i32
      %mul3A_3685 = arith.muli %while3A_3681, %mul3A_3684 : i32
      %add3A_3686 = arith.addi %add3A_3683, %mul3A_3685 : i32
      %multiple_of3A_3687 = tpu.assume_multiple %add3A_3686, 16 : i32
      %swap3A_3688 = arith.index_cast %multiple_of3A_3687 : i32 to index
      %swap3A_3689 = tpu.vector_load %arg6[%swap3A_3688] {strides = array<i32>} : memref<120000xf32, #tpu.memory_space<vmem>>, vector<16xf32>,
      %swap3A_3690 = vector.shape_cast %swap3A_3689 : vector<16xf32> to vector<16xf32>
      %swap3A_3691 = vector.shape_cast %broadcast_in_dim3A_1856 : vector<16xf32> to vector<16xf32>
      tpu.vector_store %arg6[%swap3A_3688], %swap3A_3691 {strides = array<i32>} : memref<120000xf32, #tpu.memory_space<vmem>>, vector<16xf32>,
    }
    %and3A_1894 = arith.constant -16 : i32
    %and3A_1895 = arith.andi %min3A_1866, %and3A_1894 : i32
    %min3A_1896 = arith.constant 39984 : i32
    %min3A_1897 = arith.minsi %and3A_1895, %min3A_1896 : i32
    %min3A_1898 = arith.constant 39984 : i32
    %min3A_1899 = arith.minsi %and3A_1878, %min3A_1898 : i32
    %add3A_1900 = arith.constant 80000 : i32
    %add3A_1901 = arith.addi %add3A_1900, %min3A_1897 : i32
    %multiple_of3A_1902 = tpu.assume_multiple %add3A_1901, 16 : i32
    %add3A_1903 = arith.constant 80000 : i32
    %add3A_1904 = arith.addi %add3A_1903, %min3A_1897 : i32
    %iota3A_1905 = tpu.iota {dimensions = array<i32: 0>} : vector<16xi32>
    %add3A_1906 = vector.broadcast %add3A_1904 : i32 to vector<16xi32>
    %add3A_1907 = arith.addi %add3A_1906, %iota3A_1905 : vector<16xi32>
    %ge3A_1908 = vector.broadcast %squeeze3A_1858 : i32 to vector<16xi32>
    %ge3A_1909 = arith.cmpi sge, %add3A_1907, %ge3A_1908 : vector<16xi32>
    %lt3A_1910 = vector.broadcast %squeeze3A_1860 : i32 to vector<16xi32>
    %lt3A_1911 = arith.cmpi slt, %add3A_1907, %lt3A_1910 : vector<16xi32>
    %and3A_1912 = arith.andi %ge3A_1909, %lt3A_1911 : vector<16xi1>
    %get3A_1913 = arith.index_cast %multiple_of3A_1902 : i32 to index
    %get3A_1914 = tpu.vector_load %arg6[%get3A_1913] {strides = array<i32>} : memref<120000xf32, #tpu.memory_space<vmem>>, vector<16xf32>,
    %get3A_1915 = vector.shape_cast %get3A_1914 : vector<16xf32> to vector<16xf32>
    %jit3A_1916 = arith.constant 0.000000e+00 : f32
    %broadcast_in_dim3A_1917 = vector.broadcast %jit3A_1916 : f32 to vector<16xf32>
    %select_n3A_1918 = arith.select %and3A_1912, %broadcast_in_dim3A_1917, %get3A_1915 : vector<16xi1>, vector<16xf32>
    %swap3A_1919 = arith.index_cast %multiple_of3A_1902 : i32 to index
    %swap3A_1920 = tpu.vector_load %arg6[%swap3A_1919] {strides = array<i32>} : memref<120000xf32, #tpu.memory_space<vmem>>, vector<16xf32>,
    %swap3A_1921 = vector.shape_cast %swap3A_1920 : vector<16xf32> to vector<16xf32>
    %swap3A_1922 = vector.shape_cast %select_n3A_1918 : vector<16xf32> to vector<16xf32>
    tpu.vector_store %arg6[%swap3A_1919], %swap3A_1922 {strides = array<i32>} : memref<120000xf32, #tpu.memory_space<vmem>>, vector<16xf32>,
    %add3A_1923 = arith.constant 80000 : i32
    %add3A_1924 = arith.addi %add3A_1923, %min3A_1899 : i32
    %multiple_of3A_1925 = tpu.assume_multiple %add3A_1924, 16 : i32
    %add3A_1926 = arith.constant 80000 : i32
    %add3A_1927 = arith.addi %add3A_1926, %min3A_1899 : i32
    %iota3A_1928 = tpu.iota {dimensions = array<i32: 0>} : vector<16xi32>
    %add3A_1929 = vector.broadcast %add3A_1927 : i32 to vector<16xi32>
    %add3A_1930 = arith.addi %add3A_1929, %iota3A_1928 : vector<16xi32>
    %ge3A_1931 = vector.broadcast %squeeze3A_1858 : i32 to vector<16xi32>
    %ge3A_1932 = arith.cmpi sge, %add3A_1930, %ge3A_1931 : vector<16xi32>
    %lt3A_1933 = vector.broadcast %squeeze3A_1860 : i32 to vector<16xi32>
    %lt3A_1934 = arith.cmpi slt, %add3A_1930, %lt3A_1933 : vector<16xi32>
    %and3A_1935 = arith.andi %ge3A_1932, %lt3A_1934 : vector<16xi1>
    %get3A_1936 = arith.index_cast %multiple_of3A_1925 : i32 to index
    %get3A_1937 = tpu.vector_load %arg6[%get3A_1936] {strides = array<i32>} : memref<120000xf32, #tpu.memory_space<vmem>>, vector<16xf32>,
    %get3A_1938 = vector.shape_cast %get3A_1937 : vector<16xf32> to vector<16xf32>
    %jit3A_1939 = arith.constant 0.000000e+00 : f32
    %broadcast_in_dim3A_1940 = vector.broadcast %jit3A_1939 : f32 to vector<16xf32>
    %select_n3A_1941 = arith.select %and3A_1935, %broadcast_in_dim3A_1940, %get3A_1938 : vector<16xi1>, vector<16xf32>
    %swap3A_1942 = arith.index_cast %multiple_of3A_1925 : i32 to index
    %swap3A_1943 = tpu.vector_load %arg6[%swap3A_1942] {strides = array<i32>} : memref<120000xf32, #tpu.memory_space<vmem>>, vector<16xf32>,
    %swap3A_1944 = vector.shape_cast %swap3A_1943 : vector<16xf32> to vector<16xf32>
    %swap3A_1945 = vector.shape_cast %select_n3A_1941 : vector<16xf32> to vector<16xf32>
    tpu.vector_store %arg6[%swap3A_1942], %swap3A_1945 {strides = array<i32>} : memref<120000xf32, #tpu.memory_space<vmem>>, vector<16xf32>,
    %slice3A_1946 = vector.extract_strided_slice %get3A_6 {offsets = [1], sizes = [1], strides = [1]} : vector<16xi32> to vector<1xi32>
    %squeeze3A_1947 = vector.extract %slice3A_1946[0] : i32 from vector<1xi32>
    %slice3A_1948 = vector.extract_strided_slice %get3A_9 {offsets = [1], sizes = [1], strides = [1]} : vector<16xi32> to vector<1xi32>
    %squeeze3A_1949 = vector.extract %slice3A_1948[0] : i32 from vector<1xi32>
    %sub3A_1950 = arith.constant 80000 : i32
    %sub3A_1951 = arith.subi %squeeze3A_1947, %sub3A_1950 : i32
    %jit3A_1952 = arith.constant 0 : i32
    %jit3A_1953 = arith.constant 40000 : i32
    %max3A_1954 = arith.maxsi %jit3A_1952, %sub3A_1951 : i32
    %min3A_1955 = arith.minsi %jit3A_1953, %max3A_1954 : i32
    %sub3A_1956 = arith.constant 80000 : i32
    %sub3A_1957 = arith.subi %squeeze3A_1949, %sub3A_1956 : i32
    %jit3A_1958 = arith.constant 0 : i32
    %jit3A_1959 = arith.constant 40000 : i32
    %max3A_1960 = arith.maxsi %jit3A_1958, %sub3A_1957 : i32
    %min3A_1961 = arith.minsi %jit3A_1959, %max3A_1960 : i32
    %add3A_1962 = arith.constant 15 : i32
    %add3A_1963 = arith.addi %min3A_1955, %add3A_1962 : i32
    %and3A_1964 = arith.constant -16 : i32
    %and3A_1965 = arith.andi %add3A_1963, %and3A_1964 : i32
    %and3A_1966 = arith.constant -16 : i32
    %and3A_1967 = arith.andi %min3A_1961, %and3A_1966 : i32
    %sub3A_1968 = arith.subi %and3A_1967, %and3A_1965 : i32
    %shift_right_arithmetic3A_1969 = arith.constant 4 : i32
    %shift_right_arithmetic3A_1970 = arith.shrsi %sub3A_1968, %shift_right_arithmetic3A_1969 : i32
    %max3A_1971 = arith.constant 0 : i32
    %max3A_1972 = arith.maxsi %shift_right_arithmetic3A_1970, %max3A_1971 : i32
    %while3A_1973 = arith.constant 0 : i32
    %while3A_1974 = arith.constant 0 : i32
    %while3A_1975 = arith.subi %max3A_1972, %while3A_1974 : i32
    %while3A_1976 = arith.addi %while3A_1974, %while3A_1975 : i32
    %while3A_1977 = arith.constant 1 : i32
    %while3A_1978 = arith.divsi %while3A_1975, %while3A_1977 : i32
    %while3A_1979 = arith.muli %while3A_1978, %while3A_1977 : i32
    %while3A_1980 = arith.addi %while3A_1974, %while3A_1979 : i32
    %while3A_1981 = arith.constant 1 : i32
    scf.for %while3A_3681 = %while3A_1974 to %while3A_1980 step %while3A_1981  : i32 {
      %add3A_3682 = arith.constant 80000 : i32
      %add3A_3683 = arith.addi %add3A_3682, %and3A_1965 : i32
      %mul3A_3684 = arith.constant 16 : i32
      %mul3A_3685 = arith.muli %while3A_3681, %mul3A_3684 : i32
      %add3A_3686 = arith.addi %add3A_3683, %mul3A_3685 : i32
      %multiple_of3A_3687 = tpu.assume_multiple %add3A_3686, 16 : i32
      %swap3A_3688 = arith.index_cast %multiple_of3A_3687 : i32 to index
      %swap3A_3689 = tpu.vector_load %arg6[%swap3A_3688] {strides = array<i32>} : memref<120000xf32, #tpu.memory_space<vmem>>, vector<16xf32>,
      %swap3A_3690 = vector.shape_cast %swap3A_3689 : vector<16xf32> to vector<16xf32>
      %swap3A_3691 = vector.shape_cast %broadcast_in_dim3A_1856 : vector<16xf32> to vector<16xf32>
      tpu.vector_store %arg6[%swap3A_3688], %swap3A_3691 {strides = array<i32>} : memref<120000xf32, #tpu.memory_space<vmem>>, vector<16xf32>,
    }
    %while3A_1982 = arith.constant 1 : i32
    scf.for %while3A_3681 = %while3A_1980 to %while3A_1976 step %while3A_1982  : i32 {
      %add3A_3682 = arith.constant 80000 : i32
      %add3A_3683 = arith.addi %add3A_3682, %and3A_1965 : i32
      %mul3A_3684 = arith.constant 16 : i32
      %mul3A_3685 = arith.muli %while3A_3681, %mul3A_3684 : i32
      %add3A_3686 = arith.addi %add3A_3683, %mul3A_3685 : i32
      %multiple_of3A_3687 = tpu.assume_multiple %add3A_3686, 16 : i32
      %swap3A_3688 = arith.index_cast %multiple_of3A_3687 : i32 to index
      %swap3A_3689 = tpu.vector_load %arg6[%swap3A_3688] {strides = array<i32>} : memref<120000xf32, #tpu.memory_space<vmem>>, vector<16xf32>,
      %swap3A_3690 = vector.shape_cast %swap3A_3689 : vector<16xf32> to vector<16xf32>
      %swap3A_3691 = vector.shape_cast %broadcast_in_dim3A_1856 : vector<16xf32> to vector<16xf32>
      tpu.vector_store %arg6[%swap3A_3688], %swap3A_3691 {strides = array<i32>} : memref<120000xf32, #tpu.memory_space<vmem>>, vector<16xf32>,
    }
    %and3A_1983 = arith.constant -16 : i32
    %and3A_1984 = arith.andi %min3A_1955, %and3A_1983 : i32
    %min3A_1985 = arith.constant 39984 : i32
    %min3A_1986 = arith.minsi %and3A_1984, %min3A_1985 : i32
    %min3A_1987 = arith.constant 39984 : i32
    %min3A_1988 = arith.minsi %and3A_1967, %min3A_1987 : i32
    %add3A_1989 = arith.constant 80000 : i32
    %add3A_1990 = arith.addi %add3A_1989, %min3A_1986 : i32
    %multiple_of3A_1991 = tpu.assume_multiple %add3A_1990, 16 : i32
    %add3A_1992 = arith.constant 80000 : i32
    %add3A_1993 = arith.addi %add3A_1992, %min3A_1986 : i32
    %iota3A_1994 = tpu.iota {dimensions = array<i32: 0>} : vector<16xi32>
    %add3A_1995 = vector.broadcast %add3A_1993 : i32 to vector<16xi32>
    %add3A_1996 = arith.addi %add3A_1995, %iota3A_1994 : vector<16xi32>
    %ge3A_1997 = vector.broadcast %squeeze3A_1947 : i32 to vector<16xi32>
    %ge3A_1998 = arith.cmpi sge, %add3A_1996, %ge3A_1997 : vector<16xi32>
    %lt3A_1999 = vector.broadcast %squeeze3A_1949 : i32 to vector<16xi32>
    %lt3A_2000 = arith.cmpi slt, %add3A_1996, %lt3A_1999 : vector<16xi32>
    %and3A_2001 = arith.andi %ge3A_1998, %lt3A_2000 : vector<16xi1>
    %get3A_2002 = arith.index_cast %multiple_of3A_1991 : i32 to index
    %get3A_2003 = tpu.vector_load %arg6[%get3A_2002] {strides = array<i32>} : memref<120000xf32, #tpu.memory_space<vmem>>, vector<16xf32>,
    %get3A_2004 = vector.shape_cast %get3A_2003 : vector<16xf32> to vector<16xf32>
    %jit3A_2005 = arith.constant 0.000000e+00 : f32
    %broadcast_in_dim3A_2006 = vector.broadcast %jit3A_2005 : f32 to vector<16xf32>
    %select_n3A_2007 = arith.select %and3A_2001, %broadcast_in_dim3A_2006, %get3A_2004 : vector<16xi1>, vector<16xf32>
    %swap3A_2008 = arith.index_cast %multiple_of3A_1991 : i32 to index
    %swap3A_2009 = tpu.vector_load %arg6[%swap3A_2008] {strides = array<i32>} : memref<120000xf32, #tpu.memory_space<vmem>>, vector<16xf32>,
    %swap3A_2010 = vector.shape_cast %swap3A_2009 : vector<16xf32> to vector<16xf32>
    %swap3A_2011 = vector.shape_cast %select_n3A_2007 : vector<16xf32> to vector<16xf32>
    tpu.vector_store %arg6[%swap3A_2008], %swap3A_2011 {strides = array<i32>} : memref<120000xf32, #tpu.memory_space<vmem>>, vector<16xf32>,
    %add3A_2012 = arith.constant 80000 : i32
    %add3A_2013 = arith.addi %add3A_2012, %min3A_1988 : i32
    %multiple_of3A_2014 = tpu.assume_multiple %add3A_2013, 16 : i32
    %add3A_2015 = arith.constant 80000 : i32
    %add3A_2016 = arith.addi %add3A_2015, %min3A_1988 : i32
    %iota3A_2017 = tpu.iota {dimensions = array<i32: 0>} : vector<16xi32>
    %add3A_2018 = vector.broadcast %add3A_2016 : i32 to vector<16xi32>
    %add3A_2019 = arith.addi %add3A_2018, %iota3A_2017 : vector<16xi32>
    %ge3A_2020 = vector.broadcast %squeeze3A_1947 : i32 to vector<16xi32>
    %ge3A_2021 = arith.cmpi sge, %add3A_2019, %ge3A_2020 : vector<16xi32>
    %lt3A_2022 = vector.broadcast %squeeze3A_1949 : i32 to vector<16xi32>
    %lt3A_2023 = arith.cmpi slt, %add3A_2019, %lt3A_2022 : vector<16xi32>
    %and3A_2024 = arith.andi %ge3A_2021, %lt3A_2023 : vector<16xi1>
    %get3A_2025 = arith.index_cast %multiple_of3A_2014 : i32 to index
    %get3A_2026 = tpu.vector_load %arg6[%get3A_2025] {strides = array<i32>} : memref<120000xf32, #tpu.memory_space<vmem>>, vector<16xf32>,
    %get3A_2027 = vector.shape_cast %get3A_2026 : vector<16xf32> to vector<16xf32>
    %jit3A_2028 = arith.constant 0.000000e+00 : f32
    %broadcast_in_dim3A_2029 = vector.broadcast %jit3A_2028 : f32 to vector<16xf32>
    %select_n3A_2030 = arith.select %and3A_2024, %broadcast_in_dim3A_2029, %get3A_2027 : vector<16xi1>, vector<16xf32>
    %swap3A_2031 = arith.index_cast %multiple_of3A_2014 : i32 to index
    %swap3A_2032 = tpu.vector_load %arg6[%swap3A_2031] {strides = array<i32>} : memref<120000xf32, #tpu.memory_space<vmem>>, vector<16xf32>,
    %swap3A_2033 = vector.shape_cast %swap3A_2032 : vector<16xf32> to vector<16xf32>
    %swap3A_2034 = vector.shape_cast %select_n3A_2030 : vector<16xf32> to vector<16xf32>
    tpu.vector_store %arg6[%swap3A_2031], %swap3A_2034 {strides = array<i32>} : memref<120000xf32, #tpu.memory_space<vmem>>, vector<16xf32>,
    %slice3A_2035 = vector.extract_strided_slice %get3A_6 {offsets = [2], sizes = [1], strides = [1]} : vector<16xi32> to vector<1xi32>
    %squeeze3A_2036 = vector.extract %slice3A_2035[0] : i32 from vector<1xi32>
    %slice3A_2037 = vector.extract_strided_slice %get3A_9 {offsets = [2], sizes = [1], strides = [1]} : vector<16xi32> to vector<1xi32>
    %squeeze3A_2038 = vector.extract %slice3A_2037[0] : i32 from vector<1xi32>
    %sub3A_2039 = arith.constant 80000 : i32
    %sub3A_2040 = arith.subi %squeeze3A_2036, %sub3A_2039 : i32
    %jit3A_2041 = arith.constant 0 : i32
    %jit3A_2042 = arith.constant 40000 : i32
    %max3A_2043 = arith.maxsi %jit3A_2041, %sub3A_2040 : i32
    %min3A_2044 = arith.minsi %jit3A_2042, %max3A_2043 : i32
    %sub3A_2045 = arith.constant 80000 : i32
    %sub3A_2046 = arith.subi %squeeze3A_2038, %sub3A_2045 : i32
    %jit3A_2047 = arith.constant 0 : i32
    %jit3A_2048 = arith.constant 40000 : i32
    %max3A_2049 = arith.maxsi %jit3A_2047, %sub3A_2046 : i32
    %min3A_2050 = arith.minsi %jit3A_2048, %max3A_2049 : i32
    %add3A_2051 = arith.constant 15 : i32
    %add3A_2052 = arith.addi %min3A_2044, %add3A_2051 : i32
    %and3A_2053 = arith.constant -16 : i32
    %and3A_2054 = arith.andi %add3A_2052, %and3A_2053 : i32
    %and3A_2055 = arith.constant -16 : i32
    %and3A_2056 = arith.andi %min3A_2050, %and3A_2055 : i32
    %sub3A_2057 = arith.subi %and3A_2056, %and3A_2054 : i32
    %shift_right_arithmetic3A_2058 = arith.constant 4 : i32
    %shift_right_arithmetic3A_2059 = arith.shrsi %sub3A_2057, %shift_right_arithmetic3A_2058 : i32
    %max3A_2060 = arith.constant 0 : i32
    %max3A_2061 = arith.maxsi %shift_right_arithmetic3A_2059, %max3A_2060 : i32
    %while3A_2062 = arith.constant 0 : i32
    %while3A_2063 = arith.constant 0 : i32
    %while3A_2064 = arith.subi %max3A_2061, %while3A_2063 : i32
    %while3A_2065 = arith.addi %while3A_2063, %while3A_2064 : i32
    %while3A_2066 = arith.constant 1 : i32
    %while3A_2067 = arith.divsi %while3A_2064, %while3A_2066 : i32
    %while3A_2068 = arith.muli %while3A_2067, %while3A_2066 : i32
    %while3A_2069 = arith.addi %while3A_2063, %while3A_2068 : i32
    %while3A_2070 = arith.constant 1 : i32
    scf.for %while3A_3681 = %while3A_2063 to %while3A_2069 step %while3A_2070  : i32 {
      %add3A_3682 = arith.constant 80000 : i32
      %add3A_3683 = arith.addi %add3A_3682, %and3A_2054 : i32
      %mul3A_3684 = arith.constant 16 : i32
      %mul3A_3685 = arith.muli %while3A_3681, %mul3A_3684 : i32
      %add3A_3686 = arith.addi %add3A_3683, %mul3A_3685 : i32
      %multiple_of3A_3687 = tpu.assume_multiple %add3A_3686, 16 : i32
      %swap3A_3688 = arith.index_cast %multiple_of3A_3687 : i32 to index
      %swap3A_3689 = tpu.vector_load %arg6[%swap3A_3688] {strides = array<i32>} : memref<120000xf32, #tpu.memory_space<vmem>>, vector<16xf32>,
      %swap3A_3690 = vector.shape_cast %swap3A_3689 : vector<16xf32> to vector<16xf32>
      %swap3A_3691 = vector.shape_cast %broadcast_in_dim3A_1856 : vector<16xf32> to vector<16xf32>
      tpu.vector_store %arg6[%swap3A_3688], %swap3A_3691 {strides = array<i32>} : memref<120000xf32, #tpu.memory_space<vmem>>, vector<16xf32>,
    }
    %while3A_2071 = arith.constant 1 : i32
    scf.for %while3A_3681 = %while3A_2069 to %while3A_2065 step %while3A_2071  : i32 {
      %add3A_3682 = arith.constant 80000 : i32
      %add3A_3683 = arith.addi %add3A_3682, %and3A_2054 : i32
      %mul3A_3684 = arith.constant 16 : i32
      %mul3A_3685 = arith.muli %while3A_3681, %mul3A_3684 : i32
      %add3A_3686 = arith.addi %add3A_3683, %mul3A_3685 : i32
      %multiple_of3A_3687 = tpu.assume_multiple %add3A_3686, 16 : i32
      %swap3A_3688 = arith.index_cast %multiple_of3A_3687 : i32 to index
      %swap3A_3689 = tpu.vector_load %arg6[%swap3A_3688] {strides = array<i32>} : memref<120000xf32, #tpu.memory_space<vmem>>, vector<16xf32>,
      %swap3A_3690 = vector.shape_cast %swap3A_3689 : vector<16xf32> to vector<16xf32>
      %swap3A_3691 = vector.shape_cast %broadcast_in_dim3A_1856 : vector<16xf32> to vector<16xf32>
      tpu.vector_store %arg6[%swap3A_3688], %swap3A_3691 {strides = array<i32>} : memref<120000xf32, #tpu.memory_space<vmem>>, vector<16xf32>,
    }
    %and3A_2072 = arith.constant -16 : i32
    %and3A_2073 = arith.andi %min3A_2044, %and3A_2072 : i32
    %min3A_2074 = arith.constant 39984 : i32
    %min3A_2075 = arith.minsi %and3A_2073, %min3A_2074 : i32
    %min3A_2076 = arith.constant 39984 : i32
    %min3A_2077 = arith.minsi %and3A_2056, %min3A_2076 : i32
    %add3A_2078 = arith.constant 80000 : i32
    %add3A_2079 = arith.addi %add3A_2078, %min3A_2075 : i32
    %multiple_of3A_2080 = tpu.assume_multiple %add3A_2079, 16 : i32
    %add3A_2081 = arith.constant 80000 : i32
    %add3A_2082 = arith.addi %add3A_2081, %min3A_2075 : i32
    %iota3A_2083 = tpu.iota {dimensions = array<i32: 0>} : vector<16xi32>
    %add3A_2084 = vector.broadcast %add3A_2082 : i32 to vector<16xi32>
    %add3A_2085 = arith.addi %add3A_2084, %iota3A_2083 : vector<16xi32>
    %ge3A_2086 = vector.broadcast %squeeze3A_2036 : i32 to vector<16xi32>
    %ge3A_2087 = arith.cmpi sge, %add3A_2085, %ge3A_2086 : vector<16xi32>
    %lt3A_2088 = vector.broadcast %squeeze3A_2038 : i32 to vector<16xi32>
    %lt3A_2089 = arith.cmpi slt, %add3A_2085, %lt3A_2088 : vector<16xi32>
    %and3A_2090 = arith.andi %ge3A_2087, %lt3A_2089 : vector<16xi1>
    %get3A_2091 = arith.index_cast %multiple_of3A_2080 : i32 to index
    %get3A_2092 = tpu.vector_load %arg6[%get3A_2091] {strides = array<i32>} : memref<120000xf32, #tpu.memory_space<vmem>>, vector<16xf32>,
    %get3A_2093 = vector.shape_cast %get3A_2092 : vector<16xf32> to vector<16xf32>
    %jit3A_2094 = arith.constant 0.000000e+00 : f32
    %broadcast_in_dim3A_2095 = vector.broadcast %jit3A_2094 : f32 to vector<16xf32>
    %select_n3A_2096 = arith.select %and3A_2090, %broadcast_in_dim3A_2095, %get3A_2093 : vector<16xi1>, vector<16xf32>
    %swap3A_2097 = arith.index_cast %multiple_of3A_2080 : i32 to index
    %swap3A_2098 = tpu.vector_load %arg6[%swap3A_2097] {strides = array<i32>} : memref<120000xf32, #tpu.memory_space<vmem>>, vector<16xf32>,
    %swap3A_2099 = vector.shape_cast %swap3A_2098 : vector<16xf32> to vector<16xf32>
    %swap3A_2100 = vector.shape_cast %select_n3A_2096 : vector<16xf32> to vector<16xf32>
    tpu.vector_store %arg6[%swap3A_2097], %swap3A_2100 {strides = array<i32>} : memref<120000xf32, #tpu.memory_space<vmem>>, vector<16xf32>,
    %add3A_2101 = arith.constant 80000 : i32
    %add3A_2102 = arith.addi %add3A_2101, %min3A_2077 : i32
    %multiple_of3A_2103 = tpu.assume_multiple %add3A_2102, 16 : i32
    %add3A_2104 = arith.constant 80000 : i32
    %add3A_2105 = arith.addi %add3A_2104, %min3A_2077 : i32
    %iota3A_2106 = tpu.iota {dimensions = array<i32: 0>} : vector<16xi32>
    %add3A_2107 = vector.broadcast %add3A_2105 : i32 to vector<16xi32>
    %add3A_2108 = arith.addi %add3A_2107, %iota3A_2106 : vector<16xi32>
    %ge3A_2109 = vector.broadcast %squeeze3A_2036 : i32 to vector<16xi32>
    %ge3A_2110 = arith.cmpi sge, %add3A_2108, %ge3A_2109 : vector<16xi32>
    %lt3A_2111 = vector.broadcast %squeeze3A_2038 : i32 to vector<16xi32>
    %lt3A_2112 = arith.cmpi slt, %add3A_2108, %lt3A_2111 : vector<16xi32>
    %and3A_2113 = arith.andi %ge3A_2110, %lt3A_2112 : vector<16xi1>
    %get3A_2114 = arith.index_cast %multiple_of3A_2103 : i32 to index
    %get3A_2115 = tpu.vector_load %arg6[%get3A_2114] {strides = array<i32>} : memref<120000xf32, #tpu.memory_space<vmem>>, vector<16xf32>,
    %get3A_2116 = vector.shape_cast %get3A_2115 : vector<16xf32> to vector<16xf32>
    %jit3A_2117 = arith.constant 0.000000e+00 : f32
    %broadcast_in_dim3A_2118 = vector.broadcast %jit3A_2117 : f32 to vector<16xf32>
    %select_n3A_2119 = arith.select %and3A_2113, %broadcast_in_dim3A_2118, %get3A_2116 : vector<16xi1>, vector<16xf32>
    %swap3A_2120 = arith.index_cast %multiple_of3A_2103 : i32 to index
    %swap3A_2121 = tpu.vector_load %arg6[%swap3A_2120] {strides = array<i32>} : memref<120000xf32, #tpu.memory_space<vmem>>, vector<16xf32>,
    %swap3A_2122 = vector.shape_cast %swap3A_2121 : vector<16xf32> to vector<16xf32>
    %swap3A_2123 = vector.shape_cast %select_n3A_2119 : vector<16xf32> to vector<16xf32>
    tpu.vector_store %arg6[%swap3A_2120], %swap3A_2123 {strides = array<i32>} : memref<120000xf32, #tpu.memory_space<vmem>>, vector<16xf32>,
    %slice3A_2124 = vector.extract_strided_slice %get3A_6 {offsets = [3], sizes = [1], strides = [1]} : vector<16xi32> to vector<1xi32>
    %squeeze3A_2125 = vector.extract %slice3A_2124[0] : i32 from vector<1xi32>
    %slice3A_2126 = vector.extract_strided_slice %get3A_9 {offsets = [3], sizes = [1], strides = [1]} : vector<16xi32> to vector<1xi32>
    %squeeze3A_2127 = vector.extract %slice3A_2126[0] : i32 from vector<1xi32>
    %sub3A_2128 = arith.constant 80000 : i32
    %sub3A_2129 = arith.subi %squeeze3A_2125, %sub3A_2128 : i32
    %jit3A_2130 = arith.constant 0 : i32
    %jit3A_2131 = arith.constant 40000 : i32
    %max3A_2132 = arith.maxsi %jit3A_2130, %sub3A_2129 : i32
    %min3A_2133 = arith.minsi %jit3A_2131, %max3A_2132 : i32
    %sub3A_2134 = arith.constant 80000 : i32
    %sub3A_2135 = arith.subi %squeeze3A_2127, %sub3A_2134 : i32
    %jit3A_2136 = arith.constant 0 : i32
    %jit3A_2137 = arith.constant 40000 : i32
    %max3A_2138 = arith.maxsi %jit3A_2136, %sub3A_2135 : i32
    %min3A_2139 = arith.minsi %jit3A_2137, %max3A_2138 : i32
    %add3A_2140 = arith.constant 15 : i32
    %add3A_2141 = arith.addi %min3A_2133, %add3A_2140 : i32
    %and3A_2142 = arith.constant -16 : i32
    %and3A_2143 = arith.andi %add3A_2141, %and3A_2142 : i32
    %and3A_2144 = arith.constant -16 : i32
    %and3A_2145 = arith.andi %min3A_2139, %and3A_2144 : i32
    %sub3A_2146 = arith.subi %and3A_2145, %and3A_2143 : i32
    %shift_right_arithmetic3A_2147 = arith.constant 4 : i32
    %shift_right_arithmetic3A_2148 = arith.shrsi %sub3A_2146, %shift_right_arithmetic3A_2147 : i32
    %max3A_2149 = arith.constant 0 : i32
    %max3A_2150 = arith.maxsi %shift_right_arithmetic3A_2148, %max3A_2149 : i32
    %while3A_2151 = arith.constant 0 : i32
    %while3A_2152 = arith.constant 0 : i32
    %while3A_2153 = arith.subi %max3A_2150, %while3A_2152 : i32
    %while3A_2154 = arith.addi %while3A_2152, %while3A_2153 : i32
    %while3A_2155 = arith.constant 1 : i32
    %while3A_2156 = arith.divsi %while3A_2153, %while3A_2155 : i32
    %while3A_2157 = arith.muli %while3A_2156, %while3A_2155 : i32
    %while3A_2158 = arith.addi %while3A_2152, %while3A_2157 : i32
    %while3A_2159 = arith.constant 1 : i32
    scf.for %while3A_3681 = %while3A_2152 to %while3A_2158 step %while3A_2159  : i32 {
      %add3A_3682 = arith.constant 80000 : i32
      %add3A_3683 = arith.addi %add3A_3682, %and3A_2143 : i32
      %mul3A_3684 = arith.constant 16 : i32
      %mul3A_3685 = arith.muli %while3A_3681, %mul3A_3684 : i32
      %add3A_3686 = arith.addi %add3A_3683, %mul3A_3685 : i32
      %multiple_of3A_3687 = tpu.assume_multiple %add3A_3686, 16 : i32
      %swap3A_3688 = arith.index_cast %multiple_of3A_3687 : i32 to index
      %swap3A_3689 = tpu.vector_load %arg6[%swap3A_3688] {strides = array<i32>} : memref<120000xf32, #tpu.memory_space<vmem>>, vector<16xf32>,
      %swap3A_3690 = vector.shape_cast %swap3A_3689 : vector<16xf32> to vector<16xf32>
      %swap3A_3691 = vector.shape_cast %broadcast_in_dim3A_1856 : vector<16xf32> to vector<16xf32>
      tpu.vector_store %arg6[%swap3A_3688], %swap3A_3691 {strides = array<i32>} : memref<120000xf32, #tpu.memory_space<vmem>>, vector<16xf32>,
    }
    %while3A_2160 = arith.constant 1 : i32
    scf.for %while3A_3681 = %while3A_2158 to %while3A_2154 step %while3A_2160  : i32 {
      %add3A_3682 = arith.constant 80000 : i32
      %add3A_3683 = arith.addi %add3A_3682, %and3A_2143 : i32
      %mul3A_3684 = arith.constant 16 : i32
      %mul3A_3685 = arith.muli %while3A_3681, %mul3A_3684 : i32
      %add3A_3686 = arith.addi %add3A_3683, %mul3A_3685 : i32
      %multiple_of3A_3687 = tpu.assume_multiple %add3A_3686, 16 : i32
      %swap3A_3688 = arith.index_cast %multiple_of3A_3687 : i32 to index
      %swap3A_3689 = tpu.vector_load %arg6[%swap3A_3688] {strides = array<i32>} : memref<120000xf32, #tpu.memory_space<vmem>>, vector<16xf32>,
      %swap3A_3690 = vector.shape_cast %swap3A_3689 : vector<16xf32> to vector<16xf32>
      %swap3A_3691 = vector.shape_cast %broadcast_in_dim3A_1856 : vector<16xf32> to vector<16xf32>
      tpu.vector_store %arg6[%swap3A_3688], %swap3A_3691 {strides = array<i32>} : memref<120000xf32, #tpu.memory_space<vmem>>, vector<16xf32>,
    }
    %and3A_2161 = arith.constant -16 : i32
    %and3A_2162 = arith.andi %min3A_2133, %and3A_2161 : i32
    %min3A_2163 = arith.constant 39984 : i32
    %min3A_2164 = arith.minsi %and3A_2162, %min3A_2163 : i32
    %min3A_2165 = arith.constant 39984 : i32
    %min3A_2166 = arith.minsi %and3A_2145, %min3A_2165 : i32
    %add3A_2167 = arith.constant 80000 : i32
    %add3A_2168 = arith.addi %add3A_2167, %min3A_2164 : i32
    %multiple_of3A_2169 = tpu.assume_multiple %add3A_2168, 16 : i32
    %add3A_2170 = arith.constant 80000 : i32
    %add3A_2171 = arith.addi %add3A_2170, %min3A_2164 : i32
    %iota3A_2172 = tpu.iota {dimensions = array<i32: 0>} : vector<16xi32>
    %add3A_2173 = vector.broadcast %add3A_2171 : i32 to vector<16xi32>
    %add3A_2174 = arith.addi %add3A_2173, %iota3A_2172 : vector<16xi32>
    %ge3A_2175 = vector.broadcast %squeeze3A_2125 : i32 to vector<16xi32>
    %ge3A_2176 = arith.cmpi sge, %add3A_2174, %ge3A_2175 : vector<16xi32>
    %lt3A_2177 = vector.broadcast %squeeze3A_2127 : i32 to vector<16xi32>
    %lt3A_2178 = arith.cmpi slt, %add3A_2174, %lt3A_2177 : vector<16xi32>
    %and3A_2179 = arith.andi %ge3A_2176, %lt3A_2178 : vector<16xi1>
    %get3A_2180 = arith.index_cast %multiple_of3A_2169 : i32 to index
    %get3A_2181 = tpu.vector_load %arg6[%get3A_2180] {strides = array<i32>} : memref<120000xf32, #tpu.memory_space<vmem>>, vector<16xf32>,
    %get3A_2182 = vector.shape_cast %get3A_2181 : vector<16xf32> to vector<16xf32>
    %jit3A_2183 = arith.constant 0.000000e+00 : f32
    %broadcast_in_dim3A_2184 = vector.broadcast %jit3A_2183 : f32 to vector<16xf32>
    %select_n3A_2185 = arith.select %and3A_2179, %broadcast_in_dim3A_2184, %get3A_2182 : vector<16xi1>, vector<16xf32>
    %swap3A_2186 = arith.index_cast %multiple_of3A_2169 : i32 to index
    %swap3A_2187 = tpu.vector_load %arg6[%swap3A_2186] {strides = array<i32>} : memref<120000xf32, #tpu.memory_space<vmem>>, vector<16xf32>,
    %swap3A_2188 = vector.shape_cast %swap3A_2187 : vector<16xf32> to vector<16xf32>
    %swap3A_2189 = vector.shape_cast %select_n3A_2185 : vector<16xf32> to vector<16xf32>
    tpu.vector_store %arg6[%swap3A_2186], %swap3A_2189 {strides = array<i32>} : memref<120000xf32, #tpu.memory_space<vmem>>, vector<16xf32>,
    %add3A_2190 = arith.constant 80000 : i32
    %add3A_2191 = arith.addi %add3A_2190, %min3A_2166 : i32
    %multiple_of3A_2192 = tpu.assume_multiple %add3A_2191, 16 : i32
    %add3A_2193 = arith.constant 80000 : i32
    %add3A_2194 = arith.addi %add3A_2193, %min3A_2166 : i32
    %iota3A_2195 = tpu.iota {dimensions = array<i32: 0>} : vector<16xi32>
    %add3A_2196 = vector.broadcast %add3A_2194 : i32 to vector<16xi32>
    %add3A_2197 = arith.addi %add3A_2196, %iota3A_2195 : vector<16xi32>
    %ge3A_2198 = vector.broadcast %squeeze3A_2125 : i32 to vector<16xi32>
    %ge3A_2199 = arith.cmpi sge, %add3A_2197, %ge3A_2198 : vector<16xi32>
    %lt3A_2200 = vector.broadcast %squeeze3A_2127 : i32 to vector<16xi32>
    %lt3A_2201 = arith.cmpi slt, %add3A_2197, %lt3A_2200 : vector<16xi32>
    %and3A_2202 = arith.andi %ge3A_2199, %lt3A_2201 : vector<16xi1>
    %get3A_2203 = arith.index_cast %multiple_of3A_2192 : i32 to index
    %get3A_2204 = tpu.vector_load %arg6[%get3A_2203] {strides = array<i32>} : memref<120000xf32, #tpu.memory_space<vmem>>, vector<16xf32>,
    %get3A_2205 = vector.shape_cast %get3A_2204 : vector<16xf32> to vector<16xf32>
    %jit3A_2206 = arith.constant 0.000000e+00 : f32
    %broadcast_in_dim3A_2207 = vector.broadcast %jit3A_2206 : f32 to vector<16xf32>
    %select_n3A_2208 = arith.select %and3A_2202, %broadcast_in_dim3A_2207, %get3A_2205 : vector<16xi1>, vector<16xf32>
    %swap3A_2209 = arith.index_cast %multiple_of3A_2192 : i32 to index
    %swap3A_2210 = tpu.vector_load %arg6[%swap3A_2209] {strides = array<i32>} : memref<120000xf32, #tpu.memory_space<vmem>>, vector<16xf32>,
    %swap3A_2211 = vector.shape_cast %swap3A_2210 : vector<16xf32> to vector<16xf32>
    %swap3A_2212 = vector.shape_cast %select_n3A_2208 : vector<16xf32> to vector<16xf32>
    tpu.vector_store %arg6[%swap3A_2209], %swap3A_2212 {strides = array<i32>} : memref<120000xf32, #tpu.memory_space<vmem>>, vector<16xf32>,
    %slice3A_2213 = vector.extract_strided_slice %get3A_6 {offsets = [4], sizes = [1], strides = [1]} : vector<16xi32> to vector<1xi32>
    %squeeze3A_2214 = vector.extract %slice3A_2213[0] : i32 from vector<1xi32>
    %slice3A_2215 = vector.extract_strided_slice %get3A_9 {offsets = [4], sizes = [1], strides = [1]} : vector<16xi32> to vector<1xi32>
    %squeeze3A_2216 = vector.extract %slice3A_2215[0] : i32 from vector<1xi32>
    %sub3A_2217 = arith.constant 80000 : i32
    %sub3A_2218 = arith.subi %squeeze3A_2214, %sub3A_2217 : i32
    %jit3A_2219 = arith.constant 0 : i32
    %jit3A_2220 = arith.constant 40000 : i32
    %max3A_2221 = arith.maxsi %jit3A_2219, %sub3A_2218 : i32
    %min3A_2222 = arith.minsi %jit3A_2220, %max3A_2221 : i32
    %sub3A_2223 = arith.constant 80000 : i32
    %sub3A_2224 = arith.subi %squeeze3A_2216, %sub3A_2223 : i32
    %jit3A_2225 = arith.constant 0 : i32
    %jit3A_2226 = arith.constant 40000 : i32
    %max3A_2227 = arith.maxsi %jit3A_2225, %sub3A_2224 : i32
    %min3A_2228 = arith.minsi %jit3A_2226, %max3A_2227 : i32
    %add3A_2229 = arith.constant 15 : i32
    %add3A_2230 = arith.addi %min3A_2222, %add3A_2229 : i32
    %and3A_2231 = arith.constant -16 : i32
    %and3A_2232 = arith.andi %add3A_2230, %and3A_2231 : i32
    %and3A_2233 = arith.constant -16 : i32
    %and3A_2234 = arith.andi %min3A_2228, %and3A_2233 : i32
    %sub3A_2235 = arith.subi %and3A_2234, %and3A_2232 : i32
    %shift_right_arithmetic3A_2236 = arith.constant 4 : i32
    %shift_right_arithmetic3A_2237 = arith.shrsi %sub3A_2235, %shift_right_arithmetic3A_2236 : i32
    %max3A_2238 = arith.constant 0 : i32
    %max3A_2239 = arith.maxsi %shift_right_arithmetic3A_2237, %max3A_2238 : i32
    %while3A_2240 = arith.constant 0 : i32
    %while3A_2241 = arith.constant 0 : i32
    %while3A_2242 = arith.subi %max3A_2239, %while3A_2241 : i32
    %while3A_2243 = arith.addi %while3A_2241, %while3A_2242 : i32
    %while3A_2244 = arith.constant 1 : i32
    %while3A_2245 = arith.divsi %while3A_2242, %while3A_2244 : i32
    %while3A_2246 = arith.muli %while3A_2245, %while3A_2244 : i32
    %while3A_2247 = arith.addi %while3A_2241, %while3A_2246 : i32
    %while3A_2248 = arith.constant 1 : i32
    scf.for %while3A_3681 = %while3A_2241 to %while3A_2247 step %while3A_2248  : i32 {
      %add3A_3682 = arith.constant 80000 : i32
      %add3A_3683 = arith.addi %add3A_3682, %and3A_2232 : i32
      %mul3A_3684 = arith.constant 16 : i32
      %mul3A_3685 = arith.muli %while3A_3681, %mul3A_3684 : i32
      %add3A_3686 = arith.addi %add3A_3683, %mul3A_3685 : i32
      %multiple_of3A_3687 = tpu.assume_multiple %add3A_3686, 16 : i32
      %swap3A_3688 = arith.index_cast %multiple_of3A_3687 : i32 to index
      %swap3A_3689 = tpu.vector_load %arg6[%swap3A_3688] {strides = array<i32>} : memref<120000xf32, #tpu.memory_space<vmem>>, vector<16xf32>,
      %swap3A_3690 = vector.shape_cast %swap3A_3689 : vector<16xf32> to vector<16xf32>
      %swap3A_3691 = vector.shape_cast %broadcast_in_dim3A_1856 : vector<16xf32> to vector<16xf32>
      tpu.vector_store %arg6[%swap3A_3688], %swap3A_3691 {strides = array<i32>} : memref<120000xf32, #tpu.memory_space<vmem>>, vector<16xf32>,
    }
    %while3A_2249 = arith.constant 1 : i32
    scf.for %while3A_3681 = %while3A_2247 to %while3A_2243 step %while3A_2249  : i32 {
      %add3A_3682 = arith.constant 80000 : i32
      %add3A_3683 = arith.addi %add3A_3682, %and3A_2232 : i32
      %mul3A_3684 = arith.constant 16 : i32
      %mul3A_3685 = arith.muli %while3A_3681, %mul3A_3684 : i32
      %add3A_3686 = arith.addi %add3A_3683, %mul3A_3685 : i32
      %multiple_of3A_3687 = tpu.assume_multiple %add3A_3686, 16 : i32
      %swap3A_3688 = arith.index_cast %multiple_of3A_3687 : i32 to index
      %swap3A_3689 = tpu.vector_load %arg6[%swap3A_3688] {strides = array<i32>} : memref<120000xf32, #tpu.memory_space<vmem>>, vector<16xf32>,
      %swap3A_3690 = vector.shape_cast %swap3A_3689 : vector<16xf32> to vector<16xf32>
      %swap3A_3691 = vector.shape_cast %broadcast_in_dim3A_1856 : vector<16xf32> to vector<16xf32>
      tpu.vector_store %arg6[%swap3A_3688], %swap3A_3691 {strides = array<i32>} : memref<120000xf32, #tpu.memory_space<vmem>>, vector<16xf32>,
    }
    %and3A_2250 = arith.constant -16 : i32
    %and3A_2251 = arith.andi %min3A_2222, %and3A_2250 : i32
    %min3A_2252 = arith.constant 39984 : i32
    %min3A_2253 = arith.minsi %and3A_2251, %min3A_2252 : i32
    %min3A_2254 = arith.constant 39984 : i32
    %min3A_2255 = arith.minsi %and3A_2234, %min3A_2254 : i32
    %add3A_2256 = arith.constant 80000 : i32
    %add3A_2257 = arith.addi %add3A_2256, %min3A_2253 : i32
    %multiple_of3A_2258 = tpu.assume_multiple %add3A_2257, 16 : i32
    %add3A_2259 = arith.constant 80000 : i32
    %add3A_2260 = arith.addi %add3A_2259, %min3A_2253 : i32
    %iota3A_2261 = tpu.iota {dimensions = array<i32: 0>} : vector<16xi32>
    %add3A_2262 = vector.broadcast %add3A_2260 : i32 to vector<16xi32>
    %add3A_2263 = arith.addi %add3A_2262, %iota3A_2261 : vector<16xi32>
    %ge3A_2264 = vector.broadcast %squeeze3A_2214 : i32 to vector<16xi32>
    %ge3A_2265 = arith.cmpi sge, %add3A_2263, %ge3A_2264 : vector<16xi32>
    %lt3A_2266 = vector.broadcast %squeeze3A_2216 : i32 to vector<16xi32>
    %lt3A_2267 = arith.cmpi slt, %add3A_2263, %lt3A_2266 : vector<16xi32>
    %and3A_2268 = arith.andi %ge3A_2265, %lt3A_2267 : vector<16xi1>
    %get3A_2269 = arith.index_cast %multiple_of3A_2258 : i32 to index
    %get3A_2270 = tpu.vector_load %arg6[%get3A_2269] {strides = array<i32>} : memref<120000xf32, #tpu.memory_space<vmem>>, vector<16xf32>,
    %get3A_2271 = vector.shape_cast %get3A_2270 : vector<16xf32> to vector<16xf32>
    %jit3A_2272 = arith.constant 0.000000e+00 : f32
    %broadcast_in_dim3A_2273 = vector.broadcast %jit3A_2272 : f32 to vector<16xf32>
    %select_n3A_2274 = arith.select %and3A_2268, %broadcast_in_dim3A_2273, %get3A_2271 : vector<16xi1>, vector<16xf32>
    %swap3A_2275 = arith.index_cast %multiple_of3A_2258 : i32 to index
    %swap3A_2276 = tpu.vector_load %arg6[%swap3A_2275] {strides = array<i32>} : memref<120000xf32, #tpu.memory_space<vmem>>, vector<16xf32>,
    %swap3A_2277 = vector.shape_cast %swap3A_2276 : vector<16xf32> to vector<16xf32>
    %swap3A_2278 = vector.shape_cast %select_n3A_2274 : vector<16xf32> to vector<16xf32>
    tpu.vector_store %arg6[%swap3A_2275], %swap3A_2278 {strides = array<i32>} : memref<120000xf32, #tpu.memory_space<vmem>>, vector<16xf32>,
    %add3A_2279 = arith.constant 80000 : i32
    %add3A_2280 = arith.addi %add3A_2279, %min3A_2255 : i32
    %multiple_of3A_2281 = tpu.assume_multiple %add3A_2280, 16 : i32
    %add3A_2282 = arith.constant 80000 : i32
    %add3A_2283 = arith.addi %add3A_2282, %min3A_2255 : i32
    %iota3A_2284 = tpu.iota {dimensions = array<i32: 0>} : vector<16xi32>
    %add3A_2285 = vector.broadcast %add3A_2283 : i32 to vector<16xi32>
    %add3A_2286 = arith.addi %add3A_2285, %iota3A_2284 : vector<16xi32>
    %ge3A_2287 = vector.broadcast %squeeze3A_2214 : i32 to vector<16xi32>
    %ge3A_2288 = arith.cmpi sge, %add3A_2286, %ge3A_2287 : vector<16xi32>
    %lt3A_2289 = vector.broadcast %squeeze3A_2216 : i32 to vector<16xi32>
    %lt3A_2290 = arith.cmpi slt, %add3A_2286, %lt3A_2289 : vector<16xi32>
    %and3A_2291 = arith.andi %ge3A_2288, %lt3A_2290 : vector<16xi1>
    %get3A_2292 = arith.index_cast %multiple_of3A_2281 : i32 to index
    %get3A_2293 = tpu.vector_load %arg6[%get3A_2292] {strides = array<i32>} : memref<120000xf32, #tpu.memory_space<vmem>>, vector<16xf32>,
    %get3A_2294 = vector.shape_cast %get3A_2293 : vector<16xf32> to vector<16xf32>
    %jit3A_2295 = arith.constant 0.000000e+00 : f32
    %broadcast_in_dim3A_2296 = vector.broadcast %jit3A_2295 : f32 to vector<16xf32>
    %select_n3A_2297 = arith.select %and3A_2291, %broadcast_in_dim3A_2296, %get3A_2294 : vector<16xi1>, vector<16xf32>
    %swap3A_2298 = arith.index_cast %multiple_of3A_2281 : i32 to index
    %swap3A_2299 = tpu.vector_load %arg6[%swap3A_2298] {strides = array<i32>} : memref<120000xf32, #tpu.memory_space<vmem>>, vector<16xf32>,
    %swap3A_2300 = vector.shape_cast %swap3A_2299 : vector<16xf32> to vector<16xf32>
    %swap3A_2301 = vector.shape_cast %select_n3A_2297 : vector<16xf32> to vector<16xf32>
    tpu.vector_store %arg6[%swap3A_2298], %swap3A_2301 {strides = array<i32>} : memref<120000xf32, #tpu.memory_space<vmem>>, vector<16xf32>,
    %slice3A_2302 = vector.extract_strided_slice %get3A_6 {offsets = [5], sizes = [1], strides = [1]} : vector<16xi32> to vector<1xi32>
    %squeeze3A_2303 = vector.extract %slice3A_2302[0] : i32 from vector<1xi32>
    %slice3A_2304 = vector.extract_strided_slice %get3A_9 {offsets = [5], sizes = [1], strides = [1]} : vector<16xi32> to vector<1xi32>
    %squeeze3A_2305 = vector.extract %slice3A_2304[0] : i32 from vector<1xi32>
    %sub3A_2306 = arith.constant 80000 : i32
    %sub3A_2307 = arith.subi %squeeze3A_2303, %sub3A_2306 : i32
    %jit3A_2308 = arith.constant 0 : i32
    %jit3A_2309 = arith.constant 40000 : i32
    %max3A_2310 = arith.maxsi %jit3A_2308, %sub3A_2307 : i32
    %min3A_2311 = arith.minsi %jit3A_2309, %max3A_2310 : i32
    %sub3A_2312 = arith.constant 80000 : i32
    %sub3A_2313 = arith.subi %squeeze3A_2305, %sub3A_2312 : i32
    %jit3A_2314 = arith.constant 0 : i32
    %jit3A_2315 = arith.constant 40000 : i32
    %max3A_2316 = arith.maxsi %jit3A_2314, %sub3A_2313 : i32
    %min3A_2317 = arith.minsi %jit3A_2315, %max3A_2316 : i32
    %add3A_2318 = arith.constant 15 : i32
    %add3A_2319 = arith.addi %min3A_2311, %add3A_2318 : i32
    %and3A_2320 = arith.constant -16 : i32
    %and3A_2321 = arith.andi %add3A_2319, %and3A_2320 : i32
    %and3A_2322 = arith.constant -16 : i32
    %and3A_2323 = arith.andi %min3A_2317, %and3A_2322 : i32
    %sub3A_2324 = arith.subi %and3A_2323, %and3A_2321 : i32
    %shift_right_arithmetic3A_2325 = arith.constant 4 : i32
    %shift_right_arithmetic3A_2326 = arith.shrsi %sub3A_2324, %shift_right_arithmetic3A_2325 : i32
    %max3A_2327 = arith.constant 0 : i32
    %max3A_2328 = arith.maxsi %shift_right_arithmetic3A_2326, %max3A_2327 : i32
    %while3A_2329 = arith.constant 0 : i32
    %while3A_2330 = arith.constant 0 : i32
    %while3A_2331 = arith.subi %max3A_2328, %while3A_2330 : i32
    %while3A_2332 = arith.addi %while3A_2330, %while3A_2331 : i32
    %while3A_2333 = arith.constant 1 : i32
    %while3A_2334 = arith.divsi %while3A_2331, %while3A_2333 : i32
    %while3A_2335 = arith.muli %while3A_2334, %while3A_2333 : i32
    %while3A_2336 = arith.addi %while3A_2330, %while3A_2335 : i32
    %while3A_2337 = arith.constant 1 : i32
    scf.for %while3A_3681 = %while3A_2330 to %while3A_2336 step %while3A_2337  : i32 {
      %add3A_3682 = arith.constant 80000 : i32
      %add3A_3683 = arith.addi %add3A_3682, %and3A_2321 : i32
      %mul3A_3684 = arith.constant 16 : i32
      %mul3A_3685 = arith.muli %while3A_3681, %mul3A_3684 : i32
      %add3A_3686 = arith.addi %add3A_3683, %mul3A_3685 : i32
      %multiple_of3A_3687 = tpu.assume_multiple %add3A_3686, 16 : i32
      %swap3A_3688 = arith.index_cast %multiple_of3A_3687 : i32 to index
      %swap3A_3689 = tpu.vector_load %arg6[%swap3A_3688] {strides = array<i32>} : memref<120000xf32, #tpu.memory_space<vmem>>, vector<16xf32>,
      %swap3A_3690 = vector.shape_cast %swap3A_3689 : vector<16xf32> to vector<16xf32>
      %swap3A_3691 = vector.shape_cast %broadcast_in_dim3A_1856 : vector<16xf32> to vector<16xf32>
      tpu.vector_store %arg6[%swap3A_3688], %swap3A_3691 {strides = array<i32>} : memref<120000xf32, #tpu.memory_space<vmem>>, vector<16xf32>,
    }
    %while3A_2338 = arith.constant 1 : i32
    scf.for %while3A_3681 = %while3A_2336 to %while3A_2332 step %while3A_2338  : i32 {
      %add3A_3682 = arith.constant 80000 : i32
      %add3A_3683 = arith.addi %add3A_3682, %and3A_2321 : i32
      %mul3A_3684 = arith.constant 16 : i32
      %mul3A_3685 = arith.muli %while3A_3681, %mul3A_3684 : i32
      %add3A_3686 = arith.addi %add3A_3683, %mul3A_3685 : i32
      %multiple_of3A_3687 = tpu.assume_multiple %add3A_3686, 16 : i32
      %swap3A_3688 = arith.index_cast %multiple_of3A_3687 : i32 to index
      %swap3A_3689 = tpu.vector_load %arg6[%swap3A_3688] {strides = array<i32>} : memref<120000xf32, #tpu.memory_space<vmem>>, vector<16xf32>,
      %swap3A_3690 = vector.shape_cast %swap3A_3689 : vector<16xf32> to vector<16xf32>
      %swap3A_3691 = vector.shape_cast %broadcast_in_dim3A_1856 : vector<16xf32> to vector<16xf32>
      tpu.vector_store %arg6[%swap3A_3688], %swap3A_3691 {strides = array<i32>} : memref<120000xf32, #tpu.memory_space<vmem>>, vector<16xf32>,
    }
    %and3A_2339 = arith.constant -16 : i32
    %and3A_2340 = arith.andi %min3A_2311, %and3A_2339 : i32
    %min3A_2341 = arith.constant 39984 : i32
    %min3A_2342 = arith.minsi %and3A_2340, %min3A_2341 : i32
    %min3A_2343 = arith.constant 39984 : i32
    %min3A_2344 = arith.minsi %and3A_2323, %min3A_2343 : i32
    %add3A_2345 = arith.constant 80000 : i32
    %add3A_2346 = arith.addi %add3A_2345, %min3A_2342 : i32
    %multiple_of3A_2347 = tpu.assume_multiple %add3A_2346, 16 : i32
    %add3A_2348 = arith.constant 80000 : i32
    %add3A_2349 = arith.addi %add3A_2348, %min3A_2342 : i32
    %iota3A_2350 = tpu.iota {dimensions = array<i32: 0>} : vector<16xi32>
    %add3A_2351 = vector.broadcast %add3A_2349 : i32 to vector<16xi32>
    %add3A_2352 = arith.addi %add3A_2351, %iota3A_2350 : vector<16xi32>
    %ge3A_2353 = vector.broadcast %squeeze3A_2303 : i32 to vector<16xi32>
    %ge3A_2354 = arith.cmpi sge, %add3A_2352, %ge3A_2353 : vector<16xi32>
    %lt3A_2355 = vector.broadcast %squeeze3A_2305 : i32 to vector<16xi32>
    %lt3A_2356 = arith.cmpi slt, %add3A_2352, %lt3A_2355 : vector<16xi32>
    %and3A_2357 = arith.andi %ge3A_2354, %lt3A_2356 : vector<16xi1>
    %get3A_2358 = arith.index_cast %multiple_of3A_2347 : i32 to index
    %get3A_2359 = tpu.vector_load %arg6[%get3A_2358] {strides = array<i32>} : memref<120000xf32, #tpu.memory_space<vmem>>, vector<16xf32>,
    %get3A_2360 = vector.shape_cast %get3A_2359 : vector<16xf32> to vector<16xf32>
    %jit3A_2361 = arith.constant 0.000000e+00 : f32
    %broadcast_in_dim3A_2362 = vector.broadcast %jit3A_2361 : f32 to vector<16xf32>
    %select_n3A_2363 = arith.select %and3A_2357, %broadcast_in_dim3A_2362, %get3A_2360 : vector<16xi1>, vector<16xf32>
    %swap3A_2364 = arith.index_cast %multiple_of3A_2347 : i32 to index
    %swap3A_2365 = tpu.vector_load %arg6[%swap3A_2364] {strides = array<i32>} : memref<120000xf32, #tpu.memory_space<vmem>>, vector<16xf32>,
    %swap3A_2366 = vector.shape_cast %swap3A_2365 : vector<16xf32> to vector<16xf32>
    %swap3A_2367 = vector.shape_cast %select_n3A_2363 : vector<16xf32> to vector<16xf32>
    tpu.vector_store %arg6[%swap3A_2364], %swap3A_2367 {strides = array<i32>} : memref<120000xf32, #tpu.memory_space<vmem>>, vector<16xf32>,
    %add3A_2368 = arith.constant 80000 : i32
    %add3A_2369 = arith.addi %add3A_2368, %min3A_2344 : i32
    %multiple_of3A_2370 = tpu.assume_multiple %add3A_2369, 16 : i32
    %add3A_2371 = arith.constant 80000 : i32
    %add3A_2372 = arith.addi %add3A_2371, %min3A_2344 : i32
    %iota3A_2373 = tpu.iota {dimensions = array<i32: 0>} : vector<16xi32>
    %add3A_2374 = vector.broadcast %add3A_2372 : i32 to vector<16xi32>
    %add3A_2375 = arith.addi %add3A_2374, %iota3A_2373 : vector<16xi32>
    %ge3A_2376 = vector.broadcast %squeeze3A_2303 : i32 to vector<16xi32>
    %ge3A_2377 = arith.cmpi sge, %add3A_2375, %ge3A_2376 : vector<16xi32>
    %lt3A_2378 = vector.broadcast %squeeze3A_2305 : i32 to vector<16xi32>
    %lt3A_2379 = arith.cmpi slt, %add3A_2375, %lt3A_2378 : vector<16xi32>
    %and3A_2380 = arith.andi %ge3A_2377, %lt3A_2379 : vector<16xi1>
    %get3A_2381 = arith.index_cast %multiple_of3A_2370 : i32 to index
    %get3A_2382 = tpu.vector_load %arg6[%get3A_2381] {strides = array<i32>} : memref<120000xf32, #tpu.memory_space<vmem>>, vector<16xf32>,
    %get3A_2383 = vector.shape_cast %get3A_2382 : vector<16xf32> to vector<16xf32>
    %jit3A_2384 = arith.constant 0.000000e+00 : f32
    %broadcast_in_dim3A_2385 = vector.broadcast %jit3A_2384 : f32 to vector<16xf32>
    %select_n3A_2386 = arith.select %and3A_2380, %broadcast_in_dim3A_2385, %get3A_2383 : vector<16xi1>, vector<16xf32>
    %swap3A_2387 = arith.index_cast %multiple_of3A_2370 : i32 to index
    %swap3A_2388 = tpu.vector_load %arg6[%swap3A_2387] {strides = array<i32>} : memref<120000xf32, #tpu.memory_space<vmem>>, vector<16xf32>,
    %swap3A_2389 = vector.shape_cast %swap3A_2388 : vector<16xf32> to vector<16xf32>
    %swap3A_2390 = vector.shape_cast %select_n3A_2386 : vector<16xf32> to vector<16xf32>
    tpu.vector_store %arg6[%swap3A_2387], %swap3A_2390 {strides = array<i32>} : memref<120000xf32, #tpu.memory_space<vmem>>, vector<16xf32>,
    %slice3A_2391 = vector.extract_strided_slice %get3A_6 {offsets = [6], sizes = [1], strides = [1]} : vector<16xi32> to vector<1xi32>
    %squeeze3A_2392 = vector.extract %slice3A_2391[0] : i32 from vector<1xi32>
    %slice3A_2393 = vector.extract_strided_slice %get3A_9 {offsets = [6], sizes = [1], strides = [1]} : vector<16xi32> to vector<1xi32>
    %squeeze3A_2394 = vector.extract %slice3A_2393[0] : i32 from vector<1xi32>
    %sub3A_2395 = arith.constant 80000 : i32
    %sub3A_2396 = arith.subi %squeeze3A_2392, %sub3A_2395 : i32
    %jit3A_2397 = arith.constant 0 : i32
    %jit3A_2398 = arith.constant 40000 : i32
    %max3A_2399 = arith.maxsi %jit3A_2397, %sub3A_2396 : i32
    %min3A_2400 = arith.minsi %jit3A_2398, %max3A_2399 : i32
    %sub3A_2401 = arith.constant 80000 : i32
    %sub3A_2402 = arith.subi %squeeze3A_2394, %sub3A_2401 : i32
    %jit3A_2403 = arith.constant 0 : i32
    %jit3A_2404 = arith.constant 40000 : i32
    %max3A_2405 = arith.maxsi %jit3A_2403, %sub3A_2402 : i32
    %min3A_2406 = arith.minsi %jit3A_2404, %max3A_2405 : i32
    %add3A_2407 = arith.constant 15 : i32
    %add3A_2408 = arith.addi %min3A_2400, %add3A_2407 : i32
    %and3A_2409 = arith.constant -16 : i32
    %and3A_2410 = arith.andi %add3A_2408, %and3A_2409 : i32
    %and3A_2411 = arith.constant -16 : i32
    %and3A_2412 = arith.andi %min3A_2406, %and3A_2411 : i32
    %sub3A_2413 = arith.subi %and3A_2412, %and3A_2410 : i32
    %shift_right_arithmetic3A_2414 = arith.constant 4 : i32
    %shift_right_arithmetic3A_2415 = arith.shrsi %sub3A_2413, %shift_right_arithmetic3A_2414 : i32
    %max3A_2416 = arith.constant 0 : i32
    %max3A_2417 = arith.maxsi %shift_right_arithmetic3A_2415, %max3A_2416 : i32
    %while3A_2418 = arith.constant 0 : i32
    %while3A_2419 = arith.constant 0 : i32
    %while3A_2420 = arith.subi %max3A_2417, %while3A_2419 : i32
    %while3A_2421 = arith.addi %while3A_2419, %while3A_2420 : i32
    %while3A_2422 = arith.constant 1 : i32
    %while3A_2423 = arith.divsi %while3A_2420, %while3A_2422 : i32
    %while3A_2424 = arith.muli %while3A_2423, %while3A_2422 : i32
    %while3A_2425 = arith.addi %while3A_2419, %while3A_2424 : i32
    %while3A_2426 = arith.constant 1 : i32
    scf.for %while3A_3681 = %while3A_2419 to %while3A_2425 step %while3A_2426  : i32 {
      %add3A_3682 = arith.constant 80000 : i32
      %add3A_3683 = arith.addi %add3A_3682, %and3A_2410 : i32
      %mul3A_3684 = arith.constant 16 : i32
      %mul3A_3685 = arith.muli %while3A_3681, %mul3A_3684 : i32
      %add3A_3686 = arith.addi %add3A_3683, %mul3A_3685 : i32
      %multiple_of3A_3687 = tpu.assume_multiple %add3A_3686, 16 : i32
      %swap3A_3688 = arith.index_cast %multiple_of3A_3687 : i32 to index
      %swap3A_3689 = tpu.vector_load %arg6[%swap3A_3688] {strides = array<i32>} : memref<120000xf32, #tpu.memory_space<vmem>>, vector<16xf32>,
      %swap3A_3690 = vector.shape_cast %swap3A_3689 : vector<16xf32> to vector<16xf32>
      %swap3A_3691 = vector.shape_cast %broadcast_in_dim3A_1856 : vector<16xf32> to vector<16xf32>
      tpu.vector_store %arg6[%swap3A_3688], %swap3A_3691 {strides = array<i32>} : memref<120000xf32, #tpu.memory_space<vmem>>, vector<16xf32>,
    }
    %while3A_2427 = arith.constant 1 : i32
    scf.for %while3A_3681 = %while3A_2425 to %while3A_2421 step %while3A_2427  : i32 {
      %add3A_3682 = arith.constant 80000 : i32
      %add3A_3683 = arith.addi %add3A_3682, %and3A_2410 : i32
      %mul3A_3684 = arith.constant 16 : i32
      %mul3A_3685 = arith.muli %while3A_3681, %mul3A_3684 : i32
      %add3A_3686 = arith.addi %add3A_3683, %mul3A_3685 : i32
      %multiple_of3A_3687 = tpu.assume_multiple %add3A_3686, 16 : i32
      %swap3A_3688 = arith.index_cast %multiple_of3A_3687 : i32 to index
      %swap3A_3689 = tpu.vector_load %arg6[%swap3A_3688] {strides = array<i32>} : memref<120000xf32, #tpu.memory_space<vmem>>, vector<16xf32>,
      %swap3A_3690 = vector.shape_cast %swap3A_3689 : vector<16xf32> to vector<16xf32>
      %swap3A_3691 = vector.shape_cast %broadcast_in_dim3A_1856 : vector<16xf32> to vector<16xf32>
      tpu.vector_store %arg6[%swap3A_3688], %swap3A_3691 {strides = array<i32>} : memref<120000xf32, #tpu.memory_space<vmem>>, vector<16xf32>,
    }
    %and3A_2428 = arith.constant -16 : i32
    %and3A_2429 = arith.andi %min3A_2400, %and3A_2428 : i32
    %min3A_2430 = arith.constant 39984 : i32
    %min3A_2431 = arith.minsi %and3A_2429, %min3A_2430 : i32
    %min3A_2432 = arith.constant 39984 : i32
    %min3A_2433 = arith.minsi %and3A_2412, %min3A_2432 : i32
    %add3A_2434 = arith.constant 80000 : i32
    %add3A_2435 = arith.addi %add3A_2434, %min3A_2431 : i32
    %multiple_of3A_2436 = tpu.assume_multiple %add3A_2435, 16 : i32
    %add3A_2437 = arith.constant 80000 : i32
    %add3A_2438 = arith.addi %add3A_2437, %min3A_2431 : i32
    %iota3A_2439 = tpu.iota {dimensions = array<i32: 0>} : vector<16xi32>
    %add3A_2440 = vector.broadcast %add3A_2438 : i32 to vector<16xi32>
    %add3A_2441 = arith.addi %add3A_2440, %iota3A_2439 : vector<16xi32>
    %ge3A_2442 = vector.broadcast %squeeze3A_2392 : i32 to vector<16xi32>
    %ge3A_2443 = arith.cmpi sge, %add3A_2441, %ge3A_2442 : vector<16xi32>
    %lt3A_2444 = vector.broadcast %squeeze3A_2394 : i32 to vector<16xi32>
    %lt3A_2445 = arith.cmpi slt, %add3A_2441, %lt3A_2444 : vector<16xi32>
    %and3A_2446 = arith.andi %ge3A_2443, %lt3A_2445 : vector<16xi1>
    %get3A_2447 = arith.index_cast %multiple_of3A_2436 : i32 to index
    %get3A_2448 = tpu.vector_load %arg6[%get3A_2447] {strides = array<i32>} : memref<120000xf32, #tpu.memory_space<vmem>>, vector<16xf32>,
    %get3A_2449 = vector.shape_cast %get3A_2448 : vector<16xf32> to vector<16xf32>
    %jit3A_2450 = arith.constant 0.000000e+00 : f32
    %broadcast_in_dim3A_2451 = vector.broadcast %jit3A_2450 : f32 to vector<16xf32>
    %select_n3A_2452 = arith.select %and3A_2446, %broadcast_in_dim3A_2451, %get3A_2449 : vector<16xi1>, vector<16xf32>
    %swap3A_2453 = arith.index_cast %multiple_of3A_2436 : i32 to index
    %swap3A_2454 = tpu.vector_load %arg6[%swap3A_2453] {strides = array<i32>} : memref<120000xf32, #tpu.memory_space<vmem>>, vector<16xf32>,
    %swap3A_2455 = vector.shape_cast %swap3A_2454 : vector<16xf32> to vector<16xf32>
    %swap3A_2456 = vector.shape_cast %select_n3A_2452 : vector<16xf32> to vector<16xf32>
    tpu.vector_store %arg6[%swap3A_2453], %swap3A_2456 {strides = array<i32>} : memref<120000xf32, #tpu.memory_space<vmem>>, vector<16xf32>,
    %add3A_2457 = arith.constant 80000 : i32
    %add3A_2458 = arith.addi %add3A_2457, %min3A_2433 : i32
    %multiple_of3A_2459 = tpu.assume_multiple %add3A_2458, 16 : i32
    %add3A_2460 = arith.constant 80000 : i32
    %add3A_2461 = arith.addi %add3A_2460, %min3A_2433 : i32
    %iota3A_2462 = tpu.iota {dimensions = array<i32: 0>} : vector<16xi32>
    %add3A_2463 = vector.broadcast %add3A_2461 : i32 to vector<16xi32>
    %add3A_2464 = arith.addi %add3A_2463, %iota3A_2462 : vector<16xi32>
    %ge3A_2465 = vector.broadcast %squeeze3A_2392 : i32 to vector<16xi32>
    %ge3A_2466 = arith.cmpi sge, %add3A_2464, %ge3A_2465 : vector<16xi32>
    %lt3A_2467 = vector.broadcast %squeeze3A_2394 : i32 to vector<16xi32>
    %lt3A_2468 = arith.cmpi slt, %add3A_2464, %lt3A_2467 : vector<16xi32>
    %and3A_2469 = arith.andi %ge3A_2466, %lt3A_2468 : vector<16xi1>
    %get3A_2470 = arith.index_cast %multiple_of3A_2459 : i32 to index
    %get3A_2471 = tpu.vector_load %arg6[%get3A_2470] {strides = array<i32>} : memref<120000xf32, #tpu.memory_space<vmem>>, vector<16xf32>,
    %get3A_2472 = vector.shape_cast %get3A_2471 : vector<16xf32> to vector<16xf32>
    %jit3A_2473 = arith.constant 0.000000e+00 : f32
    %broadcast_in_dim3A_2474 = vector.broadcast %jit3A_2473 : f32 to vector<16xf32>
    %select_n3A_2475 = arith.select %and3A_2469, %broadcast_in_dim3A_2474, %get3A_2472 : vector<16xi1>, vector<16xf32>
    %swap3A_2476 = arith.index_cast %multiple_of3A_2459 : i32 to index
    %swap3A_2477 = tpu.vector_load %arg6[%swap3A_2476] {strides = array<i32>} : memref<120000xf32, #tpu.memory_space<vmem>>, vector<16xf32>,
    %swap3A_2478 = vector.shape_cast %swap3A_2477 : vector<16xf32> to vector<16xf32>
    %swap3A_2479 = vector.shape_cast %select_n3A_2475 : vector<16xf32> to vector<16xf32>
    tpu.vector_store %arg6[%swap3A_2476], %swap3A_2479 {strides = array<i32>} : memref<120000xf32, #tpu.memory_space<vmem>>, vector<16xf32>,
    %slice3A_2480 = vector.extract_strided_slice %get3A_6 {offsets = [7], sizes = [1], strides = [1]} : vector<16xi32> to vector<1xi32>
    %squeeze3A_2481 = vector.extract %slice3A_2480[0] : i32 from vector<1xi32>
    %slice3A_2482 = vector.extract_strided_slice %get3A_9 {offsets = [7], sizes = [1], strides = [1]} : vector<16xi32> to vector<1xi32>
    %squeeze3A_2483 = vector.extract %slice3A_2482[0] : i32 from vector<1xi32>
    %sub3A_2484 = arith.constant 80000 : i32
    %sub3A_2485 = arith.subi %squeeze3A_2481, %sub3A_2484 : i32
    %jit3A_2486 = arith.constant 0 : i32
    %jit3A_2487 = arith.constant 40000 : i32
    %max3A_2488 = arith.maxsi %jit3A_2486, %sub3A_2485 : i32
    %min3A_2489 = arith.minsi %jit3A_2487, %max3A_2488 : i32
    %sub3A_2490 = arith.constant 80000 : i32
    %sub3A_2491 = arith.subi %squeeze3A_2483, %sub3A_2490 : i32
    %jit3A_2492 = arith.constant 0 : i32
    %jit3A_2493 = arith.constant 40000 : i32
    %max3A_2494 = arith.maxsi %jit3A_2492, %sub3A_2491 : i32
    %min3A_2495 = arith.minsi %jit3A_2493, %max3A_2494 : i32
    %add3A_2496 = arith.constant 15 : i32
    %add3A_2497 = arith.addi %min3A_2489, %add3A_2496 : i32
    %and3A_2498 = arith.constant -16 : i32
    %and3A_2499 = arith.andi %add3A_2497, %and3A_2498 : i32
    %and3A_2500 = arith.constant -16 : i32
    %and3A_2501 = arith.andi %min3A_2495, %and3A_2500 : i32
    %sub3A_2502 = arith.subi %and3A_2501, %and3A_2499 : i32
    %shift_right_arithmetic3A_2503 = arith.constant 4 : i32
    %shift_right_arithmetic3A_2504 = arith.shrsi %sub3A_2502, %shift_right_arithmetic3A_2503 : i32
    %max3A_2505 = arith.constant 0 : i32
    %max3A_2506 = arith.maxsi %shift_right_arithmetic3A_2504, %max3A_2505 : i32
    %while3A_2507 = arith.constant 0 : i32
    %while3A_2508 = arith.constant 0 : i32
    %while3A_2509 = arith.subi %max3A_2506, %while3A_2508 : i32
    %while3A_2510 = arith.addi %while3A_2508, %while3A_2509 : i32
    %while3A_2511 = arith.constant 1 : i32
    %while3A_2512 = arith.divsi %while3A_2509, %while3A_2511 : i32
    %while3A_2513 = arith.muli %while3A_2512, %while3A_2511 : i32
    %while3A_2514 = arith.addi %while3A_2508, %while3A_2513 : i32
    %while3A_2515 = arith.constant 1 : i32
    scf.for %while3A_3681 = %while3A_2508 to %while3A_2514 step %while3A_2515  : i32 {
      %add3A_3682 = arith.constant 80000 : i32
      %add3A_3683 = arith.addi %add3A_3682, %and3A_2499 : i32
      %mul3A_3684 = arith.constant 16 : i32
      %mul3A_3685 = arith.muli %while3A_3681, %mul3A_3684 : i32
      %add3A_3686 = arith.addi %add3A_3683, %mul3A_3685 : i32
      %multiple_of3A_3687 = tpu.assume_multiple %add3A_3686, 16 : i32
      %swap3A_3688 = arith.index_cast %multiple_of3A_3687 : i32 to index
      %swap3A_3689 = tpu.vector_load %arg6[%swap3A_3688] {strides = array<i32>} : memref<120000xf32, #tpu.memory_space<vmem>>, vector<16xf32>,
      %swap3A_3690 = vector.shape_cast %swap3A_3689 : vector<16xf32> to vector<16xf32>
      %swap3A_3691 = vector.shape_cast %broadcast_in_dim3A_1856 : vector<16xf32> to vector<16xf32>
      tpu.vector_store %arg6[%swap3A_3688], %swap3A_3691 {strides = array<i32>} : memref<120000xf32, #tpu.memory_space<vmem>>, vector<16xf32>,
    }
    %while3A_2516 = arith.constant 1 : i32
    scf.for %while3A_3681 = %while3A_2514 to %while3A_2510 step %while3A_2516  : i32 {
      %add3A_3682 = arith.constant 80000 : i32
      %add3A_3683 = arith.addi %add3A_3682, %and3A_2499 : i32
      %mul3A_3684 = arith.constant 16 : i32
      %mul3A_3685 = arith.muli %while3A_3681, %mul3A_3684 : i32
      %add3A_3686 = arith.addi %add3A_3683, %mul3A_3685 : i32
      %multiple_of3A_3687 = tpu.assume_multiple %add3A_3686, 16 : i32
      %swap3A_3688 = arith.index_cast %multiple_of3A_3687 : i32 to index
      %swap3A_3689 = tpu.vector_load %arg6[%swap3A_3688] {strides = array<i32>} : memref<120000xf32, #tpu.memory_space<vmem>>, vector<16xf32>,
      %swap3A_3690 = vector.shape_cast %swap3A_3689 : vector<16xf32> to vector<16xf32>
      %swap3A_3691 = vector.shape_cast %broadcast_in_dim3A_1856 : vector<16xf32> to vector<16xf32>
      tpu.vector_store %arg6[%swap3A_3688], %swap3A_3691 {strides = array<i32>} : memref<120000xf32, #tpu.memory_space<vmem>>, vector<16xf32>,
    }
    %and3A_2517 = arith.constant -16 : i32
    %and3A_2518 = arith.andi %min3A_2489, %and3A_2517 : i32
    %min3A_2519 = arith.constant 39984 : i32
    %min3A_2520 = arith.minsi %and3A_2518, %min3A_2519 : i32
    %min3A_2521 = arith.constant 39984 : i32
    %min3A_2522 = arith.minsi %and3A_2501, %min3A_2521 : i32
    %add3A_2523 = arith.constant 80000 : i32
    %add3A_2524 = arith.addi %add3A_2523, %min3A_2520 : i32
    %multiple_of3A_2525 = tpu.assume_multiple %add3A_2524, 16 : i32
    %add3A_2526 = arith.constant 80000 : i32
    %add3A_2527 = arith.addi %add3A_2526, %min3A_2520 : i32
    %iota3A_2528 = tpu.iota {dimensions = array<i32: 0>} : vector<16xi32>
    %add3A_2529 = vector.broadcast %add3A_2527 : i32 to vector<16xi32>
    %add3A_2530 = arith.addi %add3A_2529, %iota3A_2528 : vector<16xi32>
    %ge3A_2531 = vector.broadcast %squeeze3A_2481 : i32 to vector<16xi32>
    %ge3A_2532 = arith.cmpi sge, %add3A_2530, %ge3A_2531 : vector<16xi32>
    %lt3A_2533 = vector.broadcast %squeeze3A_2483 : i32 to vector<16xi32>
    %lt3A_2534 = arith.cmpi slt, %add3A_2530, %lt3A_2533 : vector<16xi32>
    %and3A_2535 = arith.andi %ge3A_2532, %lt3A_2534 : vector<16xi1>
    %get3A_2536 = arith.index_cast %multiple_of3A_2525 : i32 to index
    %get3A_2537 = tpu.vector_load %arg6[%get3A_2536] {strides = array<i32>} : memref<120000xf32, #tpu.memory_space<vmem>>, vector<16xf32>,
    %get3A_2538 = vector.shape_cast %get3A_2537 : vector<16xf32> to vector<16xf32>
    %jit3A_2539 = arith.constant 0.000000e+00 : f32
    %broadcast_in_dim3A_2540 = vector.broadcast %jit3A_2539 : f32 to vector<16xf32>
    %select_n3A_2541 = arith.select %and3A_2535, %broadcast_in_dim3A_2540, %get3A_2538 : vector<16xi1>, vector<16xf32>
    %swap3A_2542 = arith.index_cast %multiple_of3A_2525 : i32 to index
    %swap3A_2543 = tpu.vector_load %arg6[%swap3A_2542] {strides = array<i32>} : memref<120000xf32, #tpu.memory_space<vmem>>, vector<16xf32>,
    %swap3A_2544 = vector.shape_cast %swap3A_2543 : vector<16xf32> to vector<16xf32>
    %swap3A_2545 = vector.shape_cast %select_n3A_2541 : vector<16xf32> to vector<16xf32>
    tpu.vector_store %arg6[%swap3A_2542], %swap3A_2545 {strides = array<i32>} : memref<120000xf32, #tpu.memory_space<vmem>>, vector<16xf32>,
    %add3A_2546 = arith.constant 80000 : i32
    %add3A_2547 = arith.addi %add3A_2546, %min3A_2522 : i32
    %multiple_of3A_2548 = tpu.assume_multiple %add3A_2547, 16 : i32
    %add3A_2549 = arith.constant 80000 : i32
    %add3A_2550 = arith.addi %add3A_2549, %min3A_2522 : i32
    %iota3A_2551 = tpu.iota {dimensions = array<i32: 0>} : vector<16xi32>
    %add3A_2552 = vector.broadcast %add3A_2550 : i32 to vector<16xi32>
    %add3A_2553 = arith.addi %add3A_2552, %iota3A_2551 : vector<16xi32>
    %ge3A_2554 = vector.broadcast %squeeze3A_2481 : i32 to vector<16xi32>
    %ge3A_2555 = arith.cmpi sge, %add3A_2553, %ge3A_2554 : vector<16xi32>
    %lt3A_2556 = vector.broadcast %squeeze3A_2483 : i32 to vector<16xi32>
    %lt3A_2557 = arith.cmpi slt, %add3A_2553, %lt3A_2556 : vector<16xi32>
    %and3A_2558 = arith.andi %ge3A_2555, %lt3A_2557 : vector<16xi1>
    %get3A_2559 = arith.index_cast %multiple_of3A_2548 : i32 to index
    %get3A_2560 = tpu.vector_load %arg6[%get3A_2559] {strides = array<i32>} : memref<120000xf32, #tpu.memory_space<vmem>>, vector<16xf32>,
    %get3A_2561 = vector.shape_cast %get3A_2560 : vector<16xf32> to vector<16xf32>
    %jit3A_2562 = arith.constant 0.000000e+00 : f32
    %broadcast_in_dim3A_2563 = vector.broadcast %jit3A_2562 : f32 to vector<16xf32>
    %select_n3A_2564 = arith.select %and3A_2558, %broadcast_in_dim3A_2563, %get3A_2561 : vector<16xi1>, vector<16xf32>
    %swap3A_2565 = arith.index_cast %multiple_of3A_2548 : i32 to index
    %swap3A_2566 = tpu.vector_load %arg6[%swap3A_2565] {strides = array<i32>} : memref<120000xf32, #tpu.memory_space<vmem>>, vector<16xf32>,
    %swap3A_2567 = vector.shape_cast %swap3A_2566 : vector<16xf32> to vector<16xf32>
    %swap3A_2568 = vector.shape_cast %select_n3A_2564 : vector<16xf32> to vector<16xf32>
    tpu.vector_store %arg6[%swap3A_2565], %swap3A_2568 {strides = array<i32>} : memref<120000xf32, #tpu.memory_space<vmem>>, vector<16xf32>,
    %slice3A_2569 = vector.extract_strided_slice %get3A_6 {offsets = [8], sizes = [1], strides = [1]} : vector<16xi32> to vector<1xi32>
    %squeeze3A_2570 = vector.extract %slice3A_2569[0] : i32 from vector<1xi32>
    %slice3A_2571 = vector.extract_strided_slice %get3A_9 {offsets = [8], sizes = [1], strides = [1]} : vector<16xi32> to vector<1xi32>
    %squeeze3A_2572 = vector.extract %slice3A_2571[0] : i32 from vector<1xi32>
    %sub3A_2573 = arith.constant 80000 : i32
    %sub3A_2574 = arith.subi %squeeze3A_2570, %sub3A_2573 : i32
    %jit3A_2575 = arith.constant 0 : i32
    %jit3A_2576 = arith.constant 40000 : i32
    %max3A_2577 = arith.maxsi %jit3A_2575, %sub3A_2574 : i32
    %min3A_2578 = arith.minsi %jit3A_2576, %max3A_2577 : i32
    %sub3A_2579 = arith.constant 80000 : i32
    %sub3A_2580 = arith.subi %squeeze3A_2572, %sub3A_2579 : i32
    %jit3A_2581 = arith.constant 0 : i32
    %jit3A_2582 = arith.constant 40000 : i32
    %max3A_2583 = arith.maxsi %jit3A_2581, %sub3A_2580 : i32
    %min3A_2584 = arith.minsi %jit3A_2582, %max3A_2583 : i32
    %add3A_2585 = arith.constant 15 : i32
    %add3A_2586 = arith.addi %min3A_2578, %add3A_2585 : i32
    %and3A_2587 = arith.constant -16 : i32
    %and3A_2588 = arith.andi %add3A_2586, %and3A_2587 : i32
    %and3A_2589 = arith.constant -16 : i32
    %and3A_2590 = arith.andi %min3A_2584, %and3A_2589 : i32
    %sub3A_2591 = arith.subi %and3A_2590, %and3A_2588 : i32
    %shift_right_arithmetic3A_2592 = arith.constant 4 : i32
    %shift_right_arithmetic3A_2593 = arith.shrsi %sub3A_2591, %shift_right_arithmetic3A_2592 : i32
    %max3A_2594 = arith.constant 0 : i32
    %max3A_2595 = arith.maxsi %shift_right_arithmetic3A_2593, %max3A_2594 : i32
    %while3A_2596 = arith.constant 0 : i32
    %while3A_2597 = arith.constant 0 : i32
    %while3A_2598 = arith.subi %max3A_2595, %while3A_2597 : i32
    %while3A_2599 = arith.addi %while3A_2597, %while3A_2598 : i32
    %while3A_2600 = arith.constant 1 : i32
    %while3A_2601 = arith.divsi %while3A_2598, %while3A_2600 : i32
    %while3A_2602 = arith.muli %while3A_2601, %while3A_2600 : i32
    %while3A_2603 = arith.addi %while3A_2597, %while3A_2602 : i32
    %while3A_2604 = arith.constant 1 : i32
    scf.for %while3A_3681 = %while3A_2597 to %while3A_2603 step %while3A_2604  : i32 {
      %add3A_3682 = arith.constant 80000 : i32
      %add3A_3683 = arith.addi %add3A_3682, %and3A_2588 : i32
      %mul3A_3684 = arith.constant 16 : i32
      %mul3A_3685 = arith.muli %while3A_3681, %mul3A_3684 : i32
      %add3A_3686 = arith.addi %add3A_3683, %mul3A_3685 : i32
      %multiple_of3A_3687 = tpu.assume_multiple %add3A_3686, 16 : i32
      %swap3A_3688 = arith.index_cast %multiple_of3A_3687 : i32 to index
      %swap3A_3689 = tpu.vector_load %arg6[%swap3A_3688] {strides = array<i32>} : memref<120000xf32, #tpu.memory_space<vmem>>, vector<16xf32>,
      %swap3A_3690 = vector.shape_cast %swap3A_3689 : vector<16xf32> to vector<16xf32>
      %swap3A_3691 = vector.shape_cast %broadcast_in_dim3A_1856 : vector<16xf32> to vector<16xf32>
      tpu.vector_store %arg6[%swap3A_3688], %swap3A_3691 {strides = array<i32>} : memref<120000xf32, #tpu.memory_space<vmem>>, vector<16xf32>,
    }
    %while3A_2605 = arith.constant 1 : i32
    scf.for %while3A_3681 = %while3A_2603 to %while3A_2599 step %while3A_2605  : i32 {
      %add3A_3682 = arith.constant 80000 : i32
      %add3A_3683 = arith.addi %add3A_3682, %and3A_2588 : i32
      %mul3A_3684 = arith.constant 16 : i32
      %mul3A_3685 = arith.muli %while3A_3681, %mul3A_3684 : i32
      %add3A_3686 = arith.addi %add3A_3683, %mul3A_3685 : i32
      %multiple_of3A_3687 = tpu.assume_multiple %add3A_3686, 16 : i32
      %swap3A_3688 = arith.index_cast %multiple_of3A_3687 : i32 to index
      %swap3A_3689 = tpu.vector_load %arg6[%swap3A_3688] {strides = array<i32>} : memref<120000xf32, #tpu.memory_space<vmem>>, vector<16xf32>,
      %swap3A_3690 = vector.shape_cast %swap3A_3689 : vector<16xf32> to vector<16xf32>
      %swap3A_3691 = vector.shape_cast %broadcast_in_dim3A_1856 : vector<16xf32> to vector<16xf32>
      tpu.vector_store %arg6[%swap3A_3688], %swap3A_3691 {strides = array<i32>} : memref<120000xf32, #tpu.memory_space<vmem>>, vector<16xf32>,
    }
    %and3A_2606 = arith.constant -16 : i32
    %and3A_2607 = arith.andi %min3A_2578, %and3A_2606 : i32
    %min3A_2608 = arith.constant 39984 : i32
    %min3A_2609 = arith.minsi %and3A_2607, %min3A_2608 : i32
    %min3A_2610 = arith.constant 39984 : i32
    %min3A_2611 = arith.minsi %and3A_2590, %min3A_2610 : i32
    %add3A_2612 = arith.constant 80000 : i32
    %add3A_2613 = arith.addi %add3A_2612, %min3A_2609 : i32
    %multiple_of3A_2614 = tpu.assume_multiple %add3A_2613, 16 : i32
    %add3A_2615 = arith.constant 80000 : i32
    %add3A_2616 = arith.addi %add3A_2615, %min3A_2609 : i32
    %iota3A_2617 = tpu.iota {dimensions = array<i32: 0>} : vector<16xi32>
    %add3A_2618 = vector.broadcast %add3A_2616 : i32 to vector<16xi32>
    %add3A_2619 = arith.addi %add3A_2618, %iota3A_2617 : vector<16xi32>
    %ge3A_2620 = vector.broadcast %squeeze3A_2570 : i32 to vector<16xi32>
    %ge3A_2621 = arith.cmpi sge, %add3A_2619, %ge3A_2620 : vector<16xi32>
    %lt3A_2622 = vector.broadcast %squeeze3A_2572 : i32 to vector<16xi32>
    %lt3A_2623 = arith.cmpi slt, %add3A_2619, %lt3A_2622 : vector<16xi32>
    %and3A_2624 = arith.andi %ge3A_2621, %lt3A_2623 : vector<16xi1>
    %get3A_2625 = arith.index_cast %multiple_of3A_2614 : i32 to index
    %get3A_2626 = tpu.vector_load %arg6[%get3A_2625] {strides = array<i32>} : memref<120000xf32, #tpu.memory_space<vmem>>, vector<16xf32>,
    %get3A_2627 = vector.shape_cast %get3A_2626 : vector<16xf32> to vector<16xf32>
    %jit3A_2628 = arith.constant 0.000000e+00 : f32
    %broadcast_in_dim3A_2629 = vector.broadcast %jit3A_2628 : f32 to vector<16xf32>
    %select_n3A_2630 = arith.select %and3A_2624, %broadcast_in_dim3A_2629, %get3A_2627 : vector<16xi1>, vector<16xf32>
    %swap3A_2631 = arith.index_cast %multiple_of3A_2614 : i32 to index
    %swap3A_2632 = tpu.vector_load %arg6[%swap3A_2631] {strides = array<i32>} : memref<120000xf32, #tpu.memory_space<vmem>>, vector<16xf32>,
    %swap3A_2633 = vector.shape_cast %swap3A_2632 : vector<16xf32> to vector<16xf32>
    %swap3A_2634 = vector.shape_cast %select_n3A_2630 : vector<16xf32> to vector<16xf32>
    tpu.vector_store %arg6[%swap3A_2631], %swap3A_2634 {strides = array<i32>} : memref<120000xf32, #tpu.memory_space<vmem>>, vector<16xf32>,
    %add3A_2635 = arith.constant 80000 : i32
    %add3A_2636 = arith.addi %add3A_2635, %min3A_2611 : i32
    %multiple_of3A_2637 = tpu.assume_multiple %add3A_2636, 16 : i32
    %add3A_2638 = arith.constant 80000 : i32
    %add3A_2639 = arith.addi %add3A_2638, %min3A_2611 : i32
    %iota3A_2640 = tpu.iota {dimensions = array<i32: 0>} : vector<16xi32>
    %add3A_2641 = vector.broadcast %add3A_2639 : i32 to vector<16xi32>
    %add3A_2642 = arith.addi %add3A_2641, %iota3A_2640 : vector<16xi32>
    %ge3A_2643 = vector.broadcast %squeeze3A_2570 : i32 to vector<16xi32>
    %ge3A_2644 = arith.cmpi sge, %add3A_2642, %ge3A_2643 : vector<16xi32>
    %lt3A_2645 = vector.broadcast %squeeze3A_2572 : i32 to vector<16xi32>
    %lt3A_2646 = arith.cmpi slt, %add3A_2642, %lt3A_2645 : vector<16xi32>
    %and3A_2647 = arith.andi %ge3A_2644, %lt3A_2646 : vector<16xi1>
    %get3A_2648 = arith.index_cast %multiple_of3A_2637 : i32 to index
    %get3A_2649 = tpu.vector_load %arg6[%get3A_2648] {strides = array<i32>} : memref<120000xf32, #tpu.memory_space<vmem>>, vector<16xf32>,
    %get3A_2650 = vector.shape_cast %get3A_2649 : vector<16xf32> to vector<16xf32>
    %jit3A_2651 = arith.constant 0.000000e+00 : f32
    %broadcast_in_dim3A_2652 = vector.broadcast %jit3A_2651 : f32 to vector<16xf32>
    %select_n3A_2653 = arith.select %and3A_2647, %broadcast_in_dim3A_2652, %get3A_2650 : vector<16xi1>, vector<16xf32>
    %swap3A_2654 = arith.index_cast %multiple_of3A_2637 : i32 to index
    %swap3A_2655 = tpu.vector_load %arg6[%swap3A_2654] {strides = array<i32>} : memref<120000xf32, #tpu.memory_space<vmem>>, vector<16xf32>,
    %swap3A_2656 = vector.shape_cast %swap3A_2655 : vector<16xf32> to vector<16xf32>
    %swap3A_2657 = vector.shape_cast %select_n3A_2653 : vector<16xf32> to vector<16xf32>
    tpu.vector_store %arg6[%swap3A_2654], %swap3A_2657 {strides = array<i32>} : memref<120000xf32, #tpu.memory_space<vmem>>, vector<16xf32>,
    %slice3A_2658 = vector.extract_strided_slice %get3A_6 {offsets = [9], sizes = [1], strides = [1]} : vector<16xi32> to vector<1xi32>
    %squeeze3A_2659 = vector.extract %slice3A_2658[0] : i32 from vector<1xi32>
    %slice3A_2660 = vector.extract_strided_slice %get3A_9 {offsets = [9], sizes = [1], strides = [1]} : vector<16xi32> to vector<1xi32>
    %squeeze3A_2661 = vector.extract %slice3A_2660[0] : i32 from vector<1xi32>
    %sub3A_2662 = arith.constant 80000 : i32
    %sub3A_2663 = arith.subi %squeeze3A_2659, %sub3A_2662 : i32
    %jit3A_2664 = arith.constant 0 : i32
    %jit3A_2665 = arith.constant 40000 : i32
    %max3A_2666 = arith.maxsi %jit3A_2664, %sub3A_2663 : i32
    %min3A_2667 = arith.minsi %jit3A_2665, %max3A_2666 : i32
    %sub3A_2668 = arith.constant 80000 : i32
    %sub3A_2669 = arith.subi %squeeze3A_2661, %sub3A_2668 : i32
    %jit3A_2670 = arith.constant 0 : i32
    %jit3A_2671 = arith.constant 40000 : i32
    %max3A_2672 = arith.maxsi %jit3A_2670, %sub3A_2669 : i32
    %min3A_2673 = arith.minsi %jit3A_2671, %max3A_2672 : i32
    %add3A_2674 = arith.constant 15 : i32
    %add3A_2675 = arith.addi %min3A_2667, %add3A_2674 : i32
    %and3A_2676 = arith.constant -16 : i32
    %and3A_2677 = arith.andi %add3A_2675, %and3A_2676 : i32
    %and3A_2678 = arith.constant -16 : i32
    %and3A_2679 = arith.andi %min3A_2673, %and3A_2678 : i32
    %sub3A_2680 = arith.subi %and3A_2679, %and3A_2677 : i32
    %shift_right_arithmetic3A_2681 = arith.constant 4 : i32
    %shift_right_arithmetic3A_2682 = arith.shrsi %sub3A_2680, %shift_right_arithmetic3A_2681 : i32
    %max3A_2683 = arith.constant 0 : i32
    %max3A_2684 = arith.maxsi %shift_right_arithmetic3A_2682, %max3A_2683 : i32
    %while3A_2685 = arith.constant 0 : i32
    %while3A_2686 = arith.constant 0 : i32
    %while3A_2687 = arith.subi %max3A_2684, %while3A_2686 : i32
    %while3A_2688 = arith.addi %while3A_2686, %while3A_2687 : i32
    %while3A_2689 = arith.constant 1 : i32
    %while3A_2690 = arith.divsi %while3A_2687, %while3A_2689 : i32
    %while3A_2691 = arith.muli %while3A_2690, %while3A_2689 : i32
    %while3A_2692 = arith.addi %while3A_2686, %while3A_2691 : i32
    %while3A_2693 = arith.constant 1 : i32
    scf.for %while3A_3681 = %while3A_2686 to %while3A_2692 step %while3A_2693  : i32 {
      %add3A_3682 = arith.constant 80000 : i32
      %add3A_3683 = arith.addi %add3A_3682, %and3A_2677 : i32
      %mul3A_3684 = arith.constant 16 : i32
      %mul3A_3685 = arith.muli %while3A_3681, %mul3A_3684 : i32
      %add3A_3686 = arith.addi %add3A_3683, %mul3A_3685 : i32
      %multiple_of3A_3687 = tpu.assume_multiple %add3A_3686, 16 : i32
      %swap3A_3688 = arith.index_cast %multiple_of3A_3687 : i32 to index
      %swap3A_3689 = tpu.vector_load %arg6[%swap3A_3688] {strides = array<i32>} : memref<120000xf32, #tpu.memory_space<vmem>>, vector<16xf32>,
      %swap3A_3690 = vector.shape_cast %swap3A_3689 : vector<16xf32> to vector<16xf32>
      %swap3A_3691 = vector.shape_cast %broadcast_in_dim3A_1856 : vector<16xf32> to vector<16xf32>
      tpu.vector_store %arg6[%swap3A_3688], %swap3A_3691 {strides = array<i32>} : memref<120000xf32, #tpu.memory_space<vmem>>, vector<16xf32>,
    }
    %while3A_2694 = arith.constant 1 : i32
    scf.for %while3A_3681 = %while3A_2692 to %while3A_2688 step %while3A_2694  : i32 {
      %add3A_3682 = arith.constant 80000 : i32
      %add3A_3683 = arith.addi %add3A_3682, %and3A_2677 : i32
      %mul3A_3684 = arith.constant 16 : i32
      %mul3A_3685 = arith.muli %while3A_3681, %mul3A_3684 : i32
      %add3A_3686 = arith.addi %add3A_3683, %mul3A_3685 : i32
      %multiple_of3A_3687 = tpu.assume_multiple %add3A_3686, 16 : i32
      %swap3A_3688 = arith.index_cast %multiple_of3A_3687 : i32 to index
      %swap3A_3689 = tpu.vector_load %arg6[%swap3A_3688] {strides = array<i32>} : memref<120000xf32, #tpu.memory_space<vmem>>, vector<16xf32>,
      %swap3A_3690 = vector.shape_cast %swap3A_3689 : vector<16xf32> to vector<16xf32>
      %swap3A_3691 = vector.shape_cast %broadcast_in_dim3A_1856 : vector<16xf32> to vector<16xf32>
      tpu.vector_store %arg6[%swap3A_3688], %swap3A_3691 {strides = array<i32>} : memref<120000xf32, #tpu.memory_space<vmem>>, vector<16xf32>,
    }
    %and3A_2695 = arith.constant -16 : i32
    %and3A_2696 = arith.andi %min3A_2667, %and3A_2695 : i32
    %min3A_2697 = arith.constant 39984 : i32
    %min3A_2698 = arith.minsi %and3A_2696, %min3A_2697 : i32
    %min3A_2699 = arith.constant 39984 : i32
    %min3A_2700 = arith.minsi %and3A_2679, %min3A_2699 : i32
    %add3A_2701 = arith.constant 80000 : i32
    %add3A_2702 = arith.addi %add3A_2701, %min3A_2698 : i32
    %multiple_of3A_2703 = tpu.assume_multiple %add3A_2702, 16 : i32
    %add3A_2704 = arith.constant 80000 : i32
    %add3A_2705 = arith.addi %add3A_2704, %min3A_2698 : i32
    %iota3A_2706 = tpu.iota {dimensions = array<i32: 0>} : vector<16xi32>
    %add3A_2707 = vector.broadcast %add3A_2705 : i32 to vector<16xi32>
    %add3A_2708 = arith.addi %add3A_2707, %iota3A_2706 : vector<16xi32>
    %ge3A_2709 = vector.broadcast %squeeze3A_2659 : i32 to vector<16xi32>
    %ge3A_2710 = arith.cmpi sge, %add3A_2708, %ge3A_2709 : vector<16xi32>
    %lt3A_2711 = vector.broadcast %squeeze3A_2661 : i32 to vector<16xi32>
    %lt3A_2712 = arith.cmpi slt, %add3A_2708, %lt3A_2711 : vector<16xi32>
    %and3A_2713 = arith.andi %ge3A_2710, %lt3A_2712 : vector<16xi1>
    %get3A_2714 = arith.index_cast %multiple_of3A_2703 : i32 to index
    %get3A_2715 = tpu.vector_load %arg6[%get3A_2714] {strides = array<i32>} : memref<120000xf32, #tpu.memory_space<vmem>>, vector<16xf32>,
    %get3A_2716 = vector.shape_cast %get3A_2715 : vector<16xf32> to vector<16xf32>
    %jit3A_2717 = arith.constant 0.000000e+00 : f32
    %broadcast_in_dim3A_2718 = vector.broadcast %jit3A_2717 : f32 to vector<16xf32>
    %select_n3A_2719 = arith.select %and3A_2713, %broadcast_in_dim3A_2718, %get3A_2716 : vector<16xi1>, vector<16xf32>
    %swap3A_2720 = arith.index_cast %multiple_of3A_2703 : i32 to index
    %swap3A_2721 = tpu.vector_load %arg6[%swap3A_2720] {strides = array<i32>} : memref<120000xf32, #tpu.memory_space<vmem>>, vector<16xf32>,
    %swap3A_2722 = vector.shape_cast %swap3A_2721 : vector<16xf32> to vector<16xf32>
    %swap3A_2723 = vector.shape_cast %select_n3A_2719 : vector<16xf32> to vector<16xf32>
    tpu.vector_store %arg6[%swap3A_2720], %swap3A_2723 {strides = array<i32>} : memref<120000xf32, #tpu.memory_space<vmem>>, vector<16xf32>,
    %add3A_2724 = arith.constant 80000 : i32
    %add3A_2725 = arith.addi %add3A_2724, %min3A_2700 : i32
    %multiple_of3A_2726 = tpu.assume_multiple %add3A_2725, 16 : i32
    %add3A_2727 = arith.constant 80000 : i32
    %add3A_2728 = arith.addi %add3A_2727, %min3A_2700 : i32
    %iota3A_2729 = tpu.iota {dimensions = array<i32: 0>} : vector<16xi32>
    %add3A_2730 = vector.broadcast %add3A_2728 : i32 to vector<16xi32>
    %add3A_2731 = arith.addi %add3A_2730, %iota3A_2729 : vector<16xi32>
    %ge3A_2732 = vector.broadcast %squeeze3A_2659 : i32 to vector<16xi32>
    %ge3A_2733 = arith.cmpi sge, %add3A_2731, %ge3A_2732 : vector<16xi32>
    %lt3A_2734 = vector.broadcast %squeeze3A_2661 : i32 to vector<16xi32>
    %lt3A_2735 = arith.cmpi slt, %add3A_2731, %lt3A_2734 : vector<16xi32>
    %and3A_2736 = arith.andi %ge3A_2733, %lt3A_2735 : vector<16xi1>
    %get3A_2737 = arith.index_cast %multiple_of3A_2726 : i32 to index
    %get3A_2738 = tpu.vector_load %arg6[%get3A_2737] {strides = array<i32>} : memref<120000xf32, #tpu.memory_space<vmem>>, vector<16xf32>,
    %get3A_2739 = vector.shape_cast %get3A_2738 : vector<16xf32> to vector<16xf32>
    %jit3A_2740 = arith.constant 0.000000e+00 : f32
    %broadcast_in_dim3A_2741 = vector.broadcast %jit3A_2740 : f32 to vector<16xf32>
    %select_n3A_2742 = arith.select %and3A_2736, %broadcast_in_dim3A_2741, %get3A_2739 : vector<16xi1>, vector<16xf32>
    %swap3A_2743 = arith.index_cast %multiple_of3A_2726 : i32 to index
    %swap3A_2744 = tpu.vector_load %arg6[%swap3A_2743] {strides = array<i32>} : memref<120000xf32, #tpu.memory_space<vmem>>, vector<16xf32>,
    %swap3A_2745 = vector.shape_cast %swap3A_2744 : vector<16xf32> to vector<16xf32>
    %swap3A_2746 = vector.shape_cast %select_n3A_2742 : vector<16xf32> to vector<16xf32>
    tpu.vector_store %arg6[%swap3A_2743], %swap3A_2746 {strides = array<i32>} : memref<120000xf32, #tpu.memory_space<vmem>>, vector<16xf32>,
    %add3A_2747 = arith.constant 80000 : i32
    %add3A_2748 = arith.addi %mul3A_2, %add3A_2747 : i32
    %multiple_of3A_2749 = tpu.assume_multiple %add3A_2748, 8 : i32
    %dma_start3A_2750 = arith.constant 80000 : i32
    %dma_start3A_2751 = tpu.memref_slice %arg6[%dma_start3A_2750] : memref<120000xf32, #tpu.memory_space<vmem>> -> memref<40000xf32, #tpu.memory_space<vmem>>
    %dma_start3A_2752 = tpu.memref_slice %arg4[%multiple_of3A_2749] : memref<5120000xf32, #tpu.memory_space<hbm>> -> memref<40000xf32, #tpu.memory_space<hbm>>
    %dma_start3A_2753 = tpu.memref_slice %arg4[%multiple_of3A_2749] : memref<5120000xf32, #tpu.memory_space<hbm>> -> memref<40000xf32, #tpu.memory_space<hbm>>
    %dma_start3A_2754 = arith.constant 80000 : i32
    %dma_start3A_2755 = tpu.memref_slice %arg6[%dma_start3A_2754] : memref<120000xf32, #tpu.memory_space<vmem>> -> memref<40000xf32, #tpu.memory_space<vmem>>
    tpu.enqueue_dma source(%dma_start3A_2755 : memref<40000xf32, #tpu.memory_space<vmem>>) target(%dma_start3A_2753 : memref<40000xf32, #tpu.memory_space<hbm>>) target_semaphore(%arg12 : memref<!tpu.dma_semaphore, #tpu.memory_space<semaphore_mem>>)
    %dma_wait3A_2756 = arith.constant 0 : i32
    %dma_wait3A_2757 = tpu.memref_slice %arg6[%dma_wait3A_2756] : memref<120000xf32, #tpu.memory_space<vmem>> -> memref<40000xf32, #tpu.memory_space<vmem>>
    %dma_wait3A_2758 = tpu.memref_slice %arg2[%multiple_of3A_935] : memref<5120000xf32, #tpu.memory_space<hbm>> -> memref<40000xf32, #tpu.memory_space<hbm>>
    %dma_wait3A_2759 = arith.constant 0 : i32
    %dma_wait3A_2760 = tpu.memref_slice %arg6[%dma_wait3A_2759] : memref<120000xf32, #tpu.memory_space<vmem>> -> memref<40000xf32, #tpu.memory_space<vmem>>
    %dma_wait3A_2761 = tpu.memref_slice %arg2[%multiple_of3A_935] : memref<5120000xf32, #tpu.memory_space<hbm>> -> memref<40000xf32, #tpu.memory_space<hbm>>
    tpu.wait_dma2 semaphore(%arg7 : memref<!tpu.dma_semaphore, #tpu.memory_space<semaphore_mem>>) src(%dma_wait3A_2761 : memref<40000xf32, #tpu.memory_space<hbm>>) dst(%dma_wait3A_2760 : memref<40000xf32, #tpu.memory_space<vmem>>)
    %broadcast_in_dim3A_2762 = arith.constant 0.000000e+00 : f32
    %broadcast_in_dim3A_2763 = vector.broadcast %broadcast_in_dim3A_2762 : f32 to vector<16xf32>
    %slice3A_2764 = vector.extract_strided_slice %get3A_6 {offsets = [0], sizes = [1], strides = [1]} : vector<16xi32> to vector<1xi32>
    %squeeze3A_2765 = vector.extract %slice3A_2764[0] : i32 from vector<1xi32>
    %slice3A_2766 = vector.extract_strided_slice %get3A_9 {offsets = [0], sizes = [1], strides = [1]} : vector<16xi32> to vector<1xi32>
    %squeeze3A_2767 = vector.extract %slice3A_2766[0] : i32 from vector<1xi32>
    %sub3A_2768 = arith.constant 120000 : i32
    %sub3A_2769 = arith.subi %squeeze3A_2765, %sub3A_2768 : i32
    %jit3A_2770 = arith.constant 0 : i32
    %jit3A_2771 = arith.constant 40000 : i32
    %max3A_2772 = arith.maxsi %jit3A_2770, %sub3A_2769 : i32
    %min3A_2773 = arith.minsi %jit3A_2771, %max3A_2772 : i32
    %sub3A_2774 = arith.constant 120000 : i32
    %sub3A_2775 = arith.subi %squeeze3A_2767, %sub3A_2774 : i32
    %jit3A_2776 = arith.constant 0 : i32
    %jit3A_2777 = arith.constant 40000 : i32
    %max3A_2778 = arith.maxsi %jit3A_2776, %sub3A_2775 : i32
    %min3A_2779 = arith.minsi %jit3A_2777, %max3A_2778 : i32
    %add3A_2780 = arith.constant 15 : i32
    %add3A_2781 = arith.addi %min3A_2773, %add3A_2780 : i32
    %and3A_2782 = arith.constant -16 : i32
    %and3A_2783 = arith.andi %add3A_2781, %and3A_2782 : i32
    %and3A_2784 = arith.constant -16 : i32
    %and3A_2785 = arith.andi %min3A_2779, %and3A_2784 : i32
    %sub3A_2786 = arith.subi %and3A_2785, %and3A_2783 : i32
    %shift_right_arithmetic3A_2787 = arith.constant 4 : i32
    %shift_right_arithmetic3A_2788 = arith.shrsi %sub3A_2786, %shift_right_arithmetic3A_2787 : i32
    %max3A_2789 = arith.constant 0 : i32
    %max3A_2790 = arith.maxsi %shift_right_arithmetic3A_2788, %max3A_2789 : i32
    %while3A_2791 = arith.constant 0 : i32
    %while3A_2792 = arith.constant 0 : i32
    %while3A_2793 = arith.subi %max3A_2790, %while3A_2792 : i32
    %while3A_2794 = arith.addi %while3A_2792, %while3A_2793 : i32
    %while3A_2795 = arith.constant 1 : i32
    %while3A_2796 = arith.divsi %while3A_2793, %while3A_2795 : i32
    %while3A_2797 = arith.muli %while3A_2796, %while3A_2795 : i32
    %while3A_2798 = arith.addi %while3A_2792, %while3A_2797 : i32
    %while3A_2799 = arith.constant 1 : i32
    scf.for %while3A_3681 = %while3A_2792 to %while3A_2798 step %while3A_2799  : i32 {
      %add3A_3682 = arith.constant 0 : i32
      %add3A_3683 = arith.addi %add3A_3682, %and3A_2783 : i32
      %mul3A_3684 = arith.constant 16 : i32
      %mul3A_3685 = arith.muli %while3A_3681, %mul3A_3684 : i32
      %add3A_3686 = arith.addi %add3A_3683, %mul3A_3685 : i32
      %multiple_of3A_3687 = tpu.assume_multiple %add3A_3686, 16 : i32
      %swap3A_3688 = arith.index_cast %multiple_of3A_3687 : i32 to index
      %swap3A_3689 = tpu.vector_load %arg6[%swap3A_3688] {strides = array<i32>} : memref<120000xf32, #tpu.memory_space<vmem>>, vector<16xf32>,
      %swap3A_3690 = vector.shape_cast %swap3A_3689 : vector<16xf32> to vector<16xf32>
      %swap3A_3691 = vector.shape_cast %broadcast_in_dim3A_2763 : vector<16xf32> to vector<16xf32>
      tpu.vector_store %arg6[%swap3A_3688], %swap3A_3691 {strides = array<i32>} : memref<120000xf32, #tpu.memory_space<vmem>>, vector<16xf32>,
    }
    %while3A_2800 = arith.constant 1 : i32
    scf.for %while3A_3681 = %while3A_2798 to %while3A_2794 step %while3A_2800  : i32 {
      %add3A_3682 = arith.constant 0 : i32
      %add3A_3683 = arith.addi %add3A_3682, %and3A_2783 : i32
      %mul3A_3684 = arith.constant 16 : i32
      %mul3A_3685 = arith.muli %while3A_3681, %mul3A_3684 : i32
      %add3A_3686 = arith.addi %add3A_3683, %mul3A_3685 : i32
      %multiple_of3A_3687 = tpu.assume_multiple %add3A_3686, 16 : i32
      %swap3A_3688 = arith.index_cast %multiple_of3A_3687 : i32 to index
      %swap3A_3689 = tpu.vector_load %arg6[%swap3A_3688] {strides = array<i32>} : memref<120000xf32, #tpu.memory_space<vmem>>, vector<16xf32>,
      %swap3A_3690 = vector.shape_cast %swap3A_3689 : vector<16xf32> to vector<16xf32>
      %swap3A_3691 = vector.shape_cast %broadcast_in_dim3A_2763 : vector<16xf32> to vector<16xf32>
      tpu.vector_store %arg6[%swap3A_3688], %swap3A_3691 {strides = array<i32>} : memref<120000xf32, #tpu.memory_space<vmem>>, vector<16xf32>,
    }
    %and3A_2801 = arith.constant -16 : i32
    %and3A_2802 = arith.andi %min3A_2773, %and3A_2801 : i32
    %min3A_2803 = arith.constant 39984 : i32
    %min3A_2804 = arith.minsi %and3A_2802, %min3A_2803 : i32
    %min3A_2805 = arith.constant 39984 : i32
    %min3A_2806 = arith.minsi %and3A_2785, %min3A_2805 : i32
    %add3A_2807 = arith.constant 0 : i32
    %add3A_2808 = arith.addi %add3A_2807, %min3A_2804 : i32
    %multiple_of3A_2809 = tpu.assume_multiple %add3A_2808, 16 : i32
    %add3A_2810 = arith.constant 120000 : i32
    %add3A_2811 = arith.addi %add3A_2810, %min3A_2804 : i32
    %iota3A_2812 = tpu.iota {dimensions = array<i32: 0>} : vector<16xi32>
    %add3A_2813 = vector.broadcast %add3A_2811 : i32 to vector<16xi32>
    %add3A_2814 = arith.addi %add3A_2813, %iota3A_2812 : vector<16xi32>
    %ge3A_2815 = vector.broadcast %squeeze3A_2765 : i32 to vector<16xi32>
    %ge3A_2816 = arith.cmpi sge, %add3A_2814, %ge3A_2815 : vector<16xi32>
    %lt3A_2817 = vector.broadcast %squeeze3A_2767 : i32 to vector<16xi32>
    %lt3A_2818 = arith.cmpi slt, %add3A_2814, %lt3A_2817 : vector<16xi32>
    %and3A_2819 = arith.andi %ge3A_2816, %lt3A_2818 : vector<16xi1>
    %get3A_2820 = arith.index_cast %multiple_of3A_2809 : i32 to index
    %get3A_2821 = tpu.vector_load %arg6[%get3A_2820] {strides = array<i32>} : memref<120000xf32, #tpu.memory_space<vmem>>, vector<16xf32>,
    %get3A_2822 = vector.shape_cast %get3A_2821 : vector<16xf32> to vector<16xf32>
    %jit3A_2823 = arith.constant 0.000000e+00 : f32
    %broadcast_in_dim3A_2824 = vector.broadcast %jit3A_2823 : f32 to vector<16xf32>
    %select_n3A_2825 = arith.select %and3A_2819, %broadcast_in_dim3A_2824, %get3A_2822 : vector<16xi1>, vector<16xf32>
    %swap3A_2826 = arith.index_cast %multiple_of3A_2809 : i32 to index
    %swap3A_2827 = tpu.vector_load %arg6[%swap3A_2826] {strides = array<i32>} : memref<120000xf32, #tpu.memory_space<vmem>>, vector<16xf32>,
    %swap3A_2828 = vector.shape_cast %swap3A_2827 : vector<16xf32> to vector<16xf32>
    %swap3A_2829 = vector.shape_cast %select_n3A_2825 : vector<16xf32> to vector<16xf32>
    tpu.vector_store %arg6[%swap3A_2826], %swap3A_2829 {strides = array<i32>} : memref<120000xf32, #tpu.memory_space<vmem>>, vector<16xf32>,
    %add3A_2830 = arith.constant 0 : i32
    %add3A_2831 = arith.addi %add3A_2830, %min3A_2806 : i32
    %multiple_of3A_2832 = tpu.assume_multiple %add3A_2831, 16 : i32
    %add3A_2833 = arith.constant 120000 : i32
    %add3A_2834 = arith.addi %add3A_2833, %min3A_2806 : i32
    %iota3A_2835 = tpu.iota {dimensions = array<i32: 0>} : vector<16xi32>
    %add3A_2836 = vector.broadcast %add3A_2834 : i32 to vector<16xi32>
    %add3A_2837 = arith.addi %add3A_2836, %iota3A_2835 : vector<16xi32>
    %ge3A_2838 = vector.broadcast %squeeze3A_2765 : i32 to vector<16xi32>
    %ge3A_2839 = arith.cmpi sge, %add3A_2837, %ge3A_2838 : vector<16xi32>
    %lt3A_2840 = vector.broadcast %squeeze3A_2767 : i32 to vector<16xi32>
    %lt3A_2841 = arith.cmpi slt, %add3A_2837, %lt3A_2840 : vector<16xi32>
    %and3A_2842 = arith.andi %ge3A_2839, %lt3A_2841 : vector<16xi1>
    %get3A_2843 = arith.index_cast %multiple_of3A_2832 : i32 to index
    %get3A_2844 = tpu.vector_load %arg6[%get3A_2843] {strides = array<i32>} : memref<120000xf32, #tpu.memory_space<vmem>>, vector<16xf32>,
    %get3A_2845 = vector.shape_cast %get3A_2844 : vector<16xf32> to vector<16xf32>
    %jit3A_2846 = arith.constant 0.000000e+00 : f32
    %broadcast_in_dim3A_2847 = vector.broadcast %jit3A_2846 : f32 to vector<16xf32>
    %select_n3A_2848 = arith.select %and3A_2842, %broadcast_in_dim3A_2847, %get3A_2845 : vector<16xi1>, vector<16xf32>
    %swap3A_2849 = arith.index_cast %multiple_of3A_2832 : i32 to index
    %swap3A_2850 = tpu.vector_load %arg6[%swap3A_2849] {strides = array<i32>} : memref<120000xf32, #tpu.memory_space<vmem>>, vector<16xf32>,
    %swap3A_2851 = vector.shape_cast %swap3A_2850 : vector<16xf32> to vector<16xf32>
    %swap3A_2852 = vector.shape_cast %select_n3A_2848 : vector<16xf32> to vector<16xf32>
    tpu.vector_store %arg6[%swap3A_2849], %swap3A_2852 {strides = array<i32>} : memref<120000xf32, #tpu.memory_space<vmem>>, vector<16xf32>,
    %slice3A_2853 = vector.extract_strided_slice %get3A_6 {offsets = [1], sizes = [1], strides = [1]} : vector<16xi32> to vector<1xi32>
    %squeeze3A_2854 = vector.extract %slice3A_2853[0] : i32 from vector<1xi32>
    %slice3A_2855 = vector.extract_strided_slice %get3A_9 {offsets = [1], sizes = [1], strides = [1]} : vector<16xi32> to vector<1xi32>
    %squeeze3A_2856 = vector.extract %slice3A_2855[0] : i32 from vector<1xi32>
    %sub3A_2857 = arith.constant 120000 : i32
    %sub3A_2858 = arith.subi %squeeze3A_2854, %sub3A_2857 : i32
    %jit3A_2859 = arith.constant 0 : i32
    %jit3A_2860 = arith.constant 40000 : i32
    %max3A_2861 = arith.maxsi %jit3A_2859, %sub3A_2858 : i32
    %min3A_2862 = arith.minsi %jit3A_2860, %max3A_2861 : i32
    %sub3A_2863 = arith.constant 120000 : i32
    %sub3A_2864 = arith.subi %squeeze3A_2856, %sub3A_2863 : i32
    %jit3A_2865 = arith.constant 0 : i32
    %jit3A_2866 = arith.constant 40000 : i32
    %max3A_2867 = arith.maxsi %jit3A_2865, %sub3A_2864 : i32
    %min3A_2868 = arith.minsi %jit3A_2866, %max3A_2867 : i32
    %add3A_2869 = arith.constant 15 : i32
    %add3A_2870 = arith.addi %min3A_2862, %add3A_2869 : i32
    %and3A_2871 = arith.constant -16 : i32
    %and3A_2872 = arith.andi %add3A_2870, %and3A_2871 : i32
    %and3A_2873 = arith.constant -16 : i32
    %and3A_2874 = arith.andi %min3A_2868, %and3A_2873 : i32
    %sub3A_2875 = arith.subi %and3A_2874, %and3A_2872 : i32
    %shift_right_arithmetic3A_2876 = arith.constant 4 : i32
    %shift_right_arithmetic3A_2877 = arith.shrsi %sub3A_2875, %shift_right_arithmetic3A_2876 : i32
    %max3A_2878 = arith.constant 0 : i32
    %max3A_2879 = arith.maxsi %shift_right_arithmetic3A_2877, %max3A_2878 : i32
    %while3A_2880 = arith.constant 0 : i32
    %while3A_2881 = arith.constant 0 : i32
    %while3A_2882 = arith.subi %max3A_2879, %while3A_2881 : i32
    %while3A_2883 = arith.addi %while3A_2881, %while3A_2882 : i32
    %while3A_2884 = arith.constant 1 : i32
    %while3A_2885 = arith.divsi %while3A_2882, %while3A_2884 : i32
    %while3A_2886 = arith.muli %while3A_2885, %while3A_2884 : i32
    %while3A_2887 = arith.addi %while3A_2881, %while3A_2886 : i32
    %while3A_2888 = arith.constant 1 : i32
    scf.for %while3A_3681 = %while3A_2881 to %while3A_2887 step %while3A_2888  : i32 {
      %add3A_3682 = arith.constant 0 : i32
      %add3A_3683 = arith.addi %add3A_3682, %and3A_2872 : i32
      %mul3A_3684 = arith.constant 16 : i32
      %mul3A_3685 = arith.muli %while3A_3681, %mul3A_3684 : i32
      %add3A_3686 = arith.addi %add3A_3683, %mul3A_3685 : i32
      %multiple_of3A_3687 = tpu.assume_multiple %add3A_3686, 16 : i32
      %swap3A_3688 = arith.index_cast %multiple_of3A_3687 : i32 to index
      %swap3A_3689 = tpu.vector_load %arg6[%swap3A_3688] {strides = array<i32>} : memref<120000xf32, #tpu.memory_space<vmem>>, vector<16xf32>,
      %swap3A_3690 = vector.shape_cast %swap3A_3689 : vector<16xf32> to vector<16xf32>
      %swap3A_3691 = vector.shape_cast %broadcast_in_dim3A_2763 : vector<16xf32> to vector<16xf32>
      tpu.vector_store %arg6[%swap3A_3688], %swap3A_3691 {strides = array<i32>} : memref<120000xf32, #tpu.memory_space<vmem>>, vector<16xf32>,
    }
    %while3A_2889 = arith.constant 1 : i32
    scf.for %while3A_3681 = %while3A_2887 to %while3A_2883 step %while3A_2889  : i32 {
      %add3A_3682 = arith.constant 0 : i32
      %add3A_3683 = arith.addi %add3A_3682, %and3A_2872 : i32
      %mul3A_3684 = arith.constant 16 : i32
      %mul3A_3685 = arith.muli %while3A_3681, %mul3A_3684 : i32
      %add3A_3686 = arith.addi %add3A_3683, %mul3A_3685 : i32
      %multiple_of3A_3687 = tpu.assume_multiple %add3A_3686, 16 : i32
      %swap3A_3688 = arith.index_cast %multiple_of3A_3687 : i32 to index
      %swap3A_3689 = tpu.vector_load %arg6[%swap3A_3688] {strides = array<i32>} : memref<120000xf32, #tpu.memory_space<vmem>>, vector<16xf32>,
      %swap3A_3690 = vector.shape_cast %swap3A_3689 : vector<16xf32> to vector<16xf32>
      %swap3A_3691 = vector.shape_cast %broadcast_in_dim3A_2763 : vector<16xf32> to vector<16xf32>
      tpu.vector_store %arg6[%swap3A_3688], %swap3A_3691 {strides = array<i32>} : memref<120000xf32, #tpu.memory_space<vmem>>, vector<16xf32>,
    }
    %and3A_2890 = arith.constant -16 : i32
    %and3A_2891 = arith.andi %min3A_2862, %and3A_2890 : i32
    %min3A_2892 = arith.constant 39984 : i32
    %min3A_2893 = arith.minsi %and3A_2891, %min3A_2892 : i32
    %min3A_2894 = arith.constant 39984 : i32
    %min3A_2895 = arith.minsi %and3A_2874, %min3A_2894 : i32
    %add3A_2896 = arith.constant 0 : i32
    %add3A_2897 = arith.addi %add3A_2896, %min3A_2893 : i32
    %multiple_of3A_2898 = tpu.assume_multiple %add3A_2897, 16 : i32
    %add3A_2899 = arith.constant 120000 : i32
    %add3A_2900 = arith.addi %add3A_2899, %min3A_2893 : i32
    %iota3A_2901 = tpu.iota {dimensions = array<i32: 0>} : vector<16xi32>
    %add3A_2902 = vector.broadcast %add3A_2900 : i32 to vector<16xi32>
    %add3A_2903 = arith.addi %add3A_2902, %iota3A_2901 : vector<16xi32>
    %ge3A_2904 = vector.broadcast %squeeze3A_2854 : i32 to vector<16xi32>
    %ge3A_2905 = arith.cmpi sge, %add3A_2903, %ge3A_2904 : vector<16xi32>
    %lt3A_2906 = vector.broadcast %squeeze3A_2856 : i32 to vector<16xi32>
    %lt3A_2907 = arith.cmpi slt, %add3A_2903, %lt3A_2906 : vector<16xi32>
    %and3A_2908 = arith.andi %ge3A_2905, %lt3A_2907 : vector<16xi1>
    %get3A_2909 = arith.index_cast %multiple_of3A_2898 : i32 to index
    %get3A_2910 = tpu.vector_load %arg6[%get3A_2909] {strides = array<i32>} : memref<120000xf32, #tpu.memory_space<vmem>>, vector<16xf32>,
    %get3A_2911 = vector.shape_cast %get3A_2910 : vector<16xf32> to vector<16xf32>
    %jit3A_2912 = arith.constant 0.000000e+00 : f32
    %broadcast_in_dim3A_2913 = vector.broadcast %jit3A_2912 : f32 to vector<16xf32>
    %select_n3A_2914 = arith.select %and3A_2908, %broadcast_in_dim3A_2913, %get3A_2911 : vector<16xi1>, vector<16xf32>
    %swap3A_2915 = arith.index_cast %multiple_of3A_2898 : i32 to index
    %swap3A_2916 = tpu.vector_load %arg6[%swap3A_2915] {strides = array<i32>} : memref<120000xf32, #tpu.memory_space<vmem>>, vector<16xf32>,
    %swap3A_2917 = vector.shape_cast %swap3A_2916 : vector<16xf32> to vector<16xf32>
    %swap3A_2918 = vector.shape_cast %select_n3A_2914 : vector<16xf32> to vector<16xf32>
    tpu.vector_store %arg6[%swap3A_2915], %swap3A_2918 {strides = array<i32>} : memref<120000xf32, #tpu.memory_space<vmem>>, vector<16xf32>,
    %add3A_2919 = arith.constant 0 : i32
    %add3A_2920 = arith.addi %add3A_2919, %min3A_2895 : i32
    %multiple_of3A_2921 = tpu.assume_multiple %add3A_2920, 16 : i32
    %add3A_2922 = arith.constant 120000 : i32
    %add3A_2923 = arith.addi %add3A_2922, %min3A_2895 : i32
    %iota3A_2924 = tpu.iota {dimensions = array<i32: 0>} : vector<16xi32>
    %add3A_2925 = vector.broadcast %add3A_2923 : i32 to vector<16xi32>
    %add3A_2926 = arith.addi %add3A_2925, %iota3A_2924 : vector<16xi32>
    %ge3A_2927 = vector.broadcast %squeeze3A_2854 : i32 to vector<16xi32>
    %ge3A_2928 = arith.cmpi sge, %add3A_2926, %ge3A_2927 : vector<16xi32>
    %lt3A_2929 = vector.broadcast %squeeze3A_2856 : i32 to vector<16xi32>
    %lt3A_2930 = arith.cmpi slt, %add3A_2926, %lt3A_2929 : vector<16xi32>
    %and3A_2931 = arith.andi %ge3A_2928, %lt3A_2930 : vector<16xi1>
    %get3A_2932 = arith.index_cast %multiple_of3A_2921 : i32 to index
    %get3A_2933 = tpu.vector_load %arg6[%get3A_2932] {strides = array<i32>} : memref<120000xf32, #tpu.memory_space<vmem>>, vector<16xf32>,
    %get3A_2934 = vector.shape_cast %get3A_2933 : vector<16xf32> to vector<16xf32>
    %jit3A_2935 = arith.constant 0.000000e+00 : f32
    %broadcast_in_dim3A_2936 = vector.broadcast %jit3A_2935 : f32 to vector<16xf32>
    %select_n3A_2937 = arith.select %and3A_2931, %broadcast_in_dim3A_2936, %get3A_2934 : vector<16xi1>, vector<16xf32>
    %swap3A_2938 = arith.index_cast %multiple_of3A_2921 : i32 to index
    %swap3A_2939 = tpu.vector_load %arg6[%swap3A_2938] {strides = array<i32>} : memref<120000xf32, #tpu.memory_space<vmem>>, vector<16xf32>,
    %swap3A_2940 = vector.shape_cast %swap3A_2939 : vector<16xf32> to vector<16xf32>
    %swap3A_2941 = vector.shape_cast %select_n3A_2937 : vector<16xf32> to vector<16xf32>
    tpu.vector_store %arg6[%swap3A_2938], %swap3A_2941 {strides = array<i32>} : memref<120000xf32, #tpu.memory_space<vmem>>, vector<16xf32>,
    %slice3A_2942 = vector.extract_strided_slice %get3A_6 {offsets = [2], sizes = [1], strides = [1]} : vector<16xi32> to vector<1xi32>
    %squeeze3A_2943 = vector.extract %slice3A_2942[0] : i32 from vector<1xi32>
    %slice3A_2944 = vector.extract_strided_slice %get3A_9 {offsets = [2], sizes = [1], strides = [1]} : vector<16xi32> to vector<1xi32>
    %squeeze3A_2945 = vector.extract %slice3A_2944[0] : i32 from vector<1xi32>
    %sub3A_2946 = arith.constant 120000 : i32
    %sub3A_2947 = arith.subi %squeeze3A_2943, %sub3A_2946 : i32
    %jit3A_2948 = arith.constant 0 : i32
    %jit3A_2949 = arith.constant 40000 : i32
    %max3A_2950 = arith.maxsi %jit3A_2948, %sub3A_2947 : i32
    %min3A_2951 = arith.minsi %jit3A_2949, %max3A_2950 : i32
    %sub3A_2952 = arith.constant 120000 : i32
    %sub3A_2953 = arith.subi %squeeze3A_2945, %sub3A_2952 : i32
    %jit3A_2954 = arith.constant 0 : i32
    %jit3A_2955 = arith.constant 40000 : i32
    %max3A_2956 = arith.maxsi %jit3A_2954, %sub3A_2953 : i32
    %min3A_2957 = arith.minsi %jit3A_2955, %max3A_2956 : i32
    %add3A_2958 = arith.constant 15 : i32
    %add3A_2959 = arith.addi %min3A_2951, %add3A_2958 : i32
    %and3A_2960 = arith.constant -16 : i32
    %and3A_2961 = arith.andi %add3A_2959, %and3A_2960 : i32
    %and3A_2962 = arith.constant -16 : i32
    %and3A_2963 = arith.andi %min3A_2957, %and3A_2962 : i32
    %sub3A_2964 = arith.subi %and3A_2963, %and3A_2961 : i32
    %shift_right_arithmetic3A_2965 = arith.constant 4 : i32
    %shift_right_arithmetic3A_2966 = arith.shrsi %sub3A_2964, %shift_right_arithmetic3A_2965 : i32
    %max3A_2967 = arith.constant 0 : i32
    %max3A_2968 = arith.maxsi %shift_right_arithmetic3A_2966, %max3A_2967 : i32
    %while3A_2969 = arith.constant 0 : i32
    %while3A_2970 = arith.constant 0 : i32
    %while3A_2971 = arith.subi %max3A_2968, %while3A_2970 : i32
    %while3A_2972 = arith.addi %while3A_2970, %while3A_2971 : i32
    %while3A_2973 = arith.constant 1 : i32
    %while3A_2974 = arith.divsi %while3A_2971, %while3A_2973 : i32
    %while3A_2975 = arith.muli %while3A_2974, %while3A_2973 : i32
    %while3A_2976 = arith.addi %while3A_2970, %while3A_2975 : i32
    %while3A_2977 = arith.constant 1 : i32
    scf.for %while3A_3681 = %while3A_2970 to %while3A_2976 step %while3A_2977  : i32 {
      %add3A_3682 = arith.constant 0 : i32
      %add3A_3683 = arith.addi %add3A_3682, %and3A_2961 : i32
      %mul3A_3684 = arith.constant 16 : i32
      %mul3A_3685 = arith.muli %while3A_3681, %mul3A_3684 : i32
      %add3A_3686 = arith.addi %add3A_3683, %mul3A_3685 : i32
      %multiple_of3A_3687 = tpu.assume_multiple %add3A_3686, 16 : i32
      %swap3A_3688 = arith.index_cast %multiple_of3A_3687 : i32 to index
      %swap3A_3689 = tpu.vector_load %arg6[%swap3A_3688] {strides = array<i32>} : memref<120000xf32, #tpu.memory_space<vmem>>, vector<16xf32>,
      %swap3A_3690 = vector.shape_cast %swap3A_3689 : vector<16xf32> to vector<16xf32>
      %swap3A_3691 = vector.shape_cast %broadcast_in_dim3A_2763 : vector<16xf32> to vector<16xf32>
      tpu.vector_store %arg6[%swap3A_3688], %swap3A_3691 {strides = array<i32>} : memref<120000xf32, #tpu.memory_space<vmem>>, vector<16xf32>,
    }
    %while3A_2978 = arith.constant 1 : i32
    scf.for %while3A_3681 = %while3A_2976 to %while3A_2972 step %while3A_2978  : i32 {
      %add3A_3682 = arith.constant 0 : i32
      %add3A_3683 = arith.addi %add3A_3682, %and3A_2961 : i32
      %mul3A_3684 = arith.constant 16 : i32
      %mul3A_3685 = arith.muli %while3A_3681, %mul3A_3684 : i32
      %add3A_3686 = arith.addi %add3A_3683, %mul3A_3685 : i32
      %multiple_of3A_3687 = tpu.assume_multiple %add3A_3686, 16 : i32
      %swap3A_3688 = arith.index_cast %multiple_of3A_3687 : i32 to index
      %swap3A_3689 = tpu.vector_load %arg6[%swap3A_3688] {strides = array<i32>} : memref<120000xf32, #tpu.memory_space<vmem>>, vector<16xf32>,
      %swap3A_3690 = vector.shape_cast %swap3A_3689 : vector<16xf32> to vector<16xf32>
      %swap3A_3691 = vector.shape_cast %broadcast_in_dim3A_2763 : vector<16xf32> to vector<16xf32>
      tpu.vector_store %arg6[%swap3A_3688], %swap3A_3691 {strides = array<i32>} : memref<120000xf32, #tpu.memory_space<vmem>>, vector<16xf32>,
    }
    %and3A_2979 = arith.constant -16 : i32
    %and3A_2980 = arith.andi %min3A_2951, %and3A_2979 : i32
    %min3A_2981 = arith.constant 39984 : i32
    %min3A_2982 = arith.minsi %and3A_2980, %min3A_2981 : i32
    %min3A_2983 = arith.constant 39984 : i32
    %min3A_2984 = arith.minsi %and3A_2963, %min3A_2983 : i32
    %add3A_2985 = arith.constant 0 : i32
    %add3A_2986 = arith.addi %add3A_2985, %min3A_2982 : i32
    %multiple_of3A_2987 = tpu.assume_multiple %add3A_2986, 16 : i32
    %add3A_2988 = arith.constant 120000 : i32
    %add3A_2989 = arith.addi %add3A_2988, %min3A_2982 : i32
    %iota3A_2990 = tpu.iota {dimensions = array<i32: 0>} : vector<16xi32>
    %add3A_2991 = vector.broadcast %add3A_2989 : i32 to vector<16xi32>
    %add3A_2992 = arith.addi %add3A_2991, %iota3A_2990 : vector<16xi32>
    %ge3A_2993 = vector.broadcast %squeeze3A_2943 : i32 to vector<16xi32>
    %ge3A_2994 = arith.cmpi sge, %add3A_2992, %ge3A_2993 : vector<16xi32>
    %lt3A_2995 = vector.broadcast %squeeze3A_2945 : i32 to vector<16xi32>
    %lt3A_2996 = arith.cmpi slt, %add3A_2992, %lt3A_2995 : vector<16xi32>
    %and3A_2997 = arith.andi %ge3A_2994, %lt3A_2996 : vector<16xi1>
    %get3A_2998 = arith.index_cast %multiple_of3A_2987 : i32 to index
    %get3A_2999 = tpu.vector_load %arg6[%get3A_2998] {strides = array<i32>} : memref<120000xf32, #tpu.memory_space<vmem>>, vector<16xf32>,
    %get3A_3000 = vector.shape_cast %get3A_2999 : vector<16xf32> to vector<16xf32>
    %jit3A_3001 = arith.constant 0.000000e+00 : f32
    %broadcast_in_dim3A_3002 = vector.broadcast %jit3A_3001 : f32 to vector<16xf32>
    %select_n3A_3003 = arith.select %and3A_2997, %broadcast_in_dim3A_3002, %get3A_3000 : vector<16xi1>, vector<16xf32>
    %swap3A_3004 = arith.index_cast %multiple_of3A_2987 : i32 to index
    %swap3A_3005 = tpu.vector_load %arg6[%swap3A_3004] {strides = array<i32>} : memref<120000xf32, #tpu.memory_space<vmem>>, vector<16xf32>,
    %swap3A_3006 = vector.shape_cast %swap3A_3005 : vector<16xf32> to vector<16xf32>
    %swap3A_3007 = vector.shape_cast %select_n3A_3003 : vector<16xf32> to vector<16xf32>
    tpu.vector_store %arg6[%swap3A_3004], %swap3A_3007 {strides = array<i32>} : memref<120000xf32, #tpu.memory_space<vmem>>, vector<16xf32>,
    %add3A_3008 = arith.constant 0 : i32
    %add3A_3009 = arith.addi %add3A_3008, %min3A_2984 : i32
    %multiple_of3A_3010 = tpu.assume_multiple %add3A_3009, 16 : i32
    %add3A_3011 = arith.constant 120000 : i32
    %add3A_3012 = arith.addi %add3A_3011, %min3A_2984 : i32
    %iota3A_3013 = tpu.iota {dimensions = array<i32: 0>} : vector<16xi32>
    %add3A_3014 = vector.broadcast %add3A_3012 : i32 to vector<16xi32>
    %add3A_3015 = arith.addi %add3A_3014, %iota3A_3013 : vector<16xi32>
    %ge3A_3016 = vector.broadcast %squeeze3A_2943 : i32 to vector<16xi32>
    %ge3A_3017 = arith.cmpi sge, %add3A_3015, %ge3A_3016 : vector<16xi32>
    %lt3A_3018 = vector.broadcast %squeeze3A_2945 : i32 to vector<16xi32>
    %lt3A_3019 = arith.cmpi slt, %add3A_3015, %lt3A_3018 : vector<16xi32>
    %and3A_3020 = arith.andi %ge3A_3017, %lt3A_3019 : vector<16xi1>
    %get3A_3021 = arith.index_cast %multiple_of3A_3010 : i32 to index
    %get3A_3022 = tpu.vector_load %arg6[%get3A_3021] {strides = array<i32>} : memref<120000xf32, #tpu.memory_space<vmem>>, vector<16xf32>,
    %get3A_3023 = vector.shape_cast %get3A_3022 : vector<16xf32> to vector<16xf32>
    %jit3A_3024 = arith.constant 0.000000e+00 : f32
    %broadcast_in_dim3A_3025 = vector.broadcast %jit3A_3024 : f32 to vector<16xf32>
    %select_n3A_3026 = arith.select %and3A_3020, %broadcast_in_dim3A_3025, %get3A_3023 : vector<16xi1>, vector<16xf32>
    %swap3A_3027 = arith.index_cast %multiple_of3A_3010 : i32 to index
    %swap3A_3028 = tpu.vector_load %arg6[%swap3A_3027] {strides = array<i32>} : memref<120000xf32, #tpu.memory_space<vmem>>, vector<16xf32>,
    %swap3A_3029 = vector.shape_cast %swap3A_3028 : vector<16xf32> to vector<16xf32>
    %swap3A_3030 = vector.shape_cast %select_n3A_3026 : vector<16xf32> to vector<16xf32>
    tpu.vector_store %arg6[%swap3A_3027], %swap3A_3030 {strides = array<i32>} : memref<120000xf32, #tpu.memory_space<vmem>>, vector<16xf32>,
    %slice3A_3031 = vector.extract_strided_slice %get3A_6 {offsets = [3], sizes = [1], strides = [1]} : vector<16xi32> to vector<1xi32>
    %squeeze3A_3032 = vector.extract %slice3A_3031[0] : i32 from vector<1xi32>
    %slice3A_3033 = vector.extract_strided_slice %get3A_9 {offsets = [3], sizes = [1], strides = [1]} : vector<16xi32> to vector<1xi32>
    %squeeze3A_3034 = vector.extract %slice3A_3033[0] : i32 from vector<1xi32>
    %sub3A_3035 = arith.constant 120000 : i32
    %sub3A_3036 = arith.subi %squeeze3A_3032, %sub3A_3035 : i32
    %jit3A_3037 = arith.constant 0 : i32
    %jit3A_3038 = arith.constant 40000 : i32
    %max3A_3039 = arith.maxsi %jit3A_3037, %sub3A_3036 : i32
    %min3A_3040 = arith.minsi %jit3A_3038, %max3A_3039 : i32
    %sub3A_3041 = arith.constant 120000 : i32
    %sub3A_3042 = arith.subi %squeeze3A_3034, %sub3A_3041 : i32
    %jit3A_3043 = arith.constant 0 : i32
    %jit3A_3044 = arith.constant 40000 : i32
    %max3A_3045 = arith.maxsi %jit3A_3043, %sub3A_3042 : i32
    %min3A_3046 = arith.minsi %jit3A_3044, %max3A_3045 : i32
    %add3A_3047 = arith.constant 15 : i32
    %add3A_3048 = arith.addi %min3A_3040, %add3A_3047 : i32
    %and3A_3049 = arith.constant -16 : i32
    %and3A_3050 = arith.andi %add3A_3048, %and3A_3049 : i32
    %and3A_3051 = arith.constant -16 : i32
    %and3A_3052 = arith.andi %min3A_3046, %and3A_3051 : i32
    %sub3A_3053 = arith.subi %and3A_3052, %and3A_3050 : i32
    %shift_right_arithmetic3A_3054 = arith.constant 4 : i32
    %shift_right_arithmetic3A_3055 = arith.shrsi %sub3A_3053, %shift_right_arithmetic3A_3054 : i32
    %max3A_3056 = arith.constant 0 : i32
    %max3A_3057 = arith.maxsi %shift_right_arithmetic3A_3055, %max3A_3056 : i32
    %while3A_3058 = arith.constant 0 : i32
    %while3A_3059 = arith.constant 0 : i32
    %while3A_3060 = arith.subi %max3A_3057, %while3A_3059 : i32
    %while3A_3061 = arith.addi %while3A_3059, %while3A_3060 : i32
    %while3A_3062 = arith.constant 1 : i32
    %while3A_3063 = arith.divsi %while3A_3060, %while3A_3062 : i32
    %while3A_3064 = arith.muli %while3A_3063, %while3A_3062 : i32
    %while3A_3065 = arith.addi %while3A_3059, %while3A_3064 : i32
    %while3A_3066 = arith.constant 1 : i32
    scf.for %while3A_3681 = %while3A_3059 to %while3A_3065 step %while3A_3066  : i32 {
      %add3A_3682 = arith.constant 0 : i32
      %add3A_3683 = arith.addi %add3A_3682, %and3A_3050 : i32
      %mul3A_3684 = arith.constant 16 : i32
      %mul3A_3685 = arith.muli %while3A_3681, %mul3A_3684 : i32
      %add3A_3686 = arith.addi %add3A_3683, %mul3A_3685 : i32
      %multiple_of3A_3687 = tpu.assume_multiple %add3A_3686, 16 : i32
      %swap3A_3688 = arith.index_cast %multiple_of3A_3687 : i32 to index
      %swap3A_3689 = tpu.vector_load %arg6[%swap3A_3688] {strides = array<i32>} : memref<120000xf32, #tpu.memory_space<vmem>>, vector<16xf32>,
      %swap3A_3690 = vector.shape_cast %swap3A_3689 : vector<16xf32> to vector<16xf32>
      %swap3A_3691 = vector.shape_cast %broadcast_in_dim3A_2763 : vector<16xf32> to vector<16xf32>
      tpu.vector_store %arg6[%swap3A_3688], %swap3A_3691 {strides = array<i32>} : memref<120000xf32, #tpu.memory_space<vmem>>, vector<16xf32>,
    }
    %while3A_3067 = arith.constant 1 : i32
    scf.for %while3A_3681 = %while3A_3065 to %while3A_3061 step %while3A_3067  : i32 {
      %add3A_3682 = arith.constant 0 : i32
      %add3A_3683 = arith.addi %add3A_3682, %and3A_3050 : i32
      %mul3A_3684 = arith.constant 16 : i32
      %mul3A_3685 = arith.muli %while3A_3681, %mul3A_3684 : i32
      %add3A_3686 = arith.addi %add3A_3683, %mul3A_3685 : i32
      %multiple_of3A_3687 = tpu.assume_multiple %add3A_3686, 16 : i32
      %swap3A_3688 = arith.index_cast %multiple_of3A_3687 : i32 to index
      %swap3A_3689 = tpu.vector_load %arg6[%swap3A_3688] {strides = array<i32>} : memref<120000xf32, #tpu.memory_space<vmem>>, vector<16xf32>,
      %swap3A_3690 = vector.shape_cast %swap3A_3689 : vector<16xf32> to vector<16xf32>
      %swap3A_3691 = vector.shape_cast %broadcast_in_dim3A_2763 : vector<16xf32> to vector<16xf32>
      tpu.vector_store %arg6[%swap3A_3688], %swap3A_3691 {strides = array<i32>} : memref<120000xf32, #tpu.memory_space<vmem>>, vector<16xf32>,
    }
    %and3A_3068 = arith.constant -16 : i32
    %and3A_3069 = arith.andi %min3A_3040, %and3A_3068 : i32
    %min3A_3070 = arith.constant 39984 : i32
    %min3A_3071 = arith.minsi %and3A_3069, %min3A_3070 : i32
    %min3A_3072 = arith.constant 39984 : i32
    %min3A_3073 = arith.minsi %and3A_3052, %min3A_3072 : i32
    %add3A_3074 = arith.constant 0 : i32
    %add3A_3075 = arith.addi %add3A_3074, %min3A_3071 : i32
    %multiple_of3A_3076 = tpu.assume_multiple %add3A_3075, 16 : i32
    %add3A_3077 = arith.constant 120000 : i32
    %add3A_3078 = arith.addi %add3A_3077, %min3A_3071 : i32
    %iota3A_3079 = tpu.iota {dimensions = array<i32: 0>} : vector<16xi32>
    %add3A_3080 = vector.broadcast %add3A_3078 : i32 to vector<16xi32>
    %add3A_3081 = arith.addi %add3A_3080, %iota3A_3079 : vector<16xi32>
    %ge3A_3082 = vector.broadcast %squeeze3A_3032 : i32 to vector<16xi32>
    %ge3A_3083 = arith.cmpi sge, %add3A_3081, %ge3A_3082 : vector<16xi32>
    %lt3A_3084 = vector.broadcast %squeeze3A_3034 : i32 to vector<16xi32>
    %lt3A_3085 = arith.cmpi slt, %add3A_3081, %lt3A_3084 : vector<16xi32>
    %and3A_3086 = arith.andi %ge3A_3083, %lt3A_3085 : vector<16xi1>
    %get3A_3087 = arith.index_cast %multiple_of3A_3076 : i32 to index
    %get3A_3088 = tpu.vector_load %arg6[%get3A_3087] {strides = array<i32>} : memref<120000xf32, #tpu.memory_space<vmem>>, vector<16xf32>,
    %get3A_3089 = vector.shape_cast %get3A_3088 : vector<16xf32> to vector<16xf32>
    %jit3A_3090 = arith.constant 0.000000e+00 : f32
    %broadcast_in_dim3A_3091 = vector.broadcast %jit3A_3090 : f32 to vector<16xf32>
    %select_n3A_3092 = arith.select %and3A_3086, %broadcast_in_dim3A_3091, %get3A_3089 : vector<16xi1>, vector<16xf32>
    %swap3A_3093 = arith.index_cast %multiple_of3A_3076 : i32 to index
    %swap3A_3094 = tpu.vector_load %arg6[%swap3A_3093] {strides = array<i32>} : memref<120000xf32, #tpu.memory_space<vmem>>, vector<16xf32>,
    %swap3A_3095 = vector.shape_cast %swap3A_3094 : vector<16xf32> to vector<16xf32>
    %swap3A_3096 = vector.shape_cast %select_n3A_3092 : vector<16xf32> to vector<16xf32>
    tpu.vector_store %arg6[%swap3A_3093], %swap3A_3096 {strides = array<i32>} : memref<120000xf32, #tpu.memory_space<vmem>>, vector<16xf32>,
    %add3A_3097 = arith.constant 0 : i32
    %add3A_3098 = arith.addi %add3A_3097, %min3A_3073 : i32
    %multiple_of3A_3099 = tpu.assume_multiple %add3A_3098, 16 : i32
    %add3A_3100 = arith.constant 120000 : i32
    %add3A_3101 = arith.addi %add3A_3100, %min3A_3073 : i32
    %iota3A_3102 = tpu.iota {dimensions = array<i32: 0>} : vector<16xi32>
    %add3A_3103 = vector.broadcast %add3A_3101 : i32 to vector<16xi32>
    %add3A_3104 = arith.addi %add3A_3103, %iota3A_3102 : vector<16xi32>
    %ge3A_3105 = vector.broadcast %squeeze3A_3032 : i32 to vector<16xi32>
    %ge3A_3106 = arith.cmpi sge, %add3A_3104, %ge3A_3105 : vector<16xi32>
    %lt3A_3107 = vector.broadcast %squeeze3A_3034 : i32 to vector<16xi32>
    %lt3A_3108 = arith.cmpi slt, %add3A_3104, %lt3A_3107 : vector<16xi32>
    %and3A_3109 = arith.andi %ge3A_3106, %lt3A_3108 : vector<16xi1>
    %get3A_3110 = arith.index_cast %multiple_of3A_3099 : i32 to index
    %get3A_3111 = tpu.vector_load %arg6[%get3A_3110] {strides = array<i32>} : memref<120000xf32, #tpu.memory_space<vmem>>, vector<16xf32>,
    %get3A_3112 = vector.shape_cast %get3A_3111 : vector<16xf32> to vector<16xf32>
    %jit3A_3113 = arith.constant 0.000000e+00 : f32
    %broadcast_in_dim3A_3114 = vector.broadcast %jit3A_3113 : f32 to vector<16xf32>
    %select_n3A_3115 = arith.select %and3A_3109, %broadcast_in_dim3A_3114, %get3A_3112 : vector<16xi1>, vector<16xf32>
    %swap3A_3116 = arith.index_cast %multiple_of3A_3099 : i32 to index
    %swap3A_3117 = tpu.vector_load %arg6[%swap3A_3116] {strides = array<i32>} : memref<120000xf32, #tpu.memory_space<vmem>>, vector<16xf32>,
    %swap3A_3118 = vector.shape_cast %swap3A_3117 : vector<16xf32> to vector<16xf32>
    %swap3A_3119 = vector.shape_cast %select_n3A_3115 : vector<16xf32> to vector<16xf32>
    tpu.vector_store %arg6[%swap3A_3116], %swap3A_3119 {strides = array<i32>} : memref<120000xf32, #tpu.memory_space<vmem>>, vector<16xf32>,
    %slice3A_3120 = vector.extract_strided_slice %get3A_6 {offsets = [4], sizes = [1], strides = [1]} : vector<16xi32> to vector<1xi32>
    %squeeze3A_3121 = vector.extract %slice3A_3120[0] : i32 from vector<1xi32>
    %slice3A_3122 = vector.extract_strided_slice %get3A_9 {offsets = [4], sizes = [1], strides = [1]} : vector<16xi32> to vector<1xi32>
    %squeeze3A_3123 = vector.extract %slice3A_3122[0] : i32 from vector<1xi32>
    %sub3A_3124 = arith.constant 120000 : i32
    %sub3A_3125 = arith.subi %squeeze3A_3121, %sub3A_3124 : i32
    %jit3A_3126 = arith.constant 0 : i32
    %jit3A_3127 = arith.constant 40000 : i32
    %max3A_3128 = arith.maxsi %jit3A_3126, %sub3A_3125 : i32
    %min3A_3129 = arith.minsi %jit3A_3127, %max3A_3128 : i32
    %sub3A_3130 = arith.constant 120000 : i32
    %sub3A_3131 = arith.subi %squeeze3A_3123, %sub3A_3130 : i32
    %jit3A_3132 = arith.constant 0 : i32
    %jit3A_3133 = arith.constant 40000 : i32
    %max3A_3134 = arith.maxsi %jit3A_3132, %sub3A_3131 : i32
    %min3A_3135 = arith.minsi %jit3A_3133, %max3A_3134 : i32
    %add3A_3136 = arith.constant 15 : i32
    %add3A_3137 = arith.addi %min3A_3129, %add3A_3136 : i32
    %and3A_3138 = arith.constant -16 : i32
    %and3A_3139 = arith.andi %add3A_3137, %and3A_3138 : i32
    %and3A_3140 = arith.constant -16 : i32
    %and3A_3141 = arith.andi %min3A_3135, %and3A_3140 : i32
    %sub3A_3142 = arith.subi %and3A_3141, %and3A_3139 : i32
    %shift_right_arithmetic3A_3143 = arith.constant 4 : i32
    %shift_right_arithmetic3A_3144 = arith.shrsi %sub3A_3142, %shift_right_arithmetic3A_3143 : i32
    %max3A_3145 = arith.constant 0 : i32
    %max3A_3146 = arith.maxsi %shift_right_arithmetic3A_3144, %max3A_3145 : i32
    %while3A_3147 = arith.constant 0 : i32
    %while3A_3148 = arith.constant 0 : i32
    %while3A_3149 = arith.subi %max3A_3146, %while3A_3148 : i32
    %while3A_3150 = arith.addi %while3A_3148, %while3A_3149 : i32
    %while3A_3151 = arith.constant 1 : i32
    %while3A_3152 = arith.divsi %while3A_3149, %while3A_3151 : i32
    %while3A_3153 = arith.muli %while3A_3152, %while3A_3151 : i32
    %while3A_3154 = arith.addi %while3A_3148, %while3A_3153 : i32
    %while3A_3155 = arith.constant 1 : i32
    scf.for %while3A_3681 = %while3A_3148 to %while3A_3154 step %while3A_3155  : i32 {
      %add3A_3682 = arith.constant 0 : i32
      %add3A_3683 = arith.addi %add3A_3682, %and3A_3139 : i32
      %mul3A_3684 = arith.constant 16 : i32
      %mul3A_3685 = arith.muli %while3A_3681, %mul3A_3684 : i32
      %add3A_3686 = arith.addi %add3A_3683, %mul3A_3685 : i32
      %multiple_of3A_3687 = tpu.assume_multiple %add3A_3686, 16 : i32
      %swap3A_3688 = arith.index_cast %multiple_of3A_3687 : i32 to index
      %swap3A_3689 = tpu.vector_load %arg6[%swap3A_3688] {strides = array<i32>} : memref<120000xf32, #tpu.memory_space<vmem>>, vector<16xf32>,
      %swap3A_3690 = vector.shape_cast %swap3A_3689 : vector<16xf32> to vector<16xf32>
      %swap3A_3691 = vector.shape_cast %broadcast_in_dim3A_2763 : vector<16xf32> to vector<16xf32>
      tpu.vector_store %arg6[%swap3A_3688], %swap3A_3691 {strides = array<i32>} : memref<120000xf32, #tpu.memory_space<vmem>>, vector<16xf32>,
    }
    %while3A_3156 = arith.constant 1 : i32
    scf.for %while3A_3681 = %while3A_3154 to %while3A_3150 step %while3A_3156  : i32 {
      %add3A_3682 = arith.constant 0 : i32
      %add3A_3683 = arith.addi %add3A_3682, %and3A_3139 : i32
      %mul3A_3684 = arith.constant 16 : i32
      %mul3A_3685 = arith.muli %while3A_3681, %mul3A_3684 : i32
      %add3A_3686 = arith.addi %add3A_3683, %mul3A_3685 : i32
      %multiple_of3A_3687 = tpu.assume_multiple %add3A_3686, 16 : i32
      %swap3A_3688 = arith.index_cast %multiple_of3A_3687 : i32 to index
      %swap3A_3689 = tpu.vector_load %arg6[%swap3A_3688] {strides = array<i32>} : memref<120000xf32, #tpu.memory_space<vmem>>, vector<16xf32>,
      %swap3A_3690 = vector.shape_cast %swap3A_3689 : vector<16xf32> to vector<16xf32>
      %swap3A_3691 = vector.shape_cast %broadcast_in_dim3A_2763 : vector<16xf32> to vector<16xf32>
      tpu.vector_store %arg6[%swap3A_3688], %swap3A_3691 {strides = array<i32>} : memref<120000xf32, #tpu.memory_space<vmem>>, vector<16xf32>,
    }
    %and3A_3157 = arith.constant -16 : i32
    %and3A_3158 = arith.andi %min3A_3129, %and3A_3157 : i32
    %min3A_3159 = arith.constant 39984 : i32
    %min3A_3160 = arith.minsi %and3A_3158, %min3A_3159 : i32
    %min3A_3161 = arith.constant 39984 : i32
    %min3A_3162 = arith.minsi %and3A_3141, %min3A_3161 : i32
    %add3A_3163 = arith.constant 0 : i32
    %add3A_3164 = arith.addi %add3A_3163, %min3A_3160 : i32
    %multiple_of3A_3165 = tpu.assume_multiple %add3A_3164, 16 : i32
    %add3A_3166 = arith.constant 120000 : i32
    %add3A_3167 = arith.addi %add3A_3166, %min3A_3160 : i32
    %iota3A_3168 = tpu.iota {dimensions = array<i32: 0>} : vector<16xi32>
    %add3A_3169 = vector.broadcast %add3A_3167 : i32 to vector<16xi32>
    %add3A_3170 = arith.addi %add3A_3169, %iota3A_3168 : vector<16xi32>
    %ge3A_3171 = vector.broadcast %squeeze3A_3121 : i32 to vector<16xi32>
    %ge3A_3172 = arith.cmpi sge, %add3A_3170, %ge3A_3171 : vector<16xi32>
    %lt3A_3173 = vector.broadcast %squeeze3A_3123 : i32 to vector<16xi32>
    %lt3A_3174 = arith.cmpi slt, %add3A_3170, %lt3A_3173 : vector<16xi32>
    %and3A_3175 = arith.andi %ge3A_3172, %lt3A_3174 : vector<16xi1>
    %get3A_3176 = arith.index_cast %multiple_of3A_3165 : i32 to index
    %get3A_3177 = tpu.vector_load %arg6[%get3A_3176] {strides = array<i32>} : memref<120000xf32, #tpu.memory_space<vmem>>, vector<16xf32>,
    %get3A_3178 = vector.shape_cast %get3A_3177 : vector<16xf32> to vector<16xf32>
    %jit3A_3179 = arith.constant 0.000000e+00 : f32
    %broadcast_in_dim3A_3180 = vector.broadcast %jit3A_3179 : f32 to vector<16xf32>
    %select_n3A_3181 = arith.select %and3A_3175, %broadcast_in_dim3A_3180, %get3A_3178 : vector<16xi1>, vector<16xf32>
    %swap3A_3182 = arith.index_cast %multiple_of3A_3165 : i32 to index
    %swap3A_3183 = tpu.vector_load %arg6[%swap3A_3182] {strides = array<i32>} : memref<120000xf32, #tpu.memory_space<vmem>>, vector<16xf32>,
    %swap3A_3184 = vector.shape_cast %swap3A_3183 : vector<16xf32> to vector<16xf32>
    %swap3A_3185 = vector.shape_cast %select_n3A_3181 : vector<16xf32> to vector<16xf32>
    tpu.vector_store %arg6[%swap3A_3182], %swap3A_3185 {strides = array<i32>} : memref<120000xf32, #tpu.memory_space<vmem>>, vector<16xf32>,
    %add3A_3186 = arith.constant 0 : i32
    %add3A_3187 = arith.addi %add3A_3186, %min3A_3162 : i32
    %multiple_of3A_3188 = tpu.assume_multiple %add3A_3187, 16 : i32
    %add3A_3189 = arith.constant 120000 : i32
    %add3A_3190 = arith.addi %add3A_3189, %min3A_3162 : i32
    %iota3A_3191 = tpu.iota {dimensions = array<i32: 0>} : vector<16xi32>
    %add3A_3192 = vector.broadcast %add3A_3190 : i32 to vector<16xi32>
    %add3A_3193 = arith.addi %add3A_3192, %iota3A_3191 : vector<16xi32>
    %ge3A_3194 = vector.broadcast %squeeze3A_3121 : i32 to vector<16xi32>
    %ge3A_3195 = arith.cmpi sge, %add3A_3193, %ge3A_3194 : vector<16xi32>
    %lt3A_3196 = vector.broadcast %squeeze3A_3123 : i32 to vector<16xi32>
    %lt3A_3197 = arith.cmpi slt, %add3A_3193, %lt3A_3196 : vector<16xi32>
    %and3A_3198 = arith.andi %ge3A_3195, %lt3A_3197 : vector<16xi1>
    %get3A_3199 = arith.index_cast %multiple_of3A_3188 : i32 to index
    %get3A_3200 = tpu.vector_load %arg6[%get3A_3199] {strides = array<i32>} : memref<120000xf32, #tpu.memory_space<vmem>>, vector<16xf32>,
    %get3A_3201 = vector.shape_cast %get3A_3200 : vector<16xf32> to vector<16xf32>
    %jit3A_3202 = arith.constant 0.000000e+00 : f32
    %broadcast_in_dim3A_3203 = vector.broadcast %jit3A_3202 : f32 to vector<16xf32>
    %select_n3A_3204 = arith.select %and3A_3198, %broadcast_in_dim3A_3203, %get3A_3201 : vector<16xi1>, vector<16xf32>
    %swap3A_3205 = arith.index_cast %multiple_of3A_3188 : i32 to index
    %swap3A_3206 = tpu.vector_load %arg6[%swap3A_3205] {strides = array<i32>} : memref<120000xf32, #tpu.memory_space<vmem>>, vector<16xf32>,
    %swap3A_3207 = vector.shape_cast %swap3A_3206 : vector<16xf32> to vector<16xf32>
    %swap3A_3208 = vector.shape_cast %select_n3A_3204 : vector<16xf32> to vector<16xf32>
    tpu.vector_store %arg6[%swap3A_3205], %swap3A_3208 {strides = array<i32>} : memref<120000xf32, #tpu.memory_space<vmem>>, vector<16xf32>,
    %slice3A_3209 = vector.extract_strided_slice %get3A_6 {offsets = [5], sizes = [1], strides = [1]} : vector<16xi32> to vector<1xi32>
    %squeeze3A_3210 = vector.extract %slice3A_3209[0] : i32 from vector<1xi32>
    %slice3A_3211 = vector.extract_strided_slice %get3A_9 {offsets = [5], sizes = [1], strides = [1]} : vector<16xi32> to vector<1xi32>
    %squeeze3A_3212 = vector.extract %slice3A_3211[0] : i32 from vector<1xi32>
    %sub3A_3213 = arith.constant 120000 : i32
    %sub3A_3214 = arith.subi %squeeze3A_3210, %sub3A_3213 : i32
    %jit3A_3215 = arith.constant 0 : i32
    %jit3A_3216 = arith.constant 40000 : i32
    %max3A_3217 = arith.maxsi %jit3A_3215, %sub3A_3214 : i32
    %min3A_3218 = arith.minsi %jit3A_3216, %max3A_3217 : i32
    %sub3A_3219 = arith.constant 120000 : i32
    %sub3A_3220 = arith.subi %squeeze3A_3212, %sub3A_3219 : i32
    %jit3A_3221 = arith.constant 0 : i32
    %jit3A_3222 = arith.constant 40000 : i32
    %max3A_3223 = arith.maxsi %jit3A_3221, %sub3A_3220 : i32
    %min3A_3224 = arith.minsi %jit3A_3222, %max3A_3223 : i32
    %add3A_3225 = arith.constant 15 : i32
    %add3A_3226 = arith.addi %min3A_3218, %add3A_3225 : i32
    %and3A_3227 = arith.constant -16 : i32
    %and3A_3228 = arith.andi %add3A_3226, %and3A_3227 : i32
    %and3A_3229 = arith.constant -16 : i32
    %and3A_3230 = arith.andi %min3A_3224, %and3A_3229 : i32
    %sub3A_3231 = arith.subi %and3A_3230, %and3A_3228 : i32
    %shift_right_arithmetic3A_3232 = arith.constant 4 : i32
    %shift_right_arithmetic3A_3233 = arith.shrsi %sub3A_3231, %shift_right_arithmetic3A_3232 : i32
    %max3A_3234 = arith.constant 0 : i32
    %max3A_3235 = arith.maxsi %shift_right_arithmetic3A_3233, %max3A_3234 : i32
    %while3A_3236 = arith.constant 0 : i32
    %while3A_3237 = arith.constant 0 : i32
    %while3A_3238 = arith.subi %max3A_3235, %while3A_3237 : i32
    %while3A_3239 = arith.addi %while3A_3237, %while3A_3238 : i32
    %while3A_3240 = arith.constant 1 : i32
    %while3A_3241 = arith.divsi %while3A_3238, %while3A_3240 : i32
    %while3A_3242 = arith.muli %while3A_3241, %while3A_3240 : i32
    %while3A_3243 = arith.addi %while3A_3237, %while3A_3242 : i32
    %while3A_3244 = arith.constant 1 : i32
    scf.for %while3A_3681 = %while3A_3237 to %while3A_3243 step %while3A_3244  : i32 {
      %add3A_3682 = arith.constant 0 : i32
      %add3A_3683 = arith.addi %add3A_3682, %and3A_3228 : i32
      %mul3A_3684 = arith.constant 16 : i32
      %mul3A_3685 = arith.muli %while3A_3681, %mul3A_3684 : i32
      %add3A_3686 = arith.addi %add3A_3683, %mul3A_3685 : i32
      %multiple_of3A_3687 = tpu.assume_multiple %add3A_3686, 16 : i32
      %swap3A_3688 = arith.index_cast %multiple_of3A_3687 : i32 to index
      %swap3A_3689 = tpu.vector_load %arg6[%swap3A_3688] {strides = array<i32>} : memref<120000xf32, #tpu.memory_space<vmem>>, vector<16xf32>,
      %swap3A_3690 = vector.shape_cast %swap3A_3689 : vector<16xf32> to vector<16xf32>
      %swap3A_3691 = vector.shape_cast %broadcast_in_dim3A_2763 : vector<16xf32> to vector<16xf32>
      tpu.vector_store %arg6[%swap3A_3688], %swap3A_3691 {strides = array<i32>} : memref<120000xf32, #tpu.memory_space<vmem>>, vector<16xf32>,
    }
    %while3A_3245 = arith.constant 1 : i32
    scf.for %while3A_3681 = %while3A_3243 to %while3A_3239 step %while3A_3245  : i32 {
      %add3A_3682 = arith.constant 0 : i32
      %add3A_3683 = arith.addi %add3A_3682, %and3A_3228 : i32
      %mul3A_3684 = arith.constant 16 : i32
      %mul3A_3685 = arith.muli %while3A_3681, %mul3A_3684 : i32
      %add3A_3686 = arith.addi %add3A_3683, %mul3A_3685 : i32
      %multiple_of3A_3687 = tpu.assume_multiple %add3A_3686, 16 : i32
      %swap3A_3688 = arith.index_cast %multiple_of3A_3687 : i32 to index
      %swap3A_3689 = tpu.vector_load %arg6[%swap3A_3688] {strides = array<i32>} : memref<120000xf32, #tpu.memory_space<vmem>>, vector<16xf32>,
      %swap3A_3690 = vector.shape_cast %swap3A_3689 : vector<16xf32> to vector<16xf32>
      %swap3A_3691 = vector.shape_cast %broadcast_in_dim3A_2763 : vector<16xf32> to vector<16xf32>
      tpu.vector_store %arg6[%swap3A_3688], %swap3A_3691 {strides = array<i32>} : memref<120000xf32, #tpu.memory_space<vmem>>, vector<16xf32>,
    }
    %and3A_3246 = arith.constant -16 : i32
    %and3A_3247 = arith.andi %min3A_3218, %and3A_3246 : i32
    %min3A_3248 = arith.constant 39984 : i32
    %min3A_3249 = arith.minsi %and3A_3247, %min3A_3248 : i32
    %min3A_3250 = arith.constant 39984 : i32
    %min3A_3251 = arith.minsi %and3A_3230, %min3A_3250 : i32
    %add3A_3252 = arith.constant 0 : i32
    %add3A_3253 = arith.addi %add3A_3252, %min3A_3249 : i32
    %multiple_of3A_3254 = tpu.assume_multiple %add3A_3253, 16 : i32
    %add3A_3255 = arith.constant 120000 : i32
    %add3A_3256 = arith.addi %add3A_3255, %min3A_3249 : i32
    %iota3A_3257 = tpu.iota {dimensions = array<i32: 0>} : vector<16xi32>
    %add3A_3258 = vector.broadcast %add3A_3256 : i32 to vector<16xi32>
    %add3A_3259 = arith.addi %add3A_3258, %iota3A_3257 : vector<16xi32>
    %ge3A_3260 = vector.broadcast %squeeze3A_3210 : i32 to vector<16xi32>
    %ge3A_3261 = arith.cmpi sge, %add3A_3259, %ge3A_3260 : vector<16xi32>
    %lt3A_3262 = vector.broadcast %squeeze3A_3212 : i32 to vector<16xi32>
    %lt3A_3263 = arith.cmpi slt, %add3A_3259, %lt3A_3262 : vector<16xi32>
    %and3A_3264 = arith.andi %ge3A_3261, %lt3A_3263 : vector<16xi1>
    %get3A_3265 = arith.index_cast %multiple_of3A_3254 : i32 to index
    %get3A_3266 = tpu.vector_load %arg6[%get3A_3265] {strides = array<i32>} : memref<120000xf32, #tpu.memory_space<vmem>>, vector<16xf32>,
    %get3A_3267 = vector.shape_cast %get3A_3266 : vector<16xf32> to vector<16xf32>
    %jit3A_3268 = arith.constant 0.000000e+00 : f32
    %broadcast_in_dim3A_3269 = vector.broadcast %jit3A_3268 : f32 to vector<16xf32>
    %select_n3A_3270 = arith.select %and3A_3264, %broadcast_in_dim3A_3269, %get3A_3267 : vector<16xi1>, vector<16xf32>
    %swap3A_3271 = arith.index_cast %multiple_of3A_3254 : i32 to index
    %swap3A_3272 = tpu.vector_load %arg6[%swap3A_3271] {strides = array<i32>} : memref<120000xf32, #tpu.memory_space<vmem>>, vector<16xf32>,
    %swap3A_3273 = vector.shape_cast %swap3A_3272 : vector<16xf32> to vector<16xf32>
    %swap3A_3274 = vector.shape_cast %select_n3A_3270 : vector<16xf32> to vector<16xf32>
    tpu.vector_store %arg6[%swap3A_3271], %swap3A_3274 {strides = array<i32>} : memref<120000xf32, #tpu.memory_space<vmem>>, vector<16xf32>,
    %add3A_3275 = arith.constant 0 : i32
    %add3A_3276 = arith.addi %add3A_3275, %min3A_3251 : i32
    %multiple_of3A_3277 = tpu.assume_multiple %add3A_3276, 16 : i32
    %add3A_3278 = arith.constant 120000 : i32
    %add3A_3279 = arith.addi %add3A_3278, %min3A_3251 : i32
    %iota3A_3280 = tpu.iota {dimensions = array<i32: 0>} : vector<16xi32>
    %add3A_3281 = vector.broadcast %add3A_3279 : i32 to vector<16xi32>
    %add3A_3282 = arith.addi %add3A_3281, %iota3A_3280 : vector<16xi32>
    %ge3A_3283 = vector.broadcast %squeeze3A_3210 : i32 to vector<16xi32>
    %ge3A_3284 = arith.cmpi sge, %add3A_3282, %ge3A_3283 : vector<16xi32>
    %lt3A_3285 = vector.broadcast %squeeze3A_3212 : i32 to vector<16xi32>
    %lt3A_3286 = arith.cmpi slt, %add3A_3282, %lt3A_3285 : vector<16xi32>
    %and3A_3287 = arith.andi %ge3A_3284, %lt3A_3286 : vector<16xi1>
    %get3A_3288 = arith.index_cast %multiple_of3A_3277 : i32 to index
    %get3A_3289 = tpu.vector_load %arg6[%get3A_3288] {strides = array<i32>} : memref<120000xf32, #tpu.memory_space<vmem>>, vector<16xf32>,
    %get3A_3290 = vector.shape_cast %get3A_3289 : vector<16xf32> to vector<16xf32>
    %jit3A_3291 = arith.constant 0.000000e+00 : f32
    %broadcast_in_dim3A_3292 = vector.broadcast %jit3A_3291 : f32 to vector<16xf32>
    %select_n3A_3293 = arith.select %and3A_3287, %broadcast_in_dim3A_3292, %get3A_3290 : vector<16xi1>, vector<16xf32>
    %swap3A_3294 = arith.index_cast %multiple_of3A_3277 : i32 to index
    %swap3A_3295 = tpu.vector_load %arg6[%swap3A_3294] {strides = array<i32>} : memref<120000xf32, #tpu.memory_space<vmem>>, vector<16xf32>,
    %swap3A_3296 = vector.shape_cast %swap3A_3295 : vector<16xf32> to vector<16xf32>
    %swap3A_3297 = vector.shape_cast %select_n3A_3293 : vector<16xf32> to vector<16xf32>
    tpu.vector_store %arg6[%swap3A_3294], %swap3A_3297 {strides = array<i32>} : memref<120000xf32, #tpu.memory_space<vmem>>, vector<16xf32>,
    %slice3A_3298 = vector.extract_strided_slice %get3A_6 {offsets = [6], sizes = [1], strides = [1]} : vector<16xi32> to vector<1xi32>
    %squeeze3A_3299 = vector.extract %slice3A_3298[0] : i32 from vector<1xi32>
    %slice3A_3300 = vector.extract_strided_slice %get3A_9 {offsets = [6], sizes = [1], strides = [1]} : vector<16xi32> to vector<1xi32>
    %squeeze3A_3301 = vector.extract %slice3A_3300[0] : i32 from vector<1xi32>
    %sub3A_3302 = arith.constant 120000 : i32
    %sub3A_3303 = arith.subi %squeeze3A_3299, %sub3A_3302 : i32
    %jit3A_3304 = arith.constant 0 : i32
    %jit3A_3305 = arith.constant 40000 : i32
    %max3A_3306 = arith.maxsi %jit3A_3304, %sub3A_3303 : i32
    %min3A_3307 = arith.minsi %jit3A_3305, %max3A_3306 : i32
    %sub3A_3308 = arith.constant 120000 : i32
    %sub3A_3309 = arith.subi %squeeze3A_3301, %sub3A_3308 : i32
    %jit3A_3310 = arith.constant 0 : i32
    %jit3A_3311 = arith.constant 40000 : i32
    %max3A_3312 = arith.maxsi %jit3A_3310, %sub3A_3309 : i32
    %min3A_3313 = arith.minsi %jit3A_3311, %max3A_3312 : i32
    %add3A_3314 = arith.constant 15 : i32
    %add3A_3315 = arith.addi %min3A_3307, %add3A_3314 : i32
    %and3A_3316 = arith.constant -16 : i32
    %and3A_3317 = arith.andi %add3A_3315, %and3A_3316 : i32
    %and3A_3318 = arith.constant -16 : i32
    %and3A_3319 = arith.andi %min3A_3313, %and3A_3318 : i32
    %sub3A_3320 = arith.subi %and3A_3319, %and3A_3317 : i32
    %shift_right_arithmetic3A_3321 = arith.constant 4 : i32
    %shift_right_arithmetic3A_3322 = arith.shrsi %sub3A_3320, %shift_right_arithmetic3A_3321 : i32
    %max3A_3323 = arith.constant 0 : i32
    %max3A_3324 = arith.maxsi %shift_right_arithmetic3A_3322, %max3A_3323 : i32
    %while3A_3325 = arith.constant 0 : i32
    %while3A_3326 = arith.constant 0 : i32
    %while3A_3327 = arith.subi %max3A_3324, %while3A_3326 : i32
    %while3A_3328 = arith.addi %while3A_3326, %while3A_3327 : i32
    %while3A_3329 = arith.constant 1 : i32
    %while3A_3330 = arith.divsi %while3A_3327, %while3A_3329 : i32
    %while3A_3331 = arith.muli %while3A_3330, %while3A_3329 : i32
    %while3A_3332 = arith.addi %while3A_3326, %while3A_3331 : i32
    %while3A_3333 = arith.constant 1 : i32
    scf.for %while3A_3681 = %while3A_3326 to %while3A_3332 step %while3A_3333  : i32 {
      %add3A_3682 = arith.constant 0 : i32
      %add3A_3683 = arith.addi %add3A_3682, %and3A_3317 : i32
      %mul3A_3684 = arith.constant 16 : i32
      %mul3A_3685 = arith.muli %while3A_3681, %mul3A_3684 : i32
      %add3A_3686 = arith.addi %add3A_3683, %mul3A_3685 : i32
      %multiple_of3A_3687 = tpu.assume_multiple %add3A_3686, 16 : i32
      %swap3A_3688 = arith.index_cast %multiple_of3A_3687 : i32 to index
      %swap3A_3689 = tpu.vector_load %arg6[%swap3A_3688] {strides = array<i32>} : memref<120000xf32, #tpu.memory_space<vmem>>, vector<16xf32>,
      %swap3A_3690 = vector.shape_cast %swap3A_3689 : vector<16xf32> to vector<16xf32>
      %swap3A_3691 = vector.shape_cast %broadcast_in_dim3A_2763 : vector<16xf32> to vector<16xf32>
      tpu.vector_store %arg6[%swap3A_3688], %swap3A_3691 {strides = array<i32>} : memref<120000xf32, #tpu.memory_space<vmem>>, vector<16xf32>,
    }
    %while3A_3334 = arith.constant 1 : i32
    scf.for %while3A_3681 = %while3A_3332 to %while3A_3328 step %while3A_3334  : i32 {
      %add3A_3682 = arith.constant 0 : i32
      %add3A_3683 = arith.addi %add3A_3682, %and3A_3317 : i32
      %mul3A_3684 = arith.constant 16 : i32
      %mul3A_3685 = arith.muli %while3A_3681, %mul3A_3684 : i32
      %add3A_3686 = arith.addi %add3A_3683, %mul3A_3685 : i32
      %multiple_of3A_3687 = tpu.assume_multiple %add3A_3686, 16 : i32
      %swap3A_3688 = arith.index_cast %multiple_of3A_3687 : i32 to index
      %swap3A_3689 = tpu.vector_load %arg6[%swap3A_3688] {strides = array<i32>} : memref<120000xf32, #tpu.memory_space<vmem>>, vector<16xf32>,
      %swap3A_3690 = vector.shape_cast %swap3A_3689 : vector<16xf32> to vector<16xf32>
      %swap3A_3691 = vector.shape_cast %broadcast_in_dim3A_2763 : vector<16xf32> to vector<16xf32>
      tpu.vector_store %arg6[%swap3A_3688], %swap3A_3691 {strides = array<i32>} : memref<120000xf32, #tpu.memory_space<vmem>>, vector<16xf32>,
    }
    %and3A_3335 = arith.constant -16 : i32
    %and3A_3336 = arith.andi %min3A_3307, %and3A_3335 : i32
    %min3A_3337 = arith.constant 39984 : i32
    %min3A_3338 = arith.minsi %and3A_3336, %min3A_3337 : i32
    %min3A_3339 = arith.constant 39984 : i32
    %min3A_3340 = arith.minsi %and3A_3319, %min3A_3339 : i32
    %add3A_3341 = arith.constant 0 : i32
    %add3A_3342 = arith.addi %add3A_3341, %min3A_3338 : i32
    %multiple_of3A_3343 = tpu.assume_multiple %add3A_3342, 16 : i32
    %add3A_3344 = arith.constant 120000 : i32
    %add3A_3345 = arith.addi %add3A_3344, %min3A_3338 : i32
    %iota3A_3346 = tpu.iota {dimensions = array<i32: 0>} : vector<16xi32>
    %add3A_3347 = vector.broadcast %add3A_3345 : i32 to vector<16xi32>
    %add3A_3348 = arith.addi %add3A_3347, %iota3A_3346 : vector<16xi32>
    %ge3A_3349 = vector.broadcast %squeeze3A_3299 : i32 to vector<16xi32>
    %ge3A_3350 = arith.cmpi sge, %add3A_3348, %ge3A_3349 : vector<16xi32>
    %lt3A_3351 = vector.broadcast %squeeze3A_3301 : i32 to vector<16xi32>
    %lt3A_3352 = arith.cmpi slt, %add3A_3348, %lt3A_3351 : vector<16xi32>
    %and3A_3353 = arith.andi %ge3A_3350, %lt3A_3352 : vector<16xi1>
    %get3A_3354 = arith.index_cast %multiple_of3A_3343 : i32 to index
    %get3A_3355 = tpu.vector_load %arg6[%get3A_3354] {strides = array<i32>} : memref<120000xf32, #tpu.memory_space<vmem>>, vector<16xf32>,
    %get3A_3356 = vector.shape_cast %get3A_3355 : vector<16xf32> to vector<16xf32>
    %jit3A_3357 = arith.constant 0.000000e+00 : f32
    %broadcast_in_dim3A_3358 = vector.broadcast %jit3A_3357 : f32 to vector<16xf32>
    %select_n3A_3359 = arith.select %and3A_3353, %broadcast_in_dim3A_3358, %get3A_3356 : vector<16xi1>, vector<16xf32>
    %swap3A_3360 = arith.index_cast %multiple_of3A_3343 : i32 to index
    %swap3A_3361 = tpu.vector_load %arg6[%swap3A_3360] {strides = array<i32>} : memref<120000xf32, #tpu.memory_space<vmem>>, vector<16xf32>,
    %swap3A_3362 = vector.shape_cast %swap3A_3361 : vector<16xf32> to vector<16xf32>
    %swap3A_3363 = vector.shape_cast %select_n3A_3359 : vector<16xf32> to vector<16xf32>
    tpu.vector_store %arg6[%swap3A_3360], %swap3A_3363 {strides = array<i32>} : memref<120000xf32, #tpu.memory_space<vmem>>, vector<16xf32>,
    %add3A_3364 = arith.constant 0 : i32
    %add3A_3365 = arith.addi %add3A_3364, %min3A_3340 : i32
    %multiple_of3A_3366 = tpu.assume_multiple %add3A_3365, 16 : i32
    %add3A_3367 = arith.constant 120000 : i32
    %add3A_3368 = arith.addi %add3A_3367, %min3A_3340 : i32
    %iota3A_3369 = tpu.iota {dimensions = array<i32: 0>} : vector<16xi32>
    %add3A_3370 = vector.broadcast %add3A_3368 : i32 to vector<16xi32>
    %add3A_3371 = arith.addi %add3A_3370, %iota3A_3369 : vector<16xi32>
    %ge3A_3372 = vector.broadcast %squeeze3A_3299 : i32 to vector<16xi32>
    %ge3A_3373 = arith.cmpi sge, %add3A_3371, %ge3A_3372 : vector<16xi32>
    %lt3A_3374 = vector.broadcast %squeeze3A_3301 : i32 to vector<16xi32>
    %lt3A_3375 = arith.cmpi slt, %add3A_3371, %lt3A_3374 : vector<16xi32>
    %and3A_3376 = arith.andi %ge3A_3373, %lt3A_3375 : vector<16xi1>
    %get3A_3377 = arith.index_cast %multiple_of3A_3366 : i32 to index
    %get3A_3378 = tpu.vector_load %arg6[%get3A_3377] {strides = array<i32>} : memref<120000xf32, #tpu.memory_space<vmem>>, vector<16xf32>,
    %get3A_3379 = vector.shape_cast %get3A_3378 : vector<16xf32> to vector<16xf32>
    %jit3A_3380 = arith.constant 0.000000e+00 : f32
    %broadcast_in_dim3A_3381 = vector.broadcast %jit3A_3380 : f32 to vector<16xf32>
    %select_n3A_3382 = arith.select %and3A_3376, %broadcast_in_dim3A_3381, %get3A_3379 : vector<16xi1>, vector<16xf32>
    %swap3A_3383 = arith.index_cast %multiple_of3A_3366 : i32 to index
    %swap3A_3384 = tpu.vector_load %arg6[%swap3A_3383] {strides = array<i32>} : memref<120000xf32, #tpu.memory_space<vmem>>, vector<16xf32>,
    %swap3A_3385 = vector.shape_cast %swap3A_3384 : vector<16xf32> to vector<16xf32>
    %swap3A_3386 = vector.shape_cast %select_n3A_3382 : vector<16xf32> to vector<16xf32>
    tpu.vector_store %arg6[%swap3A_3383], %swap3A_3386 {strides = array<i32>} : memref<120000xf32, #tpu.memory_space<vmem>>, vector<16xf32>,
    %slice3A_3387 = vector.extract_strided_slice %get3A_6 {offsets = [7], sizes = [1], strides = [1]} : vector<16xi32> to vector<1xi32>
    %squeeze3A_3388 = vector.extract %slice3A_3387[0] : i32 from vector<1xi32>
    %slice3A_3389 = vector.extract_strided_slice %get3A_9 {offsets = [7], sizes = [1], strides = [1]} : vector<16xi32> to vector<1xi32>
    %squeeze3A_3390 = vector.extract %slice3A_3389[0] : i32 from vector<1xi32>
    %sub3A_3391 = arith.constant 120000 : i32
    %sub3A_3392 = arith.subi %squeeze3A_3388, %sub3A_3391 : i32
    %jit3A_3393 = arith.constant 0 : i32
    %jit3A_3394 = arith.constant 40000 : i32
    %max3A_3395 = arith.maxsi %jit3A_3393, %sub3A_3392 : i32
    %min3A_3396 = arith.minsi %jit3A_3394, %max3A_3395 : i32
    %sub3A_3397 = arith.constant 120000 : i32
    %sub3A_3398 = arith.subi %squeeze3A_3390, %sub3A_3397 : i32
    %jit3A_3399 = arith.constant 0 : i32
    %jit3A_3400 = arith.constant 40000 : i32
    %max3A_3401 = arith.maxsi %jit3A_3399, %sub3A_3398 : i32
    %min3A_3402 = arith.minsi %jit3A_3400, %max3A_3401 : i32
    %add3A_3403 = arith.constant 15 : i32
    %add3A_3404 = arith.addi %min3A_3396, %add3A_3403 : i32
    %and3A_3405 = arith.constant -16 : i32
    %and3A_3406 = arith.andi %add3A_3404, %and3A_3405 : i32
    %and3A_3407 = arith.constant -16 : i32
    %and3A_3408 = arith.andi %min3A_3402, %and3A_3407 : i32
    %sub3A_3409 = arith.subi %and3A_3408, %and3A_3406 : i32
    %shift_right_arithmetic3A_3410 = arith.constant 4 : i32
    %shift_right_arithmetic3A_3411 = arith.shrsi %sub3A_3409, %shift_right_arithmetic3A_3410 : i32
    %max3A_3412 = arith.constant 0 : i32
    %max3A_3413 = arith.maxsi %shift_right_arithmetic3A_3411, %max3A_3412 : i32
    %while3A_3414 = arith.constant 0 : i32
    %while3A_3415 = arith.constant 0 : i32
    %while3A_3416 = arith.subi %max3A_3413, %while3A_3415 : i32
    %while3A_3417 = arith.addi %while3A_3415, %while3A_3416 : i32
    %while3A_3418 = arith.constant 1 : i32
    %while3A_3419 = arith.divsi %while3A_3416, %while3A_3418 : i32
    %while3A_3420 = arith.muli %while3A_3419, %while3A_3418 : i32
    %while3A_3421 = arith.addi %while3A_3415, %while3A_3420 : i32
    %while3A_3422 = arith.constant 1 : i32
    scf.for %while3A_3681 = %while3A_3415 to %while3A_3421 step %while3A_3422  : i32 {
      %add3A_3682 = arith.constant 0 : i32
      %add3A_3683 = arith.addi %add3A_3682, %and3A_3406 : i32
      %mul3A_3684 = arith.constant 16 : i32
      %mul3A_3685 = arith.muli %while3A_3681, %mul3A_3684 : i32
      %add3A_3686 = arith.addi %add3A_3683, %mul3A_3685 : i32
      %multiple_of3A_3687 = tpu.assume_multiple %add3A_3686, 16 : i32
      %swap3A_3688 = arith.index_cast %multiple_of3A_3687 : i32 to index
      %swap3A_3689 = tpu.vector_load %arg6[%swap3A_3688] {strides = array<i32>} : memref<120000xf32, #tpu.memory_space<vmem>>, vector<16xf32>,
      %swap3A_3690 = vector.shape_cast %swap3A_3689 : vector<16xf32> to vector<16xf32>
      %swap3A_3691 = vector.shape_cast %broadcast_in_dim3A_2763 : vector<16xf32> to vector<16xf32>
      tpu.vector_store %arg6[%swap3A_3688], %swap3A_3691 {strides = array<i32>} : memref<120000xf32, #tpu.memory_space<vmem>>, vector<16xf32>,
    }
    %while3A_3423 = arith.constant 1 : i32
    scf.for %while3A_3681 = %while3A_3421 to %while3A_3417 step %while3A_3423  : i32 {
      %add3A_3682 = arith.constant 0 : i32
      %add3A_3683 = arith.addi %add3A_3682, %and3A_3406 : i32
      %mul3A_3684 = arith.constant 16 : i32
      %mul3A_3685 = arith.muli %while3A_3681, %mul3A_3684 : i32
      %add3A_3686 = arith.addi %add3A_3683, %mul3A_3685 : i32
      %multiple_of3A_3687 = tpu.assume_multiple %add3A_3686, 16 : i32
      %swap3A_3688 = arith.index_cast %multiple_of3A_3687 : i32 to index
      %swap3A_3689 = tpu.vector_load %arg6[%swap3A_3688] {strides = array<i32>} : memref<120000xf32, #tpu.memory_space<vmem>>, vector<16xf32>,
      %swap3A_3690 = vector.shape_cast %swap3A_3689 : vector<16xf32> to vector<16xf32>
      %swap3A_3691 = vector.shape_cast %broadcast_in_dim3A_2763 : vector<16xf32> to vector<16xf32>
      tpu.vector_store %arg6[%swap3A_3688], %swap3A_3691 {strides = array<i32>} : memref<120000xf32, #tpu.memory_space<vmem>>, vector<16xf32>,
    }
    %and3A_3424 = arith.constant -16 : i32
    %and3A_3425 = arith.andi %min3A_3396, %and3A_3424 : i32
    %min3A_3426 = arith.constant 39984 : i32
    %min3A_3427 = arith.minsi %and3A_3425, %min3A_3426 : i32
    %min3A_3428 = arith.constant 39984 : i32
    %min3A_3429 = arith.minsi %and3A_3408, %min3A_3428 : i32
    %add3A_3430 = arith.constant 0 : i32
    %add3A_3431 = arith.addi %add3A_3430, %min3A_3427 : i32
    %multiple_of3A_3432 = tpu.assume_multiple %add3A_3431, 16 : i32
    %add3A_3433 = arith.constant 120000 : i32
    %add3A_3434 = arith.addi %add3A_3433, %min3A_3427 : i32
    %iota3A_3435 = tpu.iota {dimensions = array<i32: 0>} : vector<16xi32>
    %add3A_3436 = vector.broadcast %add3A_3434 : i32 to vector<16xi32>
    %add3A_3437 = arith.addi %add3A_3436, %iota3A_3435 : vector<16xi32>
    %ge3A_3438 = vector.broadcast %squeeze3A_3388 : i32 to vector<16xi32>
    %ge3A_3439 = arith.cmpi sge, %add3A_3437, %ge3A_3438 : vector<16xi32>
    %lt3A_3440 = vector.broadcast %squeeze3A_3390 : i32 to vector<16xi32>
    %lt3A_3441 = arith.cmpi slt, %add3A_3437, %lt3A_3440 : vector<16xi32>
    %and3A_3442 = arith.andi %ge3A_3439, %lt3A_3441 : vector<16xi1>
    %get3A_3443 = arith.index_cast %multiple_of3A_3432 : i32 to index
    %get3A_3444 = tpu.vector_load %arg6[%get3A_3443] {strides = array<i32>} : memref<120000xf32, #tpu.memory_space<vmem>>, vector<16xf32>,
    %get3A_3445 = vector.shape_cast %get3A_3444 : vector<16xf32> to vector<16xf32>
    %jit3A_3446 = arith.constant 0.000000e+00 : f32
    %broadcast_in_dim3A_3447 = vector.broadcast %jit3A_3446 : f32 to vector<16xf32>
    %select_n3A_3448 = arith.select %and3A_3442, %broadcast_in_dim3A_3447, %get3A_3445 : vector<16xi1>, vector<16xf32>
    %swap3A_3449 = arith.index_cast %multiple_of3A_3432 : i32 to index
    %swap3A_3450 = tpu.vector_load %arg6[%swap3A_3449] {strides = array<i32>} : memref<120000xf32, #tpu.memory_space<vmem>>, vector<16xf32>,
    %swap3A_3451 = vector.shape_cast %swap3A_3450 : vector<16xf32> to vector<16xf32>
    %swap3A_3452 = vector.shape_cast %select_n3A_3448 : vector<16xf32> to vector<16xf32>
    tpu.vector_store %arg6[%swap3A_3449], %swap3A_3452 {strides = array<i32>} : memref<120000xf32, #tpu.memory_space<vmem>>, vector<16xf32>,
    %add3A_3453 = arith.constant 0 : i32
    %add3A_3454 = arith.addi %add3A_3453, %min3A_3429 : i32
    %multiple_of3A_3455 = tpu.assume_multiple %add3A_3454, 16 : i32
    %add3A_3456 = arith.constant 120000 : i32
    %add3A_3457 = arith.addi %add3A_3456, %min3A_3429 : i32
    %iota3A_3458 = tpu.iota {dimensions = array<i32: 0>} : vector<16xi32>
    %add3A_3459 = vector.broadcast %add3A_3457 : i32 to vector<16xi32>
    %add3A_3460 = arith.addi %add3A_3459, %iota3A_3458 : vector<16xi32>
    %ge3A_3461 = vector.broadcast %squeeze3A_3388 : i32 to vector<16xi32>
    %ge3A_3462 = arith.cmpi sge, %add3A_3460, %ge3A_3461 : vector<16xi32>
    %lt3A_3463 = vector.broadcast %squeeze3A_3390 : i32 to vector<16xi32>
    %lt3A_3464 = arith.cmpi slt, %add3A_3460, %lt3A_3463 : vector<16xi32>
    %and3A_3465 = arith.andi %ge3A_3462, %lt3A_3464 : vector<16xi1>
    %get3A_3466 = arith.index_cast %multiple_of3A_3455 : i32 to index
    %get3A_3467 = tpu.vector_load %arg6[%get3A_3466] {strides = array<i32>} : memref<120000xf32, #tpu.memory_space<vmem>>, vector<16xf32>,
    %get3A_3468 = vector.shape_cast %get3A_3467 : vector<16xf32> to vector<16xf32>
    %jit3A_3469 = arith.constant 0.000000e+00 : f32
    %broadcast_in_dim3A_3470 = vector.broadcast %jit3A_3469 : f32 to vector<16xf32>
    %select_n3A_3471 = arith.select %and3A_3465, %broadcast_in_dim3A_3470, %get3A_3468 : vector<16xi1>, vector<16xf32>
    %swap3A_3472 = arith.index_cast %multiple_of3A_3455 : i32 to index
    %swap3A_3473 = tpu.vector_load %arg6[%swap3A_3472] {strides = array<i32>} : memref<120000xf32, #tpu.memory_space<vmem>>, vector<16xf32>,
    %swap3A_3474 = vector.shape_cast %swap3A_3473 : vector<16xf32> to vector<16xf32>
    %swap3A_3475 = vector.shape_cast %select_n3A_3471 : vector<16xf32> to vector<16xf32>
    tpu.vector_store %arg6[%swap3A_3472], %swap3A_3475 {strides = array<i32>} : memref<120000xf32, #tpu.memory_space<vmem>>, vector<16xf32>,
    %slice3A_3476 = vector.extract_strided_slice %get3A_6 {offsets = [8], sizes = [1], strides = [1]} : vector<16xi32> to vector<1xi32>
    %squeeze3A_3477 = vector.extract %slice3A_3476[0] : i32 from vector<1xi32>
    %slice3A_3478 = vector.extract_strided_slice %get3A_9 {offsets = [8], sizes = [1], strides = [1]} : vector<16xi32> to vector<1xi32>
    %squeeze3A_3479 = vector.extract %slice3A_3478[0] : i32 from vector<1xi32>
    %sub3A_3480 = arith.constant 120000 : i32
    %sub3A_3481 = arith.subi %squeeze3A_3477, %sub3A_3480 : i32
    %jit3A_3482 = arith.constant 0 : i32
    %jit3A_3483 = arith.constant 40000 : i32
    %max3A_3484 = arith.maxsi %jit3A_3482, %sub3A_3481 : i32
    %min3A_3485 = arith.minsi %jit3A_3483, %max3A_3484 : i32
    %sub3A_3486 = arith.constant 120000 : i32
    %sub3A_3487 = arith.subi %squeeze3A_3479, %sub3A_3486 : i32
    %jit3A_3488 = arith.constant 0 : i32
    %jit3A_3489 = arith.constant 40000 : i32
    %max3A_3490 = arith.maxsi %jit3A_3488, %sub3A_3487 : i32
    %min3A_3491 = arith.minsi %jit3A_3489, %max3A_3490 : i32
    %add3A_3492 = arith.constant 15 : i32
    %add3A_3493 = arith.addi %min3A_3485, %add3A_3492 : i32
    %and3A_3494 = arith.constant -16 : i32
    %and3A_3495 = arith.andi %add3A_3493, %and3A_3494 : i32
    %and3A_3496 = arith.constant -16 : i32
    %and3A_3497 = arith.andi %min3A_3491, %and3A_3496 : i32
    %sub3A_3498 = arith.subi %and3A_3497, %and3A_3495 : i32
    %shift_right_arithmetic3A_3499 = arith.constant 4 : i32
    %shift_right_arithmetic3A_3500 = arith.shrsi %sub3A_3498, %shift_right_arithmetic3A_3499 : i32
    %max3A_3501 = arith.constant 0 : i32
    %max3A_3502 = arith.maxsi %shift_right_arithmetic3A_3500, %max3A_3501 : i32
    %while3A_3503 = arith.constant 0 : i32
    %while3A_3504 = arith.constant 0 : i32
    %while3A_3505 = arith.subi %max3A_3502, %while3A_3504 : i32
    %while3A_3506 = arith.addi %while3A_3504, %while3A_3505 : i32
    %while3A_3507 = arith.constant 1 : i32
    %while3A_3508 = arith.divsi %while3A_3505, %while3A_3507 : i32
    %while3A_3509 = arith.muli %while3A_3508, %while3A_3507 : i32
    %while3A_3510 = arith.addi %while3A_3504, %while3A_3509 : i32
    %while3A_3511 = arith.constant 1 : i32
    scf.for %while3A_3681 = %while3A_3504 to %while3A_3510 step %while3A_3511  : i32 {
      %add3A_3682 = arith.constant 0 : i32
      %add3A_3683 = arith.addi %add3A_3682, %and3A_3495 : i32
      %mul3A_3684 = arith.constant 16 : i32
      %mul3A_3685 = arith.muli %while3A_3681, %mul3A_3684 : i32
      %add3A_3686 = arith.addi %add3A_3683, %mul3A_3685 : i32
      %multiple_of3A_3687 = tpu.assume_multiple %add3A_3686, 16 : i32
      %swap3A_3688 = arith.index_cast %multiple_of3A_3687 : i32 to index
      %swap3A_3689 = tpu.vector_load %arg6[%swap3A_3688] {strides = array<i32>} : memref<120000xf32, #tpu.memory_space<vmem>>, vector<16xf32>,
      %swap3A_3690 = vector.shape_cast %swap3A_3689 : vector<16xf32> to vector<16xf32>
      %swap3A_3691 = vector.shape_cast %broadcast_in_dim3A_2763 : vector<16xf32> to vector<16xf32>
      tpu.vector_store %arg6[%swap3A_3688], %swap3A_3691 {strides = array<i32>} : memref<120000xf32, #tpu.memory_space<vmem>>, vector<16xf32>,
    }
    %while3A_3512 = arith.constant 1 : i32
    scf.for %while3A_3681 = %while3A_3510 to %while3A_3506 step %while3A_3512  : i32 {
      %add3A_3682 = arith.constant 0 : i32
      %add3A_3683 = arith.addi %add3A_3682, %and3A_3495 : i32
      %mul3A_3684 = arith.constant 16 : i32
      %mul3A_3685 = arith.muli %while3A_3681, %mul3A_3684 : i32
      %add3A_3686 = arith.addi %add3A_3683, %mul3A_3685 : i32
      %multiple_of3A_3687 = tpu.assume_multiple %add3A_3686, 16 : i32
      %swap3A_3688 = arith.index_cast %multiple_of3A_3687 : i32 to index
      %swap3A_3689 = tpu.vector_load %arg6[%swap3A_3688] {strides = array<i32>} : memref<120000xf32, #tpu.memory_space<vmem>>, vector<16xf32>,
      %swap3A_3690 = vector.shape_cast %swap3A_3689 : vector<16xf32> to vector<16xf32>
      %swap3A_3691 = vector.shape_cast %broadcast_in_dim3A_2763 : vector<16xf32> to vector<16xf32>
      tpu.vector_store %arg6[%swap3A_3688], %swap3A_3691 {strides = array<i32>} : memref<120000xf32, #tpu.memory_space<vmem>>, vector<16xf32>,
    }
    %and3A_3513 = arith.constant -16 : i32
    %and3A_3514 = arith.andi %min3A_3485, %and3A_3513 : i32
    %min3A_3515 = arith.constant 39984 : i32
    %min3A_3516 = arith.minsi %and3A_3514, %min3A_3515 : i32
    %min3A_3517 = arith.constant 39984 : i32
    %min3A_3518 = arith.minsi %and3A_3497, %min3A_3517 : i32
    %add3A_3519 = arith.constant 0 : i32
    %add3A_3520 = arith.addi %add3A_3519, %min3A_3516 : i32
    %multiple_of3A_3521 = tpu.assume_multiple %add3A_3520, 16 : i32
    %add3A_3522 = arith.constant 120000 : i32
    %add3A_3523 = arith.addi %add3A_3522, %min3A_3516 : i32
    %iota3A_3524 = tpu.iota {dimensions = array<i32: 0>} : vector<16xi32>
    %add3A_3525 = vector.broadcast %add3A_3523 : i32 to vector<16xi32>
    %add3A_3526 = arith.addi %add3A_3525, %iota3A_3524 : vector<16xi32>
    %ge3A_3527 = vector.broadcast %squeeze3A_3477 : i32 to vector<16xi32>
    %ge3A_3528 = arith.cmpi sge, %add3A_3526, %ge3A_3527 : vector<16xi32>
    %lt3A_3529 = vector.broadcast %squeeze3A_3479 : i32 to vector<16xi32>
    %lt3A_3530 = arith.cmpi slt, %add3A_3526, %lt3A_3529 : vector<16xi32>
    %and3A_3531 = arith.andi %ge3A_3528, %lt3A_3530 : vector<16xi1>
    %get3A_3532 = arith.index_cast %multiple_of3A_3521 : i32 to index
    %get3A_3533 = tpu.vector_load %arg6[%get3A_3532] {strides = array<i32>} : memref<120000xf32, #tpu.memory_space<vmem>>, vector<16xf32>,
    %get3A_3534 = vector.shape_cast %get3A_3533 : vector<16xf32> to vector<16xf32>
    %jit3A_3535 = arith.constant 0.000000e+00 : f32
    %broadcast_in_dim3A_3536 = vector.broadcast %jit3A_3535 : f32 to vector<16xf32>
    %select_n3A_3537 = arith.select %and3A_3531, %broadcast_in_dim3A_3536, %get3A_3534 : vector<16xi1>, vector<16xf32>
    %swap3A_3538 = arith.index_cast %multiple_of3A_3521 : i32 to index
    %swap3A_3539 = tpu.vector_load %arg6[%swap3A_3538] {strides = array<i32>} : memref<120000xf32, #tpu.memory_space<vmem>>, vector<16xf32>,
    %swap3A_3540 = vector.shape_cast %swap3A_3539 : vector<16xf32> to vector<16xf32>
    %swap3A_3541 = vector.shape_cast %select_n3A_3537 : vector<16xf32> to vector<16xf32>
    tpu.vector_store %arg6[%swap3A_3538], %swap3A_3541 {strides = array<i32>} : memref<120000xf32, #tpu.memory_space<vmem>>, vector<16xf32>,
    %add3A_3542 = arith.constant 0 : i32
    %add3A_3543 = arith.addi %add3A_3542, %min3A_3518 : i32
    %multiple_of3A_3544 = tpu.assume_multiple %add3A_3543, 16 : i32
    %add3A_3545 = arith.constant 120000 : i32
    %add3A_3546 = arith.addi %add3A_3545, %min3A_3518 : i32
    %iota3A_3547 = tpu.iota {dimensions = array<i32: 0>} : vector<16xi32>
    %add3A_3548 = vector.broadcast %add3A_3546 : i32 to vector<16xi32>
    %add3A_3549 = arith.addi %add3A_3548, %iota3A_3547 : vector<16xi32>
    %ge3A_3550 = vector.broadcast %squeeze3A_3477 : i32 to vector<16xi32>
    %ge3A_3551 = arith.cmpi sge, %add3A_3549, %ge3A_3550 : vector<16xi32>
    %lt3A_3552 = vector.broadcast %squeeze3A_3479 : i32 to vector<16xi32>
    %lt3A_3553 = arith.cmpi slt, %add3A_3549, %lt3A_3552 : vector<16xi32>
    %and3A_3554 = arith.andi %ge3A_3551, %lt3A_3553 : vector<16xi1>
    %get3A_3555 = arith.index_cast %multiple_of3A_3544 : i32 to index
    %get3A_3556 = tpu.vector_load %arg6[%get3A_3555] {strides = array<i32>} : memref<120000xf32, #tpu.memory_space<vmem>>, vector<16xf32>,
    %get3A_3557 = vector.shape_cast %get3A_3556 : vector<16xf32> to vector<16xf32>
    %jit3A_3558 = arith.constant 0.000000e+00 : f32
    %broadcast_in_dim3A_3559 = vector.broadcast %jit3A_3558 : f32 to vector<16xf32>
    %select_n3A_3560 = arith.select %and3A_3554, %broadcast_in_dim3A_3559, %get3A_3557 : vector<16xi1>, vector<16xf32>
    %swap3A_3561 = arith.index_cast %multiple_of3A_3544 : i32 to index
    %swap3A_3562 = tpu.vector_load %arg6[%swap3A_3561] {strides = array<i32>} : memref<120000xf32, #tpu.memory_space<vmem>>, vector<16xf32>,
    %swap3A_3563 = vector.shape_cast %swap3A_3562 : vector<16xf32> to vector<16xf32>
    %swap3A_3564 = vector.shape_cast %select_n3A_3560 : vector<16xf32> to vector<16xf32>
    tpu.vector_store %arg6[%swap3A_3561], %swap3A_3564 {strides = array<i32>} : memref<120000xf32, #tpu.memory_space<vmem>>, vector<16xf32>,
    %slice3A_3565 = vector.extract_strided_slice %get3A_6 {offsets = [9], sizes = [1], strides = [1]} : vector<16xi32> to vector<1xi32>
    %squeeze3A_3566 = vector.extract %slice3A_3565[0] : i32 from vector<1xi32>
    %slice3A_3567 = vector.extract_strided_slice %get3A_9 {offsets = [9], sizes = [1], strides = [1]} : vector<16xi32> to vector<1xi32>
    %squeeze3A_3568 = vector.extract %slice3A_3567[0] : i32 from vector<1xi32>
    %sub3A_3569 = arith.constant 120000 : i32
    %sub3A_3570 = arith.subi %squeeze3A_3566, %sub3A_3569 : i32
    %jit3A_3571 = arith.constant 0 : i32
    %jit3A_3572 = arith.constant 40000 : i32
    %max3A_3573 = arith.maxsi %jit3A_3571, %sub3A_3570 : i32
    %min3A_3574 = arith.minsi %jit3A_3572, %max3A_3573 : i32
    %sub3A_3575 = arith.constant 120000 : i32
    %sub3A_3576 = arith.subi %squeeze3A_3568, %sub3A_3575 : i32
    %jit3A_3577 = arith.constant 0 : i32
    %jit3A_3578 = arith.constant 40000 : i32
    %max3A_3579 = arith.maxsi %jit3A_3577, %sub3A_3576 : i32
    %min3A_3580 = arith.minsi %jit3A_3578, %max3A_3579 : i32
    %add3A_3581 = arith.constant 15 : i32
    %add3A_3582 = arith.addi %min3A_3574, %add3A_3581 : i32
    %and3A_3583 = arith.constant -16 : i32
    %and3A_3584 = arith.andi %add3A_3582, %and3A_3583 : i32
    %and3A_3585 = arith.constant -16 : i32
    %and3A_3586 = arith.andi %min3A_3580, %and3A_3585 : i32
    %sub3A_3587 = arith.subi %and3A_3586, %and3A_3584 : i32
    %shift_right_arithmetic3A_3588 = arith.constant 4 : i32
    %shift_right_arithmetic3A_3589 = arith.shrsi %sub3A_3587, %shift_right_arithmetic3A_3588 : i32
    %max3A_3590 = arith.constant 0 : i32
    %max3A_3591 = arith.maxsi %shift_right_arithmetic3A_3589, %max3A_3590 : i32
    %while3A_3592 = arith.constant 0 : i32
    %while3A_3593 = arith.constant 0 : i32
    %while3A_3594 = arith.subi %max3A_3591, %while3A_3593 : i32
    %while3A_3595 = arith.addi %while3A_3593, %while3A_3594 : i32
    %while3A_3596 = arith.constant 1 : i32
    %while3A_3597 = arith.divsi %while3A_3594, %while3A_3596 : i32
    %while3A_3598 = arith.muli %while3A_3597, %while3A_3596 : i32
    %while3A_3599 = arith.addi %while3A_3593, %while3A_3598 : i32
    %while3A_3600 = arith.constant 1 : i32
    scf.for %while3A_3681 = %while3A_3593 to %while3A_3599 step %while3A_3600  : i32 {
      %add3A_3682 = arith.constant 0 : i32
      %add3A_3683 = arith.addi %add3A_3682, %and3A_3584 : i32
      %mul3A_3684 = arith.constant 16 : i32
      %mul3A_3685 = arith.muli %while3A_3681, %mul3A_3684 : i32
      %add3A_3686 = arith.addi %add3A_3683, %mul3A_3685 : i32
      %multiple_of3A_3687 = tpu.assume_multiple %add3A_3686, 16 : i32
      %swap3A_3688 = arith.index_cast %multiple_of3A_3687 : i32 to index
      %swap3A_3689 = tpu.vector_load %arg6[%swap3A_3688] {strides = array<i32>} : memref<120000xf32, #tpu.memory_space<vmem>>, vector<16xf32>,
      %swap3A_3690 = vector.shape_cast %swap3A_3689 : vector<16xf32> to vector<16xf32>
      %swap3A_3691 = vector.shape_cast %broadcast_in_dim3A_2763 : vector<16xf32> to vector<16xf32>
      tpu.vector_store %arg6[%swap3A_3688], %swap3A_3691 {strides = array<i32>} : memref<120000xf32, #tpu.memory_space<vmem>>, vector<16xf32>,
    }
    %while3A_3601 = arith.constant 1 : i32
    scf.for %while3A_3681 = %while3A_3599 to %while3A_3595 step %while3A_3601  : i32 {
      %add3A_3682 = arith.constant 0 : i32
      %add3A_3683 = arith.addi %add3A_3682, %and3A_3584 : i32
      %mul3A_3684 = arith.constant 16 : i32
      %mul3A_3685 = arith.muli %while3A_3681, %mul3A_3684 : i32
      %add3A_3686 = arith.addi %add3A_3683, %mul3A_3685 : i32
      %multiple_of3A_3687 = tpu.assume_multiple %add3A_3686, 16 : i32
      %swap3A_3688 = arith.index_cast %multiple_of3A_3687 : i32 to index
      %swap3A_3689 = tpu.vector_load %arg6[%swap3A_3688] {strides = array<i32>} : memref<120000xf32, #tpu.memory_space<vmem>>, vector<16xf32>,
      %swap3A_3690 = vector.shape_cast %swap3A_3689 : vector<16xf32> to vector<16xf32>
      %swap3A_3691 = vector.shape_cast %broadcast_in_dim3A_2763 : vector<16xf32> to vector<16xf32>
      tpu.vector_store %arg6[%swap3A_3688], %swap3A_3691 {strides = array<i32>} : memref<120000xf32, #tpu.memory_space<vmem>>, vector<16xf32>,
    }
    %and3A_3602 = arith.constant -16 : i32
    %and3A_3603 = arith.andi %min3A_3574, %and3A_3602 : i32
    %min3A_3604 = arith.constant 39984 : i32
    %min3A_3605 = arith.minsi %and3A_3603, %min3A_3604 : i32
    %min3A_3606 = arith.constant 39984 : i32
    %min3A_3607 = arith.minsi %and3A_3586, %min3A_3606 : i32
    %add3A_3608 = arith.constant 0 : i32
    %add3A_3609 = arith.addi %add3A_3608, %min3A_3605 : i32
    %multiple_of3A_3610 = tpu.assume_multiple %add3A_3609, 16 : i32
    %add3A_3611 = arith.constant 120000 : i32
    %add3A_3612 = arith.addi %add3A_3611, %min3A_3605 : i32
    %iota3A_3613 = tpu.iota {dimensions = array<i32: 0>} : vector<16xi32>
    %add3A_3614 = vector.broadcast %add3A_3612 : i32 to vector<16xi32>
    %add3A_3615 = arith.addi %add3A_3614, %iota3A_3613 : vector<16xi32>
    %ge3A_3616 = vector.broadcast %squeeze3A_3566 : i32 to vector<16xi32>
    %ge3A_3617 = arith.cmpi sge, %add3A_3615, %ge3A_3616 : vector<16xi32>
    %lt3A_3618 = vector.broadcast %squeeze3A_3568 : i32 to vector<16xi32>
    %lt3A_3619 = arith.cmpi slt, %add3A_3615, %lt3A_3618 : vector<16xi32>
    %and3A_3620 = arith.andi %ge3A_3617, %lt3A_3619 : vector<16xi1>
    %get3A_3621 = arith.index_cast %multiple_of3A_3610 : i32 to index
    %get3A_3622 = tpu.vector_load %arg6[%get3A_3621] {strides = array<i32>} : memref<120000xf32, #tpu.memory_space<vmem>>, vector<16xf32>,
    %get3A_3623 = vector.shape_cast %get3A_3622 : vector<16xf32> to vector<16xf32>
    %jit3A_3624 = arith.constant 0.000000e+00 : f32
    %broadcast_in_dim3A_3625 = vector.broadcast %jit3A_3624 : f32 to vector<16xf32>
    %select_n3A_3626 = arith.select %and3A_3620, %broadcast_in_dim3A_3625, %get3A_3623 : vector<16xi1>, vector<16xf32>
    %swap3A_3627 = arith.index_cast %multiple_of3A_3610 : i32 to index
    %swap3A_3628 = tpu.vector_load %arg6[%swap3A_3627] {strides = array<i32>} : memref<120000xf32, #tpu.memory_space<vmem>>, vector<16xf32>,
    %swap3A_3629 = vector.shape_cast %swap3A_3628 : vector<16xf32> to vector<16xf32>
    %swap3A_3630 = vector.shape_cast %select_n3A_3626 : vector<16xf32> to vector<16xf32>
    tpu.vector_store %arg6[%swap3A_3627], %swap3A_3630 {strides = array<i32>} : memref<120000xf32, #tpu.memory_space<vmem>>, vector<16xf32>,
    %add3A_3631 = arith.constant 0 : i32
    %add3A_3632 = arith.addi %add3A_3631, %min3A_3607 : i32
    %multiple_of3A_3633 = tpu.assume_multiple %add3A_3632, 16 : i32
    %add3A_3634 = arith.constant 120000 : i32
    %add3A_3635 = arith.addi %add3A_3634, %min3A_3607 : i32
    %iota3A_3636 = tpu.iota {dimensions = array<i32: 0>} : vector<16xi32>
    %add3A_3637 = vector.broadcast %add3A_3635 : i32 to vector<16xi32>
    %add3A_3638 = arith.addi %add3A_3637, %iota3A_3636 : vector<16xi32>
    %ge3A_3639 = vector.broadcast %squeeze3A_3566 : i32 to vector<16xi32>
    %ge3A_3640 = arith.cmpi sge, %add3A_3638, %ge3A_3639 : vector<16xi32>
    %lt3A_3641 = vector.broadcast %squeeze3A_3568 : i32 to vector<16xi32>
    %lt3A_3642 = arith.cmpi slt, %add3A_3638, %lt3A_3641 : vector<16xi32>
    %and3A_3643 = arith.andi %ge3A_3640, %lt3A_3642 : vector<16xi1>
    %get3A_3644 = arith.index_cast %multiple_of3A_3633 : i32 to index
    %get3A_3645 = tpu.vector_load %arg6[%get3A_3644] {strides = array<i32>} : memref<120000xf32, #tpu.memory_space<vmem>>, vector<16xf32>,
    %get3A_3646 = vector.shape_cast %get3A_3645 : vector<16xf32> to vector<16xf32>
    %jit3A_3647 = arith.constant 0.000000e+00 : f32
    %broadcast_in_dim3A_3648 = vector.broadcast %jit3A_3647 : f32 to vector<16xf32>
    %select_n3A_3649 = arith.select %and3A_3643, %broadcast_in_dim3A_3648, %get3A_3646 : vector<16xi1>, vector<16xf32>
    %swap3A_3650 = arith.index_cast %multiple_of3A_3633 : i32 to index
    %swap3A_3651 = tpu.vector_load %arg6[%swap3A_3650] {strides = array<i32>} : memref<120000xf32, #tpu.memory_space<vmem>>, vector<16xf32>,
    %swap3A_3652 = vector.shape_cast %swap3A_3651 : vector<16xf32> to vector<16xf32>
    %swap3A_3653 = vector.shape_cast %select_n3A_3649 : vector<16xf32> to vector<16xf32>
    tpu.vector_store %arg6[%swap3A_3650], %swap3A_3653 {strides = array<i32>} : memref<120000xf32, #tpu.memory_space<vmem>>, vector<16xf32>,
    %add3A_3654 = arith.constant 120000 : i32
    %add3A_3655 = arith.addi %mul3A_2, %add3A_3654 : i32
    %multiple_of3A_3656 = tpu.assume_multiple %add3A_3655, 8 : i32
    %dma_start3A_3657 = arith.constant 0 : i32
    %dma_start3A_3658 = tpu.memref_slice %arg6[%dma_start3A_3657] : memref<120000xf32, #tpu.memory_space<vmem>> -> memref<40000xf32, #tpu.memory_space<vmem>>
    %dma_start3A_3659 = tpu.memref_slice %arg4[%multiple_of3A_3656] : memref<5120000xf32, #tpu.memory_space<hbm>> -> memref<40000xf32, #tpu.memory_space<hbm>>
    %dma_start3A_3660 = tpu.memref_slice %arg4[%multiple_of3A_3656] : memref<5120000xf32, #tpu.memory_space<hbm>> -> memref<40000xf32, #tpu.memory_space<hbm>>
    %dma_start3A_3661 = arith.constant 0 : i32
    %dma_start3A_3662 = tpu.memref_slice %arg6[%dma_start3A_3661] : memref<120000xf32, #tpu.memory_space<vmem>> -> memref<40000xf32, #tpu.memory_space<vmem>>
    tpu.enqueue_dma source(%dma_start3A_3662 : memref<40000xf32, #tpu.memory_space<vmem>>) target(%dma_start3A_3660 : memref<40000xf32, #tpu.memory_space<hbm>>) target_semaphore(%arg10 : memref<!tpu.dma_semaphore, #tpu.memory_space<semaphore_mem>>)
    %dma_wait3A_3663 = arith.constant 40000 : i32
    %dma_wait3A_3664 = tpu.memref_slice %arg6[%dma_wait3A_3663] : memref<120000xf32, #tpu.memory_space<vmem>> -> memref<40000xf32, #tpu.memory_space<vmem>>
    %dma_wait3A_3665 = tpu.memref_slice %arg4[%multiple_of3A_1842] : memref<5120000xf32, #tpu.memory_space<hbm>> -> memref<40000xf32, #tpu.memory_space<hbm>>
    %dma_wait3A_3666 = tpu.memref_slice %arg4[%multiple_of3A_1842] : memref<5120000xf32, #tpu.memory_space<hbm>> -> memref<40000xf32, #tpu.memory_space<hbm>>
    %dma_wait3A_3667 = arith.constant 40000 : i32
    %dma_wait3A_3668 = tpu.memref_slice %arg6[%dma_wait3A_3667] : memref<120000xf32, #tpu.memory_space<vmem>> -> memref<40000xf32, #tpu.memory_space<vmem>>
    tpu.wait_dma2 semaphore(%arg11 : memref<!tpu.dma_semaphore, #tpu.memory_space<semaphore_mem>>) src(%dma_wait3A_3668 : memref<40000xf32, #tpu.memory_space<vmem>>) dst(%dma_wait3A_3666 : memref<40000xf32, #tpu.memory_space<hbm>>)
    %dma_wait3A_3669 = arith.constant 80000 : i32
    %dma_wait3A_3670 = tpu.memref_slice %arg6[%dma_wait3A_3669] : memref<120000xf32, #tpu.memory_space<vmem>> -> memref<40000xf32, #tpu.memory_space<vmem>>
    %dma_wait3A_3671 = tpu.memref_slice %arg4[%multiple_of3A_2749] : memref<5120000xf32, #tpu.memory_space<hbm>> -> memref<40000xf32, #tpu.memory_space<hbm>>
    %dma_wait3A_3672 = tpu.memref_slice %arg4[%multiple_of3A_2749] : memref<5120000xf32, #tpu.memory_space<hbm>> -> memref<40000xf32, #tpu.memory_space<hbm>>
    %dma_wait3A_3673 = arith.constant 80000 : i32
    %dma_wait3A_3674 = tpu.memref_slice %arg6[%dma_wait3A_3673] : memref<120000xf32, #tpu.memory_space<vmem>> -> memref<40000xf32, #tpu.memory_space<vmem>>
    tpu.wait_dma2 semaphore(%arg12 : memref<!tpu.dma_semaphore, #tpu.memory_space<semaphore_mem>>) src(%dma_wait3A_3674 : memref<40000xf32, #tpu.memory_space<vmem>>) dst(%dma_wait3A_3672 : memref<40000xf32, #tpu.memory_space<hbm>>)
    %dma_wait3A_3675 = arith.constant 0 : i32
    %dma_wait3A_3676 = tpu.memref_slice %arg6[%dma_wait3A_3675] : memref<120000xf32, #tpu.memory_space<vmem>> -> memref<40000xf32, #tpu.memory_space<vmem>>
    %dma_wait3A_3677 = tpu.memref_slice %arg4[%multiple_of3A_3656] : memref<5120000xf32, #tpu.memory_space<hbm>> -> memref<40000xf32, #tpu.memory_space<hbm>>
    %dma_wait3A_3678 = tpu.memref_slice %arg4[%multiple_of3A_3656] : memref<5120000xf32, #tpu.memory_space<hbm>> -> memref<40000xf32, #tpu.memory_space<hbm>>
    %dma_wait3A_3679 = arith.constant 0 : i32
    %dma_wait3A_3680 = tpu.memref_slice %arg6[%dma_wait3A_3679] : memref<120000xf32, #tpu.memory_space<vmem>> -> memref<40000xf32, #tpu.memory_space<vmem>>
    tpu.wait_dma2 semaphore(%arg10 : memref<!tpu.dma_semaphore, #tpu.memory_space<semaphore_mem>>) src(%dma_wait3A_3680 : memref<40000xf32, #tpu.memory_space<vmem>>) dst(%dma_wait3A_3678 : memref<40000xf32, #tpu.memory_space<hbm>>)
    return
  }
}

</mosaic_0001>

<sc_bundles>
// kernel: kernel.3.cloned.1.call-start
scs
__scs_entry_jumppad:
0x0: {  	(pc) =	sbr.rel $0x88, $3  }
0x1: {  	(tag) =	ssettag $0x0;
	lr =	simm.s32 $0x1  }
0x2: {  	[smem:$0x3F9F] =	sst lr;
	_ =	strace $0xD0000000  }
0x3: {  	_ = 	snop  }
0x4: {  	_ = 	snop  }
0x5: {  	_ = 	snop  }
0x6: {  	_ = 	snop  }
0x7: {  	_ = 	snop  }
__scs_overlays_trampoline_lowered:
0x8: {  	[smem:$0x3FAE] =	sst s0  }
0x9: {  	[smem:$0x3FAF] =	sst s1  }
0xa: {  	[smem:$0x3FB0] =	sst s2  }
0xb: {  	[smem:$0x3FB1] =	sst s3  }
0xc: {  	[smem:$0x3FB2] =	sst s4  }
0xd: {  	[smem:$0x3FB3] =	sst s5  }
0xe: {  	[smem:$0x3FB4] =	sst s6  }
0xf: {  	[smem:$0x3FB5] =	sst s7  }
0x10: {  	[smem:$0x3FB6] =	sst s8  }
0x11: {  	[smem:$0x3FB7] =	sst s9;
	s0 =	simm.s32 @!p0 $0x0  }
0x12: {  	s1 =	sld [smem:$0x3F9D];
	s0 =	simm.s32 @p0 $0x1  }
0x13: {  	[smem:$0x3FB8] =	sst s0;
	s0 =	simm.s32 @!p1 $0x0  }
0x14: {  	s2 =	sld [smem:$0x3F9C];
	s0 =	simm.s32 @p1 $0x1  }
0x15: {  	[smem:$0x3FB9] =	sst s0;
	s0 =	simm.s32 @!p2 $0x0  }
0x16: {  	s3 =	sld [smem:$0x3FDB];
	s0 =	simm.s32 @p2 $0x1  }
0x17: {  	s4 =	simm.s32 $0x1BF5;
	[smem:$0x3FBB] =	sst s0  }
0x18: {  	s0 =	sld [smem:$0x3F9E];
	_ =	swait.ge [sflag:s4], $0x0  }
0x19: {  	s7 =	sld [smem:$0x3F9F]  }
0x1a: {  	s8 =	sadd.s32 $0xFFFFE003, lr  }
0x1b: {  	s9 =	sadd.s32 $0xFFFFFEF7, lr;
	s5 =	simm.s32 $0xFFFFFFFF;
	p2 =	slt.u32 s8, $0xFFFFF086  }
0x1c: {  	p1 =	slt.u32 s9, $0xF7A;
	s5 =	simm.s32 @!p2 $0x0  }
0x1d: {  	s5 =	simm.s32 @p1 $0x1;
	p0 =	seq.s32 s7, s2  }
0x1e: {  	s7 =	smul.u32 @!p0 $0xF7A, s2;
	p2 =	seq.s32 @!p0 s5, $0x0  }
0x1f: {  	s9 =	smul.u32 $0xF7A, s1;
	s8 =	simm.s32 @!p0 $0x1BF5;
	p2 =	por !p2, p0  }
0x20: {  	[sflag:s8] =	ssyncset.s32 @!p0 $0xFFFFF086;
	s6 =	sadd.s32 @!p0 s3, s7;
	s7 =	simm.s32 @!p0 $0x108  }
0x21: {  	s3 =	sadd.s32 s3, s9;
	s6 =	sadd.s32 @!p0 $0x88, s6;
	s7 =	simm.s32 @p2 $0x1082  }
0x22: {  	[simem:s7], [sflag:s8] =	dma.local @!p0 [hbm:s6], $0xF7A  }
0x23: {  	s9 =	sor.u32 $0xD0000000, s2;
	s6 =	simm.s32 $0x108;
	_ =	swait.ge @!p0 [sflag:s8], $0x0  }
0x24: {  	s3 =	sadd.s32 $0x88, s3;
	s6 =	simm.s32 @!p1 $0x1082;
	[sflag:s4] =	ssyncset.s32 $0xFFFFF086  }
0x25: {  	[simem:s6], [sflag:s4] =	dma.local [hbm:s3], $0xF7A  }
0x26: {  	[smem:$0x3F9F] =	sst s1;
	(tag) =	ssettag s2;
	_ =	strace s9  }
0x27: {  	s1 =	sld [smem:$0x3FAF]  }
0x28: {  	s2 =	sld [smem:$0x3FB0]  }
0x29: {  	s4 =	sld [smem:$0x3FB2]  }
0x2a: {  	p0 =	seq.s32 s5, $0x0;
	s5 =	sld [smem:$0x3FB3]  }
0x2b: {  	s6 =	sld [smem:$0x3FB4]  }
0x2c: {  	s7 =	sld [smem:$0x3FB5]  }
0x2d: {  	s3 =	simm.s32 $0x108;
	s8 =	sld [smem:$0x3FB6]  }
0x2e: {  	s3 =	simm.s32 @!p0 $0x1082;
	s9 =	sld [smem:$0x3FB7]  }
0x2f: {  	lr =	sadd.s32 s0, s3;
	s0 =	sld [smem:$0x3FAE]  }
0x30: {  	s3 =	sld [smem:$0x3FB1]  }
0x31: {  	[smem:$0x3FBA] =	sst s10  }
0x32: {  	s10 =	sld [smem:$0x3FB8];
	_ =	sdelay $0x3  }
0x33: {  	p0 =	seq.s32 s10, $0x1;
	s10 =	sld [smem:$0x3FBA];
	_ =	sdelay $0x3  }
0x34: {  	[smem:$0x3FBA] =	sst s10  }
0x35: {  	s10 =	sld [smem:$0x3FB9];
	_ =	sdelay $0x3  }
0x36: {  	p1 =	seq.s32 s10, $0x1;
	s10 =	sld [smem:$0x3FBA];
	_ =	sdelay $0x3  }
0x37: {  	[smem:$0x3FBA] =	sst s10  }
0x38: {  	s10 =	sld [smem:$0x3FBB]  }
0x39: {  	_ = 	snop;
	(pc) =	sbr.ind lr, $3  }
0x3a: {  	_ = 	snop  }
0x3b: {  	_ = 	snop  }
0x3c: {  	p2 =	seq.s32 s10, $0x1;
	s10 =	sld [smem:$0x3FBA]  }
0x3d: {  	_ =	shalt  }
0x3e: {  	_ =	shalt  }
0x3f: {  	_ =	shalt  }
0x40: {  	_ =	shalt  }
0x41: {  	_ =	shalt  }
0x42: {  	_ =	shalt  }
0x43: {  	_ =	shalt  }
0x44: {  	_ =	shalt  }
0x45: {  	_ =	shalt  }
0x46: {  	_ =	shalt  }
0x47: {  	_ =	shalt  }
0x48: {  	_ =	shalt  }
0x49: {  	_ =	shalt  }
0x4a: {  	_ =	shalt  }
0x4b: {  	_ =	shalt  }
0x4c: {  	_ =	shalt  }
0x4d: {  	_ =	shalt  }
0x4e: {  	_ =	shalt  }
0x4f: {  	_ =	shalt  }
0x50: {  	_ =	shalt  }
0x51: {  	_ =	shalt  }
0x52: {  	_ =	shalt  }
0x53: {  	_ =	shalt  }
0x54: {  	_ =	shalt  }
0x55: {  	_ =	shalt  }
0x56: {  	_ =	shalt  }
0x57: {  	_ =	shalt  }
0x58: {  	_ =	shalt  }
0x59: {  	_ =	shalt  }
0x5a: {  	_ =	shalt  }
0x5b: {  	_ =	shalt  }
0x5c: {  	_ =	shalt  }
0x5d: {  	_ =	shalt  }
0x5e: {  	_ =	shalt  }
0x5f: {  	_ =	shalt  }
0x60: {  	_ =	shalt  }
0x61: {  	_ =	shalt  }
0x62: {  	_ =	shalt  }
0x63: {  	_ =	shalt  }
0x64: {  	_ =	shalt  }
0x65: {  	_ =	shalt  }
0x66: {  	_ =	shalt  }
0x67: {  	_ =	shalt  }
0x68: {  	_ =	shalt  }
0x69: {  	_ =	shalt  }
0x6a: {  	_ =	shalt  }
0x6b: {  	_ =	shalt  }
0x6c: {  	_ =	shalt  }
0x6d: {  	_ =	shalt  }
0x6e: {  	_ =	shalt  }
0x6f: {  	_ =	shalt  }
0x70: {  	_ =	shalt  }
0x71: {  	_ =	shalt  }
0x72: {  	_ =	shalt  }
0x73: {  	_ =	shalt  }
0x74: {  	_ =	shalt  }
0x75: {  	_ =	shalt  }
0x76: {  	_ =	shalt  }
0x77: {  	_ =	shalt  }
0x78: {  	_ =	shalt  }
0x79: {  	_ =	shalt  }
0x7a: {  	_ =	shalt  }
0x7b: {  	_ =	shalt  }
0x7c: {  	_ =	shalt  }
0x7d: {  	_ =	shalt  }
0x7e: {  	_ =	shalt  }
0x7f: {  	_ =	shalt  }
0x80: {  	_ =	shalt  }
0x81: {  	_ =	shalt  }
0x82: {  	_ =	shalt  }
0x83: {  	_ =	shalt  }
0x84: {  	_ =	shalt  }
0x85: {  	_ =	shalt  }
0x86: {  	_ =	shalt  }
0x87: {  	_ =	shalt  }
.Lfunc_end0:
.L_simem_size_0:
called_computation_lowered:
.L_overlay_start_0:
0x88: {  	s2 =	sld [smem:$0x3FD9]  }
0x89: {  	s3 =	sld [smem:$0x3FFE];
	_ =	sdelay $0x1  }
0x8a: {  	s1 =	srdreg.scid  }
0x8b: {  	s0 =	sand.u32 $0x1, s1  }
0x8c: {  	s17 =	sshll.u32 s0, $0xA;
	s2 =	sadd.s32 s3, s2  }
0x8d: {  	s2 =	sadd.s32 s2, s17  }
0x8e: {  	[smem:$0x3FC6] =	sst s2  }
0x8f: {  	_ = 	snop  }
0x90: {  	s2 =	sld [smem:$0x3FD0];
	(tm) =	ssettm $0x1  }
0x91: {  	s18 =	sld [smem:$0x3FFB];
	_ =	sdelay $0x3  }
0x92: {  	_ =	strace s18  }
0x93: {  	s3 =	sld [smem:$0x3FFC];
	_ =	sdelay $0x3  }
0x94: {  	_ =	strace s3  }
0x95: {  	s3 =	sld [smem:$0x3FFD];
	_ =	sdelay $0x3  }
0x96: {  	_ =	strace s3  }
0x97: {  	_ =	strace $0x8FFFFFFF  }
0x98: {  	s19 =	sld [smem:$0x3FDB];
	_ =	sdelay $0x1  }
0x99: {  	s4 =	simm.s32 $_scs_section_size  }
0x9a: {  	s5 =	simm.s32 $_size__tile_overlayer_lowered;
	s6 =	simm.s32 $_tile_overlayer_lowered  }
0x9b: {  	s22 =	simm.s32 $0x1BFF;
	s21 =	sshll.u32 s6, $0x1;
	s3 =	sadd.s32 s4, s19  }
0x9c: {  	s7 =	simm.s32 $0x0;
	s20 =	sshll.u32 s5, $0x1;
	s5 =	sadd.s32 s21, s3  }
0x9d: {  	[timem:s7], [sflag:s22] =	dma.local [hbm:s5], s20  }
0x9e: {  	_ =	swait.ge [sflag:s22], s20  }
0x9f: {  	s4 =	ssub.s32 $0x0, s20;
	[sflag:s22] =	ssyncset.done $0x0  }
0xa0: {  	[sflag:s22] =	ssyncadd.s32 s4;
	_ =	sdelay $0x1  }
0xa1: {  	s23 =	simm.s32 $0x1B8B  }
0xa2: {  	_ =	swait.ge [sflag:s23], $0x1  }
0xa3: {  	[sflag:s23] =	ssyncset.done $0x0  }
0xa4: {  	s25 =	simm.s32 $0x1B8E;
	s24 =	sld [smem:$0x3FFE];
	[sflag:s23] =	ssyncadd.s32 $0xFFFFFFFF  }
0xa5: {  	s26 =	simm.s32 $execute0_lowered;
	[smem:$0x3FD2] =	sst s25  }
0xa6: {  	s5 =	sshll.u32 s26, $0x1;
	_ =	strace $0x80000046;
	[dreg:$0x1] =	wrdreg $0xFFFFFFFF  }
0xa7: {  	s28 =	simm.s32 $_size_execute0_lowered;
	s3 =	sadd.s32 s3, s5;
	[dreg:$0x0] =	wrdreg $0x0  }
0xa8: {  	s5 =	sshll.u32 s28, $0x1;
	[dreg:$0x2] =	wrdreg s3  }
0xa9: {  	[dreg:$0x3] =	wrdreg s5  }
0xaa: {  	[dreg:$0x4] =	wrdreg $0xC0  }
0xab: {  	_ =	task [dreg:s7], $0x5FFFF  }
0xac: {  	[dreg:$0x1] =	wrdreg $0xFFFFFFFF  }
0xad: {  	[dreg:$0x0] =	wrdreg $0x60  }
0xae: {  	[dreg:$0x2] =	wrdreg s2  }
0xaf: {  	[dreg:$0x3] =	wrdreg s24  }
0xb0: {  	[dreg:$0x4] =	wrdreg $0x9  }
0xb1: {  	_ =	task.clear_ibuf [dreg:s7], $0x5FFFF;
	_ =	strace $0x90000046  }
0xb2: {  	s29 =	simm.s32 $0x9;
	_ =	strace $0x80000048  }
0xb3: {  	_ =	swait.ge [sflag:s29], $0x1  }
0xb4: {  	[sflag:s29] =	ssyncadd.s32 $0xFFFFFFFF  }
0xb5: {  	_ =	strace $0x90000048  }
0xb6: {  	_ =	sfence  }
0xb7: {  	s30 =	sld [smem:$0x0];
	_ =	sdelay $0x2  }
0xb8: {  	s31 =	sshll.u32 s1, $0xD;
	s1 =	sshrl.u32 s1, $0x2  }
0xb9: {  	s3 =	sand.u32 $0x4000, s31;
	s1 =	sadd.s32 s1, s30  }
0xba: {  	s0 =	sor.u32 s3, s0;
	s1 =	sshll.u32 s1, $0x11  }
0xbb: {  	s0 =	sor.u32 s1, s0  }
0xbc: {  	s0 =	sadd.s32 $0x8F2B, s0  }
0xbd: {  	[sflag:s0] =	ssyncadd.remote.s32 $0x1  }
0xbe: {  	_ =	sfence.sel $0xFFFF  }
0xbf: {  	[dreg:$0x0] =	wrdreg $0xFFFFFFFF;
	(pc) =	sbr.abs _section_cstart, $3  }
0xc0: {  	[dreg:$0x1] =	wrdreg $0xFFFFFFFF  }
0xc1: {  	_ =	task.clear_ibuf [dreg:s7], $0x2FFFF;
	_ =	strace $0x9FFFFFFF  }
0xc2: {  	(tm) =	ssettm $0x7FFFFFFF  }
0xc3: {  	_ =	shalt  }
tec
execute0_lowered:
.L_overlay_start_1:
0x0: {  	(tag) =	ssettag $0x1  }
0x1: {  	s0 =	rddreg [dreg:$0x0]  }
0x2: {  	s1 =	rddreg [dreg:$0x1]  }
0x3: {  	s3 =	srdreg.scid;
	s4 =	stileid.u32  }
0x4: {  	s2 =	simm.s32 $0x0;
	s3 =	sand.u32 $0x1, s3;
	s4 =	sshll.u32 s4, $0x1  }
0x5: {  	[smem:$0x7FF] =	sst s2;
	s4 =	sor.u32 s3, s4;
	s3 =	ssub.s32 $0x2, s3  }
0x6: {  	_ =	strace $0x80000047;
	s5 =	sshll.u32 s4, $0x2;
	s4 =	smul.u32 $0x27100, s4  }
0x7: {  	s6 =	sshrl.u32 s3, $0x1;
	s5 =	sadd.s32 s5, s1;
	s1 =	sadd.s32 $0x1000, s1  }
0x8: {  	s3 =	ssub.s32 s3, s6;
	s4 =	sshrl.u32 s4, $0x3;
	s5 =	sadd.s32 $0xE00, s5  }
0x9: {  	s31 =	smax.u32 s3, $0x1;
	[dreg:$0x3] =	wrdreg s5;
	s23 =	sadd.s32 s0, s4  }
0xa: {  	s24 =	sadd.s32 $0x1388, s4;
	s26 =	sadd.s32 $0x2710, s4;
	[dreg:$0xc] =	wrdreg s31  }
0xb: {  	s7 =	sadd.s32 $0x3A98, s4;
	s4 =	sadd.s32 s1, s4;
	[dreg:$0x4] =	wrdreg s23  }
0xc: {  	s25 =	sadd.s32 s0, s24;
	[dreg:$0x7] =	wrdreg s4  }
0xd: {  	s8 =	sadd.s32 s0, s26;
	[dreg:$0x5] =	wrdreg s25  }
.Ltmp0:
0xe: {  	s0 =	sadd.s32 s0, s7;
	[dreg:$0x6] =	wrdreg s8;
	(pc) =	sbr.rel .LBB2_1-.Ltmp0, $4  }
0xf: {  	s14 =	simm.s32 $0x80;
	s28 =	sadd.s32 s1, s24;
	[dreg:$0x8] =	wrdreg s0  }
0x10: {  	s17 =	simm.s32 $0x1;
	s29 =	sadd.s32 s1, s26;
	[dreg:$0x9] =	wrdreg s28  }
0x11: {  	s18 =	simm.s32 $0x4;
	s30 =	sadd.s32 s1, s7;
	[dreg:$0xa] =	wrdreg s29  }
0x12: {  	v0 =	vimm.f32 $0.0e+00;
	v1 =	vlaneseq.u32;
	s22 =	simm.s32 $0x6;
	s23 =	simm.s32 $0x0;
	[dreg:$0xb] =	wrdreg s30  }
.LBB2_121:
0x13: {  	s1 =	sand.u32 $0xFFF0, s1  }
0x14: {  	s1 =	smin.u32 s1, $0x9C30  }
0x15: {  	v2 =	vld [tilespmem:s1+$0x80]  }
0x16: {  	s3 =	sadd.s32 $0x1D4C0, s1  }
0x17: {  	v3 =	vor.u32 s3, v1  }
0x18: {  	vm0 =	vge.s32 v3, v20;
	vm1 =	vlt.s32 v3, v21  }
0x19: {  	vm0 =	vmand vm0, vm1  }
0x1a: {  	s0 =	sand.u32 $0xFFF0, s0;
	v2 =	vsel vm0, $0x0, v2  }
0x1b: {  	s0 =	smin.u32 s0, $0x9C30;
	[tilespmem:s1+$0x80] =	vst v2  }
0x1c: {  	v2 =	vld [tilespmem:s0+$0x80]  }
0x1d: {  	s28 =	sadd.s32 $0x1D4C0, s0  }
0x1e: {  	v3 =	vor.u32 s28, v1  }
0x1f: {  	vm14 =	vge.s32 v3, v20;
	vm15 =	vlt.s32 v3, v21  }
0x20: {  	vm0 =	vmand vm14, vm15  }
0x21: {  	v2 =	vsel vm0, $0x0, v2  }
0x22: {  	s29 =	rddreg [dreg:$0xb];
	s30 =	simm.s32 $0x5;
	[tilespmem:s0+$0x80] =	vst v2  }
0x23: {  	[hbm4b:s29+s2] =	stream.linear.scatter [tilespmem:s14], [sflag:$0x4], $0x9C40, $0x38;
	[tilespmem:$0x1D580] =	vst v63  }
0x24: {  	_ =	swait.ge [sflag:s30], $0x9C40  }
0x25: {  	[sflag:s30] =	ssyncset.done $0x0  }
0x26: {  	[sflag:s30] =	ssyncadd.s32 $0xFFFF63C0  }
0x27: {  	_ =	swait.ge [sflag:s22], $0x9C40  }
0x28: {  	[sflag:s22] =	ssyncset.done $0x0  }
0x29: {  	[sflag:s22] =	ssyncadd.s32 $0xFFFF63C0  }
0x2a: {  	_ =	swait.ge [sflag:s18], $0x9C40  }
0x2b: {  	s23 =	sadd.s32 $0x1, s23;
	s31 =	rddreg [dreg:$0xc]  }
0x2c: {  	p0 =	sne.s32 s23, s31  }
.Ltmp1:
0x2d: {  	_ = 	snop;
	(pc) =	sbr.rel @!p0 .LBB2_122-.Ltmp1, $3  }
0x2e: {  	_ =	sdelay $0x1  }
0x2f: {  	[sflag:s18] =	ssyncset.done $0x0  }
0x30: {  	[sflag:s18] =	ssyncadd.s32 $0xFFFF63C0  }
.LBB2_1:
0x31: {  	s0 =	rddreg [dreg:$0x3];
	s26 =	simm.s32 $0x7  }
0x32: {  	[tilespmem:s2], [sflag:$0x7] =	stream.linear.gather [hbm4b:s0+s2], $0x20, $0x38;
	[tilespmem:$0x1D580] =	vst v63  }
0x33: {  	_ =	swait.ge [sflag:s26], $0x20  }
0x34: {  	[sflag:s26] =	ssyncset.done $0x0  }
0x35: {  	[sflag:s26] =	ssyncadd.s32 $0xFFFFFFE0  }
0x36: {  	s28 =	rddreg [dreg:$0x4];
	v20 =	vld [tilespmem:$0x0]  }
0x37: {  	v21 =	vld [tilespmem:$0x10];
	[tilespmem:s14], [sflag:$0x1] =	stream.linear.gather [hbm4b:s28+s2], $0x9C40, $0x38  }
0x38: {  	s1 =	simm.s32 $0x9CC0;
	s29 =	rddreg [dreg:$0x5]  }
0x39: {  	[tilespmem:s1], [sflag:$0x2] =	stream.linear.gather [hbm4b:s29+s2], $0x9C40, $0x38;
	[tilespmem:$0x1D580] =	vst v63  }
0x3a: {  	s31 =	simm.s32 $0x13900;
	s30 =	rddreg [dreg:$0x6]  }
0x3b: {  	[tilespmem:s31], [sflag:$0x3] =	stream.linear.gather [hbm4b:s30+s2], $0x9C40, $0x38;
	[tilespmem:$0x1D580] =	vst v63  }
0x3c: {  	_ =	swait.ge [sflag:s17], $0x9C40  }
0x3d: {  	(v2sf) =	vpush v20, $0x0;
	_ =	sdelay $0x1  }
0x3e: {  	(v2sf) =	vpush v21, $0x0;
	_ =	sdelay $0xc  }
0x3f: {  	s24 =	spop (v2sf)  }
0x40: {  	p0 =	sgt.s32 s24, $0x0;
	s0 =	smov.u32 s24  }
0x41: {  	s25 =	spop (v2sf);
	s0 =	simm.s32 @!p0 $0x0  }
0x42: {  	p0 =	sgt.s32 s25, $0x0;
	s1 =	smin.u32 s0, $0x9C40;
	s0 =	smov.u32 s25  }
0x43: {  	s0 =	simm.s32 @!p0 $0x0;
	s3 =	sadd.s32 $0xF, s1  }
0x44: {  	s0 =	smin.u32 s0, $0x9C40;
	s3 =	sand.u32 $0x1FFF0, s3  }
0x45: {  	s4 =	ssub.s32 s0, s3  }
0x46: {  	s4 =	sshra.s32 s4, $0x4  }
0x47: {  	p0 =	slt.s32 s4, $0x1  }
.Ltmp2:
0x48: {  	_ = 	snop;
	(pc) =	sbr.rel @p0 .LBB2_4-.Ltmp2, $3  }
0x49: {  	_ =	sdelay $0x1  }
0x4a: {  	[sflag:s17] =	ssyncset.done $0x0  }
0x4b: {  	[sflag:s17] =	ssyncadd.s32 $0xFFFF63C0  }
0x4c: {  	p0 =	sne.s32 s4, $0x1  }
.Ltmp3:
0x4d: {  	_ = 	snop;
	(pc) =	sbr.rel @!p0 .LBB2_4-.Ltmp3, $3  }
0x4e: {  	_ =	sdelay $0x1  }
0x4f: {  	s3 =	sadd.s32 $0x80, s3  }
0x50: {  	s4 =	sadd.s32 $0xFFFFFFFF, s4;
	[tilespmem:s3+$0x0] =	vst v0  }
.LBB2_3:
0x51: {  	p0 =	sne.s32 s4, $0x1  }
.Ltmp4:
0x52: {  	_ = 	snop;
	(pc) =	sbr.rel @p0 .LBB2_3-.Ltmp4, $3  }
0x53: {  	_ =	sdelay $0x1  }
0x54: {  	s4 =	sadd.s32 $0xFFFFFFFF, s4;
	s3 =	sadd.s32 $0x10, s3  }
0x55: {  	[tilespmem:s3+$0x0] =	vst v0  }
.LBB2_4:
0x56: {  	(v2sf) =	vpush v20, $0x1;
	_ =	sdelay $0x1  }
0x57: {  	(v2sf) =	vpush v21, $0x1;
	_ =	sdelay $0x7  }
0x58: {  	s1 =	sand.u32 $0xFFF0, s1  }
0x59: {  	s1 =	smin.u32 s1, $0x9C30  }
0x5a: {  	v4 =	vld [tilespmem:s1+$0x80]  }
0x5b: {  	v2 =	vbroadcast v20, $0x0;
	v3 =	vbroadcast v21, $0x0  }
0x5c: {  	v5 =	vor.u32 s1, v1  }
0x5d: {  	vm0 =	vge.s32 v5, v2;
	vm1 =	vlt.s32 v5, v3;
	s26 =	spop (v2sf)  }
0x5e: {  	s0 =	sand.u32 $0xFFF0, s0;
	vm0 =	vmand vm0, vm1;
	p0 =	sgt.s32 s26, $0x0;
	s3 =	smov.u32 s26  }
0x5f: {  	s5 =	smin.u32 s0, $0x9C30;
	v4 =	vsel vm0, $0x0, v4;
	s28 =	spop (v2sf);
	s3 =	simm.s32 @!p0 $0x0  }
0x60: {  	[tilespmem:s1+$0x80] =	vst v4;
	p0 =	sgt.s32 s28, $0x0;
	s0 =	smov.u32 s28;
	s1 =	smin.u32 s3, $0x9C40  }
0x61: {  	s0 =	simm.s32 @!p0 $0x0;
	s3 =	sadd.s32 $0xF, s1  }
0x62: {  	s0 =	smin.u32 s0, $0x9C40;
	s3 =	sand.u32 $0x1FFF0, s3  }
0x63: {  	s4 =	ssub.s32 s0, s3  }
0x64: {  	v4 =	vld [tilespmem:s5+$0x80];
	s4 =	sshra.s32 s4, $0x4  }
0x65: {  	p0 =	slt.s32 s4, $0x1  }
.Ltmp5:
0x66: {  	v5 =	vor.u32 s5, v1;
	(pc) =	sbr.rel @p0 .LBB2_7-.Ltmp5, $4  }
0x67: {  	vm14 =	vge.s32 v5, v2;
	vm15 =	vlt.s32 v5, v3  }
0x68: {  	vm0 =	vmand vm14, vm15  }
0x69: {  	v4 =	vsel vm0, $0x0, v4  }
0x6a: {  	[tilespmem:s5+$0x80] =	vst v4  }
0x6b: {  	p0 =	sne.s32 s4, $0x1  }
.Ltmp6:
0x6c: {  	_ = 	snop;
	(pc) =	sbr.rel @!p0 .LBB2_7-.Ltmp6, $3  }
0x6d: {  	_ =	sdelay $0x1  }
0x6e: {  	s3 =	sadd.s32 $0x80, s3  }
0x6f: {  	s4 =	sadd.s32 $0xFFFFFFFF, s4;
	[tilespmem:s3+$0x0] =	vst v0  }
.LBB2_6:
0x70: {  	p0 =	sne.s32 s4, $0x1  }
.Ltmp7:
0x71: {  	_ = 	snop;
	(pc) =	sbr.rel @p0 .LBB2_6-.Ltmp7, $3  }
0x72: {  	_ =	sdelay $0x1  }
0x73: {  	s4 =	sadd.s32 $0xFFFFFFFF, s4;
	s3 =	sadd.s32 $0x10, s3  }
0x74: {  	[tilespmem:s3+$0x0] =	vst v0  }
.LBB2_7:
0x75: {  	(v2sf) =	vpush v20, $0x2;
	_ =	sdelay $0x1  }
0x76: {  	(v2sf) =	vpush v21, $0x2;
	_ =	sdelay $0x7  }
0x77: {  	s1 =	sand.u32 $0xFFF0, s1  }
0x78: {  	s1 =	smin.u32 s1, $0x9C30  }
0x79: {  	v6 =	vld [tilespmem:s1+$0x80]  }
0x7a: {  	v4 =	vbroadcast v20, $0x1;
	v5 =	vbroadcast v21, $0x1  }
0x7b: {  	v7 =	vor.u32 s1, v1  }
0x7c: {  	vm0 =	vge.s32 v7, v4;
	vm1 =	vlt.s32 v7, v5;
	s29 =	spop (v2sf)  }
0x7d: {  	s0 =	sand.u32 $0xFFF0, s0;
	vm0 =	vmand vm0, vm1;
	p0 =	sgt.s32 s29, $0x0;
	s3 =	smov.u32 s29  }
0x7e: {  	s5 =	smin.u32 s0, $0x9C30;
	v6 =	vsel vm0, $0x0, v6;
	s30 =	spop (v2sf);
	s3 =	simm.s32 @!p0 $0x0  }
0x7f: {  	[tilespmem:s1+$0x80] =	vst v6;
	p0 =	sgt.s32 s30, $0x0;
	s0 =	smov.u32 s30;
	s1 =	smin.u32 s3, $0x9C40  }
0x80: {  	s0 =	simm.s32 @!p0 $0x0;
	s3 =	sadd.s32 $0xF, s1  }
0x81: {  	s0 =	smin.u32 s0, $0x9C40;
	s3 =	sand.u32 $0x1FFF0, s3  }
0x82: {  	s4 =	ssub.s32 s0, s3  }
0x83: {  	v6 =	vld [tilespmem:s5+$0x80];
	s4 =	sshra.s32 s4, $0x4  }
0x84: {  	p0 =	slt.s32 s4, $0x1  }
.Ltmp8:
0x85: {  	v7 =	vor.u32 s5, v1;
	(pc) =	sbr.rel @p0 .LBB2_10-.Ltmp8, $4  }
0x86: {  	vm14 =	vge.s32 v7, v4;
	vm15 =	vlt.s32 v7, v5  }
0x87: {  	vm0 =	vmand vm14, vm15  }
0x88: {  	v6 =	vsel vm0, $0x0, v6  }
0x89: {  	[tilespmem:s5+$0x80] =	vst v6  }
0x8a: {  	p0 =	sne.s32 s4, $0x1  }
.Ltmp9:
0x8b: {  	_ = 	snop;
	(pc) =	sbr.rel @!p0 .LBB2_10-.Ltmp9, $3  }
0x8c: {  	_ =	sdelay $0x1  }
0x8d: {  	s3 =	sadd.s32 $0x80, s3  }
0x8e: {  	s4 =	sadd.s32 $0xFFFFFFFF, s4;
	[tilespmem:s3+$0x0] =	vst v0  }
.LBB2_9:
0x8f: {  	p0 =	sne.s32 s4, $0x1  }
.Ltmp10:
0x90: {  	_ = 	snop;
	(pc) =	sbr.rel @p0 .LBB2_9-.Ltmp10, $3  }
0x91: {  	_ =	sdelay $0x1  }
0x92: {  	s4 =	sadd.s32 $0xFFFFFFFF, s4;
	s3 =	sadd.s32 $0x10, s3  }
0x93: {  	[tilespmem:s3+$0x0] =	vst v0  }
.LBB2_10:
0x94: {  	(v2sf) =	vpush v20, $0x3;
	_ =	sdelay $0x1  }
0x95: {  	(v2sf) =	vpush v21, $0x3;
	_ =	sdelay $0x7  }
0x96: {  	s1 =	sand.u32 $0xFFF0, s1  }
0x97: {  	s1 =	smin.u32 s1, $0x9C30  }
0x98: {  	v8 =	vld [tilespmem:s1+$0x80]  }
0x99: {  	v6 =	vbroadcast v20, $0x2;
	v7 =	vbroadcast v21, $0x2  }
0x9a: {  	v9 =	vor.u32 s1, v1  }
0x9b: {  	vm0 =	vge.s32 v9, v6;
	vm1 =	vlt.s32 v9, v7;
	s31 =	spop (v2sf)  }
0x9c: {  	s0 =	sand.u32 $0xFFF0, s0;
	vm0 =	vmand vm0, vm1;
	p0 =	sgt.s32 s31, $0x0;
	s3 =	smov.u32 s31  }
0x9d: {  	s6 =	smin.u32 s0, $0x9C30;
	v8 =	vsel vm0, $0x0, v8;
	s0 =	spop (v2sf);
	s3 =	simm.s32 @!p0 $0x0  }
0x9e: {  	[tilespmem:s1+$0x80] =	vst v8;
	p0 =	sgt.s32 s0, $0x0;
	s1 =	smin.u32 s3, $0x9C40;
	s3 =	smov.u32 s0  }
0x9f: {  	s3 =	simm.s32 @!p0 $0x0;
	s4 =	sadd.s32 $0xF, s1  }
0xa0: {  	s3 =	smin.u32 s3, $0x9C40;
	s4 =	sand.u32 $0x1FFF0, s4  }
0xa1: {  	s5 =	ssub.s32 s3, s4  }
0xa2: {  	v8 =	vld [tilespmem:s6+$0x80];
	s5 =	sshra.s32 s5, $0x4  }
0xa3: {  	p0 =	slt.s32 s5, $0x1  }
.Ltmp11:
0xa4: {  	v63 =	vor.u32 s6, v1;
	(pc) =	sbr.rel @p0 .LBB2_13-.Ltmp11, $4  }
0xa5: {  	vm14 =	vge.s32 v63, v6;
	vm15 =	vlt.s32 v63, v7  }
0xa6: {  	vm0 =	vmand vm14, vm15  }
0xa7: {  	v8 =	vsel vm0, $0x0, v8  }
0xa8: {  	[tilespmem:s6+$0x80] =	vst v8  }
0xa9: {  	p0 =	sne.s32 s5, $0x1  }
.Ltmp12:
0xaa: {  	_ = 	snop;
	(pc) =	sbr.rel @!p0 .LBB2_13-.Ltmp12, $3  }
0xab: {  	_ =	sdelay $0x1  }
0xac: {  	s4 =	sadd.s32 $0x80, s4  }
0xad: {  	s5 =	sadd.s32 $0xFFFFFFFF, s5;
	[tilespmem:s4+$0x0] =	vst v0  }
.LBB2_12:
0xae: {  	p0 =	sne.s32 s5, $0x1  }
.Ltmp13:
0xaf: {  	_ = 	snop;
	(pc) =	sbr.rel @p0 .LBB2_12-.Ltmp13, $3  }
0xb0: {  	_ =	sdelay $0x1  }
0xb1: {  	s5 =	sadd.s32 $0xFFFFFFFF, s5;
	s4 =	sadd.s32 $0x10, s4  }
0xb2: {  	[tilespmem:s4+$0x0] =	vst v0  }
.LBB2_13:
0xb3: {  	(v2sf) =	vpush v20, $0x4;
	_ =	sdelay $0x1  }
0xb4: {  	(v2sf) =	vpush v21, $0x4;
	_ =	sdelay $0x7  }
0xb5: {  	s1 =	sand.u32 $0xFFF0, s1  }
0xb6: {  	s4 =	smin.u32 s1, $0x9C30  }
0xb7: {  	v10 =	vld [tilespmem:s4+$0x80]  }
0xb8: {  	v8 =	vbroadcast v20, $0x3;
	v9 =	vbroadcast v21, $0x3  }
0xb9: {  	v11 =	vor.u32 s4, v1  }
0xba: {  	vm0 =	vge.s32 v11, v8;
	vm1 =	vlt.s32 v11, v9;
	s1 =	spop (v2sf)  }
0xbb: {  	s3 =	sand.u32 $0xFFF0, s3;
	vm0 =	vmand vm0, vm1;
	p0 =	sgt.s32 s1, $0x0;
	s5 =	smov.u32 s1  }
0xbc: {  	s7 =	smin.u32 s3, $0x9C30;
	v10 =	vsel vm0, $0x0, v10;
	s15 =	spop (v2sf);
	s5 =	simm.s32 @!p0 $0x0  }
0xbd: {  	[tilespmem:s4+$0x80] =	vst v10;
	p0 =	sgt.s32 s15, $0x0;
	s3 =	smov.u32 s15;
	s4 =	smin.u32 s5, $0x9C40  }
0xbe: {  	s3 =	simm.s32 @!p0 $0x0;
	s5 =	sadd.s32 $0xF, s4  }
0xbf: {  	s3 =	smin.u32 s3, $0x9C40;
	s5 =	sand.u32 $0x1FFF0, s5  }
0xc0: {  	s6 =	ssub.s32 s3, s5  }
0xc1: {  	v10 =	vld [tilespmem:s7+$0x80];
	s6 =	sshra.s32 s6, $0x4  }
0xc2: {  	p0 =	slt.s32 s6, $0x1  }
.Ltmp14:
0xc3: {  	v11 =	vor.u32 s7, v1;
	(pc) =	sbr.rel @p0 .LBB2_16-.Ltmp14, $4  }
0xc4: {  	vm14 =	vge.s32 v11, v8;
	vm15 =	vlt.s32 v11, v9  }
0xc5: {  	vm0 =	vmand vm14, vm15  }
0xc6: {  	v10 =	vsel vm0, $0x0, v10  }
0xc7: {  	[tilespmem:s7+$0x80] =	vst v10  }
0xc8: {  	p0 =	sne.s32 s6, $0x1  }
.Ltmp15:
0xc9: {  	_ = 	snop;
	(pc) =	sbr.rel @!p0 .LBB2_16-.Ltmp15, $3  }
0xca: {  	_ =	sdelay $0x1  }
0xcb: {  	s5 =	sadd.s32 $0x80, s5  }
0xcc: {  	s6 =	sadd.s32 $0xFFFFFFFF, s6;
	[tilespmem:s5+$0x0] =	vst v0  }
.LBB2_15:
0xcd: {  	p0 =	sne.s32 s6, $0x1  }
.Ltmp16:
0xce: {  	_ = 	snop;
	(pc) =	sbr.rel @p0 .LBB2_15-.Ltmp16, $3  }
0xcf: {  	_ =	sdelay $0x1  }
0xd0: {  	s6 =	sadd.s32 $0xFFFFFFFF, s6;
	s5 =	sadd.s32 $0x10, s5  }
0xd1: {  	[tilespmem:s5+$0x0] =	vst v0  }
.LBB2_16:
0xd2: {  	(v2sf) =	vpush v20, $0x5;
	_ =	sdelay $0x1  }
0xd3: {  	(v2sf) =	vpush v21, $0x5;
	_ =	sdelay $0x7  }
0xd4: {  	s4 =	sand.u32 $0xFFF0, s4  }
0xd5: {  	s4 =	smin.u32 s4, $0x9C30  }
0xd6: {  	v12 =	vld [tilespmem:s4+$0x80]  }
0xd7: {  	v10 =	vbroadcast v20, $0x4;
	v11 =	vbroadcast v21, $0x4  }
0xd8: {  	v13 =	vor.u32 s4, v1  }
0xd9: {  	vm0 =	vge.s32 v13, v10;
	vm1 =	vlt.s32 v13, v11;
	s16 =	spop (v2sf)  }
0xda: {  	s3 =	sand.u32 $0xFFF0, s3;
	vm0 =	vmand vm0, vm1;
	p0 =	sgt.s32 s16, $0x0;
	s5 =	smov.u32 s16  }
0xdb: {  	s8 =	smin.u32 s3, $0x9C30;
	v12 =	vsel vm0, $0x0, v12;
	s3 =	spop (v2sf);
	s5 =	simm.s32 @!p0 $0x0  }
0xdc: {  	[tilespmem:s4+$0x80] =	vst v12;
	p0 =	sgt.s32 s3, $0x0;
	s4 =	smin.u32 s5, $0x9C40;
	s5 =	smov.u32 s3  }
0xdd: {  	s5 =	simm.s32 @!p0 $0x0;
	s6 =	sadd.s32 $0xF, s4  }
0xde: {  	s5 =	smin.u32 s5, $0x9C40;
	s6 =	sand.u32 $0x1FFF0, s6  }
0xdf: {  	s7 =	ssub.s32 s5, s6  }
0xe0: {  	v12 =	vld [tilespmem:s8+$0x80];
	s7 =	sshra.s32 s7, $0x4  }
0xe1: {  	p0 =	slt.s32 s7, $0x1  }
.Ltmp17:
0xe2: {  	v63 =	vor.u32 s8, v1;
	(pc) =	sbr.rel @p0 .LBB2_19-.Ltmp17, $4  }
0xe3: {  	vm14 =	vge.s32 v63, v10;
	vm15 =	vlt.s32 v63, v11  }
0xe4: {  	vm0 =	vmand vm14, vm15  }
0xe5: {  	v12 =	vsel vm0, $0x0, v12  }
0xe6: {  	[tilespmem:s8+$0x80] =	vst v12  }
0xe7: {  	p0 =	sne.s32 s7, $0x1  }
.Ltmp18:
0xe8: {  	_ = 	snop;
	(pc) =	sbr.rel @!p0 .LBB2_19-.Ltmp18, $3  }
0xe9: {  	_ =	sdelay $0x1  }
0xea: {  	s6 =	sadd.s32 $0x80, s6  }
0xeb: {  	s7 =	sadd.s32 $0xFFFFFFFF, s7;
	[tilespmem:s6+$0x0] =	vst v0  }
.LBB2_18:
0xec: {  	p0 =	sne.s32 s7, $0x1  }
.Ltmp19:
0xed: {  	_ = 	snop;
	(pc) =	sbr.rel @p0 .LBB2_18-.Ltmp19, $3  }
0xee: {  	_ =	sdelay $0x1  }
0xef: {  	s7 =	sadd.s32 $0xFFFFFFFF, s7;
	s6 =	sadd.s32 $0x10, s6  }
0xf0: {  	[tilespmem:s6+$0x0] =	vst v0  }
.LBB2_19:
0xf1: {  	(v2sf) =	vpush v20, $0x6;
	_ =	sdelay $0x1  }
0xf2: {  	(v2sf) =	vpush v21, $0x6;
	_ =	sdelay $0x7  }
0xf3: {  	s4 =	sand.u32 $0xFFF0, s4  }
0xf4: {  	s6 =	smin.u32 s4, $0x9C30  }
0xf5: {  	v14 =	vld [tilespmem:s6+$0x80]  }
0xf6: {  	v12 =	vbroadcast v20, $0x5;
	v13 =	vbroadcast v21, $0x5  }
0xf7: {  	v15 =	vor.u32 s6, v1  }
0xf8: {  	vm0 =	vge.s32 v15, v12;
	vm1 =	vlt.s32 v15, v13;
	s4 =	spop (v2sf)  }
0xf9: {  	s5 =	sand.u32 $0xFFF0, s5;
	vm0 =	vmand vm0, vm1;
	p0 =	sgt.s32 s4, $0x0;
	s7 =	smov.u32 s4  }
0xfa: {  	s10 =	smin.u32 s5, $0x9C30;
	v14 =	vsel vm0, $0x0, v14;
	s5 =	spop (v2sf);
	s7 =	simm.s32 @!p0 $0x0  }
0xfb: {  	[tilespmem:s6+$0x80] =	vst v14;
	p0 =	sgt.s32 s5, $0x0;
	s6 =	smin.u32 s7, $0x9C40;
	s7 =	smov.u32 s5  }
0xfc: {  	s7 =	simm.s32 @!p0 $0x0;
	s8 =	sadd.s32 $0xF, s6  }
0xfd: {  	s7 =	smin.u32 s7, $0x9C40;
	s8 =	sand.u32 $0x1FFF0, s8  }
0xfe: {  	s9 =	ssub.s32 s7, s8  }
0xff: {  	v14 =	vld [tilespmem:s10+$0x80];
	s9 =	sshra.s32 s9, $0x4  }
0x100: {  	p0 =	slt.s32 s9, $0x1  }
.Ltmp20:
0x101: {  	v15 =	vor.u32 s10, v1;
	(pc) =	sbr.rel @p0 .LBB2_22-.Ltmp20, $4  }
0x102: {  	vm14 =	vge.s32 v15, v12;
	vm15 =	vlt.s32 v15, v13  }
0x103: {  	vm0 =	vmand vm14, vm15  }
0x104: {  	v14 =	vsel vm0, $0x0, v14  }
0x105: {  	[tilespmem:s10+$0x80] =	vst v14  }
0x106: {  	p0 =	sne.s32 s9, $0x1  }
.Ltmp21:
0x107: {  	_ = 	snop;
	(pc) =	sbr.rel @!p0 .LBB2_22-.Ltmp21, $3  }
0x108: {  	_ =	sdelay $0x1  }
0x109: {  	s8 =	sadd.s32 $0x80, s8  }
0x10a: {  	s9 =	sadd.s32 $0xFFFFFFFF, s9;
	[tilespmem:s8+$0x0] =	vst v0  }
.LBB2_21:
0x10b: {  	p0 =	sne.s32 s9, $0x1  }
.Ltmp22:
0x10c: {  	_ = 	snop;
	(pc) =	sbr.rel @p0 .LBB2_21-.Ltmp22, $3  }
0x10d: {  	_ =	sdelay $0x1  }
0x10e: {  	s9 =	sadd.s32 $0xFFFFFFFF, s9;
	s8 =	sadd.s32 $0x10, s8  }
0x10f: {  	[tilespmem:s8+$0x0] =	vst v0  }
.LBB2_22:
0x110: {  	(v2sf) =	vpush v20, $0x7;
	_ =	sdelay $0x1  }
0x111: {  	(v2sf) =	vpush v21, $0x7;
	_ =	sdelay $0x7  }
0x112: {  	s6 =	sand.u32 $0xFFF0, s6  }
0x113: {  	s8 =	smin.u32 s6, $0x9C30  }
0x114: {  	v16 =	vld [tilespmem:s8+$0x80]  }
0x115: {  	v14 =	vbroadcast v20, $0x6;
	v15 =	vbroadcast v21, $0x6  }
0x116: {  	v17 =	vor.u32 s8, v1  }
0x117: {  	vm0 =	vge.s32 v17, v14;
	vm1 =	vlt.s32 v17, v15;
	s6 =	spop (v2sf)  }
0x118: {  	s7 =	sand.u32 $0xFFF0, s7;
	vm0 =	vmand vm0, vm1;
	p0 =	sgt.s32 s6, $0x0;
	s9 =	smov.u32 s6  }
0x119: {  	s12 =	smin.u32 s7, $0x9C30;
	v16 =	vsel vm0, $0x0, v16;
	s7 =	spop (v2sf);
	s9 =	simm.s32 @!p0 $0x0  }
0x11a: {  	[tilespmem:s8+$0x80] =	vst v16;
	p0 =	sgt.s32 s7, $0x0;
	s8 =	smin.u32 s9, $0x9C40;
	s9 =	smov.u32 s7  }
0x11b: {  	s9 =	simm.s32 @!p0 $0x0;
	s10 =	sadd.s32 $0xF, s8  }
0x11c: {  	s9 =	smin.u32 s9, $0x9C40;
	s10 =	sand.u32 $0x1FFF0, s10  }
0x11d: {  	s11 =	ssub.s32 s9, s10  }
0x11e: {  	v16 =	vld [tilespmem:s12+$0x80];
	s11 =	sshra.s32 s11, $0x4  }
0x11f: {  	p0 =	slt.s32 s11, $0x1  }
.Ltmp23:
0x120: {  	v17 =	vor.u32 s12, v1;
	(pc) =	sbr.rel @p0 .LBB2_25-.Ltmp23, $4  }
0x121: {  	vm14 =	vge.s32 v17, v14;
	vm15 =	vlt.s32 v17, v15  }
0x122: {  	vm0 =	vmand vm14, vm15  }
0x123: {  	v16 =	vsel vm0, $0x0, v16  }
0x124: {  	[tilespmem:s12+$0x80] =	vst v16  }
0x125: {  	p0 =	sne.s32 s11, $0x1  }
.Ltmp24:
0x126: {  	_ = 	snop;
	(pc) =	sbr.rel @!p0 .LBB2_25-.Ltmp24, $3  }
0x127: {  	_ =	sdelay $0x1  }
0x128: {  	s10 =	sadd.s32 $0x80, s10  }
0x129: {  	s11 =	sadd.s32 $0xFFFFFFFF, s11;
	[tilespmem:s10+$0x0] =	vst v0  }
.LBB2_24:
0x12a: {  	p0 =	sne.s32 s11, $0x1  }
.Ltmp25:
0x12b: {  	_ = 	snop;
	(pc) =	sbr.rel @p0 .LBB2_24-.Ltmp25, $3  }
0x12c: {  	_ =	sdelay $0x1  }
0x12d: {  	s11 =	sadd.s32 $0xFFFFFFFF, s11;
	s10 =	sadd.s32 $0x10, s10  }
0x12e: {  	[tilespmem:s10+$0x0] =	vst v0  }
.LBB2_25:
0x12f: {  	(v2sf) =	vpush v20, $0x8;
	_ =	sdelay $0x1  }
0x130: {  	(v2sf) =	vpush v21, $0x8;
	_ =	sdelay $0x7  }
0x131: {  	s8 =	sand.u32 $0xFFF0, s8  }
0x132: {  	s10 =	smin.u32 s8, $0x9C30  }
0x133: {  	v18 =	vld [tilespmem:s10+$0x80]  }
0x134: {  	v16 =	vbroadcast v20, $0x7;
	v17 =	vbroadcast v21, $0x7  }
0x135: {  	v19 =	vor.u32 s10, v1  }
0x136: {  	vm0 =	vge.s32 v19, v16;
	vm1 =	vlt.s32 v19, v17;
	s8 =	spop (v2sf)  }
0x137: {  	s9 =	sand.u32 $0xFFF0, s9;
	vm0 =	vmand vm0, vm1;
	p0 =	sgt.s32 s8, $0x0;
	s11 =	smov.u32 s8  }
0x138: {  	s19 =	smin.u32 s9, $0x9C30;
	v18 =	vsel vm0, $0x0, v18;
	s9 =	spop (v2sf);
	s11 =	simm.s32 @!p0 $0x0  }
0x139: {  	[tilespmem:s10+$0x80] =	vst v18;
	p0 =	sgt.s32 s9, $0x0;
	s10 =	smin.u32 s11, $0x9C40;
	s11 =	smov.u32 s9  }
0x13a: {  	s11 =	simm.s32 @!p0 $0x0;
	s12 =	sadd.s32 $0xF, s10  }
0x13b: {  	s11 =	smin.u32 s11, $0x9C40;
	s12 =	sand.u32 $0x1FFF0, s12  }
0x13c: {  	s13 =	ssub.s32 s11, s12  }
0x13d: {  	v18 =	vld [tilespmem:s19+$0x80];
	s13 =	sshra.s32 s13, $0x4  }
0x13e: {  	p0 =	slt.s32 s13, $0x1  }
.Ltmp26:
0x13f: {  	v19 =	vor.u32 s19, v1;
	(pc) =	sbr.rel @p0 .LBB2_28-.Ltmp26, $4  }
0x140: {  	vm14 =	vge.s32 v19, v16;
	vm15 =	vlt.s32 v19, v17  }
0x141: {  	vm0 =	vmand vm14, vm15  }
0x142: {  	v18 =	vsel vm0, $0x0, v18  }
0x143: {  	[tilespmem:s19+$0x80] =	vst v18  }
0x144: {  	p0 =	sne.s32 s13, $0x1  }
.Ltmp27:
0x145: {  	_ = 	snop;
	(pc) =	sbr.rel @!p0 .LBB2_28-.Ltmp27, $3  }
0x146: {  	_ =	sdelay $0x1  }
0x147: {  	s12 =	sadd.s32 $0x80, s12  }
0x148: {  	s13 =	sadd.s32 $0xFFFFFFFF, s13;
	[tilespmem:s12+$0x0] =	vst v0  }
.LBB2_27:
0x149: {  	p0 =	sne.s32 s13, $0x1  }
.Ltmp28:
0x14a: {  	_ = 	snop;
	(pc) =	sbr.rel @p0 .LBB2_27-.Ltmp28, $3  }
0x14b: {  	_ =	sdelay $0x1  }
0x14c: {  	s13 =	sadd.s32 $0xFFFFFFFF, s13;
	s12 =	sadd.s32 $0x10, s12  }
0x14d: {  	[tilespmem:s12+$0x0] =	vst v0  }
.LBB2_28:
0x14e: {  	(v2sf) =	vpush v20, $0x9;
	_ =	sdelay $0x1  }
0x14f: {  	(v2sf) =	vpush v21, $0x9;
	_ =	sdelay $0x7  }
0x150: {  	s10 =	sand.u32 $0xFFF0, s10  }
0x151: {  	s12 =	smin.u32 s10, $0x9C30  }
0x152: {  	v22 =	vld [tilespmem:s12+$0x80]  }
0x153: {  	v18 =	vbroadcast v20, $0x8;
	v19 =	vbroadcast v21, $0x8  }
0x154: {  	v23 =	vor.u32 s12, v1  }
0x155: {  	vm0 =	vge.s32 v23, v18;
	vm1 =	vlt.s32 v23, v19;
	s10 =	spop (v2sf)  }
0x156: {  	s11 =	sand.u32 $0xFFF0, s11;
	vm0 =	vmand vm0, vm1;
	p0 =	sgt.s32 s10, $0x0;
	s13 =	smov.u32 s10  }
0x157: {  	s21 =	smin.u32 s11, $0x9C30;
	v22 =	vsel vm0, $0x0, v22;
	s11 =	spop (v2sf);
	s13 =	simm.s32 @!p0 $0x0  }
0x158: {  	[tilespmem:s12+$0x80] =	vst v22;
	p0 =	sgt.s32 s11, $0x0;
	s12 =	smov.u32 s11;
	s13 =	smin.u32 s13, $0x9C40  }
0x159: {  	s12 =	simm.s32 @!p0 $0x0;
	s19 =	sadd.s32 $0xF, s13  }
0x15a: {  	s12 =	smin.u32 s12, $0x9C40;
	s19 =	sand.u32 $0x1FFF0, s19  }
0x15b: {  	s20 =	ssub.s32 s12, s19  }
0x15c: {  	v22 =	vld [tilespmem:s21+$0x80];
	s20 =	sshra.s32 s20, $0x4  }
0x15d: {  	p0 =	slt.s32 s20, $0x1  }
.Ltmp29:
0x15e: {  	v23 =	vor.u32 s21, v1;
	(pc) =	sbr.rel @p0 .LBB2_31-.Ltmp29, $4  }
0x15f: {  	vm14 =	vge.s32 v23, v18;
	vm15 =	vlt.s32 v23, v19  }
0x160: {  	vm0 =	vmand vm14, vm15  }
0x161: {  	v22 =	vsel vm0, $0x0, v22  }
0x162: {  	[tilespmem:s21+$0x80] =	vst v22  }
0x163: {  	p0 =	sne.s32 s20, $0x1  }
.Ltmp30:
0x164: {  	_ = 	snop;
	(pc) =	sbr.rel @!p0 .LBB2_31-.Ltmp30, $3  }
0x165: {  	_ =	sdelay $0x1  }
0x166: {  	s19 =	sadd.s32 $0x80, s19  }
0x167: {  	s20 =	sadd.s32 $0xFFFFFFFF, s20;
	[tilespmem:s19+$0x0] =	vst v0  }
.LBB2_30:
0x168: {  	p0 =	sne.s32 s20, $0x1  }
.Ltmp31:
0x169: {  	_ = 	snop;
	(pc) =	sbr.rel @p0 .LBB2_30-.Ltmp31, $3  }
0x16a: {  	_ =	sdelay $0x1  }
0x16b: {  	s20 =	sadd.s32 $0xFFFFFFFF, s20;
	s19 =	sadd.s32 $0x10, s19  }
0x16c: {  	[tilespmem:s19+$0x0] =	vst v0  }
.LBB2_31:
0x16d: {  	s13 =	sand.u32 $0xFFF0, s13  }
0x16e: {  	s13 =	smin.u32 s13, $0x9C30  }
0x16f: {  	v22 =	vld [tilespmem:s13+$0x80]  }
0x170: {  	v20 =	vbroadcast v20, $0x9;
	v21 =	vbroadcast v21, $0x9  }
0x171: {  	v23 =	vor.u32 s13, v1  }
0x172: {  	vm0 =	vge.s32 v23, v20;
	vm1 =	vlt.s32 v23, v21  }
0x173: {  	vm0 =	vmand vm0, vm1  }
0x174: {  	s12 =	sand.u32 $0xFFF0, s12;
	v22 =	vsel vm0, $0x0, v22  }
0x175: {  	s12 =	smin.u32 s12, $0x9C30;
	[tilespmem:s13+$0x80] =	vst v22  }
0x176: {  	v22 =	vld [tilespmem:s12+$0x80];
	_ =	sdelay $0x1  }
0x177: {  	v23 =	vor.u32 s12, v1  }
0x178: {  	vm14 =	vge.s32 v23, v20;
	vm15 =	vlt.s32 v23, v21  }
0x179: {  	vm0 =	vmand vm14, vm15  }
0x17a: {  	v22 =	vsel vm0, $0x0, v22  }
0x17b: {  	s19 =	rddreg [dreg:$0x7];
	[tilespmem:s12+$0x80] =	vst v22;
	s12 =	sadd.s32 $0xFFFF63C0, s24  }
0x17c: {  	[hbm4b:s19+s2] =	stream.linear.scatter [tilespmem:s14], [sflag:$0x4], $0x9C40, $0x38;
	[tilespmem:$0x1D580] =	vst v63  }
0x17d: {  	p0 =	sgt.s32 s12, $0x0;
	s19 =	sadd.s32 $0xFFFF63C0, s25;
	_ =	swait.ge [sflag:s18], $0x9C40  }
0x17e: {  	s12 =	simm.s32 @!p0 $0x0;
	p0 =	sgt.s32 s19, $0x0;
	[sflag:s18] =	ssyncset.done $0x0  }
0x17f: {  	s20 =	rddreg [dreg:$0x8];
	s13 =	smin.u32 s12, $0x9C40;
	[sflag:s18] =	ssyncadd.s32 $0xFFFF63C0  }
0x180: {  	[tilespmem:s14], [sflag:$0x1] =	stream.linear.gather [hbm4b:s20+s2], $0x9C40, $0x38;
	[tilespmem:$0x1D580] =	vst v63  }
0x181: {  	s19 =	simm.s32 @!p0 $0x0;
	s20 =	sadd.s32 $0xF, s13  }
0x182: {  	s12 =	smin.u32 s19, $0x9C40;
	s21 =	sand.u32 $0x1FFF0, s20  }
0x183: {  	s19 =	ssub.s32 s12, s21  }
0x184: {  	s20 =	sshra.s32 s19, $0x4  }
0x185: {  	p0 =	slt.s32 s20, $0x1  }
.Ltmp32:
0x186: {  	_ = 	snop;
	(pc) =	sbr.rel @p0 .LBB2_34-.Ltmp32, $4  }
0x187: {  	s21 =	simm.s32 $0x2  }
0x188: {  	_ =	swait.ge [sflag:s21], $0x9C40  }
0x189: {  	[sflag:s21] =	ssyncset.done $0x0  }
0x18a: {  	[sflag:s21] =	ssyncadd.s32 $0xFFFF63C0  }
0x18b: {  	p0 =	sne.s32 s20, $0x1  }
.Ltmp33:
0x18c: {  	_ = 	snop;
	(pc) =	sbr.rel @!p0 .LBB2_34-.Ltmp33, $4  }
0x18d: {  	s19 =	sadd.s32 $0x9C4F, s13  }
0x18e: {  	s19 =	sand.u32 $0x1FFF0, s19  }
0x18f: {  	s19 =	sadd.s32 $0x80, s19  }
0x190: {  	s20 =	sadd.s32 $0xFFFFFFFF, s20;
	[tilespmem:s19+$0x0] =	vst v0  }
.LBB2_33:
0x191: {  	p0 =	sne.s32 s20, $0x1  }
.Ltmp34:
0x192: {  	_ = 	snop;
	(pc) =	sbr.rel @p0 .LBB2_33-.Ltmp34, $3  }
0x193: {  	_ =	sdelay $0x1  }
0x194: {  	s20 =	sadd.s32 $0xFFFFFFFF, s20;
	s19 =	sadd.s32 $0x10, s19  }
0x195: {  	[tilespmem:s19+$0x0] =	vst v0  }
.LBB2_34:
0x196: {  	s13 =	sand.u32 $0xFFF0, s13  }
0x197: {  	s13 =	smin.u32 s13, $0x9C30  }
0x198: {  	v22 =	vld [tilespmem:s13+$0x9CC0]  }
0x199: {  	s19 =	sadd.s32 $0x9C40, s13  }
0x19a: {  	v23 =	vor.u32 s19, v1  }
0x19b: {  	s19 =	sadd.s32 $0xFFFF63C0, s26;
	vm0 =	vge.s32 v23, v2;
	vm1 =	vlt.s32 v23, v3  }
0x19c: {  	s12 =	sand.u32 $0xFFF0, s12;
	p0 =	sgt.s32 s19, $0x0;
	vm0 =	vmand vm0, vm1  }
0x19d: {  	s21 =	smin.u32 s12, $0x9C30;
	s12 =	sadd.s32 $0xFFFF63C0, s28;
	s19 =	simm.s32 @!p0 $0x0;
	v22 =	vsel vm0, $0x0, v22  }
0x19e: {  	p0 =	sgt.s32 s12, $0x0;
	[tilespmem:s13+$0x9CC0] =	vst v22;
	s13 =	smin.u32 s19, $0x9C40  }
0x19f: {  	s12 =	simm.s32 @!p0 $0x0;
	s20 =	sadd.s32 $0xF, s13  }
0x1a0: {  	s12 =	smin.u32 s12, $0x9C40;
	s19 =	sadd.s32 $0x9C40, s21;
	s20 =	sand.u32 $0x1FFF0, s20  }
0x1a1: {  	v23 =	vor.u32 s19, v1;
	s19 =	ssub.s32 s12, s20  }
0x1a2: {  	v22 =	vld [tilespmem:s21+$0x9CC0];
	s20 =	sshra.s32 s19, $0x4  }
0x1a3: {  	p0 =	slt.s32 s20, $0x1  }
.Ltmp35:
0x1a4: {  	_ = 	snop;
	(pc) =	sbr.rel @p0 .LBB2_37-.Ltmp35, $4  }
0x1a5: {  	vm14 =	vge.s32 v23, v2;
	vm15 =	vlt.s32 v23, v3  }
0x1a6: {  	vm0 =	vmand vm14, vm15  }
0x1a7: {  	v22 =	vsel vm0, $0x0, v22  }
0x1a8: {  	[tilespmem:s21+$0x9CC0] =	vst v22  }
0x1a9: {  	p0 =	sne.s32 s20, $0x1  }
.Ltmp36:
0x1aa: {  	_ = 	snop;
	(pc) =	sbr.rel @!p0 .LBB2_37-.Ltmp36, $4  }
0x1ab: {  	s19 =	sadd.s32 $0x9C4F, s13  }
0x1ac: {  	s19 =	sand.u32 $0x1FFF0, s19  }
0x1ad: {  	s19 =	sadd.s32 $0x80, s19  }
0x1ae: {  	s20 =	sadd.s32 $0xFFFFFFFF, s20;
	[tilespmem:s19+$0x0] =	vst v0  }
.LBB2_36:
0x1af: {  	p0 =	sne.s32 s20, $0x1  }
.Ltmp37:
0x1b0: {  	_ = 	snop;
	(pc) =	sbr.rel @p0 .LBB2_36-.Ltmp37, $3  }
0x1b1: {  	_ =	sdelay $0x1  }
0x1b2: {  	s20 =	sadd.s32 $0xFFFFFFFF, s20;
	s19 =	sadd.s32 $0x10, s19  }
0x1b3: {  	[tilespmem:s19+$0x0] =	vst v0  }
.LBB2_37:
0x1b4: {  	s13 =	sand.u32 $0xFFF0, s13  }
0x1b5: {  	s13 =	smin.u32 s13, $0x9C30  }
0x1b6: {  	v22 =	vld [tilespmem:s13+$0x9CC0]  }
0x1b7: {  	s19 =	sadd.s32 $0x9C40, s13  }
0x1b8: {  	v23 =	vor.u32 s19, v1  }
0x1b9: {  	s19 =	sadd.s32 $0xFFFF63C0, s29;
	vm0 =	vge.s32 v23, v4;
	vm1 =	vlt.s32 v23, v5  }
0x1ba: {  	s12 =	sand.u32 $0xFFF0, s12;
	p0 =	sgt.s32 s19, $0x0;
	vm0 =	vmand vm0, vm1  }
0x1bb: {  	s21 =	smin.u32 s12, $0x9C30;
	s12 =	sadd.s32 $0xFFFF63C0, s30;
	s19 =	simm.s32 @!p0 $0x0;
	v22 =	vsel vm0, $0x0, v22  }
0x1bc: {  	p0 =	sgt.s32 s12, $0x0;
	[tilespmem:s13+$0x9CC0] =	vst v22;
	s13 =	smin.u32 s19, $0x9C40  }
0x1bd: {  	s12 =	simm.s32 @!p0 $0x0;
	s20 =	sadd.s32 $0xF, s13  }
0x1be: {  	s12 =	smin.u32 s12, $0x9C40;
	s19 =	sadd.s32 $0x9C40, s21;
	s20 =	sand.u32 $0x1FFF0, s20  }
0x1bf: {  	v23 =	vor.u32 s19, v1;
	s19 =	ssub.s32 s12, s20  }
0x1c0: {  	v22 =	vld [tilespmem:s21+$0x9CC0];
	s20 =	sshra.s32 s19, $0x4  }
0x1c1: {  	p0 =	slt.s32 s20, $0x1  }
.Ltmp38:
0x1c2: {  	_ = 	snop;
	(pc) =	sbr.rel @p0 .LBB2_40-.Ltmp38, $4  }
0x1c3: {  	vm14 =	vge.s32 v23, v4;
	vm15 =	vlt.s32 v23, v5  }
0x1c4: {  	vm0 =	vmand vm14, vm15  }
0x1c5: {  	v22 =	vsel vm0, $0x0, v22  }
0x1c6: {  	[tilespmem:s21+$0x9CC0] =	vst v22  }
0x1c7: {  	p0 =	sne.s32 s20, $0x1  }
.Ltmp39:
0x1c8: {  	_ = 	snop;
	(pc) =	sbr.rel @!p0 .LBB2_40-.Ltmp39, $4  }
0x1c9: {  	s19 =	sadd.s32 $0x9C4F, s13  }
0x1ca: {  	s19 =	sand.u32 $0x1FFF0, s19  }
0x1cb: {  	s19 =	sadd.s32 $0x80, s19  }
0x1cc: {  	s20 =	sadd.s32 $0xFFFFFFFF, s20;
	[tilespmem:s19+$0x0] =	vst v0  }
.LBB2_39:
0x1cd: {  	p0 =	sne.s32 s20, $0x1  }
.Ltmp40:
0x1ce: {  	_ = 	snop;
	(pc) =	sbr.rel @p0 .LBB2_39-.Ltmp40, $3  }
0x1cf: {  	_ =	sdelay $0x1  }
0x1d0: {  	s20 =	sadd.s32 $0xFFFFFFFF, s20;
	s19 =	sadd.s32 $0x10, s19  }
0x1d1: {  	[tilespmem:s19+$0x0] =	vst v0  }
.LBB2_40:
0x1d2: {  	s13 =	sand.u32 $0xFFF0, s13  }
0x1d3: {  	s13 =	smin.u32 s13, $0x9C30  }
0x1d4: {  	v22 =	vld [tilespmem:s13+$0x9CC0]  }
0x1d5: {  	s19 =	sadd.s32 $0x9C40, s13  }
0x1d6: {  	v23 =	vor.u32 s19, v1  }
0x1d7: {  	s19 =	sadd.s32 $0xFFFF63C0, s31;
	vm0 =	vge.s32 v23, v6;
	vm1 =	vlt.s32 v23, v7  }
0x1d8: {  	s12 =	sand.u32 $0xFFF0, s12;
	p0 =	sgt.s32 s19, $0x0;
	vm0 =	vmand vm0, vm1  }
0x1d9: {  	s21 =	smin.u32 s12, $0x9C30;
	s12 =	sadd.s32 $0xFFFF63C0, s0;
	s19 =	simm.s32 @!p0 $0x0;
	v22 =	vsel vm0, $0x0, v22  }
0x1da: {  	p0 =	sgt.s32 s12, $0x0;
	[tilespmem:s13+$0x9CC0] =	vst v22;
	s13 =	smin.u32 s19, $0x9C40  }
0x1db: {  	s12 =	simm.s32 @!p0 $0x0;
	s20 =	sadd.s32 $0xF, s13  }
0x1dc: {  	s12 =	smin.u32 s12, $0x9C40;
	s19 =	sadd.s32 $0x9C40, s21;
	s20 =	sand.u32 $0x1FFF0, s20  }
0x1dd: {  	v23 =	vor.u32 s19, v1;
	s19 =	ssub.s32 s12, s20  }
0x1de: {  	v22 =	vld [tilespmem:s21+$0x9CC0];
	s20 =	sshra.s32 s19, $0x4  }
0x1df: {  	p0 =	slt.s32 s20, $0x1  }
.Ltmp41:
0x1e0: {  	_ = 	snop;
	(pc) =	sbr.rel @p0 .LBB2_43-.Ltmp41, $4  }
0x1e1: {  	vm14 =	vge.s32 v23, v6;
	vm15 =	vlt.s32 v23, v7  }
0x1e2: {  	vm0 =	vmand vm14, vm15  }
0x1e3: {  	v22 =	vsel vm0, $0x0, v22  }
0x1e4: {  	[tilespmem:s21+$0x9CC0] =	vst v22  }
0x1e5: {  	p0 =	sne.s32 s20, $0x1  }
.Ltmp42:
0x1e6: {  	_ = 	snop;
	(pc) =	sbr.rel @!p0 .LBB2_43-.Ltmp42, $4  }
0x1e7: {  	s19 =	sadd.s32 $0x9C4F, s13  }
0x1e8: {  	s19 =	sand.u32 $0x1FFF0, s19  }
0x1e9: {  	s19 =	sadd.s32 $0x80, s19  }
0x1ea: {  	s20 =	sadd.s32 $0xFFFFFFFF, s20;
	[tilespmem:s19+$0x0] =	vst v0  }
.LBB2_42:
0x1eb: {  	p0 =	sne.s32 s20, $0x1  }
.Ltmp43:
0x1ec: {  	_ = 	snop;
	(pc) =	sbr.rel @p0 .LBB2_42-.Ltmp43, $3  }
0x1ed: {  	_ =	sdelay $0x1  }
0x1ee: {  	s20 =	sadd.s32 $0xFFFFFFFF, s20;
	s19 =	sadd.s32 $0x10, s19  }
0x1ef: {  	[tilespmem:s19+$0x0] =	vst v0  }
.LBB2_43:
0x1f0: {  	s13 =	sand.u32 $0xFFF0, s13  }
0x1f1: {  	s13 =	smin.u32 s13, $0x9C30  }
0x1f2: {  	v22 =	vld [tilespmem:s13+$0x9CC0]  }
0x1f3: {  	s19 =	sadd.s32 $0x9C40, s13  }
0x1f4: {  	v23 =	vor.u32 s19, v1  }
0x1f5: {  	s19 =	sadd.s32 $0xFFFF63C0, s1;
	vm0 =	vge.s32 v23, v8;
	vm1 =	vlt.s32 v23, v9  }
0x1f6: {  	s12 =	sand.u32 $0xFFF0, s12;
	p0 =	sgt.s32 s19, $0x0;
	vm0 =	vmand vm0, vm1  }
0x1f7: {  	s21 =	smin.u32 s12, $0x9C30;
	s12 =	sadd.s32 $0xFFFF63C0, s15;
	s19 =	simm.s32 @!p0 $0x0;
	v22 =	vsel vm0, $0x0, v22  }
0x1f8: {  	p0 =	sgt.s32 s12, $0x0;
	[tilespmem:s13+$0x9CC0] =	vst v22;
	s13 =	smin.u32 s19, $0x9C40  }
0x1f9: {  	s12 =	simm.s32 @!p0 $0x0;
	s20 =	sadd.s32 $0xF, s13  }
0x1fa: {  	s12 =	smin.u32 s12, $0x9C40;
	s19 =	sadd.s32 $0x9C40, s21;
	s20 =	sand.u32 $0x1FFF0, s20  }
0x1fb: {  	v23 =	vor.u32 s19, v1;
	s19 =	ssub.s32 s12, s20  }
0x1fc: {  	v22 =	vld [tilespmem:s21+$0x9CC0];
	s20 =	sshra.s32 s19, $0x4  }
0x1fd: {  	p0 =	slt.s32 s20, $0x1  }
.Ltmp44:
0x1fe: {  	_ = 	snop;
	(pc) =	sbr.rel @p0 .LBB2_46-.Ltmp44, $4  }
0x1ff: {  	vm14 =	vge.s32 v23, v8;
	vm15 =	vlt.s32 v23, v9  }
0x200: {  	vm0 =	vmand vm14, vm15  }
0x201: {  	v22 =	vsel vm0, $0x0, v22  }
0x202: {  	[tilespmem:s21+$0x9CC0] =	vst v22  }
0x203: {  	p0 =	sne.s32 s20, $0x1  }
.Ltmp45:
0x204: {  	_ = 	snop;
	(pc) =	sbr.rel @!p0 .LBB2_46-.Ltmp45, $4  }
0x205: {  	s19 =	sadd.s32 $0x9C4F, s13  }
0x206: {  	s19 =	sand.u32 $0x1FFF0, s19  }
0x207: {  	s19 =	sadd.s32 $0x80, s19  }
0x208: {  	s20 =	sadd.s32 $0xFFFFFFFF, s20;
	[tilespmem:s19+$0x0] =	vst v0  }
.LBB2_45:
0x209: {  	p0 =	sne.s32 s20, $0x1  }
.Ltmp46:
0x20a: {  	_ = 	snop;
	(pc) =	sbr.rel @p0 .LBB2_45-.Ltmp46, $3  }
0x20b: {  	_ =	sdelay $0x1  }
0x20c: {  	s20 =	sadd.s32 $0xFFFFFFFF, s20;
	s19 =	sadd.s32 $0x10, s19  }
0x20d: {  	[tilespmem:s19+$0x0] =	vst v0  }
.LBB2_46:
0x20e: {  	s13 =	sand.u32 $0xFFF0, s13  }
0x20f: {  	s13 =	smin.u32 s13, $0x9C30  }
0x210: {  	v22 =	vld [tilespmem:s13+$0x9CC0]  }
0x211: {  	s19 =	sadd.s32 $0x9C40, s13  }
0x212: {  	v23 =	vor.u32 s19, v1  }
0x213: {  	s19 =	sadd.s32 $0xFFFF63C0, s16;
	vm0 =	vge.s32 v23, v10;
	vm1 =	vlt.s32 v23, v11  }
0x214: {  	s12 =	sand.u32 $0xFFF0, s12;
	p0 =	sgt.s32 s19, $0x0;
	vm0 =	vmand vm0, vm1  }
0x215: {  	s21 =	smin.u32 s12, $0x9C30;
	s12 =	sadd.s32 $0xFFFF63C0, s3;
	s19 =	simm.s32 @!p0 $0x0;
	v22 =	vsel vm0, $0x0, v22  }
0x216: {  	p0 =	sgt.s32 s12, $0x0;
	[tilespmem:s13+$0x9CC0] =	vst v22;
	s13 =	smin.u32 s19, $0x9C40  }
0x217: {  	s12 =	simm.s32 @!p0 $0x0;
	s20 =	sadd.s32 $0xF, s13  }
0x218: {  	s12 =	smin.u32 s12, $0x9C40;
	s19 =	sadd.s32 $0x9C40, s21;
	s20 =	sand.u32 $0x1FFF0, s20  }
0x219: {  	v23 =	vor.u32 s19, v1;
	s19 =	ssub.s32 s12, s20  }
0x21a: {  	v22 =	vld [tilespmem:s21+$0x9CC0];
	s20 =	sshra.s32 s19, $0x4  }
0x21b: {  	p0 =	slt.s32 s20, $0x1  }
.Ltmp47:
0x21c: {  	_ = 	snop;
	(pc) =	sbr.rel @p0 .LBB2_49-.Ltmp47, $4  }
0x21d: {  	vm14 =	vge.s32 v23, v10;
	vm15 =	vlt.s32 v23, v11  }
0x21e: {  	vm0 =	vmand vm14, vm15  }
0x21f: {  	v22 =	vsel vm0, $0x0, v22  }
0x220: {  	[tilespmem:s21+$0x9CC0] =	vst v22  }
0x221: {  	p0 =	sne.s32 s20, $0x1  }
.Ltmp48:
0x222: {  	_ = 	snop;
	(pc) =	sbr.rel @!p0 .LBB2_49-.Ltmp48, $4  }
0x223: {  	s19 =	sadd.s32 $0x9C4F, s13  }
0x224: {  	s19 =	sand.u32 $0x1FFF0, s19  }
0x225: {  	s19 =	sadd.s32 $0x80, s19  }
0x226: {  	s20 =	sadd.s32 $0xFFFFFFFF, s20;
	[tilespmem:s19+$0x0] =	vst v0  }
.LBB2_48:
0x227: {  	p0 =	sne.s32 s20, $0x1  }
.Ltmp49:
0x228: {  	_ = 	snop;
	(pc) =	sbr.rel @p0 .LBB2_48-.Ltmp49, $3  }
0x229: {  	_ =	sdelay $0x1  }
0x22a: {  	s20 =	sadd.s32 $0xFFFFFFFF, s20;
	s19 =	sadd.s32 $0x10, s19  }
0x22b: {  	[tilespmem:s19+$0x0] =	vst v0  }
.LBB2_49:
0x22c: {  	s13 =	sand.u32 $0xFFF0, s13  }
0x22d: {  	s13 =	smin.u32 s13, $0x9C30  }
0x22e: {  	v22 =	vld [tilespmem:s13+$0x9CC0]  }
0x22f: {  	s19 =	sadd.s32 $0x9C40, s13  }
0x230: {  	v23 =	vor.u32 s19, v1  }
0x231: {  	s19 =	sadd.s32 $0xFFFF63C0, s4;
	vm0 =	vge.s32 v23, v12;
	vm1 =	vlt.s32 v23, v13  }
0x232: {  	s12 =	sand.u32 $0xFFF0, s12;
	p0 =	sgt.s32 s19, $0x0;
	vm0 =	vmand vm0, vm1  }
0x233: {  	s21 =	smin.u32 s12, $0x9C30;
	s12 =	sadd.s32 $0xFFFF63C0, s5;
	s19 =	simm.s32 @!p0 $0x0;
	v22 =	vsel vm0, $0x0, v22  }
0x234: {  	p0 =	sgt.s32 s12, $0x0;
	[tilespmem:s13+$0x9CC0] =	vst v22;
	s13 =	smin.u32 s19, $0x9C40  }
0x235: {  	s12 =	simm.s32 @!p0 $0x0;
	s20 =	sadd.s32 $0xF, s13  }
0x236: {  	s12 =	smin.u32 s12, $0x9C40;
	s19 =	sadd.s32 $0x9C40, s21;
	s20 =	sand.u32 $0x1FFF0, s20  }
0x237: {  	v23 =	vor.u32 s19, v1;
	s19 =	ssub.s32 s12, s20  }
0x238: {  	v22 =	vld [tilespmem:s21+$0x9CC0];
	s20 =	sshra.s32 s19, $0x4  }
0x239: {  	p0 =	slt.s32 s20, $0x1  }
.Ltmp50:
0x23a: {  	_ = 	snop;
	(pc) =	sbr.rel @p0 .LBB2_52-.Ltmp50, $4  }
0x23b: {  	vm14 =	vge.s32 v23, v12;
	vm15 =	vlt.s32 v23, v13  }
0x23c: {  	vm0 =	vmand vm14, vm15  }
0x23d: {  	v22 =	vsel vm0, $0x0, v22  }
0x23e: {  	[tilespmem:s21+$0x9CC0] =	vst v22  }
0x23f: {  	p0 =	sne.s32 s20, $0x1  }
.Ltmp51:
0x240: {  	_ = 	snop;
	(pc) =	sbr.rel @!p0 .LBB2_52-.Ltmp51, $4  }
0x241: {  	s19 =	sadd.s32 $0x9C4F, s13  }
0x242: {  	s19 =	sand.u32 $0x1FFF0, s19  }
0x243: {  	s19 =	sadd.s32 $0x80, s19  }
0x244: {  	s20 =	sadd.s32 $0xFFFFFFFF, s20;
	[tilespmem:s19+$0x0] =	vst v0  }
.LBB2_51:
0x245: {  	p0 =	sne.s32 s20, $0x1  }
.Ltmp52:
0x246: {  	_ = 	snop;
	(pc) =	sbr.rel @p0 .LBB2_51-.Ltmp52, $3  }
0x247: {  	_ =	sdelay $0x1  }
0x248: {  	s20 =	sadd.s32 $0xFFFFFFFF, s20;
	s19 =	sadd.s32 $0x10, s19  }
0x249: {  	[tilespmem:s19+$0x0] =	vst v0  }
.LBB2_52:
0x24a: {  	s13 =	sand.u32 $0xFFF0, s13  }
0x24b: {  	s13 =	smin.u32 s13, $0x9C30  }
0x24c: {  	v22 =	vld [tilespmem:s13+$0x9CC0]  }
0x24d: {  	s19 =	sadd.s32 $0x9C40, s13  }
0x24e: {  	v23 =	vor.u32 s19, v1  }
0x24f: {  	s19 =	sadd.s32 $0xFFFF63C0, s6;
	vm0 =	vge.s32 v23, v14;
	vm1 =	vlt.s32 v23, v15  }
0x250: {  	s12 =	sand.u32 $0xFFF0, s12;
	p0 =	sgt.s32 s19, $0x0;
	vm0 =	vmand vm0, vm1  }
0x251: {  	s21 =	smin.u32 s12, $0x9C30;
	s12 =	sadd.s32 $0xFFFF63C0, s7;
	s19 =	simm.s32 @!p0 $0x0;
	v22 =	vsel vm0, $0x0, v22  }
0x252: {  	p0 =	sgt.s32 s12, $0x0;
	[tilespmem:s13+$0x9CC0] =	vst v22;
	s13 =	smin.u32 s19, $0x9C40  }
0x253: {  	s12 =	simm.s32 @!p0 $0x0;
	s20 =	sadd.s32 $0xF, s13  }
0x254: {  	s12 =	smin.u32 s12, $0x9C40;
	s19 =	sadd.s32 $0x9C40, s21;
	s20 =	sand.u32 $0x1FFF0, s20  }
0x255: {  	v23 =	vor.u32 s19, v1;
	s19 =	ssub.s32 s12, s20  }
0x256: {  	v22 =	vld [tilespmem:s21+$0x9CC0];
	s20 =	sshra.s32 s19, $0x4  }
0x257: {  	p0 =	slt.s32 s20, $0x1  }
.Ltmp53:
0x258: {  	_ = 	snop;
	(pc) =	sbr.rel @p0 .LBB2_55-.Ltmp53, $4  }
0x259: {  	vm14 =	vge.s32 v23, v14;
	vm15 =	vlt.s32 v23, v15  }
0x25a: {  	vm0 =	vmand vm14, vm15  }
0x25b: {  	v22 =	vsel vm0, $0x0, v22  }
0x25c: {  	[tilespmem:s21+$0x9CC0] =	vst v22  }
0x25d: {  	p0 =	sne.s32 s20, $0x1  }
.Ltmp54:
0x25e: {  	_ = 	snop;
	(pc) =	sbr.rel @!p0 .LBB2_55-.Ltmp54, $4  }
0x25f: {  	s19 =	sadd.s32 $0x9C4F, s13  }
0x260: {  	s19 =	sand.u32 $0x1FFF0, s19  }
0x261: {  	s19 =	sadd.s32 $0x80, s19  }
0x262: {  	s20 =	sadd.s32 $0xFFFFFFFF, s20;
	[tilespmem:s19+$0x0] =	vst v0  }
.LBB2_54:
0x263: {  	p0 =	sne.s32 s20, $0x1  }
.Ltmp55:
0x264: {  	_ = 	snop;
	(pc) =	sbr.rel @p0 .LBB2_54-.Ltmp55, $3  }
0x265: {  	_ =	sdelay $0x1  }
0x266: {  	s20 =	sadd.s32 $0xFFFFFFFF, s20;
	s19 =	sadd.s32 $0x10, s19  }
0x267: {  	[tilespmem:s19+$0x0] =	vst v0  }
.LBB2_55:
0x268: {  	s13 =	sand.u32 $0xFFF0, s13  }
0x269: {  	s13 =	smin.u32 s13, $0x9C30  }
0x26a: {  	v22 =	vld [tilespmem:s13+$0x9CC0]  }
0x26b: {  	s19 =	sadd.s32 $0x9C40, s13  }
0x26c: {  	v23 =	vor.u32 s19, v1  }
0x26d: {  	s19 =	sadd.s32 $0xFFFF63C0, s8;
	vm0 =	vge.s32 v23, v16;
	vm1 =	vlt.s32 v23, v17  }
0x26e: {  	s12 =	sand.u32 $0xFFF0, s12;
	p0 =	sgt.s32 s19, $0x0;
	vm0 =	vmand vm0, vm1  }
0x26f: {  	s21 =	smin.u32 s12, $0x9C30;
	s12 =	sadd.s32 $0xFFFF63C0, s9;
	s19 =	simm.s32 @!p0 $0x0;
	v22 =	vsel vm0, $0x0, v22  }
0x270: {  	p0 =	sgt.s32 s12, $0x0;
	[tilespmem:s13+$0x9CC0] =	vst v22;
	s13 =	smin.u32 s19, $0x9C40  }
0x271: {  	s12 =	simm.s32 @!p0 $0x0;
	s20 =	sadd.s32 $0xF, s13  }
0x272: {  	s12 =	smin.u32 s12, $0x9C40;
	s19 =	sadd.s32 $0x9C40, s21;
	s20 =	sand.u32 $0x1FFF0, s20  }
0x273: {  	v23 =	vor.u32 s19, v1;
	s19 =	ssub.s32 s12, s20  }
0x274: {  	v22 =	vld [tilespmem:s21+$0x9CC0];
	s20 =	sshra.s32 s19, $0x4  }
0x275: {  	p0 =	slt.s32 s20, $0x1  }
.Ltmp56:
0x276: {  	_ = 	snop;
	(pc) =	sbr.rel @p0 .LBB2_58-.Ltmp56, $4  }
0x277: {  	vm14 =	vge.s32 v23, v16;
	vm15 =	vlt.s32 v23, v17  }
0x278: {  	vm0 =	vmand vm14, vm15  }
0x279: {  	v22 =	vsel vm0, $0x0, v22  }
0x27a: {  	[tilespmem:s21+$0x9CC0] =	vst v22  }
0x27b: {  	p0 =	sne.s32 s20, $0x1  }
.Ltmp57:
0x27c: {  	_ = 	snop;
	(pc) =	sbr.rel @!p0 .LBB2_58-.Ltmp57, $4  }
0x27d: {  	s19 =	sadd.s32 $0x9C4F, s13  }
0x27e: {  	s19 =	sand.u32 $0x1FFF0, s19  }
0x27f: {  	s19 =	sadd.s32 $0x80, s19  }
0x280: {  	s20 =	sadd.s32 $0xFFFFFFFF, s20;
	[tilespmem:s19+$0x0] =	vst v0  }
.LBB2_57:
0x281: {  	p0 =	sne.s32 s20, $0x1  }
.Ltmp58:
0x282: {  	_ = 	snop;
	(pc) =	sbr.rel @p0 .LBB2_57-.Ltmp58, $3  }
0x283: {  	_ =	sdelay $0x1  }
0x284: {  	s20 =	sadd.s32 $0xFFFFFFFF, s20;
	s19 =	sadd.s32 $0x10, s19  }
0x285: {  	[tilespmem:s19+$0x0] =	vst v0  }
.LBB2_58:
0x286: {  	s13 =	sand.u32 $0xFFF0, s13  }
0x287: {  	s13 =	smin.u32 s13, $0x9C30  }
0x288: {  	v22 =	vld [tilespmem:s13+$0x9CC0]  }
0x289: {  	s19 =	sadd.s32 $0x9C40, s13  }
0x28a: {  	v23 =	vor.u32 s19, v1  }
0x28b: {  	s19 =	sadd.s32 $0xFFFF63C0, s10;
	vm0 =	vge.s32 v23, v18;
	vm1 =	vlt.s32 v23, v19  }
0x28c: {  	s12 =	sand.u32 $0xFFF0, s12;
	p0 =	sgt.s32 s19, $0x0;
	vm0 =	vmand vm0, vm1  }
0x28d: {  	s21 =	smin.u32 s12, $0x9C30;
	s12 =	sadd.s32 $0xFFFF63C0, s11;
	s19 =	simm.s32 @!p0 $0x0;
	v22 =	vsel vm0, $0x0, v22  }
0x28e: {  	p0 =	sgt.s32 s12, $0x0;
	[tilespmem:s13+$0x9CC0] =	vst v22;
	s13 =	smin.u32 s19, $0x9C40  }
0x28f: {  	s12 =	simm.s32 @!p0 $0x0;
	s20 =	sadd.s32 $0xF, s13  }
0x290: {  	s12 =	smin.u32 s12, $0x9C40;
	s19 =	sadd.s32 $0x9C40, s21;
	s20 =	sand.u32 $0x1FFF0, s20  }
0x291: {  	v23 =	vor.u32 s19, v1;
	s19 =	ssub.s32 s12, s20  }
0x292: {  	v22 =	vld [tilespmem:s21+$0x9CC0];
	s20 =	sshra.s32 s19, $0x4  }
0x293: {  	p0 =	slt.s32 s20, $0x1  }
.Ltmp59:
0x294: {  	_ = 	snop;
	(pc) =	sbr.rel @p0 .LBB2_61-.Ltmp59, $4  }
0x295: {  	vm14 =	vge.s32 v23, v18;
	vm15 =	vlt.s32 v23, v19  }
0x296: {  	vm0 =	vmand vm14, vm15  }
0x297: {  	v22 =	vsel vm0, $0x0, v22  }
0x298: {  	[tilespmem:s21+$0x9CC0] =	vst v22  }
0x299: {  	p0 =	sne.s32 s20, $0x1  }
.Ltmp60:
0x29a: {  	_ = 	snop;
	(pc) =	sbr.rel @!p0 .LBB2_61-.Ltmp60, $4  }
0x29b: {  	s19 =	sadd.s32 $0x9C4F, s13  }
0x29c: {  	s19 =	sand.u32 $0x1FFF0, s19  }
0x29d: {  	s19 =	sadd.s32 $0x80, s19  }
0x29e: {  	s20 =	sadd.s32 $0xFFFFFFFF, s20;
	[tilespmem:s19+$0x0] =	vst v0  }
.LBB2_60:
0x29f: {  	p0 =	sne.s32 s20, $0x1  }
.Ltmp61:
0x2a0: {  	_ = 	snop;
	(pc) =	sbr.rel @p0 .LBB2_60-.Ltmp61, $3  }
0x2a1: {  	_ =	sdelay $0x1  }
0x2a2: {  	s20 =	sadd.s32 $0xFFFFFFFF, s20;
	s19 =	sadd.s32 $0x10, s19  }
0x2a3: {  	[tilespmem:s19+$0x0] =	vst v0  }
.LBB2_61:
0x2a4: {  	s13 =	sand.u32 $0xFFF0, s13  }
0x2a5: {  	s13 =	smin.u32 s13, $0x9C30  }
0x2a6: {  	v22 =	vld [tilespmem:s13+$0x9CC0]  }
0x2a7: {  	s19 =	sadd.s32 $0x9C40, s13  }
0x2a8: {  	v23 =	vor.u32 s19, v1  }
0x2a9: {  	vm0 =	vge.s32 v23, v20;
	vm1 =	vlt.s32 v23, v21  }
0x2aa: {  	vm0 =	vmand vm0, vm1  }
0x2ab: {  	s12 =	sand.u32 $0xFFF0, s12;
	v22 =	vsel vm0, $0x0, v22  }
0x2ac: {  	s12 =	smin.u32 s12, $0x9C30;
	[tilespmem:s13+$0x9CC0] =	vst v22  }
0x2ad: {  	v22 =	vld [tilespmem:s12+$0x9CC0]  }
0x2ae: {  	s21 =	sadd.s32 $0x9C40, s12  }
0x2af: {  	v23 =	vor.u32 s21, v1  }
0x2b0: {  	vm14 =	vge.s32 v23, v20;
	vm15 =	vlt.s32 v23, v21  }
0x2b1: {  	vm0 =	vmand vm14, vm15  }
0x2b2: {  	v22 =	vsel vm0, $0x0, v22  }
0x2b3: {  	s20 =	simm.s32 $0x9CC0;
	s19 =	rddreg [dreg:$0x9];
	[tilespmem:s12+$0x9CC0] =	vst v22;
	s12 =	sadd.s32 $0xFFFEC780, s24  }
0x2b4: {  	[hbm4b:s19+s2] =	stream.linear.scatter [tilespmem:s20], [sflag:$0x5], $0x9C40, $0x38;
	[tilespmem:$0x1D580] =	vst v63  }
0x2b5: {  	p0 =	sgt.s32 s12, $0x0  }
0x2b6: {  	s19 =	sadd.s32 $0xFFFEC780, s25;
	s12 =	simm.s32 @!p0 $0x0  }
0x2b7: {  	p0 =	sgt.s32 s19, $0x0;
	s13 =	smin.u32 s12, $0x9C40  }
0x2b8: {  	s19 =	simm.s32 @!p0 $0x0;
	s20 =	sadd.s32 $0xF, s13  }
0x2b9: {  	s12 =	smin.u32 s19, $0x9C40;
	s21 =	sand.u32 $0x1FFF0, s20  }
0x2ba: {  	s19 =	ssub.s32 s12, s21  }
0x2bb: {  	s20 =	sshra.s32 s19, $0x4  }
0x2bc: {  	p0 =	slt.s32 s20, $0x1  }
.Ltmp62:
0x2bd: {  	_ = 	snop;
	(pc) =	sbr.rel @p0 .LBB2_64-.Ltmp62, $4  }
0x2be: {  	s21 =	simm.s32 $0x3  }
0x2bf: {  	_ =	swait.ge [sflag:s21], $0x9C40  }
0x2c0: {  	[sflag:s21] =	ssyncset.done $0x0  }
0x2c1: {  	[sflag:s21] =	ssyncadd.s32 $0xFFFF63C0  }
0x2c2: {  	p0 =	sne.s32 s20, $0x1  }
.Ltmp63:
0x2c3: {  	_ = 	snop;
	(pc) =	sbr.rel @!p0 .LBB2_64-.Ltmp63, $4  }
0x2c4: {  	s19 =	sadd.s32 $0x1388F, s13  }
0x2c5: {  	s19 =	sand.u32 $0x3FFF0, s19  }
0x2c6: {  	s19 =	sadd.s32 $0x80, s19  }
0x2c7: {  	s20 =	sadd.s32 $0xFFFFFFFF, s20;
	[tilespmem:s19+$0x0] =	vst v0  }
.LBB2_63:
0x2c8: {  	p0 =	sne.s32 s20, $0x1  }
.Ltmp64:
0x2c9: {  	_ = 	snop;
	(pc) =	sbr.rel @p0 .LBB2_63-.Ltmp64, $3  }
0x2ca: {  	_ =	sdelay $0x1  }
0x2cb: {  	s20 =	sadd.s32 $0xFFFFFFFF, s20;
	s19 =	sadd.s32 $0x10, s19  }
0x2cc: {  	[tilespmem:s19+$0x0] =	vst v0  }
.LBB2_64:
0x2cd: {  	s13 =	sand.u32 $0xFFF0, s13  }
0x2ce: {  	s13 =	smin.u32 s13, $0x9C30  }
0x2cf: {  	s19 =	sadd.s32 $0x13880, s13  }
0x2d0: {  	s13 =	sand.u32 $0x70, s13;
	s20 =	sand.u32 $0x3FF80, s19  }
0x2d1: {  	s13 =	sor.u32 s13, s20  }
0x2d2: {  	v22 =	vld [tilespmem:s13+$0x80]  }
0x2d3: {  	s12 =	sand.u32 $0xFFF0, s12  }
0x2d4: {  	s12 =	smin.u32 s12, $0x9C30;
	v23 =	vor.u32 s19, v1  }
0x2d5: {  	s19 =	sadd.s32 $0x13880, s12;
	vm0 =	vge.s32 v23, v2;
	vm1 =	vlt.s32 v23, v3;
	s20 =	sadd.s32 $0xFFFEC780, s26  }
0x2d6: {  	s12 =	sand.u32 $0x70, s12;
	s21 =	sand.u32 $0x3FF80, s19;
	vm0 =	vmand vm0, vm1;
	p0 =	sgt.s32 s20, $0x0  }
0x2d7: {  	s21 =	sor.u32 s12, s21;
	s12 =	sadd.s32 $0xFFFEC780, s28;
	s20 =	simm.s32 @!p0 $0x0;
	v22 =	vsel vm0, $0x0, v22  }
0x2d8: {  	p0 =	sgt.s32 s12, $0x0;
	[tilespmem:s13+$0x80] =	vst v22;
	s13 =	smin.u32 s20, $0x9C40  }
0x2d9: {  	s12 =	simm.s32 @!p0 $0x0;
	s20 =	sadd.s32 $0xF, s13  }
0x2da: {  	s12 =	smin.u32 s12, $0x9C40;
	s20 =	sand.u32 $0x1FFF0, s20  }
0x2db: {  	v23 =	vor.u32 s19, v1;
	s19 =	ssub.s32 s12, s20  }
0x2dc: {  	v22 =	vld [tilespmem:s21+$0x80];
	s20 =	sshra.s32 s19, $0x4  }
0x2dd: {  	p0 =	slt.s32 s20, $0x1  }
.Ltmp65:
0x2de: {  	_ = 	snop;
	(pc) =	sbr.rel @p0 .LBB2_67-.Ltmp65, $4  }
0x2df: {  	vm14 =	vge.s32 v23, v2;
	vm15 =	vlt.s32 v23, v3  }
0x2e0: {  	vm0 =	vmand vm14, vm15  }
0x2e1: {  	v22 =	vsel vm0, $0x0, v22  }
0x2e2: {  	[tilespmem:s21+$0x80] =	vst v22  }
0x2e3: {  	p0 =	sne.s32 s20, $0x1  }
.Ltmp66:
0x2e4: {  	_ = 	snop;
	(pc) =	sbr.rel @!p0 .LBB2_67-.Ltmp66, $4  }
0x2e5: {  	s19 =	sadd.s32 $0x1388F, s13  }
0x2e6: {  	s19 =	sand.u32 $0x3FFF0, s19  }
0x2e7: {  	s19 =	sadd.s32 $0x80, s19  }
0x2e8: {  	s20 =	sadd.s32 $0xFFFFFFFF, s20;
	[tilespmem:s19+$0x0] =	vst v0  }
.LBB2_66:
0x2e9: {  	p0 =	sne.s32 s20, $0x1  }
.Ltmp67:
0x2ea: {  	_ = 	snop;
	(pc) =	sbr.rel @p0 .LBB2_66-.Ltmp67, $3  }
0x2eb: {  	_ =	sdelay $0x1  }
0x2ec: {  	s20 =	sadd.s32 $0xFFFFFFFF, s20;
	s19 =	sadd.s32 $0x10, s19  }
0x2ed: {  	[tilespmem:s19+$0x0] =	vst v0  }
.LBB2_67:
0x2ee: {  	s13 =	sand.u32 $0xFFF0, s13  }
0x2ef: {  	s13 =	smin.u32 s13, $0x9C30  }
0x2f0: {  	s19 =	sadd.s32 $0x13880, s13  }
0x2f1: {  	s13 =	sand.u32 $0x70, s13;
	s20 =	sand.u32 $0x3FF80, s19  }
0x2f2: {  	s13 =	sor.u32 s13, s20  }
0x2f3: {  	v22 =	vld [tilespmem:s13+$0x80]  }
0x2f4: {  	s12 =	sand.u32 $0xFFF0, s12  }
0x2f5: {  	s12 =	smin.u32 s12, $0x9C30;
	v23 =	vor.u32 s19, v1  }
0x2f6: {  	s19 =	sadd.s32 $0x13880, s12;
	vm0 =	vge.s32 v23, v4;
	vm1 =	vlt.s32 v23, v5;
	s20 =	sadd.s32 $0xFFFEC780, s29  }
0x2f7: {  	s12 =	sand.u32 $0x70, s12;
	s21 =	sand.u32 $0x3FF80, s19;
	vm0 =	vmand vm0, vm1;
	p0 =	sgt.s32 s20, $0x0  }
0x2f8: {  	s21 =	sor.u32 s12, s21;
	s12 =	sadd.s32 $0xFFFEC780, s30;
	s20 =	simm.s32 @!p0 $0x0;
	v22 =	vsel vm0, $0x0, v22  }
0x2f9: {  	p0 =	sgt.s32 s12, $0x0;
	[tilespmem:s13+$0x80] =	vst v22;
	s13 =	smin.u32 s20, $0x9C40  }
0x2fa: {  	s12 =	simm.s32 @!p0 $0x0;
	s20 =	sadd.s32 $0xF, s13  }
0x2fb: {  	s12 =	smin.u32 s12, $0x9C40;
	s20 =	sand.u32 $0x1FFF0, s20  }
0x2fc: {  	v23 =	vor.u32 s19, v1;
	s19 =	ssub.s32 s12, s20  }
0x2fd: {  	v22 =	vld [tilespmem:s21+$0x80];
	s20 =	sshra.s32 s19, $0x4  }
0x2fe: {  	p0 =	slt.s32 s20, $0x1  }
.Ltmp68:
0x2ff: {  	_ = 	snop;
	(pc) =	sbr.rel @p0 .LBB2_70-.Ltmp68, $4  }
0x300: {  	vm14 =	vge.s32 v23, v4;
	vm15 =	vlt.s32 v23, v5  }
0x301: {  	vm0 =	vmand vm14, vm15  }
0x302: {  	v22 =	vsel vm0, $0x0, v22  }
0x303: {  	[tilespmem:s21+$0x80] =	vst v22  }
0x304: {  	p0 =	sne.s32 s20, $0x1  }
.Ltmp69:
0x305: {  	_ = 	snop;
	(pc) =	sbr.rel @!p0 .LBB2_70-.Ltmp69, $4  }
0x306: {  	s19 =	sadd.s32 $0x1388F, s13  }
0x307: {  	s19 =	sand.u32 $0x3FFF0, s19  }
0x308: {  	s19 =	sadd.s32 $0x80, s19  }
0x309: {  	s20 =	sadd.s32 $0xFFFFFFFF, s20;
	[tilespmem:s19+$0x0] =	vst v0  }
.LBB2_69:
0x30a: {  	p0 =	sne.s32 s20, $0x1  }
.Ltmp70:
0x30b: {  	_ = 	snop;
	(pc) =	sbr.rel @p0 .LBB2_69-.Ltmp70, $3  }
0x30c: {  	_ =	sdelay $0x1  }
0x30d: {  	s20 =	sadd.s32 $0xFFFFFFFF, s20;
	s19 =	sadd.s32 $0x10, s19  }
0x30e: {  	[tilespmem:s19+$0x0] =	vst v0  }
.LBB2_70:
0x30f: {  	s13 =	sand.u32 $0xFFF0, s13  }
0x310: {  	s13 =	smin.u32 s13, $0x9C30  }
0x311: {  	s19 =	sadd.s32 $0x13880, s13  }
0x312: {  	s13 =	sand.u32 $0x70, s13;
	s20 =	sand.u32 $0x3FF80, s19  }
0x313: {  	s13 =	sor.u32 s13, s20  }
0x314: {  	v22 =	vld [tilespmem:s13+$0x80]  }
0x315: {  	s12 =	sand.u32 $0xFFF0, s12  }
0x316: {  	s12 =	smin.u32 s12, $0x9C30;
	v23 =	vor.u32 s19, v1  }
0x317: {  	s19 =	sadd.s32 $0x13880, s12;
	vm0 =	vge.s32 v23, v6;
	vm1 =	vlt.s32 v23, v7;
	s20 =	sadd.s32 $0xFFFEC780, s31  }
0x318: {  	s12 =	sand.u32 $0x70, s12;
	s21 =	sand.u32 $0x3FF80, s19;
	vm0 =	vmand vm0, vm1;
	p0 =	sgt.s32 s20, $0x0  }
0x319: {  	s21 =	sor.u32 s12, s21;
	s12 =	sadd.s32 $0xFFFEC780, s0;
	s20 =	simm.s32 @!p0 $0x0;
	v22 =	vsel vm0, $0x0, v22  }
0x31a: {  	p0 =	sgt.s32 s12, $0x0;
	[tilespmem:s13+$0x80] =	vst v22;
	s13 =	smin.u32 s20, $0x9C40  }
0x31b: {  	s12 =	simm.s32 @!p0 $0x0;
	s20 =	sadd.s32 $0xF, s13  }
0x31c: {  	s12 =	smin.u32 s12, $0x9C40;
	s20 =	sand.u32 $0x1FFF0, s20  }
0x31d: {  	v23 =	vor.u32 s19, v1;
	s19 =	ssub.s32 s12, s20  }
0x31e: {  	v22 =	vld [tilespmem:s21+$0x80];
	s20 =	sshra.s32 s19, $0x4  }
0x31f: {  	p0 =	slt.s32 s20, $0x1  }
.Ltmp71:
0x320: {  	_ = 	snop;
	(pc) =	sbr.rel @p0 .LBB2_73-.Ltmp71, $4  }
0x321: {  	vm14 =	vge.s32 v23, v6;
	vm15 =	vlt.s32 v23, v7  }
0x322: {  	vm0 =	vmand vm14, vm15  }
0x323: {  	v22 =	vsel vm0, $0x0, v22  }
0x324: {  	[tilespmem:s21+$0x80] =	vst v22  }
0x325: {  	p0 =	sne.s32 s20, $0x1  }
.Ltmp72:
0x326: {  	_ = 	snop;
	(pc) =	sbr.rel @!p0 .LBB2_73-.Ltmp72, $4  }
0x327: {  	s19 =	sadd.s32 $0x1388F, s13  }
0x328: {  	s19 =	sand.u32 $0x3FFF0, s19  }
0x329: {  	s19 =	sadd.s32 $0x80, s19  }
0x32a: {  	s20 =	sadd.s32 $0xFFFFFFFF, s20;
	[tilespmem:s19+$0x0] =	vst v0  }
.LBB2_72:
0x32b: {  	p0 =	sne.s32 s20, $0x1  }
.Ltmp73:
0x32c: {  	_ = 	snop;
	(pc) =	sbr.rel @p0 .LBB2_72-.Ltmp73, $3  }
0x32d: {  	_ =	sdelay $0x1  }
0x32e: {  	s20 =	sadd.s32 $0xFFFFFFFF, s20;
	s19 =	sadd.s32 $0x10, s19  }
0x32f: {  	[tilespmem:s19+$0x0] =	vst v0  }
.LBB2_73:
0x330: {  	s13 =	sand.u32 $0xFFF0, s13  }
0x331: {  	s13 =	smin.u32 s13, $0x9C30  }
0x332: {  	s19 =	sadd.s32 $0x13880, s13  }
0x333: {  	s13 =	sand.u32 $0x70, s13;
	s20 =	sand.u32 $0x3FF80, s19  }
0x334: {  	s13 =	sor.u32 s13, s20  }
0x335: {  	v22 =	vld [tilespmem:s13+$0x80]  }
0x336: {  	s12 =	sand.u32 $0xFFF0, s12  }
0x337: {  	s12 =	smin.u32 s12, $0x9C30;
	v23 =	vor.u32 s19, v1  }
0x338: {  	s19 =	sadd.s32 $0x13880, s12;
	vm0 =	vge.s32 v23, v8;
	vm1 =	vlt.s32 v23, v9;
	s20 =	sadd.s32 $0xFFFEC780, s1  }
0x339: {  	s12 =	sand.u32 $0x70, s12;
	s21 =	sand.u32 $0x3FF80, s19;
	vm0 =	vmand vm0, vm1;
	p0 =	sgt.s32 s20, $0x0  }
0x33a: {  	s21 =	sor.u32 s12, s21;
	s12 =	sadd.s32 $0xFFFEC780, s15;
	s20 =	simm.s32 @!p0 $0x0;
	v22 =	vsel vm0, $0x0, v22  }
0x33b: {  	p0 =	sgt.s32 s12, $0x0;
	[tilespmem:s13+$0x80] =	vst v22;
	s13 =	smin.u32 s20, $0x9C40  }
0x33c: {  	s12 =	simm.s32 @!p0 $0x0;
	s20 =	sadd.s32 $0xF, s13  }
0x33d: {  	s12 =	smin.u32 s12, $0x9C40;
	s20 =	sand.u32 $0x1FFF0, s20  }
0x33e: {  	v23 =	vor.u32 s19, v1;
	s19 =	ssub.s32 s12, s20  }
0x33f: {  	v22 =	vld [tilespmem:s21+$0x80];
	s20 =	sshra.s32 s19, $0x4  }
0x340: {  	p0 =	slt.s32 s20, $0x1  }
.Ltmp74:
0x341: {  	_ = 	snop;
	(pc) =	sbr.rel @p0 .LBB2_76-.Ltmp74, $4  }
0x342: {  	vm14 =	vge.s32 v23, v8;
	vm15 =	vlt.s32 v23, v9  }
0x343: {  	vm0 =	vmand vm14, vm15  }
0x344: {  	v22 =	vsel vm0, $0x0, v22  }
0x345: {  	[tilespmem:s21+$0x80] =	vst v22  }
0x346: {  	p0 =	sne.s32 s20, $0x1  }
.Ltmp75:
0x347: {  	_ = 	snop;
	(pc) =	sbr.rel @!p0 .LBB2_76-.Ltmp75, $4  }
0x348: {  	s19 =	sadd.s32 $0x1388F, s13  }
0x349: {  	s19 =	sand.u32 $0x3FFF0, s19  }
0x34a: {  	s19 =	sadd.s32 $0x80, s19  }
0x34b: {  	s20 =	sadd.s32 $0xFFFFFFFF, s20;
	[tilespmem:s19+$0x0] =	vst v0  }
.LBB2_75:
0x34c: {  	p0 =	sne.s32 s20, $0x1  }
.Ltmp76:
0x34d: {  	_ = 	snop;
	(pc) =	sbr.rel @p0 .LBB2_75-.Ltmp76, $3  }
0x34e: {  	_ =	sdelay $0x1  }
0x34f: {  	s20 =	sadd.s32 $0xFFFFFFFF, s20;
	s19 =	sadd.s32 $0x10, s19  }
0x350: {  	[tilespmem:s19+$0x0] =	vst v0  }
.LBB2_76:
0x351: {  	s13 =	sand.u32 $0xFFF0, s13  }
0x352: {  	s13 =	smin.u32 s13, $0x9C30  }
0x353: {  	s19 =	sadd.s32 $0x13880, s13  }
0x354: {  	s13 =	sand.u32 $0x70, s13;
	s20 =	sand.u32 $0x3FF80, s19  }
0x355: {  	s13 =	sor.u32 s13, s20  }
0x356: {  	v22 =	vld [tilespmem:s13+$0x80]  }
0x357: {  	s12 =	sand.u32 $0xFFF0, s12  }
0x358: {  	s12 =	smin.u32 s12, $0x9C30;
	v23 =	vor.u32 s19, v1  }
0x359: {  	s19 =	sadd.s32 $0x13880, s12;
	vm0 =	vge.s32 v23, v10;
	vm1 =	vlt.s32 v23, v11;
	s20 =	sadd.s32 $0xFFFEC780, s16  }
0x35a: {  	s12 =	sand.u32 $0x70, s12;
	s21 =	sand.u32 $0x3FF80, s19;
	vm0 =	vmand vm0, vm1;
	p0 =	sgt.s32 s20, $0x0  }
0x35b: {  	s21 =	sor.u32 s12, s21;
	s12 =	sadd.s32 $0xFFFEC780, s3;
	s20 =	simm.s32 @!p0 $0x0;
	v22 =	vsel vm0, $0x0, v22  }
0x35c: {  	p0 =	sgt.s32 s12, $0x0;
	[tilespmem:s13+$0x80] =	vst v22;
	s13 =	smin.u32 s20, $0x9C40  }
0x35d: {  	s12 =	simm.s32 @!p0 $0x0;
	s20 =	sadd.s32 $0xF, s13  }
0x35e: {  	s12 =	smin.u32 s12, $0x9C40;
	s20 =	sand.u32 $0x1FFF0, s20  }
0x35f: {  	v23 =	vor.u32 s19, v1;
	s19 =	ssub.s32 s12, s20  }
0x360: {  	v22 =	vld [tilespmem:s21+$0x80];
	s20 =	sshra.s32 s19, $0x4  }
0x361: {  	p0 =	slt.s32 s20, $0x1  }
.Ltmp77:
0x362: {  	_ = 	snop;
	(pc) =	sbr.rel @p0 .LBB2_79-.Ltmp77, $4  }
0x363: {  	vm14 =	vge.s32 v23, v10;
	vm15 =	vlt.s32 v23, v11  }
0x364: {  	vm0 =	vmand vm14, vm15  }
0x365: {  	v22 =	vsel vm0, $0x0, v22  }
0x366: {  	[tilespmem:s21+$0x80] =	vst v22  }
0x367: {  	p0 =	sne.s32 s20, $0x1  }
.Ltmp78:
0x368: {  	_ = 	snop;
	(pc) =	sbr.rel @!p0 .LBB2_79-.Ltmp78, $4  }
0x369: {  	s19 =	sadd.s32 $0x1388F, s13  }
0x36a: {  	s19 =	sand.u32 $0x3FFF0, s19  }
0x36b: {  	s19 =	sadd.s32 $0x80, s19  }
0x36c: {  	s20 =	sadd.s32 $0xFFFFFFFF, s20;
	[tilespmem:s19+$0x0] =	vst v0  }
.LBB2_78:
0x36d: {  	p0 =	sne.s32 s20, $0x1  }
.Ltmp79:
0x36e: {  	_ = 	snop;
	(pc) =	sbr.rel @p0 .LBB2_78-.Ltmp79, $3  }
0x36f: {  	_ =	sdelay $0x1  }
0x370: {  	s20 =	sadd.s32 $0xFFFFFFFF, s20;
	s19 =	sadd.s32 $0x10, s19  }
0x371: {  	[tilespmem:s19+$0x0] =	vst v0  }
.LBB2_79:
0x372: {  	s13 =	sand.u32 $0xFFF0, s13  }
0x373: {  	s13 =	smin.u32 s13, $0x9C30  }
0x374: {  	s19 =	sadd.s32 $0x13880, s13  }
0x375: {  	s13 =	sand.u32 $0x70, s13;
	s20 =	sand.u32 $0x3FF80, s19  }
0x376: {  	s13 =	sor.u32 s13, s20  }
0x377: {  	v22 =	vld [tilespmem:s13+$0x80]  }
0x378: {  	s12 =	sand.u32 $0xFFF0, s12  }
0x379: {  	s12 =	smin.u32 s12, $0x9C30;
	v23 =	vor.u32 s19, v1  }
0x37a: {  	s19 =	sadd.s32 $0x13880, s12;
	vm0 =	vge.s32 v23, v12;
	vm1 =	vlt.s32 v23, v13;
	s20 =	sadd.s32 $0xFFFEC780, s4  }
0x37b: {  	s12 =	sand.u32 $0x70, s12;
	s21 =	sand.u32 $0x3FF80, s19;
	vm0 =	vmand vm0, vm1;
	p0 =	sgt.s32 s20, $0x0  }
0x37c: {  	s21 =	sor.u32 s12, s21;
	s12 =	sadd.s32 $0xFFFEC780, s5;
	s20 =	simm.s32 @!p0 $0x0;
	v22 =	vsel vm0, $0x0, v22  }
0x37d: {  	p0 =	sgt.s32 s12, $0x0;
	[tilespmem:s13+$0x80] =	vst v22;
	s13 =	smin.u32 s20, $0x9C40  }
0x37e: {  	s12 =	simm.s32 @!p0 $0x0;
	s20 =	sadd.s32 $0xF, s13  }
0x37f: {  	s12 =	smin.u32 s12, $0x9C40;
	s20 =	sand.u32 $0x1FFF0, s20  }
0x380: {  	v23 =	vor.u32 s19, v1;
	s19 =	ssub.s32 s12, s20  }
0x381: {  	v22 =	vld [tilespmem:s21+$0x80];
	s20 =	sshra.s32 s19, $0x4  }
0x382: {  	p0 =	slt.s32 s20, $0x1  }
.Ltmp80:
0x383: {  	_ = 	snop;
	(pc) =	sbr.rel @p0 .LBB2_82-.Ltmp80, $4  }
0x384: {  	vm14 =	vge.s32 v23, v12;
	vm15 =	vlt.s32 v23, v13  }
0x385: {  	vm0 =	vmand vm14, vm15  }
0x386: {  	v22 =	vsel vm0, $0x0, v22  }
0x387: {  	[tilespmem:s21+$0x80] =	vst v22  }
0x388: {  	p0 =	sne.s32 s20, $0x1  }
.Ltmp81:
0x389: {  	_ = 	snop;
	(pc) =	sbr.rel @!p0 .LBB2_82-.Ltmp81, $4  }
0x38a: {  	s19 =	sadd.s32 $0x1388F, s13  }
0x38b: {  	s19 =	sand.u32 $0x3FFF0, s19  }
0x38c: {  	s19 =	sadd.s32 $0x80, s19  }
0x38d: {  	s20 =	sadd.s32 $0xFFFFFFFF, s20;
	[tilespmem:s19+$0x0] =	vst v0  }
.LBB2_81:
0x38e: {  	p0 =	sne.s32 s20, $0x1  }
.Ltmp82:
0x38f: {  	_ = 	snop;
	(pc) =	sbr.rel @p0 .LBB2_81-.Ltmp82, $3  }
0x390: {  	_ =	sdelay $0x1  }
0x391: {  	s20 =	sadd.s32 $0xFFFFFFFF, s20;
	s19 =	sadd.s32 $0x10, s19  }
0x392: {  	[tilespmem:s19+$0x0] =	vst v0  }
.LBB2_82:
0x393: {  	s13 =	sand.u32 $0xFFF0, s13  }
0x394: {  	s13 =	smin.u32 s13, $0x9C30  }
0x395: {  	s19 =	sadd.s32 $0x13880, s13  }
0x396: {  	s13 =	sand.u32 $0x70, s13;
	s20 =	sand.u32 $0x3FF80, s19  }
0x397: {  	s13 =	sor.u32 s13, s20  }
0x398: {  	v22 =	vld [tilespmem:s13+$0x80]  }
0x399: {  	s12 =	sand.u32 $0xFFF0, s12  }
0x39a: {  	s12 =	smin.u32 s12, $0x9C30;
	v23 =	vor.u32 s19, v1  }
0x39b: {  	s19 =	sadd.s32 $0x13880, s12;
	vm0 =	vge.s32 v23, v14;
	vm1 =	vlt.s32 v23, v15;
	s20 =	sadd.s32 $0xFFFEC780, s6  }
0x39c: {  	s12 =	sand.u32 $0x70, s12;
	s21 =	sand.u32 $0x3FF80, s19;
	vm0 =	vmand vm0, vm1;
	p0 =	sgt.s32 s20, $0x0  }
0x39d: {  	s21 =	sor.u32 s12, s21;
	s12 =	sadd.s32 $0xFFFEC780, s7;
	s20 =	simm.s32 @!p0 $0x0;
	v22 =	vsel vm0, $0x0, v22  }
0x39e: {  	p0 =	sgt.s32 s12, $0x0;
	[tilespmem:s13+$0x80] =	vst v22;
	s13 =	smin.u32 s20, $0x9C40  }
0x39f: {  	s12 =	simm.s32 @!p0 $0x0;
	s20 =	sadd.s32 $0xF, s13  }
0x3a0: {  	s12 =	smin.u32 s12, $0x9C40;
	s20 =	sand.u32 $0x1FFF0, s20  }
0x3a1: {  	v23 =	vor.u32 s19, v1;
	s19 =	ssub.s32 s12, s20  }
0x3a2: {  	v22 =	vld [tilespmem:s21+$0x80];
	s20 =	sshra.s32 s19, $0x4  }
0x3a3: {  	p0 =	slt.s32 s20, $0x1  }
.Ltmp83:
0x3a4: {  	_ = 	snop;
	(pc) =	sbr.rel @p0 .LBB2_85-.Ltmp83, $4  }
0x3a5: {  	vm14 =	vge.s32 v23, v14;
	vm15 =	vlt.s32 v23, v15  }
0x3a6: {  	vm0 =	vmand vm14, vm15  }
0x3a7: {  	v22 =	vsel vm0, $0x0, v22  }
0x3a8: {  	[tilespmem:s21+$0x80] =	vst v22  }
0x3a9: {  	p0 =	sne.s32 s20, $0x1  }
.Ltmp84:
0x3aa: {  	_ = 	snop;
	(pc) =	sbr.rel @!p0 .LBB2_85-.Ltmp84, $4  }
0x3ab: {  	s19 =	sadd.s32 $0x1388F, s13  }
0x3ac: {  	s19 =	sand.u32 $0x3FFF0, s19  }
0x3ad: {  	s19 =	sadd.s32 $0x80, s19  }
0x3ae: {  	s20 =	sadd.s32 $0xFFFFFFFF, s20;
	[tilespmem:s19+$0x0] =	vst v0  }
.LBB2_84:
0x3af: {  	p0 =	sne.s32 s20, $0x1  }
.Ltmp85:
0x3b0: {  	_ = 	snop;
	(pc) =	sbr.rel @p0 .LBB2_84-.Ltmp85, $3  }
0x3b1: {  	_ =	sdelay $0x1  }
0x3b2: {  	s20 =	sadd.s32 $0xFFFFFFFF, s20;
	s19 =	sadd.s32 $0x10, s19  }
0x3b3: {  	[tilespmem:s19+$0x0] =	vst v0  }
.LBB2_85:
0x3b4: {  	s13 =	sand.u32 $0xFFF0, s13  }
0x3b5: {  	s13 =	smin.u32 s13, $0x9C30  }
0x3b6: {  	s19 =	sadd.s32 $0x13880, s13  }
0x3b7: {  	s13 =	sand.u32 $0x70, s13;
	s20 =	sand.u32 $0x3FF80, s19  }
0x3b8: {  	s13 =	sor.u32 s13, s20  }
0x3b9: {  	v22 =	vld [tilespmem:s13+$0x80]  }
0x3ba: {  	s12 =	sand.u32 $0xFFF0, s12  }
0x3bb: {  	s12 =	smin.u32 s12, $0x9C30;
	v23 =	vor.u32 s19, v1  }
0x3bc: {  	s19 =	sadd.s32 $0x13880, s12;
	vm0 =	vge.s32 v23, v16;
	vm1 =	vlt.s32 v23, v17;
	s20 =	sadd.s32 $0xFFFEC780, s8  }
0x3bd: {  	s12 =	sand.u32 $0x70, s12;
	s21 =	sand.u32 $0x3FF80, s19;
	vm0 =	vmand vm0, vm1;
	p0 =	sgt.s32 s20, $0x0  }
0x3be: {  	s21 =	sor.u32 s12, s21;
	s12 =	sadd.s32 $0xFFFEC780, s9;
	s20 =	simm.s32 @!p0 $0x0;
	v22 =	vsel vm0, $0x0, v22  }
0x3bf: {  	p0 =	sgt.s32 s12, $0x0;
	[tilespmem:s13+$0x80] =	vst v22;
	s13 =	smin.u32 s20, $0x9C40  }
0x3c0: {  	s12 =	simm.s32 @!p0 $0x0;
	s20 =	sadd.s32 $0xF, s13  }
0x3c1: {  	s12 =	smin.u32 s12, $0x9C40;
	s20 =	sand.u32 $0x1FFF0, s20  }
0x3c2: {  	v23 =	vor.u32 s19, v1;
	s19 =	ssub.s32 s12, s20  }
0x3c3: {  	v22 =	vld [tilespmem:s21+$0x80];
	s20 =	sshra.s32 s19, $0x4  }
0x3c4: {  	p0 =	slt.s32 s20, $0x1  }
.Ltmp86:
0x3c5: {  	_ = 	snop;
	(pc) =	sbr.rel @p0 .LBB2_88-.Ltmp86, $4  }
0x3c6: {  	vm14 =	vge.s32 v23, v16;
	vm15 =	vlt.s32 v23, v17  }
0x3c7: {  	vm0 =	vmand vm14, vm15  }
0x3c8: {  	v22 =	vsel vm0, $0x0, v22  }
0x3c9: {  	[tilespmem:s21+$0x80] =	vst v22  }
0x3ca: {  	p0 =	sne.s32 s20, $0x1  }
.Ltmp87:
0x3cb: {  	_ = 	snop;
	(pc) =	sbr.rel @!p0 .LBB2_88-.Ltmp87, $4  }
0x3cc: {  	s19 =	sadd.s32 $0x1388F, s13  }
0x3cd: {  	s19 =	sand.u32 $0x3FFF0, s19  }
0x3ce: {  	s19 =	sadd.s32 $0x80, s19  }
0x3cf: {  	s20 =	sadd.s32 $0xFFFFFFFF, s20;
	[tilespmem:s19+$0x0] =	vst v0  }
.LBB2_87:
0x3d0: {  	p0 =	sne.s32 s20, $0x1  }
.Ltmp88:
0x3d1: {  	_ = 	snop;
	(pc) =	sbr.rel @p0 .LBB2_87-.Ltmp88, $3  }
0x3d2: {  	_ =	sdelay $0x1  }
0x3d3: {  	s20 =	sadd.s32 $0xFFFFFFFF, s20;
	s19 =	sadd.s32 $0x10, s19  }
0x3d4: {  	[tilespmem:s19+$0x0] =	vst v0  }
.LBB2_88:
0x3d5: {  	s13 =	sand.u32 $0xFFF0, s13  }
0x3d6: {  	s13 =	smin.u32 s13, $0x9C30  }
0x3d7: {  	s19 =	sadd.s32 $0x13880, s13  }
0x3d8: {  	s13 =	sand.u32 $0x70, s13;
	s20 =	sand.u32 $0x3FF80, s19  }
0x3d9: {  	s13 =	sor.u32 s13, s20  }
0x3da: {  	v22 =	vld [tilespmem:s13+$0x80]  }
0x3db: {  	s12 =	sand.u32 $0xFFF0, s12  }
0x3dc: {  	s12 =	smin.u32 s12, $0x9C30;
	v23 =	vor.u32 s19, v1  }
0x3dd: {  	s19 =	sadd.s32 $0x13880, s12;
	vm0 =	vge.s32 v23, v18;
	vm1 =	vlt.s32 v23, v19;
	s20 =	sadd.s32 $0xFFFEC780, s10  }
0x3de: {  	s12 =	sand.u32 $0x70, s12;
	s21 =	sand.u32 $0x3FF80, s19;
	vm0 =	vmand vm0, vm1;
	p0 =	sgt.s32 s20, $0x0  }
0x3df: {  	s21 =	sor.u32 s12, s21;
	s12 =	sadd.s32 $0xFFFEC780, s11;
	s20 =	simm.s32 @!p0 $0x0;
	v22 =	vsel vm0, $0x0, v22  }
0x3e0: {  	p0 =	sgt.s32 s12, $0x0;
	[tilespmem:s13+$0x80] =	vst v22;
	s13 =	smin.u32 s20, $0x9C40  }
0x3e1: {  	s12 =	simm.s32 @!p0 $0x0;
	s20 =	sadd.s32 $0xF, s13  }
0x3e2: {  	s12 =	smin.u32 s12, $0x9C40;
	s20 =	sand.u32 $0x1FFF0, s20  }
0x3e3: {  	v23 =	vor.u32 s19, v1;
	s19 =	ssub.s32 s12, s20  }
0x3e4: {  	v22 =	vld [tilespmem:s21+$0x80];
	s20 =	sshra.s32 s19, $0x4  }
0x3e5: {  	p0 =	slt.s32 s20, $0x1  }
.Ltmp89:
0x3e6: {  	_ = 	snop;
	(pc) =	sbr.rel @p0 .LBB2_91-.Ltmp89, $4  }
0x3e7: {  	vm14 =	vge.s32 v23, v18;
	vm15 =	vlt.s32 v23, v19  }
0x3e8: {  	vm0 =	vmand vm14, vm15  }
0x3e9: {  	v22 =	vsel vm0, $0x0, v22  }
0x3ea: {  	[tilespmem:s21+$0x80] =	vst v22  }
0x3eb: {  	p0 =	sne.s32 s20, $0x1  }
.Ltmp90:
0x3ec: {  	_ = 	snop;
	(pc) =	sbr.rel @!p0 .LBB2_91-.Ltmp90, $4  }
0x3ed: {  	s19 =	sadd.s32 $0x1388F, s13  }
0x3ee: {  	s19 =	sand.u32 $0x3FFF0, s19  }
0x3ef: {  	s19 =	sadd.s32 $0x80, s19  }
0x3f0: {  	s20 =	sadd.s32 $0xFFFFFFFF, s20;
	[tilespmem:s19+$0x0] =	vst v0  }
.LBB2_90:
0x3f1: {  	p0 =	sne.s32 s20, $0x1  }
.Ltmp91:
0x3f2: {  	_ = 	snop;
	(pc) =	sbr.rel @p0 .LBB2_90-.Ltmp91, $3  }
0x3f3: {  	_ =	sdelay $0x1  }
0x3f4: {  	s20 =	sadd.s32 $0xFFFFFFFF, s20;
	s19 =	sadd.s32 $0x10, s19  }
0x3f5: {  	[tilespmem:s19+$0x0] =	vst v0  }
.LBB2_91:
0x3f6: {  	s13 =	sand.u32 $0xFFF0, s13  }
0x3f7: {  	s13 =	smin.u32 s13, $0x9C30  }
0x3f8: {  	s19 =	sadd.s32 $0x13880, s13  }
0x3f9: {  	s13 =	sand.u32 $0x70, s13;
	s20 =	sand.u32 $0x3FF80, s19  }
0x3fa: {  	s13 =	sor.u32 s13, s20  }
0x3fb: {  	v22 =	vld [tilespmem:s13+$0x80];
	_ =	sdelay $0x1  }
0x3fc: {  	s12 =	sand.u32 $0xFFF0, s12;
	v23 =	vor.u32 s19, v1  }
0x3fd: {  	s12 =	smin.u32 s12, $0x9C30;
	vm0 =	vge.s32 v23, v20;
	vm1 =	vlt.s32 v23, v21  }
0x3fe: {  	s19 =	sadd.s32 $0x13880, s12;
	vm0 =	vmand vm0, vm1  }
0x3ff: {  	s12 =	sand.u32 $0x70, s12;
	s21 =	sand.u32 $0x3FF80, s19;
	v22 =	vsel vm0, $0x0, v22  }
0x400: {  	s12 =	sor.u32 s12, s21;
	[tilespmem:s13+$0x80] =	vst v22  }
0x401: {  	v22 =	vld [tilespmem:s12+$0x80];
	_ =	sdelay $0x1  }
0x402: {  	v23 =	vor.u32 s19, v1  }
0x403: {  	vm14 =	vge.s32 v23, v20;
	vm15 =	vlt.s32 v23, v21  }
0x404: {  	vm0 =	vmand vm14, vm15  }
0x405: {  	v22 =	vsel vm0, $0x0, v22  }
0x406: {  	s20 =	rddreg [dreg:$0xa];
	s21 =	simm.s32 $0x13900;
	[tilespmem:s12+$0x80] =	vst v22;
	s12 =	sadd.s32 $0xFFFE2B40, s24  }
0x407: {  	[hbm4b:s20+s2] =	stream.linear.scatter [tilespmem:s21], [sflag:$0x6], $0x9C40, $0x38;
	[tilespmem:$0x1D580] =	vst v63  }
0x408: {  	p0 =	sgt.s32 s12, $0x0  }
0x409: {  	s19 =	sadd.s32 $0xFFFE2B40, s25;
	s12 =	simm.s32 @!p0 $0x0  }
0x40a: {  	p0 =	sgt.s32 s19, $0x0;
	s13 =	smin.u32 s12, $0x9C40  }
0x40b: {  	s19 =	simm.s32 @!p0 $0x0;
	s25 =	sadd.s32 $0xF, s13  }
0x40c: {  	s12 =	smin.u32 s19, $0x9C40;
	s19 =	sand.u32 $0x1FFF0, s25  }
0x40d: {  	s20 =	ssub.s32 s12, s19  }
0x40e: {  	s20 =	sshra.s32 s20, $0x4  }
0x40f: {  	p0 =	slt.s32 s20, $0x1  }
.Ltmp92:
0x410: {  	_ = 	snop;
	(pc) =	sbr.rel @p0 .LBB2_94-.Ltmp92, $4  }
0x411: {  	_ = 	snop  }
0x412: {  	_ =	swait.ge [sflag:s17], $0x9C40  }
0x413: {  	[sflag:s17] =	ssyncset.done $0x0  }
0x414: {  	[sflag:s17] =	ssyncadd.s32 $0xFFFF63C0  }
0x415: {  	p0 =	sne.s32 s20, $0x1  }
.Ltmp93:
0x416: {  	_ = 	snop;
	(pc) =	sbr.rel @!p0 .LBB2_94-.Ltmp93, $3  }
0x417: {  	_ =	sdelay $0x1  }
0x418: {  	s19 =	sadd.s32 $0x80, s19  }
0x419: {  	s20 =	sadd.s32 $0xFFFFFFFF, s20;
	[tilespmem:s19+$0x0] =	vst v0  }
.LBB2_93:
0x41a: {  	p0 =	sne.s32 s20, $0x1  }
.Ltmp94:
0x41b: {  	_ = 	snop;
	(pc) =	sbr.rel @p0 .LBB2_93-.Ltmp94, $3  }
0x41c: {  	_ =	sdelay $0x1  }
0x41d: {  	s20 =	sadd.s32 $0xFFFFFFFF, s20;
	s19 =	sadd.s32 $0x10, s19  }
0x41e: {  	[tilespmem:s19+$0x0] =	vst v0  }
.LBB2_94:
0x41f: {  	s13 =	sand.u32 $0xFFF0, s13  }
0x420: {  	s13 =	smin.u32 s13, $0x9C30  }
0x421: {  	v22 =	vld [tilespmem:s13+$0x80]  }
0x422: {  	s19 =	sadd.s32 $0x1D4C0, s13  }
0x423: {  	v23 =	vor.u32 s19, v1  }
0x424: {  	s19 =	sadd.s32 $0xFFFE2B40, s26;
	vm0 =	vge.s32 v23, v2;
	vm1 =	vlt.s32 v23, v3  }
0x425: {  	s12 =	sand.u32 $0xFFF0, s12;
	p0 =	sgt.s32 s19, $0x0;
	vm0 =	vmand vm0, vm1  }
0x426: {  	s21 =	smin.u32 s12, $0x9C30;
	s12 =	sadd.s32 $0xFFFE2B40, s28;
	s19 =	simm.s32 @!p0 $0x0;
	v22 =	vsel vm0, $0x0, v22  }
0x427: {  	p0 =	sgt.s32 s12, $0x0;
	[tilespmem:s13+$0x80] =	vst v22;
	s13 =	smin.u32 s19, $0x9C40  }
0x428: {  	s12 =	simm.s32 @!p0 $0x0;
	s20 =	sadd.s32 $0xF, s13  }
0x429: {  	s12 =	smin.u32 s12, $0x9C40;
	s19 =	sand.u32 $0x1FFF0, s20  }
0x42a: {  	s20 =	ssub.s32 s12, s19  }
0x42b: {  	v22 =	vld [tilespmem:s21+$0x80];
	s20 =	sshra.s32 s20, $0x4  }
0x42c: {  	s28 =	sadd.s32 $0x1D4C0, s21;
	p0 =	slt.s32 s20, $0x1  }
.Ltmp95:
0x42d: {  	v23 =	vor.u32 s28, v1;
	(pc) =	sbr.rel @p0 .LBB2_97-.Ltmp95, $4  }
0x42e: {  	vm14 =	vge.s32 v23, v2;
	vm15 =	vlt.s32 v23, v3  }
0x42f: {  	vm0 =	vmand vm14, vm15  }
0x430: {  	v2 =	vsel vm0, $0x0, v22  }
0x431: {  	[tilespmem:s21+$0x80] =	vst v2  }
0x432: {  	p0 =	sne.s32 s20, $0x1  }
.Ltmp96:
0x433: {  	_ = 	snop;
	(pc) =	sbr.rel @!p0 .LBB2_97-.Ltmp96, $3  }
0x434: {  	_ =	sdelay $0x1  }
0x435: {  	s19 =	sadd.s32 $0x80, s19  }
0x436: {  	s20 =	sadd.s32 $0xFFFFFFFF, s20;
	[tilespmem:s19+$0x0] =	vst v0  }
.LBB2_96:
0x437: {  	p0 =	sne.s32 s20, $0x1  }
.Ltmp97:
0x438: {  	_ = 	snop;
	(pc) =	sbr.rel @p0 .LBB2_96-.Ltmp97, $3  }
0x439: {  	_ =	sdelay $0x1  }
0x43a: {  	s20 =	sadd.s32 $0xFFFFFFFF, s20;
	s19 =	sadd.s32 $0x10, s19  }
0x43b: {  	[tilespmem:s19+$0x0] =	vst v0  }
.LBB2_97:
0x43c: {  	s13 =	sand.u32 $0xFFF0, s13  }
0x43d: {  	s13 =	smin.u32 s13, $0x9C30  }
0x43e: {  	v2 =	vld [tilespmem:s13+$0x80]  }
0x43f: {  	s19 =	sadd.s32 $0x1D4C0, s13  }
0x440: {  	v3 =	vor.u32 s19, v1  }
0x441: {  	s19 =	sadd.s32 $0xFFFE2B40, s29;
	vm0 =	vge.s32 v3, v4;
	vm1 =	vlt.s32 v3, v5  }
0x442: {  	s12 =	sand.u32 $0xFFF0, s12;
	p0 =	sgt.s32 s19, $0x0;
	vm0 =	vmand vm0, vm1  }
0x443: {  	s21 =	smin.u32 s12, $0x9C30;
	s12 =	sadd.s32 $0xFFFE2B40, s30;
	s19 =	simm.s32 @!p0 $0x0;
	v2 =	vsel vm0, $0x0, v2  }
0x444: {  	p0 =	sgt.s32 s12, $0x0;
	[tilespmem:s13+$0x80] =	vst v2;
	s13 =	smin.u32 s19, $0x9C40  }
0x445: {  	s12 =	simm.s32 @!p0 $0x0;
	s20 =	sadd.s32 $0xF, s13  }
0x446: {  	s12 =	smin.u32 s12, $0x9C40;
	s19 =	sand.u32 $0x1FFF0, s20  }
0x447: {  	s20 =	ssub.s32 s12, s19  }
0x448: {  	v2 =	vld [tilespmem:s21+$0x80];
	s20 =	sshra.s32 s20, $0x4  }
0x449: {  	s30 =	sadd.s32 $0x1D4C0, s21;
	p0 =	slt.s32 s20, $0x1  }
.Ltmp98:
0x44a: {  	v3 =	vor.u32 s30, v1;
	(pc) =	sbr.rel @p0 .LBB2_100-.Ltmp98, $4  }
0x44b: {  	vm14 =	vge.s32 v3, v4;
	vm15 =	vlt.s32 v3, v5  }
0x44c: {  	vm0 =	vmand vm14, vm15  }
0x44d: {  	v2 =	vsel vm0, $0x0, v2  }
0x44e: {  	[tilespmem:s21+$0x80] =	vst v2  }
0x44f: {  	p0 =	sne.s32 s20, $0x1  }
.Ltmp99:
0x450: {  	_ = 	snop;
	(pc) =	sbr.rel @!p0 .LBB2_100-.Ltmp99, $3  }
0x451: {  	_ =	sdelay $0x1  }
0x452: {  	s19 =	sadd.s32 $0x80, s19  }
0x453: {  	s20 =	sadd.s32 $0xFFFFFFFF, s20;
	[tilespmem:s19+$0x0] =	vst v0  }
.LBB2_99:
0x454: {  	p0 =	sne.s32 s20, $0x1  }
.Ltmp100:
0x455: {  	_ = 	snop;
	(pc) =	sbr.rel @p0 .LBB2_99-.Ltmp100, $3  }
0x456: {  	_ =	sdelay $0x1  }
0x457: {  	s20 =	sadd.s32 $0xFFFFFFFF, s20;
	s19 =	sadd.s32 $0x10, s19  }
0x458: {  	[tilespmem:s19+$0x0] =	vst v0  }
.LBB2_100:
0x459: {  	s13 =	sand.u32 $0xFFF0, s13  }
0x45a: {  	s13 =	smin.u32 s13, $0x9C30  }
0x45b: {  	v2 =	vld [tilespmem:s13+$0x80];
	s19 =	sadd.s32 $0x1D4C0, s13  }
0x45c: {  	v3 =	vor.u32 s19, v1;
	s19 =	sadd.s32 $0xFFFE2B40, s31  }
0x45d: {  	p0 =	sgt.s32 s19, $0x0  }
0x45e: {  	s12 =	sand.u32 $0xFFF0, s12;
	s0 =	sadd.s32 $0xFFFE2B40, s0;
	vm0 =	vge.s32 v3, v6;
	vm1 =	vlt.s32 v3, v7;
	s19 =	simm.s32 @!p0 $0x0  }
0x45f: {  	s20 =	smin.u32 s12, $0x9C30;
	vm0 =	vmand vm0, vm1;
	p0 =	sgt.s32 s0, $0x0;
	s12 =	smin.u32 s19, $0x9C40  }
0x460: {  	s0 =	simm.s32 @!p0 $0x0;
	v2 =	vsel vm0, $0x0, v2;
	s19 =	sadd.s32 $0xF, s12  }
0x461: {  	s0 =	smin.u32 s0, $0x9C40;
	[tilespmem:s13+$0x80] =	vst v2;
	s13 =	sand.u32 $0x1FFF0, s19  }
0x462: {  	s19 =	ssub.s32 s0, s13  }
0x463: {  	v2 =	vld [tilespmem:s20+$0x80];
	s19 =	sshra.s32 s19, $0x4  }
0x464: {  	s31 =	sadd.s32 $0x1D4C0, s20;
	p0 =	slt.s32 s19, $0x1  }
.Ltmp101:
0x465: {  	v3 =	vor.u32 s31, v1;
	(pc) =	sbr.rel @p0 .LBB2_103-.Ltmp101, $4  }
0x466: {  	vm14 =	vge.s32 v3, v6;
	vm15 =	vlt.s32 v3, v7  }
0x467: {  	vm0 =	vmand vm14, vm15  }
0x468: {  	v2 =	vsel vm0, $0x0, v2  }
0x469: {  	[tilespmem:s20+$0x80] =	vst v2  }
0x46a: {  	p0 =	sne.s32 s19, $0x1  }
.Ltmp102:
0x46b: {  	_ = 	snop;
	(pc) =	sbr.rel @!p0 .LBB2_103-.Ltmp102, $3  }
0x46c: {  	_ =	sdelay $0x1  }
0x46d: {  	s13 =	sadd.s32 $0x80, s13  }
0x46e: {  	s19 =	sadd.s32 $0xFFFFFFFF, s19;
	[tilespmem:s13+$0x0] =	vst v0  }
.LBB2_102:
0x46f: {  	p0 =	sne.s32 s19, $0x1  }
.Ltmp103:
0x470: {  	_ = 	snop;
	(pc) =	sbr.rel @p0 .LBB2_102-.Ltmp103, $3  }
0x471: {  	_ =	sdelay $0x1  }
0x472: {  	s19 =	sadd.s32 $0xFFFFFFFF, s19;
	s13 =	sadd.s32 $0x10, s13  }
0x473: {  	[tilespmem:s13+$0x0] =	vst v0  }
.LBB2_103:
0x474: {  	s12 =	sand.u32 $0xFFF0, s12  }
0x475: {  	s12 =	smin.u32 s12, $0x9C30  }
0x476: {  	v2 =	vld [tilespmem:s12+$0x80]  }
0x477: {  	s1 =	sadd.s32 $0xFFFE2B40, s1;
	s13 =	sadd.s32 $0x1D4C0, s12  }
0x478: {  	s0 =	sand.u32 $0xFFF0, s0;
	p0 =	sgt.s32 s1, $0x0;
	v3 =	vor.u32 s13, v1  }
0x479: {  	s19 =	smin.u32 s0, $0x9C30;
	s0 =	sadd.s32 $0xFFFE2B40, s15;
	s1 =	simm.s32 @!p0 $0x0;
	vm0 =	vge.s32 v3, v8;
	vm1 =	vlt.s32 v3, v9  }
0x47a: {  	p0 =	sgt.s32 s0, $0x0;
	s1 =	smin.u32 s1, $0x9C40;
	vm0 =	vmand vm0, vm1  }
0x47b: {  	s0 =	simm.s32 @!p0 $0x0;
	s31 =	sadd.s32 $0xF, s1;
	v2 =	vsel vm0, $0x0, v2  }
0x47c: {  	s0 =	smin.u32 s0, $0x9C40;
	[tilespmem:s12+$0x80] =	vst v2;
	s12 =	sand.u32 $0x1FFF0, s31  }
0x47d: {  	s13 =	ssub.s32 s0, s12  }
0x47e: {  	v2 =	vld [tilespmem:s19+$0x80];
	s13 =	sshra.s32 s13, $0x4  }
0x47f: {  	s30 =	sadd.s32 $0x1D4C0, s19;
	p0 =	slt.s32 s13, $0x1  }
.Ltmp104:
0x480: {  	v3 =	vor.u32 s30, v1;
	(pc) =	sbr.rel @p0 .LBB2_106-.Ltmp104, $4  }
0x481: {  	vm14 =	vge.s32 v3, v8;
	vm15 =	vlt.s32 v3, v9  }
0x482: {  	vm0 =	vmand vm14, vm15  }
0x483: {  	v2 =	vsel vm0, $0x0, v2  }
0x484: {  	[tilespmem:s19+$0x80] =	vst v2  }
0x485: {  	p0 =	sne.s32 s13, $0x1  }
.Ltmp105:
0x486: {  	_ = 	snop;
	(pc) =	sbr.rel @!p0 .LBB2_106-.Ltmp105, $3  }
0x487: {  	_ =	sdelay $0x1  }
0x488: {  	s12 =	sadd.s32 $0x80, s12  }
0x489: {  	s13 =	sadd.s32 $0xFFFFFFFF, s13;
	[tilespmem:s12+$0x0] =	vst v0  }
.LBB2_105:
0x48a: {  	p0 =	sne.s32 s13, $0x1  }
.Ltmp106:
0x48b: {  	_ = 	snop;
	(pc) =	sbr.rel @p0 .LBB2_105-.Ltmp106, $3  }
0x48c: {  	_ =	sdelay $0x1  }
0x48d: {  	s13 =	sadd.s32 $0xFFFFFFFF, s13;
	s12 =	sadd.s32 $0x10, s12  }
0x48e: {  	[tilespmem:s12+$0x0] =	vst v0  }
.LBB2_106:
0x48f: {  	s1 =	sand.u32 $0xFFF0, s1  }
0x490: {  	s1 =	smin.u32 s1, $0x9C30  }
0x491: {  	v2 =	vld [tilespmem:s1+$0x80]  }
0x492: {  	s12 =	sadd.s32 $0x1D4C0, s1  }
0x493: {  	v3 =	vor.u32 s12, v1  }
0x494: {  	s12 =	sadd.s32 $0xFFFE2B40, s16;
	vm0 =	vge.s32 v3, v10;
	vm1 =	vlt.s32 v3, v11  }
0x495: {  	s0 =	sand.u32 $0xFFF0, s0;
	p0 =	sgt.s32 s12, $0x0;
	vm0 =	vmand vm0, vm1  }
0x496: {  	s13 =	smin.u32 s0, $0x9C30;
	s0 =	sadd.s32 $0xFFFE2B40, s3;
	s12 =	simm.s32 @!p0 $0x0;
	v2 =	vsel vm0, $0x0, v2  }
0x497: {  	p0 =	sgt.s32 s0, $0x0;
	[tilespmem:s1+$0x80] =	vst v2;
	s1 =	smin.u32 s12, $0x9C40  }
0x498: {  	s0 =	simm.s32 @!p0 $0x0;
	s12 =	sadd.s32 $0xF, s1  }
0x499: {  	s0 =	smin.u32 s0, $0x9C40;
	s3 =	sand.u32 $0x1FFF0, s12  }
0x49a: {  	s12 =	ssub.s32 s0, s3  }
0x49b: {  	v2 =	vld [tilespmem:s13+$0x80];
	s12 =	sshra.s32 s12, $0x4  }
0x49c: {  	s31 =	sadd.s32 $0x1D4C0, s13;
	p0 =	slt.s32 s12, $0x1  }
.Ltmp107:
0x49d: {  	v3 =	vor.u32 s31, v1;
	(pc) =	sbr.rel @p0 .LBB2_109-.Ltmp107, $4  }
0x49e: {  	vm14 =	vge.s32 v3, v10;
	vm15 =	vlt.s32 v3, v11  }
0x49f: {  	vm0 =	vmand vm14, vm15  }
0x4a0: {  	v2 =	vsel vm0, $0x0, v2  }
0x4a1: {  	[tilespmem:s13+$0x80] =	vst v2  }
0x4a2: {  	p0 =	sne.s32 s12, $0x1  }
.Ltmp108:
0x4a3: {  	_ = 	snop;
	(pc) =	sbr.rel @!p0 .LBB2_109-.Ltmp108, $3  }
0x4a4: {  	_ =	sdelay $0x1  }
0x4a5: {  	s3 =	sadd.s32 $0x80, s3  }
0x4a6: {  	s12 =	sadd.s32 $0xFFFFFFFF, s12;
	[tilespmem:s3+$0x0] =	vst v0  }
.LBB2_108:
0x4a7: {  	p0 =	sne.s32 s12, $0x1  }
.Ltmp109:
0x4a8: {  	_ = 	snop;
	(pc) =	sbr.rel @p0 .LBB2_108-.Ltmp109, $3  }
0x4a9: {  	_ =	sdelay $0x1  }
0x4aa: {  	s12 =	sadd.s32 $0xFFFFFFFF, s12;
	s3 =	sadd.s32 $0x10, s3  }
0x4ab: {  	[tilespmem:s3+$0x0] =	vst v0  }
.LBB2_109:
0x4ac: {  	s1 =	sand.u32 $0xFFF0, s1  }
0x4ad: {  	s1 =	smin.u32 s1, $0x9C30  }
0x4ae: {  	v2 =	vld [tilespmem:s1+$0x80]  }
0x4af: {  	s3 =	sadd.s32 $0x1D4C0, s1  }
0x4b0: {  	v3 =	vor.u32 s3, v1  }
0x4b1: {  	s3 =	sadd.s32 $0xFFFE2B40, s4;
	vm0 =	vge.s32 v3, v12;
	vm1 =	vlt.s32 v3, v13  }
0x4b2: {  	s0 =	sand.u32 $0xFFF0, s0;
	p0 =	sgt.s32 s3, $0x0;
	vm0 =	vmand vm0, vm1  }
0x4b3: {  	s12 =	smin.u32 s0, $0x9C30;
	s0 =	sadd.s32 $0xFFFE2B40, s5;
	s3 =	simm.s32 @!p0 $0x0;
	v2 =	vsel vm0, $0x0, v2  }
0x4b4: {  	p0 =	sgt.s32 s0, $0x0;
	[tilespmem:s1+$0x80] =	vst v2;
	s1 =	smin.u32 s3, $0x9C40  }
0x4b5: {  	s0 =	simm.s32 @!p0 $0x0;
	s31 =	sadd.s32 $0xF, s1  }
0x4b6: {  	s0 =	smin.u32 s0, $0x9C40;
	s3 =	sand.u32 $0x1FFF0, s31  }
0x4b7: {  	s4 =	ssub.s32 s0, s3  }
0x4b8: {  	v2 =	vld [tilespmem:s12+$0x80];
	s4 =	sshra.s32 s4, $0x4  }
0x4b9: {  	s30 =	sadd.s32 $0x1D4C0, s12;
	p0 =	slt.s32 s4, $0x1  }
.Ltmp110:
0x4ba: {  	v3 =	vor.u32 s30, v1;
	(pc) =	sbr.rel @p0 .LBB2_112-.Ltmp110, $4  }
0x4bb: {  	vm14 =	vge.s32 v3, v12;
	vm15 =	vlt.s32 v3, v13  }
0x4bc: {  	vm0 =	vmand vm14, vm15  }
0x4bd: {  	v2 =	vsel vm0, $0x0, v2  }
0x4be: {  	[tilespmem:s12+$0x80] =	vst v2  }
0x4bf: {  	p0 =	sne.s32 s4, $0x1  }
.Ltmp111:
0x4c0: {  	_ = 	snop;
	(pc) =	sbr.rel @!p0 .LBB2_112-.Ltmp111, $3  }
0x4c1: {  	_ =	sdelay $0x1  }
0x4c2: {  	s3 =	sadd.s32 $0x80, s3  }
0x4c3: {  	s4 =	sadd.s32 $0xFFFFFFFF, s4;
	[tilespmem:s3+$0x0] =	vst v0  }
.LBB2_111:
0x4c4: {  	p0 =	sne.s32 s4, $0x1  }
.Ltmp112:
0x4c5: {  	_ = 	snop;
	(pc) =	sbr.rel @p0 .LBB2_111-.Ltmp112, $3  }
0x4c6: {  	_ =	sdelay $0x1  }
0x4c7: {  	s4 =	sadd.s32 $0xFFFFFFFF, s4;
	s3 =	sadd.s32 $0x10, s3  }
0x4c8: {  	[tilespmem:s3+$0x0] =	vst v0  }
.LBB2_112:
0x4c9: {  	s1 =	sand.u32 $0xFFF0, s1  }
0x4ca: {  	s1 =	smin.u32 s1, $0x9C30  }
0x4cb: {  	v2 =	vld [tilespmem:s1+$0x80]  }
0x4cc: {  	s3 =	sadd.s32 $0x1D4C0, s1  }
0x4cd: {  	v3 =	vor.u32 s3, v1  }
0x4ce: {  	s3 =	sadd.s32 $0xFFFE2B40, s6;
	vm0 =	vge.s32 v3, v14;
	vm1 =	vlt.s32 v3, v15  }
0x4cf: {  	s0 =	sand.u32 $0xFFF0, s0;
	p0 =	sgt.s32 s3, $0x0;
	vm0 =	vmand vm0, vm1  }
0x4d0: {  	s5 =	smin.u32 s0, $0x9C30;
	s0 =	sadd.s32 $0xFFFE2B40, s7;
	s3 =	simm.s32 @!p0 $0x0;
	v2 =	vsel vm0, $0x0, v2  }
0x4d1: {  	p0 =	sgt.s32 s0, $0x0;
	[tilespmem:s1+$0x80] =	vst v2;
	s1 =	smin.u32 s3, $0x9C40  }
0x4d2: {  	s0 =	simm.s32 @!p0 $0x0;
	s4 =	sadd.s32 $0xF, s1  }
0x4d3: {  	s0 =	smin.u32 s0, $0x9C40;
	s3 =	sand.u32 $0x1FFF0, s4  }
0x4d4: {  	s4 =	ssub.s32 s0, s3  }
0x4d5: {  	v2 =	vld [tilespmem:s5+$0x80];
	s4 =	sshra.s32 s4, $0x4  }
0x4d6: {  	s31 =	sadd.s32 $0x1D4C0, s5;
	p0 =	slt.s32 s4, $0x1  }
.Ltmp113:
0x4d7: {  	v3 =	vor.u32 s31, v1;
	(pc) =	sbr.rel @p0 .LBB2_115-.Ltmp113, $4  }
0x4d8: {  	vm14 =	vge.s32 v3, v14;
	vm15 =	vlt.s32 v3, v15  }
0x4d9: {  	vm0 =	vmand vm14, vm15  }
0x4da: {  	v2 =	vsel vm0, $0x0, v2  }
0x4db: {  	[tilespmem:s5+$0x80] =	vst v2  }
0x4dc: {  	p0 =	sne.s32 s4, $0x1  }
.Ltmp114:
0x4dd: {  	_ = 	snop;
	(pc) =	sbr.rel @!p0 .LBB2_115-.Ltmp114, $3  }
0x4de: {  	_ =	sdelay $0x1  }
0x4df: {  	s3 =	sadd.s32 $0x80, s3  }
0x4e0: {  	s4 =	sadd.s32 $0xFFFFFFFF, s4;
	[tilespmem:s3+$0x0] =	vst v0  }
.LBB2_114:
0x4e1: {  	p0 =	sne.s32 s4, $0x1  }
.Ltmp115:
0x4e2: {  	_ = 	snop;
	(pc) =	sbr.rel @p0 .LBB2_114-.Ltmp115, $3  }
0x4e3: {  	_ =	sdelay $0x1  }
0x4e4: {  	s4 =	sadd.s32 $0xFFFFFFFF, s4;
	s3 =	sadd.s32 $0x10, s3  }
0x4e5: {  	[tilespmem:s3+$0x0] =	vst v0  }
.LBB2_115:
0x4e6: {  	s1 =	sand.u32 $0xFFF0, s1  }
0x4e7: {  	s1 =	smin.u32 s1, $0x9C30  }
0x4e8: {  	v2 =	vld [tilespmem:s1+$0x80]  }
0x4e9: {  	s3 =	sadd.s32 $0x1D4C0, s1  }
0x4ea: {  	v3 =	vor.u32 s3, v1  }
0x4eb: {  	s3 =	sadd.s32 $0xFFFE2B40, s8;
	vm0 =	vge.s32 v3, v16;
	vm1 =	vlt.s32 v3, v17  }
0x4ec: {  	s0 =	sand.u32 $0xFFF0, s0;
	p0 =	sgt.s32 s3, $0x0;
	vm0 =	vmand vm0, vm1  }
0x4ed: {  	s5 =	smin.u32 s0, $0x9C30;
	s0 =	sadd.s32 $0xFFFE2B40, s9;
	s3 =	simm.s32 @!p0 $0x0;
	v2 =	vsel vm0, $0x0, v2  }
0x4ee: {  	p0 =	sgt.s32 s0, $0x0;
	[tilespmem:s1+$0x80] =	vst v2;
	s1 =	smin.u32 s3, $0x9C40  }
0x4ef: {  	s0 =	simm.s32 @!p0 $0x0;
	s4 =	sadd.s32 $0xF, s1  }
0x4f0: {  	s0 =	smin.u32 s0, $0x9C40;
	s3 =	sand.u32 $0x1FFF0, s4  }
0x4f1: {  	s4 =	ssub.s32 s0, s3  }
0x4f2: {  	v2 =	vld [tilespmem:s5+$0x80];
	s4 =	sshra.s32 s4, $0x4  }
0x4f3: {  	s31 =	sadd.s32 $0x1D4C0, s5;
	p0 =	slt.s32 s4, $0x1  }
.Ltmp116:
0x4f4: {  	v3 =	vor.u32 s31, v1;
	(pc) =	sbr.rel @p0 .LBB2_118-.Ltmp116, $4  }
0x4f5: {  	vm14 =	vge.s32 v3, v16;
	vm15 =	vlt.s32 v3, v17  }
0x4f6: {  	vm0 =	vmand vm14, vm15  }
0x4f7: {  	v2 =	vsel vm0, $0x0, v2  }
0x4f8: {  	[tilespmem:s5+$0x80] =	vst v2  }
0x4f9: {  	p0 =	sne.s32 s4, $0x1  }
.Ltmp117:
0x4fa: {  	_ = 	snop;
	(pc) =	sbr.rel @!p0 .LBB2_118-.Ltmp117, $3  }
0x4fb: {  	_ =	sdelay $0x1  }
0x4fc: {  	s3 =	sadd.s32 $0x80, s3  }
0x4fd: {  	s4 =	sadd.s32 $0xFFFFFFFF, s4;
	[tilespmem:s3+$0x0] =	vst v0  }
.LBB2_117:
0x4fe: {  	p0 =	sne.s32 s4, $0x1  }
.Ltmp118:
0x4ff: {  	_ = 	snop;
	(pc) =	sbr.rel @p0 .LBB2_117-.Ltmp118, $3  }
0x500: {  	_ =	sdelay $0x1  }
0x501: {  	s4 =	sadd.s32 $0xFFFFFFFF, s4;
	s3 =	sadd.s32 $0x10, s3  }
0x502: {  	[tilespmem:s3+$0x0] =	vst v0  }
.LBB2_118:
0x503: {  	s1 =	sand.u32 $0xFFF0, s1  }
0x504: {  	s1 =	smin.u32 s1, $0x9C30  }
0x505: {  	v2 =	vld [tilespmem:s1+$0x80]  }
0x506: {  	s3 =	sadd.s32 $0x1D4C0, s1  }
0x507: {  	v3 =	vor.u32 s3, v1  }
0x508: {  	s3 =	sadd.s32 $0xFFFE2B40, s10;
	vm0 =	vge.s32 v3, v18;
	vm1 =	vlt.s32 v3, v19  }
0x509: {  	s0 =	sand.u32 $0xFFF0, s0;
	p0 =	sgt.s32 s3, $0x0;
	vm0 =	vmand vm0, vm1  }
0x50a: {  	s5 =	smin.u32 s0, $0x9C30;
	s0 =	sadd.s32 $0xFFFE2B40, s11;
	s3 =	simm.s32 @!p0 $0x0;
	v2 =	vsel vm0, $0x0, v2  }
0x50b: {  	p0 =	sgt.s32 s0, $0x0;
	[tilespmem:s1+$0x80] =	vst v2;
	s1 =	smin.u32 s3, $0x9C40  }
0x50c: {  	s0 =	simm.s32 @!p0 $0x0;
	s4 =	sadd.s32 $0xF, s1  }
0x50d: {  	s0 =	smin.u32 s0, $0x9C40;
	s3 =	sand.u32 $0x1FFF0, s4  }
0x50e: {  	s4 =	ssub.s32 s0, s3  }
0x50f: {  	v2 =	vld [tilespmem:s5+$0x80];
	s4 =	sshra.s32 s4, $0x4  }
0x510: {  	s31 =	sadd.s32 $0x1D4C0, s5;
	p0 =	slt.s32 s4, $0x1  }
.Ltmp119:
0x511: {  	v3 =	vor.u32 s31, v1;
	(pc) =	sbr.rel @p0 .LBB2_121-.Ltmp119, $4  }
0x512: {  	vm14 =	vge.s32 v3, v18;
	vm15 =	vlt.s32 v3, v19  }
0x513: {  	vm0 =	vmand vm14, vm15  }
0x514: {  	v2 =	vsel vm0, $0x0, v2  }
0x515: {  	[tilespmem:s5+$0x80] =	vst v2  }
0x516: {  	p0 =	sne.s32 s4, $0x1  }
.Ltmp120:
0x517: {  	_ = 	snop;
	(pc) =	sbr.rel @!p0 .LBB2_121-.Ltmp120, $3  }
0x518: {  	_ =	sdelay $0x1  }
0x519: {  	s3 =	sadd.s32 $0x80, s3  }
0x51a: {  	s4 =	sadd.s32 $0xFFFFFFFF, s4;
	[tilespmem:s3+$0x0] =	vst v0  }
.LBB2_120:
0x51b: {  	p0 =	sne.s32 s4, $0x1  }
.Ltmp121:
0x51c: {  	_ = 	snop;
	(pc) =	sbr.rel @p0 .LBB2_120-.Ltmp121, $3  }
0x51d: {  	_ =	sdelay $0x1  }
0x51e: {  	s4 =	sadd.s32 $0xFFFFFFFF, s4;
	s3 =	sadd.s32 $0x10, s3  }
0x51f: {  	[tilespmem:s3+$0x0] =	vst v0  }
.Ltmp122:
0x520: {  	_ = 	snop;
	(pc) =	sbr.rel .LBB2_121-.Ltmp122, $1  }
0x521: {  	_ =	sdelay $0x3  }
.LBB2_122:
0x522: {  	_ =	sfence.sel $0x180000  }
0x523: {  	[bflag:$0x0] =	sbarrier.arrive $0xFFFF  }
0x524: {  	_ =	strace $0x90000047  }
0x525: {  	s0 =	stileid.u32;
	[bflag:$0x2] =	sbarrier.arrive $0xFFFF  }
0x526: {  	p0 =	sne.s32 s0, $0x0;
	s0 =	rddreg [dreg:$0x2]  }
0x527: {  	s0 =	sadd.s32 @!p0 $0x100000, s0  }
0x528: {  	[sflag:s0] =	ssyncadd.tile.s32 @!p0 $0x1;
	_ =	shalt  }
.Lfunc_end2:
_tile_overlayer_lowered:
.L_overlay_start_2:
0x529: {  	(tag) =	ssettag $0x2  }
0x52a: {  	s0 =	rddreg [dreg:$0x0];
	s2 =	stileid.u32  }
0x52b: {  	s1 =	rddreg [dreg:$0x1];
	p0 =	sne.s32 s2, $0x0  }
0x52c: {  	s3 =	rddreg [dreg:$0x2];
	[bflag:$0x3] =	sbarrier.arrive $0xFFFF;
	s2 =	simm.s32 @!p0 $0x1C07  }
0x52d: {  	[timem:s3], [sflag:s2] =	dma.local @!p0 [hbm:s0], s1  }
0x52e: {  	s0 =	simm.s32 @!p0 $0x7  }
0x52f: {  	_ =	swait.ge @!p0 [sflag:s0], s1  }
0x530: {  	s1 =	ssub.s32 @!p0 $0x0, s1;
	[sflag:s0] =	ssyncset.done @!p0 $0x0  }
0x531: {  	[sflag:s0] =	ssyncadd.s32 @!p0 s1  }
0x532: {  	[bflag:$0x3] =	sbarrier.arrive $0xFFFF  }
0x533: {  	_ =	shalt  }

</sc_bundles>
